<compile_context>
chip_gen: v7x
topology: tpu7x:2x2x1
jax: 0.10.2.dev20260603
libtpu: 0.0.44.dev20260713+nightly
codegen_flags: <defaults>
</compile_context>

<pallas_src>
import functools
import jax
import jax.numpy as jnp
from jax import lax
from jax.experimental import pallas as pl
from jax.experimental.pallas import tpu as pltpu
from jax.experimental.pallas import tpu_sc as plsc

N_B = 64
N_T = 25
CHUNK = 128
NW = 32
E_REAL = 800000
PER_W = 25088
N_CHUNKS = PER_W // CHUNK
E_PAD = PER_W * NW


def _rsqrt(x):
    i = lax.bitcast_convert_type(x, jnp.int32)
    i = jnp.int32(0x5F3759DF) - lax.shift_right_arithmetic(i, 1)
    y = lax.bitcast_convert_type(i, jnp.float32)
    for _ in range(3):
        y = y * (1.5 - 0.5 * x * y * y)
    return y


def _body(m0_h, m1_h, m2_h, m3_h, mb_h, pos_h, types_h, tab_h, out_h,
          types_v, m0_v, m1_v, m2_v, m3_v, mb_v, tix_v,
          p0_v, p1_v, p2_v, p3_v, tab_v, acc_v, outp_v, sem):
    cid = lax.axis_index("c")
    sid = lax.axis_index("s")
    wid = sid * 2 + cid
    base_w = wid * PER_W

    pltpu.sync_copy(types_h, types_v)

    zero = jnp.zeros((16,), jnp.float32)
    for i in range(64):
        acc_v[pl.ds(i * 16, 16)] = zero

    iota = lax.iota(jnp.int32, 16)

    def chunk_body(ci, carry):
        base = base_w + ci * CHUNK
        cps = [
            pltpu.async_copy(m0_h.at[pl.ds(base, CHUNK)], m0_v, sem),
            pltpu.async_copy(m1_h.at[pl.ds(base, CHUNK)], m1_v, sem),
            pltpu.async_copy(m2_h.at[pl.ds(base, CHUNK)], m2_v, sem),
            pltpu.async_copy(m3_h.at[pl.ds(base, CHUNK)], m3_v, sem),
            pltpu.async_copy(mb_h.at[pl.ds(base, CHUNK)], mb_v, sem),
        ]
        for c in cps:
            c.wait()
        pcs = [
            pltpu.async_copy(pos_h.at[m0_v], p0_v, sem),
            pltpu.async_copy(pos_h.at[m1_v], p1_v, sem),
            pltpu.async_copy(pos_h.at[m2_v], p2_v, sem),
            pltpu.async_copy(pos_h.at[m3_v], p3_v, sem),
        ]
        for j in range(CHUNK // 16):
            sl = pl.ds(j * 16, 16)
            it0 = plsc.load_gather(types_v, [m0_v[sl]])
            it1 = plsc.load_gather(types_v, [m1_v[sl]])
            it2 = plsc.load_gather(types_v, [m2_v[sl]])
            it3 = plsc.load_gather(types_v, [m3_v[sl]])
            tix_v[sl] = ((it0 * N_T + it1) * N_T + it2) * N_T + it3
        tc = pltpu.async_copy(tab_h.at[tix_v], tab_v, sem)
        for c in pcs:
            c.wait()
        tc.wait()

        for j in range(CHUNK // 16):
            sl = pl.ds(j * 16, 16)
            rows = iota + (j * 16)
            c0 = jnp.full((16,), 0, jnp.int32)
            c1i = jnp.full((16,), 1, jnp.int32)
            c2i = jnp.full((16,), 2, jnp.int32)
            x0 = plsc.load_gather(p0_v, [rows, c0])
            y0 = plsc.load_gather(p0_v, [rows, c1i])
            z0 = plsc.load_gather(p0_v, [rows, c2i])
            x1 = plsc.load_gather(p1_v, [rows, c0])
            y1 = plsc.load_gather(p1_v, [rows, c1i])
            z1 = plsc.load_gather(p1_v, [rows, c2i])
            x2 = plsc.load_gather(p2_v, [rows, c0])
            y2 = plsc.load_gather(p2_v, [rows, c1i])
            z2 = plsc.load_gather(p2_v, [rows, c2i])
            x3 = plsc.load_gather(p3_v, [rows, c0])
            y3 = plsc.load_gather(p3_v, [rows, c1i])
            z3 = plsc.load_gather(p3_v, [rows, c2i])
            b0x, b0y, b0z = x0 - x1, y0 - y1, z0 - z1
            b1x, b1y, b1z = x2 - x1, y2 - y1, z2 - z1
            b2x, b2y, b2z = x3 - x2, y3 - y2, z3 - z2
            nsq = b1x * b1x + b1y * b1y + b1z * b1z
            nz = nsq > 0.0
            inv = jnp.where(nz, _rsqrt(jnp.where(nz, nsq, 1.0)), 0.0)
            ux, uy, uz = b1x * inv, b1y * inv, b1z * inv
            d0 = b0x * ux + b0y * uy + b0z * uz
            d2 = b2x * ux + b2y * uy + b2z * uz
            vx, vy, vz = b0x - d0 * ux, b0y - d0 * uy, b0z - d0 * uz
            wx, wy, wz = b2x - d2 * ux, b2y - d2 * uy, b2z - d2 * uz
            x = vx * wx + vy * wy + vz * wz
            cxx = uy * vz - uz * vy
            cxy = uz * vx - ux * vz
            cxz = ux * vy - uy * vx
            y = cxx * wx + cxy * wy + cxz * wz
            rsq = x * x + y * y
            rnz = rsq > 0.0
            irr = jnp.where(rnz, _rsqrt(jnp.where(rnz, rsq, 1.0)), 0.0)
            c1 = jnp.where(rnz, x * irr, 1.0)
            s1 = y * irr
            c2 = c1 * c1 - s1 * s1
            s2 = 2.0 * c1 * s1
            c3 = c1 * c2 - s1 * s2
            s3 = s1 * c2 + c1 * s2
            K = plsc.load_gather(tab_v, [rows, c0])
            A1 = plsc.load_gather(tab_v, [rows, c1i])
            B1 = plsc.load_gather(tab_v, [rows, c2i])
            A2 = plsc.load_gather(tab_v, [rows, jnp.full((16,), 3, jnp.int32)])
            B2 = plsc.load_gather(tab_v, [rows, jnp.full((16,), 4, jnp.int32)])
            A3 = plsc.load_gather(tab_v, [rows, jnp.full((16,), 5, jnp.int32)])
            B3 = plsc.load_gather(tab_v, [rows, jnp.full((16,), 6, jnp.int32)])
            V = K - (A1 * c1 + B1 * s1 + A2 * c2 + B2 * s2 + A3 * c3 + B3 * s3)
            gidx = base + (j * 16) + iota
            V = jnp.where(gidx < E_REAL, V, 0.0)
            plsc.addupdate_scatter(acc_v, [iota * N_B + mb_v[sl]], V)
        return carry

    lax.fori_loop(0, N_CHUNKS, chunk_body, 0)

    for p in range(4):
        s = jnp.zeros((16,), jnp.float32)
        for r in range(16):
            s = s + acc_v[pl.ds(r * N_B + p * 16, 16)]
        outp_v[pl.ds(p * 16, 16)] = s
    pltpu.sync_copy(outp_v, out_h.at[pl.ds(wid * N_B, N_B)])


@jax.jit
def kernel(pos, mapping, mapping_batch, atom_types,
           theta_0, theta_1, theta_2, k_0, k_1, k_2):
    n_nodes = pos.shape[0]
    flat = (N_T ** 4,)
    K = (k_0 + k_1 + k_2).reshape(flat)
    cols = [K]
    for t, k in ((theta_0, k_0), (theta_1, k_1), (theta_2, k_2)):
        cols.append((k * jnp.cos(t)).reshape(flat))
        cols.append((k * jnp.sin(t)).reshape(flat))
    cols.append(jnp.zeros(flat, jnp.float32))
    tab = jnp.stack(cols, axis=-1)
    pos4 = jnp.concatenate(
        [pos, jnp.zeros((n_nodes, 1), jnp.float32)], axis=1)
    pad = E_PAD - E_REAL
    m = jnp.pad(mapping, ((0, 0), (0, pad)))
    mb = jnp.pad(mapping_batch, (0, pad))

    grid_kernel = pl.kernel(
        _body,
        out_type=jax.ShapeDtypeStruct((NW * N_B,), jnp.float32),
        mesh=plsc.VectorSubcoreMesh(core_axis_name="c", subcore_axis_name="s"),
        compiler_params=pltpu.CompilerParams(
            use_tc_tiling_on_sc=False, needs_layout_passes=False),
        scratch_types=[
            pltpu.VMEM((n_nodes,), jnp.int32),
            pltpu.VMEM((CHUNK,), jnp.int32),
            pltpu.VMEM((CHUNK,), jnp.int32),
            pltpu.VMEM((CHUNK,), jnp.int32),
            pltpu.VMEM((CHUNK,), jnp.int32),
            pltpu.VMEM((CHUNK,), jnp.int32),
            pltpu.VMEM((CHUNK,), jnp.int32),
            pltpu.VMEM((CHUNK, 4), jnp.float32),
            pltpu.VMEM((CHUNK, 4), jnp.float32),
            pltpu.VMEM((CHUNK, 4), jnp.float32),
            pltpu.VMEM((CHUNK, 4), jnp.float32),
            pltpu.VMEM((CHUNK, 8), jnp.float32),
            pltpu.VMEM((16 * N_B,), jnp.float32),
            pltpu.VMEM((N_B,), jnp.float32),
            pltpu.SemaphoreType.DMA,
        ],
    )
    partials = grid_kernel(m[0], m[1], m[2], m[3], mb, pos4, atom_types, tab)
    return partials.reshape(NW, N_B).sum(axis=0)

# --- scband reference (transcript-rebuilt; emitter-appended) ---
"""Pipeline reference for scband-dihedral-40879498729242 (READ-ONLY COPY).

The authoritative reference and input builder live on the scoring server;
editing this copy changes nothing except your own understanding.
"""

import jax, jax.numpy as jnp
import numpy as np

N_NODES = 50000
N_DIH = 800000
N_TYPES = 25
N_BATCH = 64
N_DEGS = 3


def compute_dihedrals(pos, mapping):
    p0 = pos[mapping[0]]
    p1 = pos[mapping[1]]
    p2 = pos[mapping[2]]
    p3 = pos[mapping[3]]
    b0 = p0 - p1
    b1 = p2 - p1
    b2 = p3 - p2
    b1n = b1 / (jnp.linalg.norm(b1, axis=-1, keepdims=True) + 1e-12)
    v = b0 - jnp.sum(b0 * b1n, axis=-1, keepdims=True) * b1n
    w = b2 - jnp.sum(b2 * b1n, axis=-1, keepdims=True) * b1n
    x = jnp.sum(v * w, axis=-1)
    y = jnp.sum(jnp.cross(b1n, v) * w, axis=-1)
    return jnp.arctan2(y, x)


def setup_inputs(seed: int = 0) -> dict:
    key = jax.random.key(seed)
    ks = jax.random.split(key, 16)
    pos = jax.random.normal(ks[0], (N_NODES, 3), dtype=jnp.float32) * 5.0
    mapping = jax.random.randint(ks[1], (4, N_DIH), 0, N_NODES, dtype=jnp.int32)
    mapping_batch = jnp.sort(jax.random.randint(ks[2], (N_DIH,), 0, N_BATCH, dtype=jnp.int32))
    atom_types = jax.random.randint(ks[3], (N_NODES,), 0, N_TYPES, dtype=jnp.int32)
    sizes = (N_TYPES, N_TYPES, N_TYPES, N_TYPES)
    inp = {
        'pos': pos,
        'mapping': mapping,
        'mapping_batch': mapping_batch,
        'atom_types': atom_types,
    }
    for ii in range(N_DEGS):
        inp['theta_' + str(ii)] = jax.random.uniform(ks[4 + ii], sizes, dtype=jnp.float32, minval=-np.pi, maxval=np.pi)
        inp['k_' + str(ii)] = jax.random.uniform(ks[8 + ii], sizes, dtype=jnp.float32, minval=0.0, maxval=1.0)
    return inp


def reference(pos, mapping, mapping_batch, atom_types,
              theta_0, theta_1, theta_2, k_0, k_1, k_2):
    # interaction_types = [atom_types[mapping[ii]] for ii in range(order=4)]
    it0 = atom_types[mapping[0]]
    it1 = atom_types[mapping[1]]
    it2 = atom_types[mapping[2]]
    it3 = atom_types[mapping[3]]
    # features = compute_dihedrals(pos, mapping).flatten()
    theta = compute_dihedrals(pos, mapping).reshape(-1)
    thetas = [theta_0, theta_1, theta_2]
    ks_ = [k_0, k_1, k_2]
    V = jnp.zeros_like(theta)
    for ii in range(N_DEGS):
        t0 = thetas[ii][it0, it1, it2, it3]
        kk = ks_[ii][it0, it1, it2, it3]
        V = V + kk * (1.0 - jnp.cos((ii + 1) * theta - t0))
    # y = scatter(V, mapping_batch, dim=0, reduce='sum')
    energy = jax.ops.segment_sum(V, mapping_batch, num_segments=N_BATCH)
    return energy

if __name__ == "__main__":
    import jax
    _d = setup_inputs()
    print(jax.jit(kernel)(*tuple(_d.values())))

</pallas_src>

<mosaic_0001>
#map = affine_map<(d0, d1) -> (0)>
#map1 = affine_map<(d0, d1) -> (0, 0)>
module attributes {stable_mosaic.version = 14 : i64} {
  func.func @_body(%arg0: i32, %arg1: i32, %arg2: memref<802816xi32, #tpu.memory_space<hbm>>, %arg3: memref<802816xi32, #tpu.memory_space<hbm>>, %arg4: memref<802816xi32, #tpu.memory_space<hbm>>, %arg5: memref<802816xi32, #tpu.memory_space<hbm>>, %arg6: memref<802816xi32, #tpu.memory_space<hbm>>, %arg7: memref<50000x4xf32, #tpu.memory_space<hbm>>, %arg8: memref<50000xi32, #tpu.memory_space<hbm>>, %arg9: memref<390625x8xf32, #tpu.memory_space<hbm>>, %arg10: memref<2048xf32, #tpu.memory_space<hbm>>, %arg11: memref<50000xi32, #tpu.memory_space<vmem>>, %arg12: memref<128xi32, #tpu.memory_space<vmem>>, %arg13: memref<128xi32, #tpu.memory_space<vmem>>, %arg14: memref<128xi32, #tpu.memory_space<vmem>>, %arg15: memref<128xi32, #tpu.memory_space<vmem>>, %arg16: memref<128xi32, #tpu.memory_space<vmem>>, %arg17: memref<128xi32, #tpu.memory_space<vmem>>, %arg18: memref<128x4xf32, #tpu.memory_space<vmem>>, %arg19: memref<128x4xf32, #tpu.memory_space<vmem>>, %arg20: memref<128x4xf32, #tpu.memory_space<vmem>>, %arg21: memref<128x4xf32, #tpu.memory_space<vmem>>, %arg22: memref<128x8xf32, #tpu.memory_space<vmem>>, %arg23: memref<1024xf32, #tpu.memory_space<vmem>>, %arg24: memref<64xf32, #tpu.memory_space<vmem>>, %arg25: memref<!tpu.dma_semaphore, #tpu.memory_space<semaphore_mem>>) attributes {dimension_semantics = [#tpu.dimension_semantics<core_parallel>, #tpu.dimension_semantics<subcore_parallel>], iteration_bounds = array<i64: 2, 16>, scalar_prefetch = 0 : i64, scratch_operands = 15 : i64, tpu.core_type = #tpu.core_type<sc_vector_subcore>, window_params = [{transform_indices = #map}, {transform_indices = #map}, {transform_indices = #map}, {transform_indices = #map}, {transform_indices = #map}, {transform_indices = #map1}, {transform_indices = #map}, {transform_indices = #map1}, {transform_indices = #map}]} {
    %mul3A = arith.constant 2 : i32
    %mul3A_0 = arith.muli %arg1, %mul3A : i32
    %add3A = arith.addi %mul3A_0, %arg0 : i32
    %mul3A_1 = arith.constant 25088 : i32
    %mul3A_2 = arith.muli %add3A, %mul3A_1 : i32
    "tpu.region"() ({
      %run_scoped3A = tpu.sem_alloc : memref<!tpu.dma_semaphore, #tpu.memory_space<semaphore_mem>>
      tpu.enqueue_dma source(%arg8 : memref<50000xi32, #tpu.memory_space<hbm>>) target(%arg11 : memref<50000xi32, #tpu.memory_space<vmem>>) target_semaphore(%run_scoped3A : memref<!tpu.dma_semaphore, #tpu.memory_space<semaphore_mem>>)
      tpu.wait_dma2 semaphore(%run_scoped3A : memref<!tpu.dma_semaphore, #tpu.memory_space<semaphore_mem>>) src(%arg8 : memref<50000xi32, #tpu.memory_space<hbm>>) dst(%arg11 : memref<50000xi32, #tpu.memory_space<vmem>>)
      tpu.yield
    }) : () -> ()
    %broadcast_in_dim3A = arith.constant 0.000000e+00 : f32
    %broadcast_in_dim3A_3 = vector.broadcast %broadcast_in_dim3A : f32 to vector<16xf32>
    %swap3A = arith.constant 0 : index
    %swap3A_4 = tpu.vector_load %arg23[%swap3A] {strides = array<i32>} : memref<1024xf32, #tpu.memory_space<vmem>>, vector<16xf32>,
    tpu.vector_store %arg23[%swap3A], %broadcast_in_dim3A_3 {strides = array<i32>} : memref<1024xf32, #tpu.memory_space<vmem>>, vector<16xf32>,
    %swap3A_5 = arith.constant 16 : index
    %swap3A_6 = tpu.vector_load %arg23[%swap3A_5] {strides = array<i32>} : memref<1024xf32, #tpu.memory_space<vmem>>, vector<16xf32>,
    tpu.vector_store %arg23[%swap3A_5], %broadcast_in_dim3A_3 {strides = array<i32>} : memref<1024xf32, #tpu.memory_space<vmem>>, vector<16xf32>,
    %swap3A_7 = arith.constant 32 : index
    %swap3A_8 = tpu.vector_load %arg23[%swap3A_7] {strides = array<i32>} : memref<1024xf32, #tpu.memory_space<vmem>>, vector<16xf32>,
    tpu.vector_store %arg23[%swap3A_7], %broadcast_in_dim3A_3 {strides = array<i32>} : memref<1024xf32, #tpu.memory_space<vmem>>, vector<16xf32>,
    %swap3A_9 = arith.constant 48 : index
    %swap3A_10 = tpu.vector_load %arg23[%swap3A_9] {strides = array<i32>} : memref<1024xf32, #tpu.memory_space<vmem>>, vector<16xf32>,
    tpu.vector_store %arg23[%swap3A_9], %broadcast_in_dim3A_3 {strides = array<i32>} : memref<1024xf32, #tpu.memory_space<vmem>>, vector<16xf32>,
    %swap3A_11 = arith.constant 64 : index
    %swap3A_12 = tpu.vector_load %arg23[%swap3A_11] {strides = array<i32>} : memref<1024xf32, #tpu.memory_space<vmem>>, vector<16xf32>,
    tpu.vector_store %arg23[%swap3A_11], %broadcast_in_dim3A_3 {strides = array<i32>} : memref<1024xf32, #tpu.memory_space<vmem>>, vector<16xf32>,
    %swap3A_13 = arith.constant 80 : index
    %swap3A_14 = tpu.vector_load %arg23[%swap3A_13] {strides = array<i32>} : memref<1024xf32, #tpu.memory_space<vmem>>, vector<16xf32>,
    tpu.vector_store %arg23[%swap3A_13], %broadcast_in_dim3A_3 {strides = array<i32>} : memref<1024xf32, #tpu.memory_space<vmem>>, vector<16xf32>,
    %swap3A_15 = arith.constant 96 : index
    %swap3A_16 = tpu.vector_load %arg23[%swap3A_15] {strides = array<i32>} : memref<1024xf32, #tpu.memory_space<vmem>>, vector<16xf32>,
    tpu.vector_store %arg23[%swap3A_15], %broadcast_in_dim3A_3 {strides = array<i32>} : memref<1024xf32, #tpu.memory_space<vmem>>, vector<16xf32>,
    %swap3A_17 = arith.constant 112 : index
    %swap3A_18 = tpu.vector_load %arg23[%swap3A_17] {strides = array<i32>} : memref<1024xf32, #tpu.memory_space<vmem>>, vector<16xf32>,
    tpu.vector_store %arg23[%swap3A_17], %broadcast_in_dim3A_3 {strides = array<i32>} : memref<1024xf32, #tpu.memory_space<vmem>>, vector<16xf32>,
    %swap3A_19 = arith.constant 128 : index
    %swap3A_20 = tpu.vector_load %arg23[%swap3A_19] {strides = array<i32>} : memref<1024xf32, #tpu.memory_space<vmem>>, vector<16xf32>,
    tpu.vector_store %arg23[%swap3A_19], %broadcast_in_dim3A_3 {strides = array<i32>} : memref<1024xf32, #tpu.memory_space<vmem>>, vector<16xf32>,
    %swap3A_21 = arith.constant 144 : index
    %swap3A_22 = tpu.vector_load %arg23[%swap3A_21] {strides = array<i32>} : memref<1024xf32, #tpu.memory_space<vmem>>, vector<16xf32>,
    tpu.vector_store %arg23[%swap3A_21], %broadcast_in_dim3A_3 {strides = array<i32>} : memref<1024xf32, #tpu.memory_space<vmem>>, vector<16xf32>,
    %swap3A_23 = arith.constant 160 : index
    %swap3A_24 = tpu.vector_load %arg23[%swap3A_23] {strides = array<i32>} : memref<1024xf32, #tpu.memory_space<vmem>>, vector<16xf32>,
    tpu.vector_store %arg23[%swap3A_23], %broadcast_in_dim3A_3 {strides = array<i32>} : memref<1024xf32, #tpu.memory_space<vmem>>, vector<16xf32>,
    %swap3A_25 = arith.constant 176 : index
    %swap3A_26 = tpu.vector_load %arg23[%swap3A_25] {strides = array<i32>} : memref<1024xf32, #tpu.memory_space<vmem>>, vector<16xf32>,
    tpu.vector_store %arg23[%swap3A_25], %broadcast_in_dim3A_3 {strides = array<i32>} : memref<1024xf32, #tpu.memory_space<vmem>>, vector<16xf32>,
    %swap3A_27 = arith.constant 192 : index
    %swap3A_28 = tpu.vector_load %arg23[%swap3A_27] {strides = array<i32>} : memref<1024xf32, #tpu.memory_space<vmem>>, vector<16xf32>,
    tpu.vector_store %arg23[%swap3A_27], %broadcast_in_dim3A_3 {strides = array<i32>} : memref<1024xf32, #tpu.memory_space<vmem>>, vector<16xf32>,
    %swap3A_29 = arith.constant 208 : index
    %swap3A_30 = tpu.vector_load %arg23[%swap3A_29] {strides = array<i32>} : memref<1024xf32, #tpu.memory_space<vmem>>, vector<16xf32>,
    tpu.vector_store %arg23[%swap3A_29], %broadcast_in_dim3A_3 {strides = array<i32>} : memref<1024xf32, #tpu.memory_space<vmem>>, vector<16xf32>,
    %swap3A_31 = arith.constant 224 : index
    %swap3A_32 = tpu.vector_load %arg23[%swap3A_31] {strides = array<i32>} : memref<1024xf32, #tpu.memory_space<vmem>>, vector<16xf32>,
    tpu.vector_store %arg23[%swap3A_31], %broadcast_in_dim3A_3 {strides = array<i32>} : memref<1024xf32, #tpu.memory_space<vmem>>, vector<16xf32>,
    %swap3A_33 = arith.constant 240 : index
    %swap3A_34 = tpu.vector_load %arg23[%swap3A_33] {strides = array<i32>} : memref<1024xf32, #tpu.memory_space<vmem>>, vector<16xf32>,
    tpu.vector_store %arg23[%swap3A_33], %broadcast_in_dim3A_3 {strides = array<i32>} : memref<1024xf32, #tpu.memory_space<vmem>>, vector<16xf32>,
    %swap3A_35 = arith.constant 256 : index
    %swap3A_36 = tpu.vector_load %arg23[%swap3A_35] {strides = array<i32>} : memref<1024xf32, #tpu.memory_space<vmem>>, vector<16xf32>,
    tpu.vector_store %arg23[%swap3A_35], %broadcast_in_dim3A_3 {strides = array<i32>} : memref<1024xf32, #tpu.memory_space<vmem>>, vector<16xf32>,
    %swap3A_37 = arith.constant 272 : index
    %swap3A_38 = tpu.vector_load %arg23[%swap3A_37] {strides = array<i32>} : memref<1024xf32, #tpu.memory_space<vmem>>, vector<16xf32>,
    tpu.vector_store %arg23[%swap3A_37], %broadcast_in_dim3A_3 {strides = array<i32>} : memref<1024xf32, #tpu.memory_space<vmem>>, vector<16xf32>,
    %swap3A_39 = arith.constant 288 : index
    %swap3A_40 = tpu.vector_load %arg23[%swap3A_39] {strides = array<i32>} : memref<1024xf32, #tpu.memory_space<vmem>>, vector<16xf32>,
    tpu.vector_store %arg23[%swap3A_39], %broadcast_in_dim3A_3 {strides = array<i32>} : memref<1024xf32, #tpu.memory_space<vmem>>, vector<16xf32>,
    %swap3A_41 = arith.constant 304 : index
    %swap3A_42 = tpu.vector_load %arg23[%swap3A_41] {strides = array<i32>} : memref<1024xf32, #tpu.memory_space<vmem>>, vector<16xf32>,
    tpu.vector_store %arg23[%swap3A_41], %broadcast_in_dim3A_3 {strides = array<i32>} : memref<1024xf32, #tpu.memory_space<vmem>>, vector<16xf32>,
    %swap3A_43 = arith.constant 320 : index
    %swap3A_44 = tpu.vector_load %arg23[%swap3A_43] {strides = array<i32>} : memref<1024xf32, #tpu.memory_space<vmem>>, vector<16xf32>,
    tpu.vector_store %arg23[%swap3A_43], %broadcast_in_dim3A_3 {strides = array<i32>} : memref<1024xf32, #tpu.memory_space<vmem>>, vector<16xf32>,
    %swap3A_45 = arith.constant 336 : index
    %swap3A_46 = tpu.vector_load %arg23[%swap3A_45] {strides = array<i32>} : memref<1024xf32, #tpu.memory_space<vmem>>, vector<16xf32>,
    tpu.vector_store %arg23[%swap3A_45], %broadcast_in_dim3A_3 {strides = array<i32>} : memref<1024xf32, #tpu.memory_space<vmem>>, vector<16xf32>,
    %swap3A_47 = arith.constant 352 : index
    %swap3A_48 = tpu.vector_load %arg23[%swap3A_47] {strides = array<i32>} : memref<1024xf32, #tpu.memory_space<vmem>>, vector<16xf32>,
    tpu.vector_store %arg23[%swap3A_47], %broadcast_in_dim3A_3 {strides = array<i32>} : memref<1024xf32, #tpu.memory_space<vmem>>, vector<16xf32>,
    %swap3A_49 = arith.constant 368 : index
    %swap3A_50 = tpu.vector_load %arg23[%swap3A_49] {strides = array<i32>} : memref<1024xf32, #tpu.memory_space<vmem>>, vector<16xf32>,
    tpu.vector_store %arg23[%swap3A_49], %broadcast_in_dim3A_3 {strides = array<i32>} : memref<1024xf32, #tpu.memory_space<vmem>>, vector<16xf32>,
    %swap3A_51 = arith.constant 384 : index
    %swap3A_52 = tpu.vector_load %arg23[%swap3A_51] {strides = array<i32>} : memref<1024xf32, #tpu.memory_space<vmem>>, vector<16xf32>,
    tpu.vector_store %arg23[%swap3A_51], %broadcast_in_dim3A_3 {strides = array<i32>} : memref<1024xf32, #tpu.memory_space<vmem>>, vector<16xf32>,
    %swap3A_53 = arith.constant 400 : index
    %swap3A_54 = tpu.vector_load %arg23[%swap3A_53] {strides = array<i32>} : memref<1024xf32, #tpu.memory_space<vmem>>, vector<16xf32>,
    tpu.vector_store %arg23[%swap3A_53], %broadcast_in_dim3A_3 {strides = array<i32>} : memref<1024xf32, #tpu.memory_space<vmem>>, vector<16xf32>,
    %swap3A_55 = arith.constant 416 : index
    %swap3A_56 = tpu.vector_load %arg23[%swap3A_55] {strides = array<i32>} : memref<1024xf32, #tpu.memory_space<vmem>>, vector<16xf32>,
    tpu.vector_store %arg23[%swap3A_55], %broadcast_in_dim3A_3 {strides = array<i32>} : memref<1024xf32, #tpu.memory_space<vmem>>, vector<16xf32>,
    %swap3A_57 = arith.constant 432 : index
    %swap3A_58 = tpu.vector_load %arg23[%swap3A_57] {strides = array<i32>} : memref<1024xf32, #tpu.memory_space<vmem>>, vector<16xf32>,
    tpu.vector_store %arg23[%swap3A_57], %broadcast_in_dim3A_3 {strides = array<i32>} : memref<1024xf32, #tpu.memory_space<vmem>>, vector<16xf32>,
    %swap3A_59 = arith.constant 448 : index
    %swap3A_60 = tpu.vector_load %arg23[%swap3A_59] {strides = array<i32>} : memref<1024xf32, #tpu.memory_space<vmem>>, vector<16xf32>,
    tpu.vector_store %arg23[%swap3A_59], %broadcast_in_dim3A_3 {strides = array<i32>} : memref<1024xf32, #tpu.memory_space<vmem>>, vector<16xf32>,
    %swap3A_61 = arith.constant 464 : index
    %swap3A_62 = tpu.vector_load %arg23[%swap3A_61] {strides = array<i32>} : memref<1024xf32, #tpu.memory_space<vmem>>, vector<16xf32>,
    tpu.vector_store %arg23[%swap3A_61], %broadcast_in_dim3A_3 {strides = array<i32>} : memref<1024xf32, #tpu.memory_space<vmem>>, vector<16xf32>,
    %swap3A_63 = arith.constant 480 : index
    %swap3A_64 = tpu.vector_load %arg23[%swap3A_63] {strides = array<i32>} : memref<1024xf32, #tpu.memory_space<vmem>>, vector<16xf32>,
    tpu.vector_store %arg23[%swap3A_63], %broadcast_in_dim3A_3 {strides = array<i32>} : memref<1024xf32, #tpu.memory_space<vmem>>, vector<16xf32>,
    %swap3A_65 = arith.constant 496 : index
    %swap3A_66 = tpu.vector_load %arg23[%swap3A_65] {strides = array<i32>} : memref<1024xf32, #tpu.memory_space<vmem>>, vector<16xf32>,
    tpu.vector_store %arg23[%swap3A_65], %broadcast_in_dim3A_3 {strides = array<i32>} : memref<1024xf32, #tpu.memory_space<vmem>>, vector<16xf32>,
    %swap3A_67 = arith.constant 512 : index
    %swap3A_68 = tpu.vector_load %arg23[%swap3A_67] {strides = array<i32>} : memref<1024xf32, #tpu.memory_space<vmem>>, vector<16xf32>,
    tpu.vector_store %arg23[%swap3A_67], %broadcast_in_dim3A_3 {strides = array<i32>} : memref<1024xf32, #tpu.memory_space<vmem>>, vector<16xf32>,
    %swap3A_69 = arith.constant 528 : index
    %swap3A_70 = tpu.vector_load %arg23[%swap3A_69] {strides = array<i32>} : memref<1024xf32, #tpu.memory_space<vmem>>, vector<16xf32>,
    tpu.vector_store %arg23[%swap3A_69], %broadcast_in_dim3A_3 {strides = array<i32>} : memref<1024xf32, #tpu.memory_space<vmem>>, vector<16xf32>,
    %swap3A_71 = arith.constant 544 : index
    %swap3A_72 = tpu.vector_load %arg23[%swap3A_71] {strides = array<i32>} : memref<1024xf32, #tpu.memory_space<vmem>>, vector<16xf32>,
    tpu.vector_store %arg23[%swap3A_71], %broadcast_in_dim3A_3 {strides = array<i32>} : memref<1024xf32, #tpu.memory_space<vmem>>, vector<16xf32>,
    %swap3A_73 = arith.constant 560 : index
    %swap3A_74 = tpu.vector_load %arg23[%swap3A_73] {strides = array<i32>} : memref<1024xf32, #tpu.memory_space<vmem>>, vector<16xf32>,
    tpu.vector_store %arg23[%swap3A_73], %broadcast_in_dim3A_3 {strides = array<i32>} : memref<1024xf32, #tpu.memory_space<vmem>>, vector<16xf32>,
    %swap3A_75 = arith.constant 576 : index
    %swap3A_76 = tpu.vector_load %arg23[%swap3A_75] {strides = array<i32>} : memref<1024xf32, #tpu.memory_space<vmem>>, vector<16xf32>,
    tpu.vector_store %arg23[%swap3A_75], %broadcast_in_dim3A_3 {strides = array<i32>} : memref<1024xf32, #tpu.memory_space<vmem>>, vector<16xf32>,
    %swap3A_77 = arith.constant 592 : index
    %swap3A_78 = tpu.vector_load %arg23[%swap3A_77] {strides = array<i32>} : memref<1024xf32, #tpu.memory_space<vmem>>, vector<16xf32>,
    tpu.vector_store %arg23[%swap3A_77], %broadcast_in_dim3A_3 {strides = array<i32>} : memref<1024xf32, #tpu.memory_space<vmem>>, vector<16xf32>,
    %swap3A_79 = arith.constant 608 : index
    %swap3A_80 = tpu.vector_load %arg23[%swap3A_79] {strides = array<i32>} : memref<1024xf32, #tpu.memory_space<vmem>>, vector<16xf32>,
    tpu.vector_store %arg23[%swap3A_79], %broadcast_in_dim3A_3 {strides = array<i32>} : memref<1024xf32, #tpu.memory_space<vmem>>, vector<16xf32>,
    %swap3A_81 = arith.constant 624 : index
    %swap3A_82 = tpu.vector_load %arg23[%swap3A_81] {strides = array<i32>} : memref<1024xf32, #tpu.memory_space<vmem>>, vector<16xf32>,
    tpu.vector_store %arg23[%swap3A_81], %broadcast_in_dim3A_3 {strides = array<i32>} : memref<1024xf32, #tpu.memory_space<vmem>>, vector<16xf32>,
    %swap3A_83 = arith.constant 640 : index
    %swap3A_84 = tpu.vector_load %arg23[%swap3A_83] {strides = array<i32>} : memref<1024xf32, #tpu.memory_space<vmem>>, vector<16xf32>,
    tpu.vector_store %arg23[%swap3A_83], %broadcast_in_dim3A_3 {strides = array<i32>} : memref<1024xf32, #tpu.memory_space<vmem>>, vector<16xf32>,
    %swap3A_85 = arith.constant 656 : index
    %swap3A_86 = tpu.vector_load %arg23[%swap3A_85] {strides = array<i32>} : memref<1024xf32, #tpu.memory_space<vmem>>, vector<16xf32>,
    tpu.vector_store %arg23[%swap3A_85], %broadcast_in_dim3A_3 {strides = array<i32>} : memref<1024xf32, #tpu.memory_space<vmem>>, vector<16xf32>,
    %swap3A_87 = arith.constant 672 : index
    %swap3A_88 = tpu.vector_load %arg23[%swap3A_87] {strides = array<i32>} : memref<1024xf32, #tpu.memory_space<vmem>>, vector<16xf32>,
    tpu.vector_store %arg23[%swap3A_87], %broadcast_in_dim3A_3 {strides = array<i32>} : memref<1024xf32, #tpu.memory_space<vmem>>, vector<16xf32>,
    %swap3A_89 = arith.constant 688 : index
    %swap3A_90 = tpu.vector_load %arg23[%swap3A_89] {strides = array<i32>} : memref<1024xf32, #tpu.memory_space<vmem>>, vector<16xf32>,
    tpu.vector_store %arg23[%swap3A_89], %broadcast_in_dim3A_3 {strides = array<i32>} : memref<1024xf32, #tpu.memory_space<vmem>>, vector<16xf32>,
    %swap3A_91 = arith.constant 704 : index
    %swap3A_92 = tpu.vector_load %arg23[%swap3A_91] {strides = array<i32>} : memref<1024xf32, #tpu.memory_space<vmem>>, vector<16xf32>,
    tpu.vector_store %arg23[%swap3A_91], %broadcast_in_dim3A_3 {strides = array<i32>} : memref<1024xf32, #tpu.memory_space<vmem>>, vector<16xf32>,
    %swap3A_93 = arith.constant 720 : index
    %swap3A_94 = tpu.vector_load %arg23[%swap3A_93] {strides = array<i32>} : memref<1024xf32, #tpu.memory_space<vmem>>, vector<16xf32>,
    tpu.vector_store %arg23[%swap3A_93], %broadcast_in_dim3A_3 {strides = array<i32>} : memref<1024xf32, #tpu.memory_space<vmem>>, vector<16xf32>,
    %swap3A_95 = arith.constant 736 : index
    %swap3A_96 = tpu.vector_load %arg23[%swap3A_95] {strides = array<i32>} : memref<1024xf32, #tpu.memory_space<vmem>>, vector<16xf32>,
    tpu.vector_store %arg23[%swap3A_95], %broadcast_in_dim3A_3 {strides = array<i32>} : memref<1024xf32, #tpu.memory_space<vmem>>, vector<16xf32>,
    %swap3A_97 = arith.constant 752 : index
    %swap3A_98 = tpu.vector_load %arg23[%swap3A_97] {strides = array<i32>} : memref<1024xf32, #tpu.memory_space<vmem>>, vector<16xf32>,
    tpu.vector_store %arg23[%swap3A_97], %broadcast_in_dim3A_3 {strides = array<i32>} : memref<1024xf32, #tpu.memory_space<vmem>>, vector<16xf32>,
    %swap3A_99 = arith.constant 768 : index
    %swap3A_100 = tpu.vector_load %arg23[%swap3A_99] {strides = array<i32>} : memref<1024xf32, #tpu.memory_space<vmem>>, vector<16xf32>,
    tpu.vector_store %arg23[%swap3A_99], %broadcast_in_dim3A_3 {strides = array<i32>} : memref<1024xf32, #tpu.memory_space<vmem>>, vector<16xf32>,
    %swap3A_101 = arith.constant 784 : index
    %swap3A_102 = tpu.vector_load %arg23[%swap3A_101] {strides = array<i32>} : memref<1024xf32, #tpu.memory_space<vmem>>, vector<16xf32>,
    tpu.vector_store %arg23[%swap3A_101], %broadcast_in_dim3A_3 {strides = array<i32>} : memref<1024xf32, #tpu.memory_space<vmem>>, vector<16xf32>,
    %swap3A_103 = arith.constant 800 : index
    %swap3A_104 = tpu.vector_load %arg23[%swap3A_103] {strides = array<i32>} : memref<1024xf32, #tpu.memory_space<vmem>>, vector<16xf32>,
    tpu.vector_store %arg23[%swap3A_103], %broadcast_in_dim3A_3 {strides = array<i32>} : memref<1024xf32, #tpu.memory_space<vmem>>, vector<16xf32>,
    %swap3A_105 = arith.constant 816 : index
    %swap3A_106 = tpu.vector_load %arg23[%swap3A_105] {strides = array<i32>} : memref<1024xf32, #tpu.memory_space<vmem>>, vector<16xf32>,
    tpu.vector_store %arg23[%swap3A_105], %broadcast_in_dim3A_3 {strides = array<i32>} : memref<1024xf32, #tpu.memory_space<vmem>>, vector<16xf32>,
    %swap3A_107 = arith.constant 832 : index
    %swap3A_108 = tpu.vector_load %arg23[%swap3A_107] {strides = array<i32>} : memref<1024xf32, #tpu.memory_space<vmem>>, vector<16xf32>,
    tpu.vector_store %arg23[%swap3A_107], %broadcast_in_dim3A_3 {strides = array<i32>} : memref<1024xf32, #tpu.memory_space<vmem>>, vector<16xf32>,
    %swap3A_109 = arith.constant 848 : index
    %swap3A_110 = tpu.vector_load %arg23[%swap3A_109] {strides = array<i32>} : memref<1024xf32, #tpu.memory_space<vmem>>, vector<16xf32>,
    tpu.vector_store %arg23[%swap3A_109], %broadcast_in_dim3A_3 {strides = array<i32>} : memref<1024xf32, #tpu.memory_space<vmem>>, vector<16xf32>,
    %swap3A_111 = arith.constant 864 : index
    %swap3A_112 = tpu.vector_load %arg23[%swap3A_111] {strides = array<i32>} : memref<1024xf32, #tpu.memory_space<vmem>>, vector<16xf32>,
    tpu.vector_store %arg23[%swap3A_111], %broadcast_in_dim3A_3 {strides = array<i32>} : memref<1024xf32, #tpu.memory_space<vmem>>, vector<16xf32>,
    %swap3A_113 = arith.constant 880 : index
    %swap3A_114 = tpu.vector_load %arg23[%swap3A_113] {strides = array<i32>} : memref<1024xf32, #tpu.memory_space<vmem>>, vector<16xf32>,
    tpu.vector_store %arg23[%swap3A_113], %broadcast_in_dim3A_3 {strides = array<i32>} : memref<1024xf32, #tpu.memory_space<vmem>>, vector<16xf32>,
    %swap3A_115 = arith.constant 896 : index
    %swap3A_116 = tpu.vector_load %arg23[%swap3A_115] {strides = array<i32>} : memref<1024xf32, #tpu.memory_space<vmem>>, vector<16xf32>,
    tpu.vector_store %arg23[%swap3A_115], %broadcast_in_dim3A_3 {strides = array<i32>} : memref<1024xf32, #tpu.memory_space<vmem>>, vector<16xf32>,
    %swap3A_117 = arith.constant 912 : index
    %swap3A_118 = tpu.vector_load %arg23[%swap3A_117] {strides = array<i32>} : memref<1024xf32, #tpu.memory_space<vmem>>, vector<16xf32>,
    tpu.vector_store %arg23[%swap3A_117], %broadcast_in_dim3A_3 {strides = array<i32>} : memref<1024xf32, #tpu.memory_space<vmem>>, vector<16xf32>,
    %swap3A_119 = arith.constant 928 : index
    %swap3A_120 = tpu.vector_load %arg23[%swap3A_119] {strides = array<i32>} : memref<1024xf32, #tpu.memory_space<vmem>>, vector<16xf32>,
    tpu.vector_store %arg23[%swap3A_119], %broadcast_in_dim3A_3 {strides = array<i32>} : memref<1024xf32, #tpu.memory_space<vmem>>, vector<16xf32>,
    %swap3A_121 = arith.constant 944 : index
    %swap3A_122 = tpu.vector_load %arg23[%swap3A_121] {strides = array<i32>} : memref<1024xf32, #tpu.memory_space<vmem>>, vector<16xf32>,
    tpu.vector_store %arg23[%swap3A_121], %broadcast_in_dim3A_3 {strides = array<i32>} : memref<1024xf32, #tpu.memory_space<vmem>>, vector<16xf32>,
    %swap3A_123 = arith.constant 960 : index
    %swap3A_124 = tpu.vector_load %arg23[%swap3A_123] {strides = array<i32>} : memref<1024xf32, #tpu.memory_space<vmem>>, vector<16xf32>,
    tpu.vector_store %arg23[%swap3A_123], %broadcast_in_dim3A_3 {strides = array<i32>} : memref<1024xf32, #tpu.memory_space<vmem>>, vector<16xf32>,
    %swap3A_125 = arith.constant 976 : index
    %swap3A_126 = tpu.vector_load %arg23[%swap3A_125] {strides = array<i32>} : memref<1024xf32, #tpu.memory_space<vmem>>, vector<16xf32>,
    tpu.vector_store %arg23[%swap3A_125], %broadcast_in_dim3A_3 {strides = array<i32>} : memref<1024xf32, #tpu.memory_space<vmem>>, vector<16xf32>,
    %swap3A_127 = arith.constant 992 : index
    %swap3A_128 = tpu.vector_load %arg23[%swap3A_127] {strides = array<i32>} : memref<1024xf32, #tpu.memory_space<vmem>>, vector<16xf32>,
    tpu.vector_store %arg23[%swap3A_127], %broadcast_in_dim3A_3 {strides = array<i32>} : memref<1024xf32, #tpu.memory_space<vmem>>, vector<16xf32>,
    %swap3A_129 = arith.constant 1008 : index
    %swap3A_130 = tpu.vector_load %arg23[%swap3A_129] {strides = array<i32>} : memref<1024xf32, #tpu.memory_space<vmem>>, vector<16xf32>,
    tpu.vector_store %arg23[%swap3A_129], %broadcast_in_dim3A_3 {strides = array<i32>} : memref<1024xf32, #tpu.memory_space<vmem>>, vector<16xf32>,
    %iota3A = tpu.iota {dimensions = array<i32: 0>} : vector<16xi32>
    %scan3A = arith.constant 0 : i32
    %scan3A_131 = arith.constant 0 : i32
    %scan3A_132 = arith.constant 196 : i32
    %scan3A_133 = arith.addi %scan3A_131, %scan3A_132 : i32
    %scan3A_134 = arith.constant 1 : i32
    scf.for %scan3A_345 = %scan3A_131 to %scan3A_133 step %scan3A_134  : i32 {
      %mul3A_346 = arith.constant 128 : i32
      %mul3A_347 = arith.muli %scan3A_345, %mul3A_346 : i32
      %add3A_348 = arith.addi %mul3A_2, %mul3A_347 : i32
      %dma_start3A = tpu.memref_slice %arg2[%add3A_348] : memref<802816xi32, #tpu.memory_space<hbm>> -> memref<128xi32, #tpu.memory_space<hbm>>
      %dma_start3A_349 = tpu.memref_slice %arg2[%add3A_348] : memref<802816xi32, #tpu.memory_space<hbm>> -> memref<128xi32, #tpu.memory_space<hbm>>
      tpu.enqueue_dma source(%dma_start3A_349 : memref<128xi32, #tpu.memory_space<hbm>>) target(%arg12 : memref<128xi32, #tpu.memory_space<vmem>>) target_semaphore(%arg25 : memref<!tpu.dma_semaphore, #tpu.memory_space<semaphore_mem>>)
      %dma_start3A_350 = tpu.memref_slice %arg3[%add3A_348] : memref<802816xi32, #tpu.memory_space<hbm>> -> memref<128xi32, #tpu.memory_space<hbm>>
      %dma_start3A_351 = tpu.memref_slice %arg3[%add3A_348] : memref<802816xi32, #tpu.memory_space<hbm>> -> memref<128xi32, #tpu.memory_space<hbm>>
      tpu.enqueue_dma source(%dma_start3A_351 : memref<128xi32, #tpu.memory_space<hbm>>) target(%arg13 : memref<128xi32, #tpu.memory_space<vmem>>) target_semaphore(%arg25 : memref<!tpu.dma_semaphore, #tpu.memory_space<semaphore_mem>>)
      %dma_start3A_352 = tpu.memref_slice %arg4[%add3A_348] : memref<802816xi32, #tpu.memory_space<hbm>> -> memref<128xi32, #tpu.memory_space<hbm>>
      %dma_start3A_353 = tpu.memref_slice %arg4[%add3A_348] : memref<802816xi32, #tpu.memory_space<hbm>> -> memref<128xi32, #tpu.memory_space<hbm>>
      tpu.enqueue_dma source(%dma_start3A_353 : memref<128xi32, #tpu.memory_space<hbm>>) target(%arg14 : memref<128xi32, #tpu.memory_space<vmem>>) target_semaphore(%arg25 : memref<!tpu.dma_semaphore, #tpu.memory_space<semaphore_mem>>)
      %dma_start3A_354 = tpu.memref_slice %arg5[%add3A_348] : memref<802816xi32, #tpu.memory_space<hbm>> -> memref<128xi32, #tpu.memory_space<hbm>>
      %dma_start3A_355 = tpu.memref_slice %arg5[%add3A_348] : memref<802816xi32, #tpu.memory_space<hbm>> -> memref<128xi32, #tpu.memory_space<hbm>>
      tpu.enqueue_dma source(%dma_start3A_355 : memref<128xi32, #tpu.memory_space<hbm>>) target(%arg15 : memref<128xi32, #tpu.memory_space<vmem>>) target_semaphore(%arg25 : memref<!tpu.dma_semaphore, #tpu.memory_space<semaphore_mem>>)
      %dma_start3A_356 = tpu.memref_slice %arg6[%add3A_348] : memref<802816xi32, #tpu.memory_space<hbm>> -> memref<128xi32, #tpu.memory_space<hbm>>
      %dma_start3A_357 = tpu.memref_slice %arg6[%add3A_348] : memref<802816xi32, #tpu.memory_space<hbm>> -> memref<128xi32, #tpu.memory_space<hbm>>
      tpu.enqueue_dma source(%dma_start3A_357 : memref<128xi32, #tpu.memory_space<hbm>>) target(%arg16 : memref<128xi32, #tpu.memory_space<vmem>>) target_semaphore(%arg25 : memref<!tpu.dma_semaphore, #tpu.memory_space<semaphore_mem>>)
      %dma_wait3A = tpu.memref_slice %arg2[%add3A_348] : memref<802816xi32, #tpu.memory_space<hbm>> -> memref<128xi32, #tpu.memory_space<hbm>>
      %dma_wait3A_358 = tpu.memref_slice %arg2[%add3A_348] : memref<802816xi32, #tpu.memory_space<hbm>> -> memref<128xi32, #tpu.memory_space<hbm>>
      tpu.wait_dma2 semaphore(%arg25 : memref<!tpu.dma_semaphore, #tpu.memory_space<semaphore_mem>>) src(%dma_wait3A_358 : memref<128xi32, #tpu.memory_space<hbm>>) dst(%arg12 : memref<128xi32, #tpu.memory_space<vmem>>)
      %dma_wait3A_359 = tpu.memref_slice %arg3[%add3A_348] : memref<802816xi32, #tpu.memory_space<hbm>> -> memref<128xi32, #tpu.memory_space<hbm>>
      %dma_wait3A_360 = tpu.memref_slice %arg3[%add3A_348] : memref<802816xi32, #tpu.memory_space<hbm>> -> memref<128xi32, #tpu.memory_space<hbm>>
      tpu.wait_dma2 semaphore(%arg25 : memref<!tpu.dma_semaphore, #tpu.memory_space<semaphore_mem>>) src(%dma_wait3A_360 : memref<128xi32, #tpu.memory_space<hbm>>) dst(%arg13 : memref<128xi32, #tpu.memory_space<vmem>>)
      %dma_wait3A_361 = tpu.memref_slice %arg4[%add3A_348] : memref<802816xi32, #tpu.memory_space<hbm>> -> memref<128xi32, #tpu.memory_space<hbm>>
      %dma_wait3A_362 = tpu.memref_slice %arg4[%add3A_348] : memref<802816xi32, #tpu.memory_space<hbm>> -> memref<128xi32, #tpu.memory_space<hbm>>
      tpu.wait_dma2 semaphore(%arg25 : memref<!tpu.dma_semaphore, #tpu.memory_space<semaphore_mem>>) src(%dma_wait3A_362 : memref<128xi32, #tpu.memory_space<hbm>>) dst(%arg14 : memref<128xi32, #tpu.memory_space<vmem>>)
      %dma_wait3A_363 = tpu.memref_slice %arg5[%add3A_348] : memref<802816xi32, #tpu.memory_space<hbm>> -> memref<128xi32, #tpu.memory_space<hbm>>
      %dma_wait3A_364 = tpu.memref_slice %arg5[%add3A_348] : memref<802816xi32, #tpu.memory_space<hbm>> -> memref<128xi32, #tpu.memory_space<hbm>>
      tpu.wait_dma2 semaphore(%arg25 : memref<!tpu.dma_semaphore, #tpu.memory_space<semaphore_mem>>) src(%dma_wait3A_364 : memref<128xi32, #tpu.memory_space<hbm>>) dst(%arg15 : memref<128xi32, #tpu.memory_space<vmem>>)
      %dma_wait3A_365 = tpu.memref_slice %arg6[%add3A_348] : memref<802816xi32, #tpu.memory_space<hbm>> -> memref<128xi32, #tpu.memory_space<hbm>>
      %dma_wait3A_366 = tpu.memref_slice %arg6[%add3A_348] : memref<802816xi32, #tpu.memory_space<hbm>> -> memref<128xi32, #tpu.memory_space<hbm>>
      tpu.wait_dma2 semaphore(%arg25 : memref<!tpu.dma_semaphore, #tpu.memory_space<semaphore_mem>>) src(%dma_wait3A_366 : memref<128xi32, #tpu.memory_space<hbm>>) dst(%arg16 : memref<128xi32, #tpu.memory_space<vmem>>)
      %dma_start3A_367 = arith.constant 0 : i32
      %dma_start3A_368 = arith.constant 0 : i32
      %dma_start3A_369 = tpu.memref_slice %arg7[%dma_start3A_367, %dma_start3A_368] : memref<50000x4xf32, #tpu.memory_space<hbm>> -> memref<50000x4xf32, #tpu.memory_space<hbm>>
      tpu.enqueue_indirect_dma source(%dma_start3A_369 : memref<50000x4xf32, #tpu.memory_space<hbm>>) target(%arg18 : memref<128x4xf32, #tpu.memory_space<vmem>>) offsets(%arg12 : memref<128xi32, #tpu.memory_space<vmem>>) semaphore(%arg25 : memref<!tpu.dma_semaphore, #tpu.memory_space<semaphore_mem>>)
      %dma_start3A_370 = arith.constant 0 : i32
      %dma_start3A_371 = arith.constant 0 : i32
      %dma_start3A_372 = tpu.memref_slice %arg7[%dma_start3A_370, %dma_start3A_371] : memref<50000x4xf32, #tpu.memory_space<hbm>> -> memref<50000x4xf32, #tpu.memory_space<hbm>>
      tpu.enqueue_indirect_dma source(%dma_start3A_372 : memref<50000x4xf32, #tpu.memory_space<hbm>>) target(%arg19 : memref<128x4xf32, #tpu.memory_space<vmem>>) offsets(%arg13 : memref<128xi32, #tpu.memory_space<vmem>>) semaphore(%arg25 : memref<!tpu.dma_semaphore, #tpu.memory_space<semaphore_mem>>)
      %dma_start3A_373 = arith.constant 0 : i32
      %dma_start3A_374 = arith.constant 0 : i32
      %dma_start3A_375 = tpu.memref_slice %arg7[%dma_start3A_373, %dma_start3A_374] : memref<50000x4xf32, #tpu.memory_space<hbm>> -> memref<50000x4xf32, #tpu.memory_space<hbm>>
      tpu.enqueue_indirect_dma source(%dma_start3A_375 : memref<50000x4xf32, #tpu.memory_space<hbm>>) target(%arg20 : memref<128x4xf32, #tpu.memory_space<vmem>>) offsets(%arg14 : memref<128xi32, #tpu.memory_space<vmem>>) semaphore(%arg25 : memref<!tpu.dma_semaphore, #tpu.memory_space<semaphore_mem>>)
      %dma_start3A_376 = arith.constant 0 : i32
      %dma_start3A_377 = arith.constant 0 : i32
      %dma_start3A_378 = tpu.memref_slice %arg7[%dma_start3A_376, %dma_start3A_377] : memref<50000x4xf32, #tpu.memory_space<hbm>> -> memref<50000x4xf32, #tpu.memory_space<hbm>>
      tpu.enqueue_indirect_dma source(%dma_start3A_378 : memref<50000x4xf32, #tpu.memory_space<hbm>>) target(%arg21 : memref<128x4xf32, #tpu.memory_space<vmem>>) offsets(%arg15 : memref<128xi32, #tpu.memory_space<vmem>>) semaphore(%arg25 : memref<!tpu.dma_semaphore, #tpu.memory_space<semaphore_mem>>)
      %get3A_379 = arith.constant 0 : index
      %get3A_380 = tpu.vector_load %arg12[%get3A_379] {strides = array<i32>} : memref<128xi32, #tpu.memory_space<vmem>>, vector<16xi32>,
      %gather3A = tpu.vector_load_idx %arg11[%get3A_380] : memref<50000xi32, #tpu.memory_space<vmem>>[vector<16xi32>], vector<16xi32>,
      %get3A_381 = arith.constant 0 : index
      %get3A_382 = tpu.vector_load %arg13[%get3A_381] {strides = array<i32>} : memref<128xi32, #tpu.memory_space<vmem>>, vector<16xi32>,
      %gather3A_383 = tpu.vector_load_idx %arg11[%get3A_382] : memref<50000xi32, #tpu.memory_space<vmem>>[vector<16xi32>], vector<16xi32>,
      %get3A_384 = arith.constant 0 : index
      %get3A_385 = tpu.vector_load %arg14[%get3A_384] {strides = array<i32>} : memref<128xi32, #tpu.memory_space<vmem>>, vector<16xi32>,
      %gather3A_386 = tpu.vector_load_idx %arg11[%get3A_385] : memref<50000xi32, #tpu.memory_space<vmem>>[vector<16xi32>], vector<16xi32>,
      %get3A_387 = arith.constant 0 : index
      %get3A_388 = tpu.vector_load %arg15[%get3A_387] {strides = array<i32>} : memref<128xi32, #tpu.memory_space<vmem>>, vector<16xi32>,
      %gather3A_389 = tpu.vector_load_idx %arg11[%get3A_388] : memref<50000xi32, #tpu.memory_space<vmem>>[vector<16xi32>], vector<16xi32>,
      %mul3A_390 = arith.constant 25 : i32
      %mul3A_391 = vector.broadcast %mul3A_390 : i32 to vector<16xi32>
      %mul3A_392 = arith.muli %gather3A, %mul3A_391 : vector<16xi32>
      %add3A_393 = arith.addi %mul3A_392, %gather3A_383 : vector<16xi32>
      %mul3A_394 = arith.constant 25 : i32
      %mul3A_395 = vector.broadcast %mul3A_394 : i32 to vector<16xi32>
      %mul3A_396 = arith.muli %add3A_393, %mul3A_395 : vector<16xi32>
      %add3A_397 = arith.addi %mul3A_396, %gather3A_386 : vector<16xi32>
      %mul3A_398 = arith.constant 25 : i32
      %mul3A_399 = vector.broadcast %mul3A_398 : i32 to vector<16xi32>
      %mul3A_400 = arith.muli %add3A_397, %mul3A_399 : vector<16xi32>
      %add3A_401 = arith.addi %mul3A_400, %gather3A_389 : vector<16xi32>
      %swap3A_402 = arith.constant 0 : index
      %swap3A_403 = tpu.vector_load %arg17[%swap3A_402] {strides = array<i32>} : memref<128xi32, #tpu.memory_space<vmem>>, vector<16xi32>,
      tpu.vector_store %arg17[%swap3A_402], %add3A_401 {strides = array<i32>} : memref<128xi32, #tpu.memory_space<vmem>>, vector<16xi32>,
      %get3A_404 = arith.constant 16 : index
      %get3A_405 = tpu.vector_load %arg12[%get3A_404] {strides = array<i32>} : memref<128xi32, #tpu.memory_space<vmem>>, vector<16xi32>,
      %gather3A_406 = tpu.vector_load_idx %arg11[%get3A_405] : memref<50000xi32, #tpu.memory_space<vmem>>[vector<16xi32>], vector<16xi32>,
      %get3A_407 = arith.constant 16 : index
      %get3A_408 = tpu.vector_load %arg13[%get3A_407] {strides = array<i32>} : memref<128xi32, #tpu.memory_space<vmem>>, vector<16xi32>,
      %gather3A_409 = tpu.vector_load_idx %arg11[%get3A_408] : memref<50000xi32, #tpu.memory_space<vmem>>[vector<16xi32>], vector<16xi32>,
      %get3A_410 = arith.constant 16 : index
      %get3A_411 = tpu.vector_load %arg14[%get3A_410] {strides = array<i32>} : memref<128xi32, #tpu.memory_space<vmem>>, vector<16xi32>,
      %gather3A_412 = tpu.vector_load_idx %arg11[%get3A_411] : memref<50000xi32, #tpu.memory_space<vmem>>[vector<16xi32>], vector<16xi32>,
      %get3A_413 = arith.constant 16 : index
      %get3A_414 = tpu.vector_load %arg15[%get3A_413] {strides = array<i32>} : memref<128xi32, #tpu.memory_space<vmem>>, vector<16xi32>,
      %gather3A_415 = tpu.vector_load_idx %arg11[%get3A_414] : memref<50000xi32, #tpu.memory_space<vmem>>[vector<16xi32>], vector<16xi32>,
      %mul3A_416 = arith.constant 25 : i32
      %mul3A_417 = vector.broadcast %mul3A_416 : i32 to vector<16xi32>
      %mul3A_418 = arith.muli %gather3A_406, %mul3A_417 : vector<16xi32>
      %add3A_419 = arith.addi %mul3A_418, %gather3A_409 : vector<16xi32>
      %mul3A_420 = arith.constant 25 : i32
      %mul3A_421 = vector.broadcast %mul3A_420 : i32 to vector<16xi32>
      %mul3A_422 = arith.muli %add3A_419, %mul3A_421 : vector<16xi32>
      %add3A_423 = arith.addi %mul3A_422, %gather3A_412 : vector<16xi32>
      %mul3A_424 = arith.constant 25 : i32
      %mul3A_425 = vector.broadcast %mul3A_424 : i32 to vector<16xi32>
      %mul3A_426 = arith.muli %add3A_423, %mul3A_425 : vector<16xi32>
      %add3A_427 = arith.addi %mul3A_426, %gather3A_415 : vector<16xi32>
      %swap3A_428 = arith.constant 16 : index
      %swap3A_429 = tpu.vector_load %arg17[%swap3A_428] {strides = array<i32>} : memref<128xi32, #tpu.memory_space<vmem>>, vector<16xi32>,
      tpu.vector_store %arg17[%swap3A_428], %add3A_427 {strides = array<i32>} : memref<128xi32, #tpu.memory_space<vmem>>, vector<16xi32>,
      %get3A_430 = arith.constant 32 : index
      %get3A_431 = tpu.vector_load %arg12[%get3A_430] {strides = array<i32>} : memref<128xi32, #tpu.memory_space<vmem>>, vector<16xi32>,
      %gather3A_432 = tpu.vector_load_idx %arg11[%get3A_431] : memref<50000xi32, #tpu.memory_space<vmem>>[vector<16xi32>], vector<16xi32>,
      %get3A_433 = arith.constant 32 : index
      %get3A_434 = tpu.vector_load %arg13[%get3A_433] {strides = array<i32>} : memref<128xi32, #tpu.memory_space<vmem>>, vector<16xi32>,
      %gather3A_435 = tpu.vector_load_idx %arg11[%get3A_434] : memref<50000xi32, #tpu.memory_space<vmem>>[vector<16xi32>], vector<16xi32>,
      %get3A_436 = arith.constant 32 : index
      %get3A_437 = tpu.vector_load %arg14[%get3A_436] {strides = array<i32>} : memref<128xi32, #tpu.memory_space<vmem>>, vector<16xi32>,
      %gather3A_438 = tpu.vector_load_idx %arg11[%get3A_437] : memref<50000xi32, #tpu.memory_space<vmem>>[vector<16xi32>], vector<16xi32>,
      %get3A_439 = arith.constant 32 : index
      %get3A_440 = tpu.vector_load %arg15[%get3A_439] {strides = array<i32>} : memref<128xi32, #tpu.memory_space<vmem>>, vector<16xi32>,
      %gather3A_441 = tpu.vector_load_idx %arg11[%get3A_440] : memref<50000xi32, #tpu.memory_space<vmem>>[vector<16xi32>], vector<16xi32>,
      %mul3A_442 = arith.constant 25 : i32
      %mul3A_443 = vector.broadcast %mul3A_442 : i32 to vector<16xi32>
      %mul3A_444 = arith.muli %gather3A_432, %mul3A_443 : vector<16xi32>
      %add3A_445 = arith.addi %mul3A_444, %gather3A_435 : vector<16xi32>
      %mul3A_446 = arith.constant 25 : i32
      %mul3A_447 = vector.broadcast %mul3A_446 : i32 to vector<16xi32>
      %mul3A_448 = arith.muli %add3A_445, %mul3A_447 : vector<16xi32>
      %add3A_449 = arith.addi %mul3A_448, %gather3A_438 : vector<16xi32>
      %mul3A_450 = arith.constant 25 : i32
      %mul3A_451 = vector.broadcast %mul3A_450 : i32 to vector<16xi32>
      %mul3A_452 = arith.muli %add3A_449, %mul3A_451 : vector<16xi32>
      %add3A_453 = arith.addi %mul3A_452, %gather3A_441 : vector<16xi32>
      %swap3A_454 = arith.constant 32 : index
      %swap3A_455 = tpu.vector_load %arg17[%swap3A_454] {strides = array<i32>} : memref<128xi32, #tpu.memory_space<vmem>>, vector<16xi32>,
      tpu.vector_store %arg17[%swap3A_454], %add3A_453 {strides = array<i32>} : memref<128xi32, #tpu.memory_space<vmem>>, vector<16xi32>,
      %get3A_456 = arith.constant 48 : index
      %get3A_457 = tpu.vector_load %arg12[%get3A_456] {strides = array<i32>} : memref<128xi32, #tpu.memory_space<vmem>>, vector<16xi32>,
      %gather3A_458 = tpu.vector_load_idx %arg11[%get3A_457] : memref<50000xi32, #tpu.memory_space<vmem>>[vector<16xi32>], vector<16xi32>,
      %get3A_459 = arith.constant 48 : index
      %get3A_460 = tpu.vector_load %arg13[%get3A_459] {strides = array<i32>} : memref<128xi32, #tpu.memory_space<vmem>>, vector<16xi32>,
      %gather3A_461 = tpu.vector_load_idx %arg11[%get3A_460] : memref<50000xi32, #tpu.memory_space<vmem>>[vector<16xi32>], vector<16xi32>,
      %get3A_462 = arith.constant 48 : index
      %get3A_463 = tpu.vector_load %arg14[%get3A_462] {strides = array<i32>} : memref<128xi32, #tpu.memory_space<vmem>>, vector<16xi32>,
      %gather3A_464 = tpu.vector_load_idx %arg11[%get3A_463] : memref<50000xi32, #tpu.memory_space<vmem>>[vector<16xi32>], vector<16xi32>,
      %get3A_465 = arith.constant 48 : index
      %get3A_466 = tpu.vector_load %arg15[%get3A_465] {strides = array<i32>} : memref<128xi32, #tpu.memory_space<vmem>>, vector<16xi32>,
      %gather3A_467 = tpu.vector_load_idx %arg11[%get3A_466] : memref<50000xi32, #tpu.memory_space<vmem>>[vector<16xi32>], vector<16xi32>,
      %mul3A_468 = arith.constant 25 : i32
      %mul3A_469 = vector.broadcast %mul3A_468 : i32 to vector<16xi32>
      %mul3A_470 = arith.muli %gather3A_458, %mul3A_469 : vector<16xi32>
      %add3A_471 = arith.addi %mul3A_470, %gather3A_461 : vector<16xi32>
      %mul3A_472 = arith.constant 25 : i32
      %mul3A_473 = vector.broadcast %mul3A_472 : i32 to vector<16xi32>
      %mul3A_474 = arith.muli %add3A_471, %mul3A_473 : vector<16xi32>
      %add3A_475 = arith.addi %mul3A_474, %gather3A_464 : vector<16xi32>
      %mul3A_476 = arith.constant 25 : i32
      %mul3A_477 = vector.broadcast %mul3A_476 : i32 to vector<16xi32>
      %mul3A_478 = arith.muli %add3A_475, %mul3A_477 : vector<16xi32>
      %add3A_479 = arith.addi %mul3A_478, %gather3A_467 : vector<16xi32>
      %swap3A_480 = arith.constant 48 : index
      %swap3A_481 = tpu.vector_load %arg17[%swap3A_480] {strides = array<i32>} : memref<128xi32, #tpu.memory_space<vmem>>, vector<16xi32>,
      tpu.vector_store %arg17[%swap3A_480], %add3A_479 {strides = array<i32>} : memref<128xi32, #tpu.memory_space<vmem>>, vector<16xi32>,
      %get3A_482 = arith.constant 64 : index
      %get3A_483 = tpu.vector_load %arg12[%get3A_482] {strides = array<i32>} : memref<128xi32, #tpu.memory_space<vmem>>, vector<16xi32>,
      %gather3A_484 = tpu.vector_load_idx %arg11[%get3A_483] : memref<50000xi32, #tpu.memory_space<vmem>>[vector<16xi32>], vector<16xi32>,
      %get3A_485 = arith.constant 64 : index
      %get3A_486 = tpu.vector_load %arg13[%get3A_485] {strides = array<i32>} : memref<128xi32, #tpu.memory_space<vmem>>, vector<16xi32>,
      %gather3A_487 = tpu.vector_load_idx %arg11[%get3A_486] : memref<50000xi32, #tpu.memory_space<vmem>>[vector<16xi32>], vector<16xi32>,
      %get3A_488 = arith.constant 64 : index
      %get3A_489 = tpu.vector_load %arg14[%get3A_488] {strides = array<i32>} : memref<128xi32, #tpu.memory_space<vmem>>, vector<16xi32>,
      %gather3A_490 = tpu.vector_load_idx %arg11[%get3A_489] : memref<50000xi32, #tpu.memory_space<vmem>>[vector<16xi32>], vector<16xi32>,
      %get3A_491 = arith.constant 64 : index
      %get3A_492 = tpu.vector_load %arg15[%get3A_491] {strides = array<i32>} : memref<128xi32, #tpu.memory_space<vmem>>, vector<16xi32>,
      %gather3A_493 = tpu.vector_load_idx %arg11[%get3A_492] : memref<50000xi32, #tpu.memory_space<vmem>>[vector<16xi32>], vector<16xi32>,
      %mul3A_494 = arith.constant 25 : i32
      %mul3A_495 = vector.broadcast %mul3A_494 : i32 to vector<16xi32>
      %mul3A_496 = arith.muli %gather3A_484, %mul3A_495 : vector<16xi32>
      %add3A_497 = arith.addi %mul3A_496, %gather3A_487 : vector<16xi32>
      %mul3A_498 = arith.constant 25 : i32
      %mul3A_499 = vector.broadcast %mul3A_498 : i32 to vector<16xi32>
      %mul3A_500 = arith.muli %add3A_497, %mul3A_499 : vector<16xi32>
      %add3A_501 = arith.addi %mul3A_500, %gather3A_490 : vector<16xi32>
      %mul3A_502 = arith.constant 25 : i32
      %mul3A_503 = vector.broadcast %mul3A_502 : i32 to vector<16xi32>
      %mul3A_504 = arith.muli %add3A_501, %mul3A_503 : vector<16xi32>
      %add3A_505 = arith.addi %mul3A_504, %gather3A_493 : vector<16xi32>
      %swap3A_506 = arith.constant 64 : index
      %swap3A_507 = tpu.vector_load %arg17[%swap3A_506] {strides = array<i32>} : memref<128xi32, #tpu.memory_space<vmem>>, vector<16xi32>,
      tpu.vector_store %arg17[%swap3A_506], %add3A_505 {strides = array<i32>} : memref<128xi32, #tpu.memory_space<vmem>>, vector<16xi32>,
      %get3A_508 = arith.constant 80 : index
      %get3A_509 = tpu.vector_load %arg12[%get3A_508] {strides = array<i32>} : memref<128xi32, #tpu.memory_space<vmem>>, vector<16xi32>,
      %gather3A_510 = tpu.vector_load_idx %arg11[%get3A_509] : memref<50000xi32, #tpu.memory_space<vmem>>[vector<16xi32>], vector<16xi32>,
      %get3A_511 = arith.constant 80 : index
      %get3A_512 = tpu.vector_load %arg13[%get3A_511] {strides = array<i32>} : memref<128xi32, #tpu.memory_space<vmem>>, vector<16xi32>,
      %gather3A_513 = tpu.vector_load_idx %arg11[%get3A_512] : memref<50000xi32, #tpu.memory_space<vmem>>[vector<16xi32>], vector<16xi32>,
      %get3A_514 = arith.constant 80 : index
      %get3A_515 = tpu.vector_load %arg14[%get3A_514] {strides = array<i32>} : memref<128xi32, #tpu.memory_space<vmem>>, vector<16xi32>,
      %gather3A_516 = tpu.vector_load_idx %arg11[%get3A_515] : memref<50000xi32, #tpu.memory_space<vmem>>[vector<16xi32>], vector<16xi32>,
      %get3A_517 = arith.constant 80 : index
      %get3A_518 = tpu.vector_load %arg15[%get3A_517] {strides = array<i32>} : memref<128xi32, #tpu.memory_space<vmem>>, vector<16xi32>,
      %gather3A_519 = tpu.vector_load_idx %arg11[%get3A_518] : memref<50000xi32, #tpu.memory_space<vmem>>[vector<16xi32>], vector<16xi32>,
      %mul3A_520 = arith.constant 25 : i32
      %mul3A_521 = vector.broadcast %mul3A_520 : i32 to vector<16xi32>
      %mul3A_522 = arith.muli %gather3A_510, %mul3A_521 : vector<16xi32>
      %add3A_523 = arith.addi %mul3A_522, %gather3A_513 : vector<16xi32>
      %mul3A_524 = arith.constant 25 : i32
      %mul3A_525 = vector.broadcast %mul3A_524 : i32 to vector<16xi32>
      %mul3A_526 = arith.muli %add3A_523, %mul3A_525 : vector<16xi32>
      %add3A_527 = arith.addi %mul3A_526, %gather3A_516 : vector<16xi32>
      %mul3A_528 = arith.constant 25 : i32
      %mul3A_529 = vector.broadcast %mul3A_528 : i32 to vector<16xi32>
      %mul3A_530 = arith.muli %add3A_527, %mul3A_529 : vector<16xi32>
      %add3A_531 = arith.addi %mul3A_530, %gather3A_519 : vector<16xi32>
      %swap3A_532 = arith.constant 80 : index
      %swap3A_533 = tpu.vector_load %arg17[%swap3A_532] {strides = array<i32>} : memref<128xi32, #tpu.memory_space<vmem>>, vector<16xi32>,
      tpu.vector_store %arg17[%swap3A_532], %add3A_531 {strides = array<i32>} : memref<128xi32, #tpu.memory_space<vmem>>, vector<16xi32>,
      %get3A_534 = arith.constant 96 : index
      %get3A_535 = tpu.vector_load %arg12[%get3A_534] {strides = array<i32>} : memref<128xi32, #tpu.memory_space<vmem>>, vector<16xi32>,
      %gather3A_536 = tpu.vector_load_idx %arg11[%get3A_535] : memref<50000xi32, #tpu.memory_space<vmem>>[vector<16xi32>], vector<16xi32>,
      %get3A_537 = arith.constant 96 : index
      %get3A_538 = tpu.vector_load %arg13[%get3A_537] {strides = array<i32>} : memref<128xi32, #tpu.memory_space<vmem>>, vector<16xi32>,
      %gather3A_539 = tpu.vector_load_idx %arg11[%get3A_538] : memref<50000xi32, #tpu.memory_space<vmem>>[vector<16xi32>], vector<16xi32>,
      %get3A_540 = arith.constant 96 : index
      %get3A_541 = tpu.vector_load %arg14[%get3A_540] {strides = array<i32>} : memref<128xi32, #tpu.memory_space<vmem>>, vector<16xi32>,
      %gather3A_542 = tpu.vector_load_idx %arg11[%get3A_541] : memref<50000xi32, #tpu.memory_space<vmem>>[vector<16xi32>], vector<16xi32>,
      %get3A_543 = arith.constant 96 : index
      %get3A_544 = tpu.vector_load %arg15[%get3A_543] {strides = array<i32>} : memref<128xi32, #tpu.memory_space<vmem>>, vector<16xi32>,
      %gather3A_545 = tpu.vector_load_idx %arg11[%get3A_544] : memref<50000xi32, #tpu.memory_space<vmem>>[vector<16xi32>], vector<16xi32>,
      %mul3A_546 = arith.constant 25 : i32
      %mul3A_547 = vector.broadcast %mul3A_546 : i32 to vector<16xi32>
      %mul3A_548 = arith.muli %gather3A_536, %mul3A_547 : vector<16xi32>
      %add3A_549 = arith.addi %mul3A_548, %gather3A_539 : vector<16xi32>
      %mul3A_550 = arith.constant 25 : i32
      %mul3A_551 = vector.broadcast %mul3A_550 : i32 to vector<16xi32>
      %mul3A_552 = arith.muli %add3A_549, %mul3A_551 : vector<16xi32>
      %add3A_553 = arith.addi %mul3A_552, %gather3A_542 : vector<16xi32>
      %mul3A_554 = arith.constant 25 : i32
      %mul3A_555 = vector.broadcast %mul3A_554 : i32 to vector<16xi32>
      %mul3A_556 = arith.muli %add3A_553, %mul3A_555 : vector<16xi32>
      %add3A_557 = arith.addi %mul3A_556, %gather3A_545 : vector<16xi32>
      %swap3A_558 = arith.constant 96 : index
      %swap3A_559 = tpu.vector_load %arg17[%swap3A_558] {strides = array<i32>} : memref<128xi32, #tpu.memory_space<vmem>>, vector<16xi32>,
      tpu.vector_store %arg17[%swap3A_558], %add3A_557 {strides = array<i32>} : memref<128xi32, #tpu.memory_space<vmem>>, vector<16xi32>,
      %get3A_560 = arith.constant 112 : index
      %get3A_561 = tpu.vector_load %arg12[%get3A_560] {strides = array<i32>} : memref<128xi32, #tpu.memory_space<vmem>>, vector<16xi32>,
      %gather3A_562 = tpu.vector_load_idx %arg11[%get3A_561] : memref<50000xi32, #tpu.memory_space<vmem>>[vector<16xi32>], vector<16xi32>,
      %get3A_563 = arith.constant 112 : index
      %get3A_564 = tpu.vector_load %arg13[%get3A_563] {strides = array<i32>} : memref<128xi32, #tpu.memory_space<vmem>>, vector<16xi32>,
      %gather3A_565 = tpu.vector_load_idx %arg11[%get3A_564] : memref<50000xi32, #tpu.memory_space<vmem>>[vector<16xi32>], vector<16xi32>,
      %get3A_566 = arith.constant 112 : index
      %get3A_567 = tpu.vector_load %arg14[%get3A_566] {strides = array<i32>} : memref<128xi32, #tpu.memory_space<vmem>>, vector<16xi32>,
      %gather3A_568 = tpu.vector_load_idx %arg11[%get3A_567] : memref<50000xi32, #tpu.memory_space<vmem>>[vector<16xi32>], vector<16xi32>,
      %get3A_569 = arith.constant 112 : index
      %get3A_570 = tpu.vector_load %arg15[%get3A_569] {strides = array<i32>} : memref<128xi32, #tpu.memory_space<vmem>>, vector<16xi32>,
      %gather3A_571 = tpu.vector_load_idx %arg11[%get3A_570] : memref<50000xi32, #tpu.memory_space<vmem>>[vector<16xi32>], vector<16xi32>,
      %mul3A_572 = arith.constant 25 : i32
      %mul3A_573 = vector.broadcast %mul3A_572 : i32 to vector<16xi32>
      %mul3A_574 = arith.muli %gather3A_562, %mul3A_573 : vector<16xi32>
      %add3A_575 = arith.addi %mul3A_574, %gather3A_565 : vector<16xi32>
      %mul3A_576 = arith.constant 25 : i32
      %mul3A_577 = vector.broadcast %mul3A_576 : i32 to vector<16xi32>
      %mul3A_578 = arith.muli %add3A_575, %mul3A_577 : vector<16xi32>
      %add3A_579 = arith.addi %mul3A_578, %gather3A_568 : vector<16xi32>
      %mul3A_580 = arith.constant 25 : i32
      %mul3A_581 = vector.broadcast %mul3A_580 : i32 to vector<16xi32>
      %mul3A_582 = arith.muli %add3A_579, %mul3A_581 : vector<16xi32>
      %add3A_583 = arith.addi %mul3A_582, %gather3A_571 : vector<16xi32>
      %swap3A_584 = arith.constant 112 : index
      %swap3A_585 = tpu.vector_load %arg17[%swap3A_584] {strides = array<i32>} : memref<128xi32, #tpu.memory_space<vmem>>, vector<16xi32>,
      tpu.vector_store %arg17[%swap3A_584], %add3A_583 {strides = array<i32>} : memref<128xi32, #tpu.memory_space<vmem>>, vector<16xi32>,
      %dma_start3A_586 = arith.constant 0 : i32
      %dma_start3A_587 = arith.constant 0 : i32
      %dma_start3A_588 = tpu.memref_slice %arg9[%dma_start3A_586, %dma_start3A_587] : memref<390625x8xf32, #tpu.memory_space<hbm>> -> memref<390625x8xf32, #tpu.memory_space<hbm>>
      tpu.enqueue_indirect_dma source(%dma_start3A_588 : memref<390625x8xf32, #tpu.memory_space<hbm>>) target(%arg22 : memref<128x8xf32, #tpu.memory_space<vmem>>) offsets(%arg17 : memref<128xi32, #tpu.memory_space<vmem>>) semaphore(%arg25 : memref<!tpu.dma_semaphore, #tpu.memory_space<semaphore_mem>>)
      %dma_wait3A_589 = arith.constant 0 : i32
      %dma_wait3A_590 = arith.constant 0 : i32
      %dma_wait3A_591 = tpu.memref_slice %arg7[%dma_wait3A_589, %dma_wait3A_590] : memref<50000x4xf32, #tpu.memory_space<hbm>> -> memref<50000x4xf32, #tpu.memory_space<hbm>>
      tpu.wait_indirect_dma semaphore(%arg25 : memref<!tpu.dma_semaphore, #tpu.memory_space<semaphore_mem>>) src(%dma_wait3A_591 : memref<50000x4xf32, #tpu.memory_space<hbm>>) dst(%arg18 : memref<128x4xf32, #tpu.memory_space<vmem>>)
      %dma_wait3A_592 = arith.constant 0 : i32
      %dma_wait3A_593 = arith.constant 0 : i32
      %dma_wait3A_594 = tpu.memref_slice %arg7[%dma_wait3A_592, %dma_wait3A_593] : memref<50000x4xf32, #tpu.memory_space<hbm>> -> memref<50000x4xf32, #tpu.memory_space<hbm>>
      tpu.wait_indirect_dma semaphore(%arg25 : memref<!tpu.dma_semaphore, #tpu.memory_space<semaphore_mem>>) src(%dma_wait3A_594 : memref<50000x4xf32, #tpu.memory_space<hbm>>) dst(%arg19 : memref<128x4xf32, #tpu.memory_space<vmem>>)
      %dma_wait3A_595 = arith.constant 0 : i32
      %dma_wait3A_596 = arith.constant 0 : i32
      %dma_wait3A_597 = tpu.memref_slice %arg7[%dma_wait3A_595, %dma_wait3A_596] : memref<50000x4xf32, #tpu.memory_space<hbm>> -> memref<50000x4xf32, #tpu.memory_space<hbm>>
      tpu.wait_indirect_dma semaphore(%arg25 : memref<!tpu.dma_semaphore, #tpu.memory_space<semaphore_mem>>) src(%dma_wait3A_597 : memref<50000x4xf32, #tpu.memory_space<hbm>>) dst(%arg20 : memref<128x4xf32, #tpu.memory_space<vmem>>)
      %dma_wait3A_598 = arith.constant 0 : i32
      %dma_wait3A_599 = arith.constant 0 : i32
      %dma_wait3A_600 = tpu.memref_slice %arg7[%dma_wait3A_598, %dma_wait3A_599] : memref<50000x4xf32, #tpu.memory_space<hbm>> -> memref<50000x4xf32, #tpu.memory_space<hbm>>
      tpu.wait_indirect_dma semaphore(%arg25 : memref<!tpu.dma_semaphore, #tpu.memory_space<semaphore_mem>>) src(%dma_wait3A_600 : memref<50000x4xf32, #tpu.memory_space<hbm>>) dst(%arg21 : memref<128x4xf32, #tpu.memory_space<vmem>>)
      %dma_wait3A_601 = arith.constant 0 : i32
      %dma_wait3A_602 = arith.constant 0 : i32
      %dma_wait3A_603 = tpu.memref_slice %arg9[%dma_wait3A_601, %dma_wait3A_602] : memref<390625x8xf32, #tpu.memory_space<hbm>> -> memref<390625x8xf32, #tpu.memory_space<hbm>>
      tpu.wait_indirect_dma semaphore(%arg25 : memref<!tpu.dma_semaphore, #tpu.memory_space<semaphore_mem>>) src(%dma_wait3A_603 : memref<390625x8xf32, #tpu.memory_space<hbm>>) dst(%arg22 : memref<128x8xf32, #tpu.memory_space<vmem>>)
      %add3A_604 = arith.constant 0 : i32
      %add3A_605 = vector.broadcast %add3A_604 : i32 to vector<16xi32>
      %add3A_606 = arith.addi %iota3A, %add3A_605 : vector<16xi32>
      %broadcast_in_dim3A_607 = arith.constant 0 : i32
      %broadcast_in_dim3A_608 = vector.broadcast %broadcast_in_dim3A_607 : i32 to vector<16xi32>
      %broadcast_in_dim3A_609 = arith.constant 1 : i32
      %broadcast_in_dim3A_610 = vector.broadcast %broadcast_in_dim3A_609 : i32 to vector<16xi32>
      %broadcast_in_dim3A_611 = arith.constant 2 : i32
      %broadcast_in_dim3A_612 = vector.broadcast %broadcast_in_dim3A_611 : i32 to vector<16xi32>
      %gather3A_613 = tpu.vector_load_idx %arg18[%add3A_606, %broadcast_in_dim3A_608] : memref<128x4xf32, #tpu.memory_space<vmem>>[vector<16xi32>, vector<16xi32>], vector<16xf32>,
      %gather3A_614 = tpu.vector_load_idx %arg18[%add3A_606, %broadcast_in_dim3A_610] : memref<128x4xf32, #tpu.memory_space<vmem>>[vector<16xi32>, vector<16xi32>], vector<16xf32>,
      %gather3A_615 = tpu.vector_load_idx %arg18[%add3A_606, %broadcast_in_dim3A_612] : memref<128x4xf32, #tpu.memory_space<vmem>>[vector<16xi32>, vector<16xi32>], vector<16xf32>,
      %gather3A_616 = tpu.vector_load_idx %arg19[%add3A_606, %broadcast_in_dim3A_608] : memref<128x4xf32, #tpu.memory_space<vmem>>[vector<16xi32>, vector<16xi32>], vector<16xf32>,
      %gather3A_617 = tpu.vector_load_idx %arg19[%add3A_606, %broadcast_in_dim3A_610] : memref<128x4xf32, #tpu.memory_space<vmem>>[vector<16xi32>, vector<16xi32>], vector<16xf32>,
      %gather3A_618 = tpu.vector_load_idx %arg19[%add3A_606, %broadcast_in_dim3A_612] : memref<128x4xf32, #tpu.memory_space<vmem>>[vector<16xi32>, vector<16xi32>], vector<16xf32>,
      %gather3A_619 = tpu.vector_load_idx %arg20[%add3A_606, %broadcast_in_dim3A_608] : memref<128x4xf32, #tpu.memory_space<vmem>>[vector<16xi32>, vector<16xi32>], vector<16xf32>,
      %gather3A_620 = tpu.vector_load_idx %arg20[%add3A_606, %broadcast_in_dim3A_610] : memref<128x4xf32, #tpu.memory_space<vmem>>[vector<16xi32>, vector<16xi32>], vector<16xf32>,
      %gather3A_621 = tpu.vector_load_idx %arg20[%add3A_606, %broadcast_in_dim3A_612] : memref<128x4xf32, #tpu.memory_space<vmem>>[vector<16xi32>, vector<16xi32>], vector<16xf32>,
      %gather3A_622 = tpu.vector_load_idx %arg21[%add3A_606, %broadcast_in_dim3A_608] : memref<128x4xf32, #tpu.memory_space<vmem>>[vector<16xi32>, vector<16xi32>], vector<16xf32>,
      %gather3A_623 = tpu.vector_load_idx %arg21[%add3A_606, %broadcast_in_dim3A_610] : memref<128x4xf32, #tpu.memory_space<vmem>>[vector<16xi32>, vector<16xi32>], vector<16xf32>,
      %gather3A_624 = tpu.vector_load_idx %arg21[%add3A_606, %broadcast_in_dim3A_612] : memref<128x4xf32, #tpu.memory_space<vmem>>[vector<16xi32>, vector<16xi32>], vector<16xf32>,
      %sub3A = arith.subf %gather3A_613, %gather3A_616 : vector<16xf32>
      %sub3A_625 = arith.subf %gather3A_614, %gather3A_617 : vector<16xf32>
      %sub3A_626 = arith.subf %gather3A_615, %gather3A_618 : vector<16xf32>
      %sub3A_627 = arith.subf %gather3A_619, %gather3A_616 : vector<16xf32>
      %sub3A_628 = arith.subf %gather3A_620, %gather3A_617 : vector<16xf32>
      %sub3A_629 = arith.subf %gather3A_621, %gather3A_618 : vector<16xf32>
      %sub3A_630 = arith.subf %gather3A_622, %gather3A_619 : vector<16xf32>
      %sub3A_631 = arith.subf %gather3A_623, %gather3A_620 : vector<16xf32>
      %sub3A_632 = arith.subf %gather3A_624, %gather3A_621 : vector<16xf32>
      %mul3A_633 = arith.mulf %sub3A_627, %sub3A_627 : vector<16xf32>
      %mul3A_634 = arith.mulf %sub3A_628, %sub3A_628 : vector<16xf32>
      %add3A_635 = arith.addf %mul3A_633, %mul3A_634 : vector<16xf32>
      %mul3A_636 = arith.mulf %sub3A_629, %sub3A_629 : vector<16xf32>
      %add3A_637 = arith.addf %add3A_635, %mul3A_636 : vector<16xf32>
      %gt3A = arith.constant 0.000000e+00 : f32
      %gt3A_638 = vector.broadcast %gt3A : f32 to vector<16xf32>
      %gt3A_639 = arith.cmpf ogt, %add3A_637, %gt3A_638 : vector<16xf32>
      %jit3A = arith.constant 1.000000e+00 : f32
      %broadcast_in_dim3A_640 = vector.broadcast %jit3A : f32 to vector<16xf32>
      %select_n3A = arith.select %gt3A_639, %add3A_637, %broadcast_in_dim3A_640 : vector<16xi1>, vector<16xf32>
      %bitcast_convert_type3A = tpu.bitcast %select_n3A : vector<16xf32> -> vector<16xi32>
      %shift_right_arithmetic3A = arith.constant 1 : i32
      %shift_right_arithmetic3A_641 = vector.broadcast %shift_right_arithmetic3A : i32 to vector<16xi32>
      %shift_right_arithmetic3A_642 = arith.shrsi %bitcast_convert_type3A, %shift_right_arithmetic3A_641 : vector<16xi32>
      %sub3A_643 = arith.constant 1597463007 : i32
      %sub3A_644 = vector.broadcast %sub3A_643 : i32 to vector<16xi32>
      %sub3A_645 = arith.subi %sub3A_644, %shift_right_arithmetic3A_642 : vector<16xi32>
      %bitcast_convert_type3A_646 = tpu.bitcast %sub3A_645 : vector<16xi32> -> vector<16xf32>
      %mul3A_647 = arith.constant 5.000000e-01 : f32
      %mul3A_648 = vector.broadcast %mul3A_647 : f32 to vector<16xf32>
      %mul3A_649 = arith.mulf %mul3A_648, %select_n3A : vector<16xf32>
      %mul3A_650 = arith.mulf %mul3A_649, %bitcast_convert_type3A_646 : vector<16xf32>
      %mul3A_651 = arith.mulf %mul3A_650, %bitcast_convert_type3A_646 : vector<16xf32>
      %sub3A_652 = arith.constant 1.500000e+00 : f32
      %sub3A_653 = vector.broadcast %sub3A_652 : f32 to vector<16xf32>
      %sub3A_654 = arith.subf %sub3A_653, %mul3A_651 : vector<16xf32>
      %mul3A_655 = arith.mulf %bitcast_convert_type3A_646, %sub3A_654 : vector<16xf32>
      %mul3A_656 = arith.constant 5.000000e-01 : f32
      %mul3A_657 = vector.broadcast %mul3A_656 : f32 to vector<16xf32>
      %mul3A_658 = arith.mulf %mul3A_657, %select_n3A : vector<16xf32>
      %mul3A_659 = arith.mulf %mul3A_658, %mul3A_655 : vector<16xf32>
      %mul3A_660 = arith.mulf %mul3A_659, %mul3A_655 : vector<16xf32>
      %sub3A_661 = arith.constant 1.500000e+00 : f32
      %sub3A_662 = vector.broadcast %sub3A_661 : f32 to vector<16xf32>
      %sub3A_663 = arith.subf %sub3A_662, %mul3A_660 : vector<16xf32>
      %mul3A_664 = arith.mulf %mul3A_655, %sub3A_663 : vector<16xf32>
      %mul3A_665 = arith.constant 5.000000e-01 : f32
      %mul3A_666 = vector.broadcast %mul3A_665 : f32 to vector<16xf32>
      %mul3A_667 = arith.mulf %mul3A_666, %select_n3A : vector<16xf32>
      %mul3A_668 = arith.mulf %mul3A_667, %mul3A_664 : vector<16xf32>
      %mul3A_669 = arith.mulf %mul3A_668, %mul3A_664 : vector<16xf32>
      %sub3A_670 = arith.constant 1.500000e+00 : f32
      %sub3A_671 = vector.broadcast %sub3A_670 : f32 to vector<16xf32>
      %sub3A_672 = arith.subf %sub3A_671, %mul3A_669 : vector<16xf32>
      %mul3A_673 = arith.mulf %mul3A_664, %sub3A_672 : vector<16xf32>
      %jit3A_674 = arith.constant 0.000000e+00 : f32
      %broadcast_in_dim3A_675 = vector.broadcast %jit3A_674 : f32 to vector<16xf32>
      %select_n3A_676 = arith.select %gt3A_639, %mul3A_673, %broadcast_in_dim3A_675 : vector<16xi1>, vector<16xf32>
      %mul3A_677 = arith.mulf %sub3A_627, %select_n3A_676 : vector<16xf32>
      %mul3A_678 = arith.mulf %sub3A_628, %select_n3A_676 : vector<16xf32>
      %mul3A_679 = arith.mulf %sub3A_629, %select_n3A_676 : vector<16xf32>
      %mul3A_680 = arith.mulf %sub3A, %mul3A_677 : vector<16xf32>
      %mul3A_681 = arith.mulf %sub3A_625, %mul3A_678 : vector<16xf32>
      %add3A_682 = arith.addf %mul3A_680, %mul3A_681 : vector<16xf32>
      %mul3A_683 = arith.mulf %sub3A_626, %mul3A_679 : vector<16xf32>
      %add3A_684 = arith.addf %add3A_682, %mul3A_683 : vector<16xf32>
      %mul3A_685 = arith.mulf %sub3A_630, %mul3A_677 : vector<16xf32>
      %mul3A_686 = arith.mulf %sub3A_631, %mul3A_678 : vector<16xf32>
      %add3A_687 = arith.addf %mul3A_685, %mul3A_686 : vector<16xf32>
      %mul3A_688 = arith.mulf %sub3A_632, %mul3A_679 : vector<16xf32>
      %add3A_689 = arith.addf %add3A_687, %mul3A_688 : vector<16xf32>
      %mul3A_690 = arith.mulf %add3A_684, %mul3A_677 : vector<16xf32>
      %sub3A_691 = arith.subf %sub3A, %mul3A_690 : vector<16xf32>
      %mul3A_692 = arith.mulf %add3A_684, %mul3A_678 : vector<16xf32>
      %sub3A_693 = arith.subf %sub3A_625, %mul3A_692 : vector<16xf32>
      %mul3A_694 = arith.mulf %add3A_684, %mul3A_679 : vector<16xf32>
      %sub3A_695 = arith.subf %sub3A_626, %mul3A_694 : vector<16xf32>
      %mul3A_696 = arith.mulf %add3A_689, %mul3A_677 : vector<16xf32>
      %sub3A_697 = arith.subf %sub3A_630, %mul3A_696 : vector<16xf32>
      %mul3A_698 = arith.mulf %add3A_689, %mul3A_678 : vector<16xf32>
      %sub3A_699 = arith.subf %sub3A_631, %mul3A_698 : vector<16xf32>
      %mul3A_700 = arith.mulf %add3A_689, %mul3A_679 : vector<16xf32>
      %sub3A_701 = arith.subf %sub3A_632, %mul3A_700 : vector<16xf32>
      %mul3A_702 = arith.mulf %sub3A_691, %sub3A_697 : vector<16xf32>
      %mul3A_703 = arith.mulf %sub3A_693, %sub3A_699 : vector<16xf32>
      %add3A_704 = arith.addf %mul3A_702, %mul3A_703 : vector<16xf32>
      %mul3A_705 = arith.mulf %sub3A_695, %sub3A_701 : vector<16xf32>
      %add3A_706 = arith.addf %add3A_704, %mul3A_705 : vector<16xf32>
      %mul3A_707 = arith.mulf %mul3A_678, %sub3A_695 : vector<16xf32>
      %mul3A_708 = arith.mulf %mul3A_679, %sub3A_693 : vector<16xf32>
      %sub3A_709 = arith.subf %mul3A_707, %mul3A_708 : vector<16xf32>
      %mul3A_710 = arith.mulf %mul3A_679, %sub3A_691 : vector<16xf32>
      %mul3A_711 = arith.mulf %mul3A_677, %sub3A_695 : vector<16xf32>
      %sub3A_712 = arith.subf %mul3A_710, %mul3A_711 : vector<16xf32>
      %mul3A_713 = arith.mulf %mul3A_677, %sub3A_693 : vector<16xf32>
      %mul3A_714 = arith.mulf %mul3A_678, %sub3A_691 : vector<16xf32>
      %sub3A_715 = arith.subf %mul3A_713, %mul3A_714 : vector<16xf32>
      %mul3A_716 = arith.mulf %sub3A_709, %sub3A_697 : vector<16xf32>
      %mul3A_717 = arith.mulf %sub3A_712, %sub3A_699 : vector<16xf32>
      %add3A_718 = arith.addf %mul3A_716, %mul3A_717 : vector<16xf32>
      %mul3A_719 = arith.mulf %sub3A_715, %sub3A_701 : vector<16xf32>
      %add3A_720 = arith.addf %add3A_718, %mul3A_719 : vector<16xf32>
      %mul3A_721 = arith.mulf %add3A_706, %add3A_706 : vector<16xf32>
      %mul3A_722 = arith.mulf %add3A_720, %add3A_720 : vector<16xf32>
      %add3A_723 = arith.addf %mul3A_721, %mul3A_722 : vector<16xf32>
      %gt3A_724 = arith.constant 0.000000e+00 : f32
      %gt3A_725 = vector.broadcast %gt3A_724 : f32 to vector<16xf32>
      %gt3A_726 = arith.cmpf ogt, %add3A_723, %gt3A_725 : vector<16xf32>
      %jit3A_727 = arith.constant 1.000000e+00 : f32
      %broadcast_in_dim3A_728 = vector.broadcast %jit3A_727 : f32 to vector<16xf32>
      %select_n3A_729 = arith.select %gt3A_726, %add3A_723, %broadcast_in_dim3A_728 : vector<16xi1>, vector<16xf32>
      %bitcast_convert_type3A_730 = tpu.bitcast %select_n3A_729 : vector<16xf32> -> vector<16xi32>
      %shift_right_arithmetic3A_731 = arith.constant 1 : i32
      %shift_right_arithmetic3A_732 = vector.broadcast %shift_right_arithmetic3A_731 : i32 to vector<16xi32>
      %shift_right_arithmetic3A_733 = arith.shrsi %bitcast_convert_type3A_730, %shift_right_arithmetic3A_732 : vector<16xi32>
      %sub3A_734 = arith.constant 1597463007 : i32
      %sub3A_735 = vector.broadcast %sub3A_734 : i32 to vector<16xi32>
      %sub3A_736 = arith.subi %sub3A_735, %shift_right_arithmetic3A_733 : vector<16xi32>
      %bitcast_convert_type3A_737 = tpu.bitcast %sub3A_736 : vector<16xi32> -> vector<16xf32>
      %mul3A_738 = arith.constant 5.000000e-01 : f32
      %mul3A_739 = vector.broadcast %mul3A_738 : f32 to vector<16xf32>
      %mul3A_740 = arith.mulf %mul3A_739, %select_n3A_729 : vector<16xf32>
      %mul3A_741 = arith.mulf %mul3A_740, %bitcast_convert_type3A_737 : vector<16xf32>
      %mul3A_742 = arith.mulf %mul3A_741, %bitcast_convert_type3A_737 : vector<16xf32>
      %sub3A_743 = arith.constant 1.500000e+00 : f32
      %sub3A_744 = vector.broadcast %sub3A_743 : f32 to vector<16xf32>
      %sub3A_745 = arith.subf %sub3A_744, %mul3A_742 : vector<16xf32>
      %mul3A_746 = arith.mulf %bitcast_convert_type3A_737, %sub3A_745 : vector<16xf32>
      %mul3A_747 = arith.constant 5.000000e-01 : f32
      %mul3A_748 = vector.broadcast %mul3A_747 : f32 to vector<16xf32>
      %mul3A_749 = arith.mulf %mul3A_748, %select_n3A_729 : vector<16xf32>
      %mul3A_750 = arith.mulf %mul3A_749, %mul3A_746 : vector<16xf32>
      %mul3A_751 = arith.mulf %mul3A_750, %mul3A_746 : vector<16xf32>
      %sub3A_752 = arith.constant 1.500000e+00 : f32
      %sub3A_753 = vector.broadcast %sub3A_752 : f32 to vector<16xf32>
      %sub3A_754 = arith.subf %sub3A_753, %mul3A_751 : vector<16xf32>
      %mul3A_755 = arith.mulf %mul3A_746, %sub3A_754 : vector<16xf32>
      %mul3A_756 = arith.constant 5.000000e-01 : f32
      %mul3A_757 = vector.broadcast %mul3A_756 : f32 to vector<16xf32>
      %mul3A_758 = arith.mulf %mul3A_757, %select_n3A_729 : vector<16xf32>
      %mul3A_759 = arith.mulf %mul3A_758, %mul3A_755 : vector<16xf32>
      %mul3A_760 = arith.mulf %mul3A_759, %mul3A_755 : vector<16xf32>
      %sub3A_761 = arith.constant 1.500000e+00 : f32
      %sub3A_762 = vector.broadcast %sub3A_761 : f32 to vector<16xf32>
      %sub3A_763 = arith.subf %sub3A_762, %mul3A_760 : vector<16xf32>
      %mul3A_764 = arith.mulf %mul3A_755, %sub3A_763 : vector<16xf32>
      %jit3A_765 = arith.constant 0.000000e+00 : f32
      %broadcast_in_dim3A_766 = vector.broadcast %jit3A_765 : f32 to vector<16xf32>
      %select_n3A_767 = arith.select %gt3A_726, %mul3A_764, %broadcast_in_dim3A_766 : vector<16xi1>, vector<16xf32>
      %mul3A_768 = arith.mulf %add3A_706, %select_n3A_767 : vector<16xf32>
      %jit3A_769 = arith.constant 1.000000e+00 : f32
      %broadcast_in_dim3A_770 = vector.broadcast %jit3A_769 : f32 to vector<16xf32>
      %select_n3A_771 = arith.select %gt3A_726, %mul3A_768, %broadcast_in_dim3A_770 : vector<16xi1>, vector<16xf32>
      %mul3A_772 = arith.mulf %add3A_720, %select_n3A_767 : vector<16xf32>
      %mul3A_773 = arith.mulf %select_n3A_771, %select_n3A_771 : vector<16xf32>
      %mul3A_774 = arith.mulf %mul3A_772, %mul3A_772 : vector<16xf32>
      %sub3A_775 = arith.subf %mul3A_773, %mul3A_774 : vector<16xf32>
      %mul3A_776 = arith.constant 2.000000e+00 : f32
      %mul3A_777 = vector.broadcast %mul3A_776 : f32 to vector<16xf32>
      %mul3A_778 = arith.mulf %mul3A_777, %select_n3A_771 : vector<16xf32>
      %mul3A_779 = arith.mulf %mul3A_778, %mul3A_772 : vector<16xf32>
      %mul3A_780 = arith.mulf %select_n3A_771, %sub3A_775 : vector<16xf32>
      %mul3A_781 = arith.mulf %mul3A_772, %mul3A_779 : vector<16xf32>
      %sub3A_782 = arith.subf %mul3A_780, %mul3A_781 : vector<16xf32>
      %mul3A_783 = arith.mulf %mul3A_772, %sub3A_775 : vector<16xf32>
      %mul3A_784 = arith.mulf %select_n3A_771, %mul3A_779 : vector<16xf32>
      %add3A_785 = arith.addf %mul3A_783, %mul3A_784 : vector<16xf32>
      %gather3A_786 = tpu.vector_load_idx %arg22[%add3A_606, %broadcast_in_dim3A_608] : memref<128x8xf32, #tpu.memory_space<vmem>>[vector<16xi32>, vector<16xi32>], vector<16xf32>,
      %gather3A_787 = tpu.vector_load_idx %arg22[%add3A_606, %broadcast_in_dim3A_610] : memref<128x8xf32, #tpu.memory_space<vmem>>[vector<16xi32>, vector<16xi32>], vector<16xf32>,
      %gather3A_788 = tpu.vector_load_idx %arg22[%add3A_606, %broadcast_in_dim3A_612] : memref<128x8xf32, #tpu.memory_space<vmem>>[vector<16xi32>, vector<16xi32>], vector<16xf32>,
      %broadcast_in_dim3A_789 = arith.constant 3 : i32
      %broadcast_in_dim3A_790 = vector.broadcast %broadcast_in_dim3A_789 : i32 to vector<16xi32>
      %gather3A_791 = tpu.vector_load_idx %arg22[%add3A_606, %broadcast_in_dim3A_790] : memref<128x8xf32, #tpu.memory_space<vmem>>[vector<16xi32>, vector<16xi32>], vector<16xf32>,
      %broadcast_in_dim3A_792 = arith.constant 4 : i32
      %broadcast_in_dim3A_793 = vector.broadcast %broadcast_in_dim3A_792 : i32 to vector<16xi32>
      %gather3A_794 = tpu.vector_load_idx %arg22[%add3A_606, %broadcast_in_dim3A_793] : memref<128x8xf32, #tpu.memory_space<vmem>>[vector<16xi32>, vector<16xi32>], vector<16xf32>,
      %broadcast_in_dim3A_795 = arith.constant 5 : i32
      %broadcast_in_dim3A_796 = vector.broadcast %broadcast_in_dim3A_795 : i32 to vector<16xi32>
      %gather3A_797 = tpu.vector_load_idx %arg22[%add3A_606, %broadcast_in_dim3A_796] : memref<128x8xf32, #tpu.memory_space<vmem>>[vector<16xi32>, vector<16xi32>], vector<16xf32>,
      %broadcast_in_dim3A_798 = arith.constant 6 : i32
      %broadcast_in_dim3A_799 = vector.broadcast %broadcast_in_dim3A_798 : i32 to vector<16xi32>
      %gather3A_800 = tpu.vector_load_idx %arg22[%add3A_606, %broadcast_in_dim3A_799] : memref<128x8xf32, #tpu.memory_space<vmem>>[vector<16xi32>, vector<16xi32>], vector<16xf32>,
      %mul3A_801 = arith.mulf %gather3A_787, %select_n3A_771 : vector<16xf32>
      %mul3A_802 = arith.mulf %gather3A_788, %mul3A_772 : vector<16xf32>
      %add3A_803 = arith.addf %mul3A_801, %mul3A_802 : vector<16xf32>
      %mul3A_804 = arith.mulf %gather3A_791, %sub3A_775 : vector<16xf32>
      %add3A_805 = arith.addf %add3A_803, %mul3A_804 : vector<16xf32>
      %mul3A_806 = arith.mulf %gather3A_794, %mul3A_779 : vector<16xf32>
      %add3A_807 = arith.addf %add3A_805, %mul3A_806 : vector<16xf32>
      %mul3A_808 = arith.mulf %gather3A_797, %sub3A_782 : vector<16xf32>
      %add3A_809 = arith.addf %add3A_807, %mul3A_808 : vector<16xf32>
      %mul3A_810 = arith.mulf %gather3A_800, %add3A_785 : vector<16xf32>
      %add3A_811 = arith.addf %add3A_809, %mul3A_810 : vector<16xf32>
      %sub3A_812 = arith.subf %gather3A_786, %add3A_811 : vector<16xf32>
      %add3A_813 = arith.constant 0 : i32
      %add3A_814 = arith.addi %add3A_348, %add3A_813 : i32
      %add3A_815 = vector.broadcast %add3A_814 : i32 to vector<16xi32>
      %add3A_816 = arith.addi %add3A_815, %iota3A : vector<16xi32>
      %lt3A = arith.constant 800000 : i32
      %lt3A_817 = vector.broadcast %lt3A : i32 to vector<16xi32>
      %lt3A_818 = arith.cmpi slt, %add3A_816, %lt3A_817 : vector<16xi32>
      %jit3A_819 = arith.constant 0.000000e+00 : f32
      %broadcast_in_dim3A_820 = vector.broadcast %jit3A_819 : f32 to vector<16xf32>
      %select_n3A_821 = arith.select %lt3A_818, %sub3A_812, %broadcast_in_dim3A_820 : vector<16xi1>, vector<16xf32>
      %mul3A_822 = arith.constant 64 : i32
      %mul3A_823 = vector.broadcast %mul3A_822 : i32 to vector<16xi32>
      %mul3A_824 = arith.muli %iota3A, %mul3A_823 : vector<16xi32>
      %get3A_825 = arith.constant 0 : index
      %get3A_826 = tpu.vector_load %arg16[%get3A_825] {strides = array<i32>} : memref<128xi32, #tpu.memory_space<vmem>>, vector<16xi32>,
      %add3A_827 = arith.addi %mul3A_824, %get3A_826 : vector<16xi32>
      tpu.vector_store_idx %arg23[%add3A_827], %select_n3A_821 {add = true} : memref<1024xf32, #tpu.memory_space<vmem>>[vector<16xi32>], vector<16xf32>,
      %add3A_828 = arith.constant 16 : i32
      %add3A_829 = vector.broadcast %add3A_828 : i32 to vector<16xi32>
      %add3A_830 = arith.addi %iota3A, %add3A_829 : vector<16xi32>
      %broadcast_in_dim3A_831 = arith.constant 0 : i32
      %broadcast_in_dim3A_832 = vector.broadcast %broadcast_in_dim3A_831 : i32 to vector<16xi32>
      %broadcast_in_dim3A_833 = arith.constant 1 : i32
      %broadcast_in_dim3A_834 = vector.broadcast %broadcast_in_dim3A_833 : i32 to vector<16xi32>
      %broadcast_in_dim3A_835 = arith.constant 2 : i32
      %broadcast_in_dim3A_836 = vector.broadcast %broadcast_in_dim3A_835 : i32 to vector<16xi32>
      %gather3A_837 = tpu.vector_load_idx %arg18[%add3A_830, %broadcast_in_dim3A_832] : memref<128x4xf32, #tpu.memory_space<vmem>>[vector<16xi32>, vector<16xi32>], vector<16xf32>,
      %gather3A_838 = tpu.vector_load_idx %arg18[%add3A_830, %broadcast_in_dim3A_834] : memref<128x4xf32, #tpu.memory_space<vmem>>[vector<16xi32>, vector<16xi32>], vector<16xf32>,
      %gather3A_839 = tpu.vector_load_idx %arg18[%add3A_830, %broadcast_in_dim3A_836] : memref<128x4xf32, #tpu.memory_space<vmem>>[vector<16xi32>, vector<16xi32>], vector<16xf32>,
      %gather3A_840 = tpu.vector_load_idx %arg19[%add3A_830, %broadcast_in_dim3A_832] : memref<128x4xf32, #tpu.memory_space<vmem>>[vector<16xi32>, vector<16xi32>], vector<16xf32>,
      %gather3A_841 = tpu.vector_load_idx %arg19[%add3A_830, %broadcast_in_dim3A_834] : memref<128x4xf32, #tpu.memory_space<vmem>>[vector<16xi32>, vector<16xi32>], vector<16xf32>,
      %gather3A_842 = tpu.vector_load_idx %arg19[%add3A_830, %broadcast_in_dim3A_836] : memref<128x4xf32, #tpu.memory_space<vmem>>[vector<16xi32>, vector<16xi32>], vector<16xf32>,
      %gather3A_843 = tpu.vector_load_idx %arg20[%add3A_830, %broadcast_in_dim3A_832] : memref<128x4xf32, #tpu.memory_space<vmem>>[vector<16xi32>, vector<16xi32>], vector<16xf32>,
      %gather3A_844 = tpu.vector_load_idx %arg20[%add3A_830, %broadcast_in_dim3A_834] : memref<128x4xf32, #tpu.memory_space<vmem>>[vector<16xi32>, vector<16xi32>], vector<16xf32>,
      %gather3A_845 = tpu.vector_load_idx %arg20[%add3A_830, %broadcast_in_dim3A_836] : memref<128x4xf32, #tpu.memory_space<vmem>>[vector<16xi32>, vector<16xi32>], vector<16xf32>,
      %gather3A_846 = tpu.vector_load_idx %arg21[%add3A_830, %broadcast_in_dim3A_832] : memref<128x4xf32, #tpu.memory_space<vmem>>[vector<16xi32>, vector<16xi32>], vector<16xf32>,
      %gather3A_847 = tpu.vector_load_idx %arg21[%add3A_830, %broadcast_in_dim3A_834] : memref<128x4xf32, #tpu.memory_space<vmem>>[vector<16xi32>, vector<16xi32>], vector<16xf32>,
      %gather3A_848 = tpu.vector_load_idx %arg21[%add3A_830, %broadcast_in_dim3A_836] : memref<128x4xf32, #tpu.memory_space<vmem>>[vector<16xi32>, vector<16xi32>], vector<16xf32>,
      %sub3A_849 = arith.subf %gather3A_837, %gather3A_840 : vector<16xf32>
      %sub3A_850 = arith.subf %gather3A_838, %gather3A_841 : vector<16xf32>
      %sub3A_851 = arith.subf %gather3A_839, %gather3A_842 : vector<16xf32>
      %sub3A_852 = arith.subf %gather3A_843, %gather3A_840 : vector<16xf32>
      %sub3A_853 = arith.subf %gather3A_844, %gather3A_841 : vector<16xf32>
      %sub3A_854 = arith.subf %gather3A_845, %gather3A_842 : vector<16xf32>
      %sub3A_855 = arith.subf %gather3A_846, %gather3A_843 : vector<16xf32>
      %sub3A_856 = arith.subf %gather3A_847, %gather3A_844 : vector<16xf32>
      %sub3A_857 = arith.subf %gather3A_848, %gather3A_845 : vector<16xf32>
      %mul3A_858 = arith.mulf %sub3A_852, %sub3A_852 : vector<16xf32>
      %mul3A_859 = arith.mulf %sub3A_853, %sub3A_853 : vector<16xf32>
      %add3A_860 = arith.addf %mul3A_858, %mul3A_859 : vector<16xf32>
      %mul3A_861 = arith.mulf %sub3A_854, %sub3A_854 : vector<16xf32>
      %add3A_862 = arith.addf %add3A_860, %mul3A_861 : vector<16xf32>
      %gt3A_863 = arith.constant 0.000000e+00 : f32
      %gt3A_864 = vector.broadcast %gt3A_863 : f32 to vector<16xf32>
      %gt3A_865 = arith.cmpf ogt, %add3A_862, %gt3A_864 : vector<16xf32>
      %jit3A_866 = arith.constant 1.000000e+00 : f32
      %broadcast_in_dim3A_867 = vector.broadcast %jit3A_866 : f32 to vector<16xf32>
      %select_n3A_868 = arith.select %gt3A_865, %add3A_862, %broadcast_in_dim3A_867 : vector<16xi1>, vector<16xf32>
      %bitcast_convert_type3A_869 = tpu.bitcast %select_n3A_868 : vector<16xf32> -> vector<16xi32>
      %shift_right_arithmetic3A_870 = arith.constant 1 : i32
      %shift_right_arithmetic3A_871 = vector.broadcast %shift_right_arithmetic3A_870 : i32 to vector<16xi32>
      %shift_right_arithmetic3A_872 = arith.shrsi %bitcast_convert_type3A_869, %shift_right_arithmetic3A_871 : vector<16xi32>
      %sub3A_873 = arith.constant 1597463007 : i32
      %sub3A_874 = vector.broadcast %sub3A_873 : i32 to vector<16xi32>
      %sub3A_875 = arith.subi %sub3A_874, %shift_right_arithmetic3A_872 : vector<16xi32>
      %bitcast_convert_type3A_876 = tpu.bitcast %sub3A_875 : vector<16xi32> -> vector<16xf32>
      %mul3A_877 = arith.constant 5.000000e-01 : f32
      %mul3A_878 = vector.broadcast %mul3A_877 : f32 to vector<16xf32>
      %mul3A_879 = arith.mulf %mul3A_878, %select_n3A_868 : vector<16xf32>
      %mul3A_880 = arith.mulf %mul3A_879, %bitcast_convert_type3A_876 : vector<16xf32>
      %mul3A_881 = arith.mulf %mul3A_880, %bitcast_convert_type3A_876 : vector<16xf32>
      %sub3A_882 = arith.constant 1.500000e+00 : f32
      %sub3A_883 = vector.broadcast %sub3A_882 : f32 to vector<16xf32>
      %sub3A_884 = arith.subf %sub3A_883, %mul3A_881 : vector<16xf32>
      %mul3A_885 = arith.mulf %bitcast_convert_type3A_876, %sub3A_884 : vector<16xf32>
      %mul3A_886 = arith.constant 5.000000e-01 : f32
      %mul3A_887 = vector.broadcast %mul3A_886 : f32 to vector<16xf32>
      %mul3A_888 = arith.mulf %mul3A_887, %select_n3A_868 : vector<16xf32>
      %mul3A_889 = arith.mulf %mul3A_888, %mul3A_885 : vector<16xf32>
      %mul3A_890 = arith.mulf %mul3A_889, %mul3A_885 : vector<16xf32>
      %sub3A_891 = arith.constant 1.500000e+00 : f32
      %sub3A_892 = vector.broadcast %sub3A_891 : f32 to vector<16xf32>
      %sub3A_893 = arith.subf %sub3A_892, %mul3A_890 : vector<16xf32>
      %mul3A_894 = arith.mulf %mul3A_885, %sub3A_893 : vector<16xf32>
      %mul3A_895 = arith.constant 5.000000e-01 : f32
      %mul3A_896 = vector.broadcast %mul3A_895 : f32 to vector<16xf32>
      %mul3A_897 = arith.mulf %mul3A_896, %select_n3A_868 : vector<16xf32>
      %mul3A_898 = arith.mulf %mul3A_897, %mul3A_894 : vector<16xf32>
      %mul3A_899 = arith.mulf %mul3A_898, %mul3A_894 : vector<16xf32>
      %sub3A_900 = arith.constant 1.500000e+00 : f32
      %sub3A_901 = vector.broadcast %sub3A_900 : f32 to vector<16xf32>
      %sub3A_902 = arith.subf %sub3A_901, %mul3A_899 : vector<16xf32>
      %mul3A_903 = arith.mulf %mul3A_894, %sub3A_902 : vector<16xf32>
      %jit3A_904 = arith.constant 0.000000e+00 : f32
      %broadcast_in_dim3A_905 = vector.broadcast %jit3A_904 : f32 to vector<16xf32>
      %select_n3A_906 = arith.select %gt3A_865, %mul3A_903, %broadcast_in_dim3A_905 : vector<16xi1>, vector<16xf32>
      %mul3A_907 = arith.mulf %sub3A_852, %select_n3A_906 : vector<16xf32>
      %mul3A_908 = arith.mulf %sub3A_853, %select_n3A_906 : vector<16xf32>
      %mul3A_909 = arith.mulf %sub3A_854, %select_n3A_906 : vector<16xf32>
      %mul3A_910 = arith.mulf %sub3A_849, %mul3A_907 : vector<16xf32>
      %mul3A_911 = arith.mulf %sub3A_850, %mul3A_908 : vector<16xf32>
      %add3A_912 = arith.addf %mul3A_910, %mul3A_911 : vector<16xf32>
      %mul3A_913 = arith.mulf %sub3A_851, %mul3A_909 : vector<16xf32>
      %add3A_914 = arith.addf %add3A_912, %mul3A_913 : vector<16xf32>
      %mul3A_915 = arith.mulf %sub3A_855, %mul3A_907 : vector<16xf32>
      %mul3A_916 = arith.mulf %sub3A_856, %mul3A_908 : vector<16xf32>
      %add3A_917 = arith.addf %mul3A_915, %mul3A_916 : vector<16xf32>
      %mul3A_918 = arith.mulf %sub3A_857, %mul3A_909 : vector<16xf32>
      %add3A_919 = arith.addf %add3A_917, %mul3A_918 : vector<16xf32>
      %mul3A_920 = arith.mulf %add3A_914, %mul3A_907 : vector<16xf32>
      %sub3A_921 = arith.subf %sub3A_849, %mul3A_920 : vector<16xf32>
      %mul3A_922 = arith.mulf %add3A_914, %mul3A_908 : vector<16xf32>
      %sub3A_923 = arith.subf %sub3A_850, %mul3A_922 : vector<16xf32>
      %mul3A_924 = arith.mulf %add3A_914, %mul3A_909 : vector<16xf32>
      %sub3A_925 = arith.subf %sub3A_851, %mul3A_924 : vector<16xf32>
      %mul3A_926 = arith.mulf %add3A_919, %mul3A_907 : vector<16xf32>
      %sub3A_927 = arith.subf %sub3A_855, %mul3A_926 : vector<16xf32>
      %mul3A_928 = arith.mulf %add3A_919, %mul3A_908 : vector<16xf32>
      %sub3A_929 = arith.subf %sub3A_856, %mul3A_928 : vector<16xf32>
      %mul3A_930 = arith.mulf %add3A_919, %mul3A_909 : vector<16xf32>
      %sub3A_931 = arith.subf %sub3A_857, %mul3A_930 : vector<16xf32>
      %mul3A_932 = arith.mulf %sub3A_921, %sub3A_927 : vector<16xf32>
      %mul3A_933 = arith.mulf %sub3A_923, %sub3A_929 : vector<16xf32>
      %add3A_934 = arith.addf %mul3A_932, %mul3A_933 : vector<16xf32>
      %mul3A_935 = arith.mulf %sub3A_925, %sub3A_931 : vector<16xf32>
      %add3A_936 = arith.addf %add3A_934, %mul3A_935 : vector<16xf32>
      %mul3A_937 = arith.mulf %mul3A_908, %sub3A_925 : vector<16xf32>
      %mul3A_938 = arith.mulf %mul3A_909, %sub3A_923 : vector<16xf32>
      %sub3A_939 = arith.subf %mul3A_937, %mul3A_938 : vector<16xf32>
      %mul3A_940 = arith.mulf %mul3A_909, %sub3A_921 : vector<16xf32>
      %mul3A_941 = arith.mulf %mul3A_907, %sub3A_925 : vector<16xf32>
      %sub3A_942 = arith.subf %mul3A_940, %mul3A_941 : vector<16xf32>
      %mul3A_943 = arith.mulf %mul3A_907, %sub3A_923 : vector<16xf32>
      %mul3A_944 = arith.mulf %mul3A_908, %sub3A_921 : vector<16xf32>
      %sub3A_945 = arith.subf %mul3A_943, %mul3A_944 : vector<16xf32>
      %mul3A_946 = arith.mulf %sub3A_939, %sub3A_927 : vector<16xf32>
      %mul3A_947 = arith.mulf %sub3A_942, %sub3A_929 : vector<16xf32>
      %add3A_948 = arith.addf %mul3A_946, %mul3A_947 : vector<16xf32>
      %mul3A_949 = arith.mulf %sub3A_945, %sub3A_931 : vector<16xf32>
      %add3A_950 = arith.addf %add3A_948, %mul3A_949 : vector<16xf32>
      %mul3A_951 = arith.mulf %add3A_936, %add3A_936 : vector<16xf32>
      %mul3A_952 = arith.mulf %add3A_950, %add3A_950 : vector<16xf32>
      %add3A_953 = arith.addf %mul3A_951, %mul3A_952 : vector<16xf32>
      %gt3A_954 = arith.constant 0.000000e+00 : f32
      %gt3A_955 = vector.broadcast %gt3A_954 : f32 to vector<16xf32>
      %gt3A_956 = arith.cmpf ogt, %add3A_953, %gt3A_955 : vector<16xf32>
      %jit3A_957 = arith.constant 1.000000e+00 : f32
      %broadcast_in_dim3A_958 = vector.broadcast %jit3A_957 : f32 to vector<16xf32>
      %select_n3A_959 = arith.select %gt3A_956, %add3A_953, %broadcast_in_dim3A_958 : vector<16xi1>, vector<16xf32>
      %bitcast_convert_type3A_960 = tpu.bitcast %select_n3A_959 : vector<16xf32> -> vector<16xi32>
      %shift_right_arithmetic3A_961 = arith.constant 1 : i32
      %shift_right_arithmetic3A_962 = vector.broadcast %shift_right_arithmetic3A_961 : i32 to vector<16xi32>
      %shift_right_arithmetic3A_963 = arith.shrsi %bitcast_convert_type3A_960, %shift_right_arithmetic3A_962 : vector<16xi32>
      %sub3A_964 = arith.constant 1597463007 : i32
      %sub3A_965 = vector.broadcast %sub3A_964 : i32 to vector<16xi32>
      %sub3A_966 = arith.subi %sub3A_965, %shift_right_arithmetic3A_963 : vector<16xi32>
      %bitcast_convert_type3A_967 = tpu.bitcast %sub3A_966 : vector<16xi32> -> vector<16xf32>
      %mul3A_968 = arith.constant 5.000000e-01 : f32
      %mul3A_969 = vector.broadcast %mul3A_968 : f32 to vector<16xf32>
      %mul3A_970 = arith.mulf %mul3A_969, %select_n3A_959 : vector<16xf32>
      %mul3A_971 = arith.mulf %mul3A_970, %bitcast_convert_type3A_967 : vector<16xf32>
      %mul3A_972 = arith.mulf %mul3A_971, %bitcast_convert_type3A_967 : vector<16xf32>
      %sub3A_973 = arith.constant 1.500000e+00 : f32
      %sub3A_974 = vector.broadcast %sub3A_973 : f32 to vector<16xf32>
      %sub3A_975 = arith.subf %sub3A_974, %mul3A_972 : vector<16xf32>
      %mul3A_976 = arith.mulf %bitcast_convert_type3A_967, %sub3A_975 : vector<16xf32>
      %mul3A_977 = arith.constant 5.000000e-01 : f32
      %mul3A_978 = vector.broadcast %mul3A_977 : f32 to vector<16xf32>
      %mul3A_979 = arith.mulf %mul3A_978, %select_n3A_959 : vector<16xf32>
      %mul3A_980 = arith.mulf %mul3A_979, %mul3A_976 : vector<16xf32>
      %mul3A_981 = arith.mulf %mul3A_980, %mul3A_976 : vector<16xf32>
      %sub3A_982 = arith.constant 1.500000e+00 : f32
      %sub3A_983 = vector.broadcast %sub3A_982 : f32 to vector<16xf32>
      %sub3A_984 = arith.subf %sub3A_983, %mul3A_981 : vector<16xf32>
      %mul3A_985 = arith.mulf %mul3A_976, %sub3A_984 : vector<16xf32>
      %mul3A_986 = arith.constant 5.000000e-01 : f32
      %mul3A_987 = vector.broadcast %mul3A_986 : f32 to vector<16xf32>
      %mul3A_988 = arith.mulf %mul3A_987, %select_n3A_959 : vector<16xf32>
      %mul3A_989 = arith.mulf %mul3A_988, %mul3A_985 : vector<16xf32>
      %mul3A_990 = arith.mulf %mul3A_989, %mul3A_985 : vector<16xf32>
      %sub3A_991 = arith.constant 1.500000e+00 : f32
      %sub3A_992 = vector.broadcast %sub3A_991 : f32 to vector<16xf32>
      %sub3A_993 = arith.subf %sub3A_992, %mul3A_990 : vector<16xf32>
      %mul3A_994 = arith.mulf %mul3A_985, %sub3A_993 : vector<16xf32>
      %jit3A_995 = arith.constant 0.000000e+00 : f32
      %broadcast_in_dim3A_996 = vector.broadcast %jit3A_995 : f32 to vector<16xf32>
      %select_n3A_997 = arith.select %gt3A_956, %mul3A_994, %broadcast_in_dim3A_996 : vector<16xi1>, vector<16xf32>
      %mul3A_998 = arith.mulf %add3A_936, %select_n3A_997 : vector<16xf32>
      %jit3A_999 = arith.constant 1.000000e+00 : f32
      %broadcast_in_dim3A_1000 = vector.broadcast %jit3A_999 : f32 to vector<16xf32>
      %select_n3A_1001 = arith.select %gt3A_956, %mul3A_998, %broadcast_in_dim3A_1000 : vector<16xi1>, vector<16xf32>
      %mul3A_1002 = arith.mulf %add3A_950, %select_n3A_997 : vector<16xf32>
      %mul3A_1003 = arith.mulf %select_n3A_1001, %select_n3A_1001 : vector<16xf32>
      %mul3A_1004 = arith.mulf %mul3A_1002, %mul3A_1002 : vector<16xf32>
      %sub3A_1005 = arith.subf %mul3A_1003, %mul3A_1004 : vector<16xf32>
      %mul3A_1006 = arith.constant 2.000000e+00 : f32
      %mul3A_1007 = vector.broadcast %mul3A_1006 : f32 to vector<16xf32>
      %mul3A_1008 = arith.mulf %mul3A_1007, %select_n3A_1001 : vector<16xf32>
      %mul3A_1009 = arith.mulf %mul3A_1008, %mul3A_1002 : vector<16xf32>
      %mul3A_1010 = arith.mulf %select_n3A_1001, %sub3A_1005 : vector<16xf32>
      %mul3A_1011 = arith.mulf %mul3A_1002, %mul3A_1009 : vector<16xf32>
      %sub3A_1012 = arith.subf %mul3A_1010, %mul3A_1011 : vector<16xf32>
      %mul3A_1013 = arith.mulf %mul3A_1002, %sub3A_1005 : vector<16xf32>
      %mul3A_1014 = arith.mulf %select_n3A_1001, %mul3A_1009 : vector<16xf32>
      %add3A_1015 = arith.addf %mul3A_1013, %mul3A_1014 : vector<16xf32>
      %gather3A_1016 = tpu.vector_load_idx %arg22[%add3A_830, %broadcast_in_dim3A_832] : memref<128x8xf32, #tpu.memory_space<vmem>>[vector<16xi32>, vector<16xi32>], vector<16xf32>,
      %gather3A_1017 = tpu.vector_load_idx %arg22[%add3A_830, %broadcast_in_dim3A_834] : memref<128x8xf32, #tpu.memory_space<vmem>>[vector<16xi32>, vector<16xi32>], vector<16xf32>,
      %gather3A_1018 = tpu.vector_load_idx %arg22[%add3A_830, %broadcast_in_dim3A_836] : memref<128x8xf32, #tpu.memory_space<vmem>>[vector<16xi32>, vector<16xi32>], vector<16xf32>,
      %broadcast_in_dim3A_1019 = arith.constant 3 : i32
      %broadcast_in_dim3A_1020 = vector.broadcast %broadcast_in_dim3A_1019 : i32 to vector<16xi32>
      %gather3A_1021 = tpu.vector_load_idx %arg22[%add3A_830, %broadcast_in_dim3A_1020] : memref<128x8xf32, #tpu.memory_space<vmem>>[vector<16xi32>, vector<16xi32>], vector<16xf32>,
      %broadcast_in_dim3A_1022 = arith.constant 4 : i32
      %broadcast_in_dim3A_1023 = vector.broadcast %broadcast_in_dim3A_1022 : i32 to vector<16xi32>
      %gather3A_1024 = tpu.vector_load_idx %arg22[%add3A_830, %broadcast_in_dim3A_1023] : memref<128x8xf32, #tpu.memory_space<vmem>>[vector<16xi32>, vector<16xi32>], vector<16xf32>,
      %broadcast_in_dim3A_1025 = arith.constant 5 : i32
      %broadcast_in_dim3A_1026 = vector.broadcast %broadcast_in_dim3A_1025 : i32 to vector<16xi32>
      %gather3A_1027 = tpu.vector_load_idx %arg22[%add3A_830, %broadcast_in_dim3A_1026] : memref<128x8xf32, #tpu.memory_space<vmem>>[vector<16xi32>, vector<16xi32>], vector<16xf32>,
      %broadcast_in_dim3A_1028 = arith.constant 6 : i32
      %broadcast_in_dim3A_1029 = vector.broadcast %broadcast_in_dim3A_1028 : i32 to vector<16xi32>
      %gather3A_1030 = tpu.vector_load_idx %arg22[%add3A_830, %broadcast_in_dim3A_1029] : memref<128x8xf32, #tpu.memory_space<vmem>>[vector<16xi32>, vector<16xi32>], vector<16xf32>,
      %mul3A_1031 = arith.mulf %gather3A_1017, %select_n3A_1001 : vector<16xf32>
      %mul3A_1032 = arith.mulf %gather3A_1018, %mul3A_1002 : vector<16xf32>
      %add3A_1033 = arith.addf %mul3A_1031, %mul3A_1032 : vector<16xf32>
      %mul3A_1034 = arith.mulf %gather3A_1021, %sub3A_1005 : vector<16xf32>
      %add3A_1035 = arith.addf %add3A_1033, %mul3A_1034 : vector<16xf32>
      %mul3A_1036 = arith.mulf %gather3A_1024, %mul3A_1009 : vector<16xf32>
      %add3A_1037 = arith.addf %add3A_1035, %mul3A_1036 : vector<16xf32>
      %mul3A_1038 = arith.mulf %gather3A_1027, %sub3A_1012 : vector<16xf32>
      %add3A_1039 = arith.addf %add3A_1037, %mul3A_1038 : vector<16xf32>
      %mul3A_1040 = arith.mulf %gather3A_1030, %add3A_1015 : vector<16xf32>
      %add3A_1041 = arith.addf %add3A_1039, %mul3A_1040 : vector<16xf32>
      %sub3A_1042 = arith.subf %gather3A_1016, %add3A_1041 : vector<16xf32>
      %add3A_1043 = arith.constant 16 : i32
      %add3A_1044 = arith.addi %add3A_348, %add3A_1043 : i32
      %add3A_1045 = vector.broadcast %add3A_1044 : i32 to vector<16xi32>
      %add3A_1046 = arith.addi %add3A_1045, %iota3A : vector<16xi32>
      %lt3A_1047 = arith.constant 800000 : i32
      %lt3A_1048 = vector.broadcast %lt3A_1047 : i32 to vector<16xi32>
      %lt3A_1049 = arith.cmpi slt, %add3A_1046, %lt3A_1048 : vector<16xi32>
      %jit3A_1050 = arith.constant 0.000000e+00 : f32
      %broadcast_in_dim3A_1051 = vector.broadcast %jit3A_1050 : f32 to vector<16xf32>
      %select_n3A_1052 = arith.select %lt3A_1049, %sub3A_1042, %broadcast_in_dim3A_1051 : vector<16xi1>, vector<16xf32>
      %mul3A_1053 = arith.constant 64 : i32
      %mul3A_1054 = vector.broadcast %mul3A_1053 : i32 to vector<16xi32>
      %mul3A_1055 = arith.muli %iota3A, %mul3A_1054 : vector<16xi32>
      %get3A_1056 = arith.constant 16 : index
      %get3A_1057 = tpu.vector_load %arg16[%get3A_1056] {strides = array<i32>} : memref<128xi32, #tpu.memory_space<vmem>>, vector<16xi32>,
      %add3A_1058 = arith.addi %mul3A_1055, %get3A_1057 : vector<16xi32>
      tpu.vector_store_idx %arg23[%add3A_1058], %select_n3A_1052 {add = true} : memref<1024xf32, #tpu.memory_space<vmem>>[vector<16xi32>], vector<16xf32>,
      %add3A_1059 = arith.constant 32 : i32
      %add3A_1060 = vector.broadcast %add3A_1059 : i32 to vector<16xi32>
      %add3A_1061 = arith.addi %iota3A, %add3A_1060 : vector<16xi32>
      %broadcast_in_dim3A_1062 = arith.constant 0 : i32
      %broadcast_in_dim3A_1063 = vector.broadcast %broadcast_in_dim3A_1062 : i32 to vector<16xi32>
      %broadcast_in_dim3A_1064 = arith.constant 1 : i32
      %broadcast_in_dim3A_1065 = vector.broadcast %broadcast_in_dim3A_1064 : i32 to vector<16xi32>
      %broadcast_in_dim3A_1066 = arith.constant 2 : i32
      %broadcast_in_dim3A_1067 = vector.broadcast %broadcast_in_dim3A_1066 : i32 to vector<16xi32>
      %gather3A_1068 = tpu.vector_load_idx %arg18[%add3A_1061, %broadcast_in_dim3A_1063] : memref<128x4xf32, #tpu.memory_space<vmem>>[vector<16xi32>, vector<16xi32>], vector<16xf32>,
      %gather3A_1069 = tpu.vector_load_idx %arg18[%add3A_1061, %broadcast_in_dim3A_1065] : memref<128x4xf32, #tpu.memory_space<vmem>>[vector<16xi32>, vector<16xi32>], vector<16xf32>,
      %gather3A_1070 = tpu.vector_load_idx %arg18[%add3A_1061, %broadcast_in_dim3A_1067] : memref<128x4xf32, #tpu.memory_space<vmem>>[vector<16xi32>, vector<16xi32>], vector<16xf32>,
      %gather3A_1071 = tpu.vector_load_idx %arg19[%add3A_1061, %broadcast_in_dim3A_1063] : memref<128x4xf32, #tpu.memory_space<vmem>>[vector<16xi32>, vector<16xi32>], vector<16xf32>,
      %gather3A_1072 = tpu.vector_load_idx %arg19[%add3A_1061, %broadcast_in_dim3A_1065] : memref<128x4xf32, #tpu.memory_space<vmem>>[vector<16xi32>, vector<16xi32>], vector<16xf32>,
      %gather3A_1073 = tpu.vector_load_idx %arg19[%add3A_1061, %broadcast_in_dim3A_1067] : memref<128x4xf32, #tpu.memory_space<vmem>>[vector<16xi32>, vector<16xi32>], vector<16xf32>,
      %gather3A_1074 = tpu.vector_load_idx %arg20[%add3A_1061, %broadcast_in_dim3A_1063] : memref<128x4xf32, #tpu.memory_space<vmem>>[vector<16xi32>, vector<16xi32>], vector<16xf32>,
      %gather3A_1075 = tpu.vector_load_idx %arg20[%add3A_1061, %broadcast_in_dim3A_1065] : memref<128x4xf32, #tpu.memory_space<vmem>>[vector<16xi32>, vector<16xi32>], vector<16xf32>,
      %gather3A_1076 = tpu.vector_load_idx %arg20[%add3A_1061, %broadcast_in_dim3A_1067] : memref<128x4xf32, #tpu.memory_space<vmem>>[vector<16xi32>, vector<16xi32>], vector<16xf32>,
      %gather3A_1077 = tpu.vector_load_idx %arg21[%add3A_1061, %broadcast_in_dim3A_1063] : memref<128x4xf32, #tpu.memory_space<vmem>>[vector<16xi32>, vector<16xi32>], vector<16xf32>,
      %gather3A_1078 = tpu.vector_load_idx %arg21[%add3A_1061, %broadcast_in_dim3A_1065] : memref<128x4xf32, #tpu.memory_space<vmem>>[vector<16xi32>, vector<16xi32>], vector<16xf32>,
      %gather3A_1079 = tpu.vector_load_idx %arg21[%add3A_1061, %broadcast_in_dim3A_1067] : memref<128x4xf32, #tpu.memory_space<vmem>>[vector<16xi32>, vector<16xi32>], vector<16xf32>,
      %sub3A_1080 = arith.subf %gather3A_1068, %gather3A_1071 : vector<16xf32>
      %sub3A_1081 = arith.subf %gather3A_1069, %gather3A_1072 : vector<16xf32>
      %sub3A_1082 = arith.subf %gather3A_1070, %gather3A_1073 : vector<16xf32>
      %sub3A_1083 = arith.subf %gather3A_1074, %gather3A_1071 : vector<16xf32>
      %sub3A_1084 = arith.subf %gather3A_1075, %gather3A_1072 : vector<16xf32>
      %sub3A_1085 = arith.subf %gather3A_1076, %gather3A_1073 : vector<16xf32>
      %sub3A_1086 = arith.subf %gather3A_1077, %gather3A_1074 : vector<16xf32>
      %sub3A_1087 = arith.subf %gather3A_1078, %gather3A_1075 : vector<16xf32>
      %sub3A_1088 = arith.subf %gather3A_1079, %gather3A_1076 : vector<16xf32>
      %mul3A_1089 = arith.mulf %sub3A_1083, %sub3A_1083 : vector<16xf32>
      %mul3A_1090 = arith.mulf %sub3A_1084, %sub3A_1084 : vector<16xf32>
      %add3A_1091 = arith.addf %mul3A_1089, %mul3A_1090 : vector<16xf32>
      %mul3A_1092 = arith.mulf %sub3A_1085, %sub3A_1085 : vector<16xf32>
      %add3A_1093 = arith.addf %add3A_1091, %mul3A_1092 : vector<16xf32>
      %gt3A_1094 = arith.constant 0.000000e+00 : f32
      %gt3A_1095 = vector.broadcast %gt3A_1094 : f32 to vector<16xf32>
      %gt3A_1096 = arith.cmpf ogt, %add3A_1093, %gt3A_1095 : vector<16xf32>
      %jit3A_1097 = arith.constant 1.000000e+00 : f32
      %broadcast_in_dim3A_1098 = vector.broadcast %jit3A_1097 : f32 to vector<16xf32>
      %select_n3A_1099 = arith.select %gt3A_1096, %add3A_1093, %broadcast_in_dim3A_1098 : vector<16xi1>, vector<16xf32>
      %bitcast_convert_type3A_1100 = tpu.bitcast %select_n3A_1099 : vector<16xf32> -> vector<16xi32>
      %shift_right_arithmetic3A_1101 = arith.constant 1 : i32
      %shift_right_arithmetic3A_1102 = vector.broadcast %shift_right_arithmetic3A_1101 : i32 to vector<16xi32>
      %shift_right_arithmetic3A_1103 = arith.shrsi %bitcast_convert_type3A_1100, %shift_right_arithmetic3A_1102 : vector<16xi32>
      %sub3A_1104 = arith.constant 1597463007 : i32
      %sub3A_1105 = vector.broadcast %sub3A_1104 : i32 to vector<16xi32>
      %sub3A_1106 = arith.subi %sub3A_1105, %shift_right_arithmetic3A_1103 : vector<16xi32>
      %bitcast_convert_type3A_1107 = tpu.bitcast %sub3A_1106 : vector<16xi32> -> vector<16xf32>
      %mul3A_1108 = arith.constant 5.000000e-01 : f32
      %mul3A_1109 = vector.broadcast %mul3A_1108 : f32 to vector<16xf32>
      %mul3A_1110 = arith.mulf %mul3A_1109, %select_n3A_1099 : vector<16xf32>
      %mul3A_1111 = arith.mulf %mul3A_1110, %bitcast_convert_type3A_1107 : vector<16xf32>
      %mul3A_1112 = arith.mulf %mul3A_1111, %bitcast_convert_type3A_1107 : vector<16xf32>
      %sub3A_1113 = arith.constant 1.500000e+00 : f32
      %sub3A_1114 = vector.broadcast %sub3A_1113 : f32 to vector<16xf32>
      %sub3A_1115 = arith.subf %sub3A_1114, %mul3A_1112 : vector<16xf32>
      %mul3A_1116 = arith.mulf %bitcast_convert_type3A_1107, %sub3A_1115 : vector<16xf32>
      %mul3A_1117 = arith.constant 5.000000e-01 : f32
      %mul3A_1118 = vector.broadcast %mul3A_1117 : f32 to vector<16xf32>
      %mul3A_1119 = arith.mulf %mul3A_1118, %select_n3A_1099 : vector<16xf32>
      %mul3A_1120 = arith.mulf %mul3A_1119, %mul3A_1116 : vector<16xf32>
      %mul3A_1121 = arith.mulf %mul3A_1120, %mul3A_1116 : vector<16xf32>
      %sub3A_1122 = arith.constant 1.500000e+00 : f32
      %sub3A_1123 = vector.broadcast %sub3A_1122 : f32 to vector<16xf32>
      %sub3A_1124 = arith.subf %sub3A_1123, %mul3A_1121 : vector<16xf32>
      %mul3A_1125 = arith.mulf %mul3A_1116, %sub3A_1124 : vector<16xf32>
      %mul3A_1126 = arith.constant 5.000000e-01 : f32
      %mul3A_1127 = vector.broadcast %mul3A_1126 : f32 to vector<16xf32>
      %mul3A_1128 = arith.mulf %mul3A_1127, %select_n3A_1099 : vector<16xf32>
      %mul3A_1129 = arith.mulf %mul3A_1128, %mul3A_1125 : vector<16xf32>
      %mul3A_1130 = arith.mulf %mul3A_1129, %mul3A_1125 : vector<16xf32>
      %sub3A_1131 = arith.constant 1.500000e+00 : f32
      %sub3A_1132 = vector.broadcast %sub3A_1131 : f32 to vector<16xf32>
      %sub3A_1133 = arith.subf %sub3A_1132, %mul3A_1130 : vector<16xf32>
      %mul3A_1134 = arith.mulf %mul3A_1125, %sub3A_1133 : vector<16xf32>
      %jit3A_1135 = arith.constant 0.000000e+00 : f32
      %broadcast_in_dim3A_1136 = vector.broadcast %jit3A_1135 : f32 to vector<16xf32>
      %select_n3A_1137 = arith.select %gt3A_1096, %mul3A_1134, %broadcast_in_dim3A_1136 : vector<16xi1>, vector<16xf32>
      %mul3A_1138 = arith.mulf %sub3A_1083, %select_n3A_1137 : vector<16xf32>
      %mul3A_1139 = arith.mulf %sub3A_1084, %select_n3A_1137 : vector<16xf32>
      %mul3A_1140 = arith.mulf %sub3A_1085, %select_n3A_1137 : vector<16xf32>
      %mul3A_1141 = arith.mulf %sub3A_1080, %mul3A_1138 : vector<16xf32>
      %mul3A_1142 = arith.mulf %sub3A_1081, %mul3A_1139 : vector<16xf32>
      %add3A_1143 = arith.addf %mul3A_1141, %mul3A_1142 : vector<16xf32>
      %mul3A_1144 = arith.mulf %sub3A_1082, %mul3A_1140 : vector<16xf32>
      %add3A_1145 = arith.addf %add3A_1143, %mul3A_1144 : vector<16xf32>
      %mul3A_1146 = arith.mulf %sub3A_1086, %mul3A_1138 : vector<16xf32>
      %mul3A_1147 = arith.mulf %sub3A_1087, %mul3A_1139 : vector<16xf32>
      %add3A_1148 = arith.addf %mul3A_1146, %mul3A_1147 : vector<16xf32>
      %mul3A_1149 = arith.mulf %sub3A_1088, %mul3A_1140 : vector<16xf32>
      %add3A_1150 = arith.addf %add3A_1148, %mul3A_1149 : vector<16xf32>
      %mul3A_1151 = arith.mulf %add3A_1145, %mul3A_1138 : vector<16xf32>
      %sub3A_1152 = arith.subf %sub3A_1080, %mul3A_1151 : vector<16xf32>
      %mul3A_1153 = arith.mulf %add3A_1145, %mul3A_1139 : vector<16xf32>
      %sub3A_1154 = arith.subf %sub3A_1081, %mul3A_1153 : vector<16xf32>
      %mul3A_1155 = arith.mulf %add3A_1145, %mul3A_1140 : vector<16xf32>
      %sub3A_1156 = arith.subf %sub3A_1082, %mul3A_1155 : vector<16xf32>
      %mul3A_1157 = arith.mulf %add3A_1150, %mul3A_1138 : vector<16xf32>
      %sub3A_1158 = arith.subf %sub3A_1086, %mul3A_1157 : vector<16xf32>
      %mul3A_1159 = arith.mulf %add3A_1150, %mul3A_1139 : vector<16xf32>
      %sub3A_1160 = arith.subf %sub3A_1087, %mul3A_1159 : vector<16xf32>
      %mul3A_1161 = arith.mulf %add3A_1150, %mul3A_1140 : vector<16xf32>
      %sub3A_1162 = arith.subf %sub3A_1088, %mul3A_1161 : vector<16xf32>
      %mul3A_1163 = arith.mulf %sub3A_1152, %sub3A_1158 : vector<16xf32>
      %mul3A_1164 = arith.mulf %sub3A_1154, %sub3A_1160 : vector<16xf32>
      %add3A_1165 = arith.addf %mul3A_1163, %mul3A_1164 : vector<16xf32>
      %mul3A_1166 = arith.mulf %sub3A_1156, %sub3A_1162 : vector<16xf32>
      %add3A_1167 = arith.addf %add3A_1165, %mul3A_1166 : vector<16xf32>
      %mul3A_1168 = arith.mulf %mul3A_1139, %sub3A_1156 : vector<16xf32>
      %mul3A_1169 = arith.mulf %mul3A_1140, %sub3A_1154 : vector<16xf32>
      %sub3A_1170 = arith.subf %mul3A_1168, %mul3A_1169 : vector<16xf32>
      %mul3A_1171 = arith.mulf %mul3A_1140, %sub3A_1152 : vector<16xf32>
      %mul3A_1172 = arith.mulf %mul3A_1138, %sub3A_1156 : vector<16xf32>
      %sub3A_1173 = arith.subf %mul3A_1171, %mul3A_1172 : vector<16xf32>
      %mul3A_1174 = arith.mulf %mul3A_1138, %sub3A_1154 : vector<16xf32>
      %mul3A_1175 = arith.mulf %mul3A_1139, %sub3A_1152 : vector<16xf32>
      %sub3A_1176 = arith.subf %mul3A_1174, %mul3A_1175 : vector<16xf32>
      %mul3A_1177 = arith.mulf %sub3A_1170, %sub3A_1158 : vector<16xf32>
      %mul3A_1178 = arith.mulf %sub3A_1173, %sub3A_1160 : vector<16xf32>
      %add3A_1179 = arith.addf %mul3A_1177, %mul3A_1178 : vector<16xf32>
      %mul3A_1180 = arith.mulf %sub3A_1176, %sub3A_1162 : vector<16xf32>
      %add3A_1181 = arith.addf %add3A_1179, %mul3A_1180 : vector<16xf32>
      %mul3A_1182 = arith.mulf %add3A_1167, %add3A_1167 : vector<16xf32>
      %mul3A_1183 = arith.mulf %add3A_1181, %add3A_1181 : vector<16xf32>
      %add3A_1184 = arith.addf %mul3A_1182, %mul3A_1183 : vector<16xf32>
      %gt3A_1185 = arith.constant 0.000000e+00 : f32
      %gt3A_1186 = vector.broadcast %gt3A_1185 : f32 to vector<16xf32>
      %gt3A_1187 = arith.cmpf ogt, %add3A_1184, %gt3A_1186 : vector<16xf32>
      %jit3A_1188 = arith.constant 1.000000e+00 : f32
      %broadcast_in_dim3A_1189 = vector.broadcast %jit3A_1188 : f32 to vector<16xf32>
      %select_n3A_1190 = arith.select %gt3A_1187, %add3A_1184, %broadcast_in_dim3A_1189 : vector<16xi1>, vector<16xf32>
      %bitcast_convert_type3A_1191 = tpu.bitcast %select_n3A_1190 : vector<16xf32> -> vector<16xi32>
      %shift_right_arithmetic3A_1192 = arith.constant 1 : i32
      %shift_right_arithmetic3A_1193 = vector.broadcast %shift_right_arithmetic3A_1192 : i32 to vector<16xi32>
      %shift_right_arithmetic3A_1194 = arith.shrsi %bitcast_convert_type3A_1191, %shift_right_arithmetic3A_1193 : vector<16xi32>
      %sub3A_1195 = arith.constant 1597463007 : i32
      %sub3A_1196 = vector.broadcast %sub3A_1195 : i32 to vector<16xi32>
      %sub3A_1197 = arith.subi %sub3A_1196, %shift_right_arithmetic3A_1194 : vector<16xi32>
      %bitcast_convert_type3A_1198 = tpu.bitcast %sub3A_1197 : vector<16xi32> -> vector<16xf32>
      %mul3A_1199 = arith.constant 5.000000e-01 : f32
      %mul3A_1200 = vector.broadcast %mul3A_1199 : f32 to vector<16xf32>
      %mul3A_1201 = arith.mulf %mul3A_1200, %select_n3A_1190 : vector<16xf32>
      %mul3A_1202 = arith.mulf %mul3A_1201, %bitcast_convert_type3A_1198 : vector<16xf32>
      %mul3A_1203 = arith.mulf %mul3A_1202, %bitcast_convert_type3A_1198 : vector<16xf32>
      %sub3A_1204 = arith.constant 1.500000e+00 : f32
      %sub3A_1205 = vector.broadcast %sub3A_1204 : f32 to vector<16xf32>
      %sub3A_1206 = arith.subf %sub3A_1205, %mul3A_1203 : vector<16xf32>
      %mul3A_1207 = arith.mulf %bitcast_convert_type3A_1198, %sub3A_1206 : vector<16xf32>
      %mul3A_1208 = arith.constant 5.000000e-01 : f32
      %mul3A_1209 = vector.broadcast %mul3A_1208 : f32 to vector<16xf32>
      %mul3A_1210 = arith.mulf %mul3A_1209, %select_n3A_1190 : vector<16xf32>
      %mul3A_1211 = arith.mulf %mul3A_1210, %mul3A_1207 : vector<16xf32>
      %mul3A_1212 = arith.mulf %mul3A_1211, %mul3A_1207 : vector<16xf32>
      %sub3A_1213 = arith.constant 1.500000e+00 : f32
      %sub3A_1214 = vector.broadcast %sub3A_1213 : f32 to vector<16xf32>
      %sub3A_1215 = arith.subf %sub3A_1214, %mul3A_1212 : vector<16xf32>
      %mul3A_1216 = arith.mulf %mul3A_1207, %sub3A_1215 : vector<16xf32>
      %mul3A_1217 = arith.constant 5.000000e-01 : f32
      %mul3A_1218 = vector.broadcast %mul3A_1217 : f32 to vector<16xf32>
      %mul3A_1219 = arith.mulf %mul3A_1218, %select_n3A_1190 : vector<16xf32>
      %mul3A_1220 = arith.mulf %mul3A_1219, %mul3A_1216 : vector<16xf32>
      %mul3A_1221 = arith.mulf %mul3A_1220, %mul3A_1216 : vector<16xf32>
      %sub3A_1222 = arith.constant 1.500000e+00 : f32
      %sub3A_1223 = vector.broadcast %sub3A_1222 : f32 to vector<16xf32>
      %sub3A_1224 = arith.subf %sub3A_1223, %mul3A_1221 : vector<16xf32>
      %mul3A_1225 = arith.mulf %mul3A_1216, %sub3A_1224 : vector<16xf32>
      %jit3A_1226 = arith.constant 0.000000e+00 : f32
      %broadcast_in_dim3A_1227 = vector.broadcast %jit3A_1226 : f32 to vector<16xf32>
      %select_n3A_1228 = arith.select %gt3A_1187, %mul3A_1225, %broadcast_in_dim3A_1227 : vector<16xi1>, vector<16xf32>
      %mul3A_1229 = arith.mulf %add3A_1167, %select_n3A_1228 : vector<16xf32>
      %jit3A_1230 = arith.constant 1.000000e+00 : f32
      %broadcast_in_dim3A_1231 = vector.broadcast %jit3A_1230 : f32 to vector<16xf32>
      %select_n3A_1232 = arith.select %gt3A_1187, %mul3A_1229, %broadcast_in_dim3A_1231 : vector<16xi1>, vector<16xf32>
      %mul3A_1233 = arith.mulf %add3A_1181, %select_n3A_1228 : vector<16xf32>
      %mul3A_1234 = arith.mulf %select_n3A_1232, %select_n3A_1232 : vector<16xf32>
      %mul3A_1235 = arith.mulf %mul3A_1233, %mul3A_1233 : vector<16xf32>
      %sub3A_1236 = arith.subf %mul3A_1234, %mul3A_1235 : vector<16xf32>
      %mul3A_1237 = arith.constant 2.000000e+00 : f32
      %mul3A_1238 = vector.broadcast %mul3A_1237 : f32 to vector<16xf32>
      %mul3A_1239 = arith.mulf %mul3A_1238, %select_n3A_1232 : vector<16xf32>
      %mul3A_1240 = arith.mulf %mul3A_1239, %mul3A_1233 : vector<16xf32>
      %mul3A_1241 = arith.mulf %select_n3A_1232, %sub3A_1236 : vector<16xf32>
      %mul3A_1242 = arith.mulf %mul3A_1233, %mul3A_1240 : vector<16xf32>
      %sub3A_1243 = arith.subf %mul3A_1241, %mul3A_1242 : vector<16xf32>
      %mul3A_1244 = arith.mulf %mul3A_1233, %sub3A_1236 : vector<16xf32>
      %mul3A_1245 = arith.mulf %select_n3A_1232, %mul3A_1240 : vector<16xf32>
      %add3A_1246 = arith.addf %mul3A_1244, %mul3A_1245 : vector<16xf32>
      %gather3A_1247 = tpu.vector_load_idx %arg22[%add3A_1061, %broadcast_in_dim3A_1063] : memref<128x8xf32, #tpu.memory_space<vmem>>[vector<16xi32>, vector<16xi32>], vector<16xf32>,
      %gather3A_1248 = tpu.vector_load_idx %arg22[%add3A_1061, %broadcast_in_dim3A_1065] : memref<128x8xf32, #tpu.memory_space<vmem>>[vector<16xi32>, vector<16xi32>], vector<16xf32>,
      %gather3A_1249 = tpu.vector_load_idx %arg22[%add3A_1061, %broadcast_in_dim3A_1067] : memref<128x8xf32, #tpu.memory_space<vmem>>[vector<16xi32>, vector<16xi32>], vector<16xf32>,
      %broadcast_in_dim3A_1250 = arith.constant 3 : i32
      %broadcast_in_dim3A_1251 = vector.broadcast %broadcast_in_dim3A_1250 : i32 to vector<16xi32>
      %gather3A_1252 = tpu.vector_load_idx %arg22[%add3A_1061, %broadcast_in_dim3A_1251] : memref<128x8xf32, #tpu.memory_space<vmem>>[vector<16xi32>, vector<16xi32>], vector<16xf32>,
      %broadcast_in_dim3A_1253 = arith.constant 4 : i32
      %broadcast_in_dim3A_1254 = vector.broadcast %broadcast_in_dim3A_1253 : i32 to vector<16xi32>
      %gather3A_1255 = tpu.vector_load_idx %arg22[%add3A_1061, %broadcast_in_dim3A_1254] : memref<128x8xf32, #tpu.memory_space<vmem>>[vector<16xi32>, vector<16xi32>], vector<16xf32>,
      %broadcast_in_dim3A_1256 = arith.constant 5 : i32
      %broadcast_in_dim3A_1257 = vector.broadcast %broadcast_in_dim3A_1256 : i32 to vector<16xi32>
      %gather3A_1258 = tpu.vector_load_idx %arg22[%add3A_1061, %broadcast_in_dim3A_1257] : memref<128x8xf32, #tpu.memory_space<vmem>>[vector<16xi32>, vector<16xi32>], vector<16xf32>,
      %broadcast_in_dim3A_1259 = arith.constant 6 : i32
      %broadcast_in_dim3A_1260 = vector.broadcast %broadcast_in_dim3A_1259 : i32 to vector<16xi32>
      %gather3A_1261 = tpu.vector_load_idx %arg22[%add3A_1061, %broadcast_in_dim3A_1260] : memref<128x8xf32, #tpu.memory_space<vmem>>[vector<16xi32>, vector<16xi32>], vector<16xf32>,
      %mul3A_1262 = arith.mulf %gather3A_1248, %select_n3A_1232 : vector<16xf32>
      %mul3A_1263 = arith.mulf %gather3A_1249, %mul3A_1233 : vector<16xf32>
      %add3A_1264 = arith.addf %mul3A_1262, %mul3A_1263 : vector<16xf32>
      %mul3A_1265 = arith.mulf %gather3A_1252, %sub3A_1236 : vector<16xf32>
      %add3A_1266 = arith.addf %add3A_1264, %mul3A_1265 : vector<16xf32>
      %mul3A_1267 = arith.mulf %gather3A_1255, %mul3A_1240 : vector<16xf32>
      %add3A_1268 = arith.addf %add3A_1266, %mul3A_1267 : vector<16xf32>
      %mul3A_1269 = arith.mulf %gather3A_1258, %sub3A_1243 : vector<16xf32>
      %add3A_1270 = arith.addf %add3A_1268, %mul3A_1269 : vector<16xf32>
      %mul3A_1271 = arith.mulf %gather3A_1261, %add3A_1246 : vector<16xf32>
      %add3A_1272 = arith.addf %add3A_1270, %mul3A_1271 : vector<16xf32>
      %sub3A_1273 = arith.subf %gather3A_1247, %add3A_1272 : vector<16xf32>
      %add3A_1274 = arith.constant 32 : i32
      %add3A_1275 = arith.addi %add3A_348, %add3A_1274 : i32
      %add3A_1276 = vector.broadcast %add3A_1275 : i32 to vector<16xi32>
      %add3A_1277 = arith.addi %add3A_1276, %iota3A : vector<16xi32>
      %lt3A_1278 = arith.constant 800000 : i32
      %lt3A_1279 = vector.broadcast %lt3A_1278 : i32 to vector<16xi32>
      %lt3A_1280 = arith.cmpi slt, %add3A_1277, %lt3A_1279 : vector<16xi32>
      %jit3A_1281 = arith.constant 0.000000e+00 : f32
      %broadcast_in_dim3A_1282 = vector.broadcast %jit3A_1281 : f32 to vector<16xf32>
      %select_n3A_1283 = arith.select %lt3A_1280, %sub3A_1273, %broadcast_in_dim3A_1282 : vector<16xi1>, vector<16xf32>
      %mul3A_1284 = arith.constant 64 : i32
      %mul3A_1285 = vector.broadcast %mul3A_1284 : i32 to vector<16xi32>
      %mul3A_1286 = arith.muli %iota3A, %mul3A_1285 : vector<16xi32>
      %get3A_1287 = arith.constant 32 : index
      %get3A_1288 = tpu.vector_load %arg16[%get3A_1287] {strides = array<i32>} : memref<128xi32, #tpu.memory_space<vmem>>, vector<16xi32>,
      %add3A_1289 = arith.addi %mul3A_1286, %get3A_1288 : vector<16xi32>
      tpu.vector_store_idx %arg23[%add3A_1289], %select_n3A_1283 {add = true} : memref<1024xf32, #tpu.memory_space<vmem>>[vector<16xi32>], vector<16xf32>,
      %add3A_1290 = arith.constant 48 : i32
      %add3A_1291 = vector.broadcast %add3A_1290 : i32 to vector<16xi32>
      %add3A_1292 = arith.addi %iota3A, %add3A_1291 : vector<16xi32>
      %broadcast_in_dim3A_1293 = arith.constant 0 : i32
      %broadcast_in_dim3A_1294 = vector.broadcast %broadcast_in_dim3A_1293 : i32 to vector<16xi32>
      %broadcast_in_dim3A_1295 = arith.constant 1 : i32
      %broadcast_in_dim3A_1296 = vector.broadcast %broadcast_in_dim3A_1295 : i32 to vector<16xi32>
      %broadcast_in_dim3A_1297 = arith.constant 2 : i32
      %broadcast_in_dim3A_1298 = vector.broadcast %broadcast_in_dim3A_1297 : i32 to vector<16xi32>
      %gather3A_1299 = tpu.vector_load_idx %arg18[%add3A_1292, %broadcast_in_dim3A_1294] : memref<128x4xf32, #tpu.memory_space<vmem>>[vector<16xi32>, vector<16xi32>], vector<16xf32>,
      %gather3A_1300 = tpu.vector_load_idx %arg18[%add3A_1292, %broadcast_in_dim3A_1296] : memref<128x4xf32, #tpu.memory_space<vmem>>[vector<16xi32>, vector<16xi32>], vector<16xf32>,
      %gather3A_1301 = tpu.vector_load_idx %arg18[%add3A_1292, %broadcast_in_dim3A_1298] : memref<128x4xf32, #tpu.memory_space<vmem>>[vector<16xi32>, vector<16xi32>], vector<16xf32>,
      %gather3A_1302 = tpu.vector_load_idx %arg19[%add3A_1292, %broadcast_in_dim3A_1294] : memref<128x4xf32, #tpu.memory_space<vmem>>[vector<16xi32>, vector<16xi32>], vector<16xf32>,
      %gather3A_1303 = tpu.vector_load_idx %arg19[%add3A_1292, %broadcast_in_dim3A_1296] : memref<128x4xf32, #tpu.memory_space<vmem>>[vector<16xi32>, vector<16xi32>], vector<16xf32>,
      %gather3A_1304 = tpu.vector_load_idx %arg19[%add3A_1292, %broadcast_in_dim3A_1298] : memref<128x4xf32, #tpu.memory_space<vmem>>[vector<16xi32>, vector<16xi32>], vector<16xf32>,
      %gather3A_1305 = tpu.vector_load_idx %arg20[%add3A_1292, %broadcast_in_dim3A_1294] : memref<128x4xf32, #tpu.memory_space<vmem>>[vector<16xi32>, vector<16xi32>], vector<16xf32>,
      %gather3A_1306 = tpu.vector_load_idx %arg20[%add3A_1292, %broadcast_in_dim3A_1296] : memref<128x4xf32, #tpu.memory_space<vmem>>[vector<16xi32>, vector<16xi32>], vector<16xf32>,
      %gather3A_1307 = tpu.vector_load_idx %arg20[%add3A_1292, %broadcast_in_dim3A_1298] : memref<128x4xf32, #tpu.memory_space<vmem>>[vector<16xi32>, vector<16xi32>], vector<16xf32>,
      %gather3A_1308 = tpu.vector_load_idx %arg21[%add3A_1292, %broadcast_in_dim3A_1294] : memref<128x4xf32, #tpu.memory_space<vmem>>[vector<16xi32>, vector<16xi32>], vector<16xf32>,
      %gather3A_1309 = tpu.vector_load_idx %arg21[%add3A_1292, %broadcast_in_dim3A_1296] : memref<128x4xf32, #tpu.memory_space<vmem>>[vector<16xi32>, vector<16xi32>], vector<16xf32>,
      %gather3A_1310 = tpu.vector_load_idx %arg21[%add3A_1292, %broadcast_in_dim3A_1298] : memref<128x4xf32, #tpu.memory_space<vmem>>[vector<16xi32>, vector<16xi32>], vector<16xf32>,
      %sub3A_1311 = arith.subf %gather3A_1299, %gather3A_1302 : vector<16xf32>
      %sub3A_1312 = arith.subf %gather3A_1300, %gather3A_1303 : vector<16xf32>
      %sub3A_1313 = arith.subf %gather3A_1301, %gather3A_1304 : vector<16xf32>
      %sub3A_1314 = arith.subf %gather3A_1305, %gather3A_1302 : vector<16xf32>
      %sub3A_1315 = arith.subf %gather3A_1306, %gather3A_1303 : vector<16xf32>
      %sub3A_1316 = arith.subf %gather3A_1307, %gather3A_1304 : vector<16xf32>
      %sub3A_1317 = arith.subf %gather3A_1308, %gather3A_1305 : vector<16xf32>
      %sub3A_1318 = arith.subf %gather3A_1309, %gather3A_1306 : vector<16xf32>
      %sub3A_1319 = arith.subf %gather3A_1310, %gather3A_1307 : vector<16xf32>
      %mul3A_1320 = arith.mulf %sub3A_1314, %sub3A_1314 : vector<16xf32>
      %mul3A_1321 = arith.mulf %sub3A_1315, %sub3A_1315 : vector<16xf32>
      %add3A_1322 = arith.addf %mul3A_1320, %mul3A_1321 : vector<16xf32>
      %mul3A_1323 = arith.mulf %sub3A_1316, %sub3A_1316 : vector<16xf32>
      %add3A_1324 = arith.addf %add3A_1322, %mul3A_1323 : vector<16xf32>
      %gt3A_1325 = arith.constant 0.000000e+00 : f32
      %gt3A_1326 = vector.broadcast %gt3A_1325 : f32 to vector<16xf32>
      %gt3A_1327 = arith.cmpf ogt, %add3A_1324, %gt3A_1326 : vector<16xf32>
      %jit3A_1328 = arith.constant 1.000000e+00 : f32
      %broadcast_in_dim3A_1329 = vector.broadcast %jit3A_1328 : f32 to vector<16xf32>
      %select_n3A_1330 = arith.select %gt3A_1327, %add3A_1324, %broadcast_in_dim3A_1329 : vector<16xi1>, vector<16xf32>
      %bitcast_convert_type3A_1331 = tpu.bitcast %select_n3A_1330 : vector<16xf32> -> vector<16xi32>
      %shift_right_arithmetic3A_1332 = arith.constant 1 : i32
      %shift_right_arithmetic3A_1333 = vector.broadcast %shift_right_arithmetic3A_1332 : i32 to vector<16xi32>
      %shift_right_arithmetic3A_1334 = arith.shrsi %bitcast_convert_type3A_1331, %shift_right_arithmetic3A_1333 : vector<16xi32>
      %sub3A_1335 = arith.constant 1597463007 : i32
      %sub3A_1336 = vector.broadcast %sub3A_1335 : i32 to vector<16xi32>
      %sub3A_1337 = arith.subi %sub3A_1336, %shift_right_arithmetic3A_1334 : vector<16xi32>
      %bitcast_convert_type3A_1338 = tpu.bitcast %sub3A_1337 : vector<16xi32> -> vector<16xf32>
      %mul3A_1339 = arith.constant 5.000000e-01 : f32
      %mul3A_1340 = vector.broadcast %mul3A_1339 : f32 to vector<16xf32>
      %mul3A_1341 = arith.mulf %mul3A_1340, %select_n3A_1330 : vector<16xf32>
      %mul3A_1342 = arith.mulf %mul3A_1341, %bitcast_convert_type3A_1338 : vector<16xf32>
      %mul3A_1343 = arith.mulf %mul3A_1342, %bitcast_convert_type3A_1338 : vector<16xf32>
      %sub3A_1344 = arith.constant 1.500000e+00 : f32
      %sub3A_1345 = vector.broadcast %sub3A_1344 : f32 to vector<16xf32>
      %sub3A_1346 = arith.subf %sub3A_1345, %mul3A_1343 : vector<16xf32>
      %mul3A_1347 = arith.mulf %bitcast_convert_type3A_1338, %sub3A_1346 : vector<16xf32>
      %mul3A_1348 = arith.constant 5.000000e-01 : f32
      %mul3A_1349 = vector.broadcast %mul3A_1348 : f32 to vector<16xf32>
      %mul3A_1350 = arith.mulf %mul3A_1349, %select_n3A_1330 : vector<16xf32>
      %mul3A_1351 = arith.mulf %mul3A_1350, %mul3A_1347 : vector<16xf32>
      %mul3A_1352 = arith.mulf %mul3A_1351, %mul3A_1347 : vector<16xf32>
      %sub3A_1353 = arith.constant 1.500000e+00 : f32
      %sub3A_1354 = vector.broadcast %sub3A_1353 : f32 to vector<16xf32>
      %sub3A_1355 = arith.subf %sub3A_1354, %mul3A_1352 : vector<16xf32>
      %mul3A_1356 = arith.mulf %mul3A_1347, %sub3A_1355 : vector<16xf32>
      %mul3A_1357 = arith.constant 5.000000e-01 : f32
      %mul3A_1358 = vector.broadcast %mul3A_1357 : f32 to vector<16xf32>
      %mul3A_1359 = arith.mulf %mul3A_1358, %select_n3A_1330 : vector<16xf32>
      %mul3A_1360 = arith.mulf %mul3A_1359, %mul3A_1356 : vector<16xf32>
      %mul3A_1361 = arith.mulf %mul3A_1360, %mul3A_1356 : vector<16xf32>
      %sub3A_1362 = arith.constant 1.500000e+00 : f32
      %sub3A_1363 = vector.broadcast %sub3A_1362 : f32 to vector<16xf32>
      %sub3A_1364 = arith.subf %sub3A_1363, %mul3A_1361 : vector<16xf32>
      %mul3A_1365 = arith.mulf %mul3A_1356, %sub3A_1364 : vector<16xf32>
      %jit3A_1366 = arith.constant 0.000000e+00 : f32
      %broadcast_in_dim3A_1367 = vector.broadcast %jit3A_1366 : f32 to vector<16xf32>
      %select_n3A_1368 = arith.select %gt3A_1327, %mul3A_1365, %broadcast_in_dim3A_1367 : vector<16xi1>, vector<16xf32>
      %mul3A_1369 = arith.mulf %sub3A_1314, %select_n3A_1368 : vector<16xf32>
      %mul3A_1370 = arith.mulf %sub3A_1315, %select_n3A_1368 : vector<16xf32>
      %mul3A_1371 = arith.mulf %sub3A_1316, %select_n3A_1368 : vector<16xf32>
      %mul3A_1372 = arith.mulf %sub3A_1311, %mul3A_1369 : vector<16xf32>
      %mul3A_1373 = arith.mulf %sub3A_1312, %mul3A_1370 : vector<16xf32>
      %add3A_1374 = arith.addf %mul3A_1372, %mul3A_1373 : vector<16xf32>
      %mul3A_1375 = arith.mulf %sub3A_1313, %mul3A_1371 : vector<16xf32>
      %add3A_1376 = arith.addf %add3A_1374, %mul3A_1375 : vector<16xf32>
      %mul3A_1377 = arith.mulf %sub3A_1317, %mul3A_1369 : vector<16xf32>
      %mul3A_1378 = arith.mulf %sub3A_1318, %mul3A_1370 : vector<16xf32>
      %add3A_1379 = arith.addf %mul3A_1377, %mul3A_1378 : vector<16xf32>
      %mul3A_1380 = arith.mulf %sub3A_1319, %mul3A_1371 : vector<16xf32>
      %add3A_1381 = arith.addf %add3A_1379, %mul3A_1380 : vector<16xf32>
      %mul3A_1382 = arith.mulf %add3A_1376, %mul3A_1369 : vector<16xf32>
      %sub3A_1383 = arith.subf %sub3A_1311, %mul3A_1382 : vector<16xf32>
      %mul3A_1384 = arith.mulf %add3A_1376, %mul3A_1370 : vector<16xf32>
      %sub3A_1385 = arith.subf %sub3A_1312, %mul3A_1384 : vector<16xf32>
      %mul3A_1386 = arith.mulf %add3A_1376, %mul3A_1371 : vector<16xf32>
      %sub3A_1387 = arith.subf %sub3A_1313, %mul3A_1386 : vector<16xf32>
      %mul3A_1388 = arith.mulf %add3A_1381, %mul3A_1369 : vector<16xf32>
      %sub3A_1389 = arith.subf %sub3A_1317, %mul3A_1388 : vector<16xf32>
      %mul3A_1390 = arith.mulf %add3A_1381, %mul3A_1370 : vector<16xf32>
      %sub3A_1391 = arith.subf %sub3A_1318, %mul3A_1390 : vector<16xf32>
      %mul3A_1392 = arith.mulf %add3A_1381, %mul3A_1371 : vector<16xf32>
      %sub3A_1393 = arith.subf %sub3A_1319, %mul3A_1392 : vector<16xf32>
      %mul3A_1394 = arith.mulf %sub3A_1383, %sub3A_1389 : vector<16xf32>
      %mul3A_1395 = arith.mulf %sub3A_1385, %sub3A_1391 : vector<16xf32>
      %add3A_1396 = arith.addf %mul3A_1394, %mul3A_1395 : vector<16xf32>
      %mul3A_1397 = arith.mulf %sub3A_1387, %sub3A_1393 : vector<16xf32>
      %add3A_1398 = arith.addf %add3A_1396, %mul3A_1397 : vector<16xf32>
      %mul3A_1399 = arith.mulf %mul3A_1370, %sub3A_1387 : vector<16xf32>
      %mul3A_1400 = arith.mulf %mul3A_1371, %sub3A_1385 : vector<16xf32>
      %sub3A_1401 = arith.subf %mul3A_1399, %mul3A_1400 : vector<16xf32>
      %mul3A_1402 = arith.mulf %mul3A_1371, %sub3A_1383 : vector<16xf32>
      %mul3A_1403 = arith.mulf %mul3A_1369, %sub3A_1387 : vector<16xf32>
      %sub3A_1404 = arith.subf %mul3A_1402, %mul3A_1403 : vector<16xf32>
      %mul3A_1405 = arith.mulf %mul3A_1369, %sub3A_1385 : vector<16xf32>
      %mul3A_1406 = arith.mulf %mul3A_1370, %sub3A_1383 : vector<16xf32>
      %sub3A_1407 = arith.subf %mul3A_1405, %mul3A_1406 : vector<16xf32>
      %mul3A_1408 = arith.mulf %sub3A_1401, %sub3A_1389 : vector<16xf32>
      %mul3A_1409 = arith.mulf %sub3A_1404, %sub3A_1391 : vector<16xf32>
      %add3A_1410 = arith.addf %mul3A_1408, %mul3A_1409 : vector<16xf32>
      %mul3A_1411 = arith.mulf %sub3A_1407, %sub3A_1393 : vector<16xf32>
      %add3A_1412 = arith.addf %add3A_1410, %mul3A_1411 : vector<16xf32>
      %mul3A_1413 = arith.mulf %add3A_1398, %add3A_1398 : vector<16xf32>
      %mul3A_1414 = arith.mulf %add3A_1412, %add3A_1412 : vector<16xf32>
      %add3A_1415 = arith.addf %mul3A_1413, %mul3A_1414 : vector<16xf32>
      %gt3A_1416 = arith.constant 0.000000e+00 : f32
      %gt3A_1417 = vector.broadcast %gt3A_1416 : f32 to vector<16xf32>
      %gt3A_1418 = arith.cmpf ogt, %add3A_1415, %gt3A_1417 : vector<16xf32>
      %jit3A_1419 = arith.constant 1.000000e+00 : f32
      %broadcast_in_dim3A_1420 = vector.broadcast %jit3A_1419 : f32 to vector<16xf32>
      %select_n3A_1421 = arith.select %gt3A_1418, %add3A_1415, %broadcast_in_dim3A_1420 : vector<16xi1>, vector<16xf32>
      %bitcast_convert_type3A_1422 = tpu.bitcast %select_n3A_1421 : vector<16xf32> -> vector<16xi32>
      %shift_right_arithmetic3A_1423 = arith.constant 1 : i32
      %shift_right_arithmetic3A_1424 = vector.broadcast %shift_right_arithmetic3A_1423 : i32 to vector<16xi32>
      %shift_right_arithmetic3A_1425 = arith.shrsi %bitcast_convert_type3A_1422, %shift_right_arithmetic3A_1424 : vector<16xi32>
      %sub3A_1426 = arith.constant 1597463007 : i32
      %sub3A_1427 = vector.broadcast %sub3A_1426 : i32 to vector<16xi32>
      %sub3A_1428 = arith.subi %sub3A_1427, %shift_right_arithmetic3A_1425 : vector<16xi32>
      %bitcast_convert_type3A_1429 = tpu.bitcast %sub3A_1428 : vector<16xi32> -> vector<16xf32>
      %mul3A_1430 = arith.constant 5.000000e-01 : f32
      %mul3A_1431 = vector.broadcast %mul3A_1430 : f32 to vector<16xf32>
      %mul3A_1432 = arith.mulf %mul3A_1431, %select_n3A_1421 : vector<16xf32>
      %mul3A_1433 = arith.mulf %mul3A_1432, %bitcast_convert_type3A_1429 : vector<16xf32>
      %mul3A_1434 = arith.mulf %mul3A_1433, %bitcast_convert_type3A_1429 : vector<16xf32>
      %sub3A_1435 = arith.constant 1.500000e+00 : f32
      %sub3A_1436 = vector.broadcast %sub3A_1435 : f32 to vector<16xf32>
      %sub3A_1437 = arith.subf %sub3A_1436, %mul3A_1434 : vector<16xf32>
      %mul3A_1438 = arith.mulf %bitcast_convert_type3A_1429, %sub3A_1437 : vector<16xf32>
      %mul3A_1439 = arith.constant 5.000000e-01 : f32
      %mul3A_1440 = vector.broadcast %mul3A_1439 : f32 to vector<16xf32>
      %mul3A_1441 = arith.mulf %mul3A_1440, %select_n3A_1421 : vector<16xf32>
      %mul3A_1442 = arith.mulf %mul3A_1441, %mul3A_1438 : vector<16xf32>
      %mul3A_1443 = arith.mulf %mul3A_1442, %mul3A_1438 : vector<16xf32>
      %sub3A_1444 = arith.constant 1.500000e+00 : f32
      %sub3A_1445 = vector.broadcast %sub3A_1444 : f32 to vector<16xf32>
      %sub3A_1446 = arith.subf %sub3A_1445, %mul3A_1443 : vector<16xf32>
      %mul3A_1447 = arith.mulf %mul3A_1438, %sub3A_1446 : vector<16xf32>
      %mul3A_1448 = arith.constant 5.000000e-01 : f32
      %mul3A_1449 = vector.broadcast %mul3A_1448 : f32 to vector<16xf32>
      %mul3A_1450 = arith.mulf %mul3A_1449, %select_n3A_1421 : vector<16xf32>
      %mul3A_1451 = arith.mulf %mul3A_1450, %mul3A_1447 : vector<16xf32>
      %mul3A_1452 = arith.mulf %mul3A_1451, %mul3A_1447 : vector<16xf32>
      %sub3A_1453 = arith.constant 1.500000e+00 : f32
      %sub3A_1454 = vector.broadcast %sub3A_1453 : f32 to vector<16xf32>
      %sub3A_1455 = arith.subf %sub3A_1454, %mul3A_1452 : vector<16xf32>
      %mul3A_1456 = arith.mulf %mul3A_1447, %sub3A_1455 : vector<16xf32>
      %jit3A_1457 = arith.constant 0.000000e+00 : f32
      %broadcast_in_dim3A_1458 = vector.broadcast %jit3A_1457 : f32 to vector<16xf32>
      %select_n3A_1459 = arith.select %gt3A_1418, %mul3A_1456, %broadcast_in_dim3A_1458 : vector<16xi1>, vector<16xf32>
      %mul3A_1460 = arith.mulf %add3A_1398, %select_n3A_1459 : vector<16xf32>
      %jit3A_1461 = arith.constant 1.000000e+00 : f32
      %broadcast_in_dim3A_1462 = vector.broadcast %jit3A_1461 : f32 to vector<16xf32>
      %select_n3A_1463 = arith.select %gt3A_1418, %mul3A_1460, %broadcast_in_dim3A_1462 : vector<16xi1>, vector<16xf32>
      %mul3A_1464 = arith.mulf %add3A_1412, %select_n3A_1459 : vector<16xf32>
      %mul3A_1465 = arith.mulf %select_n3A_1463, %select_n3A_1463 : vector<16xf32>
      %mul3A_1466 = arith.mulf %mul3A_1464, %mul3A_1464 : vector<16xf32>
      %sub3A_1467 = arith.subf %mul3A_1465, %mul3A_1466 : vector<16xf32>
      %mul3A_1468 = arith.constant 2.000000e+00 : f32
      %mul3A_1469 = vector.broadcast %mul3A_1468 : f32 to vector<16xf32>
      %mul3A_1470 = arith.mulf %mul3A_1469, %select_n3A_1463 : vector<16xf32>
      %mul3A_1471 = arith.mulf %mul3A_1470, %mul3A_1464 : vector<16xf32>
      %mul3A_1472 = arith.mulf %select_n3A_1463, %sub3A_1467 : vector<16xf32>
      %mul3A_1473 = arith.mulf %mul3A_1464, %mul3A_1471 : vector<16xf32>
      %sub3A_1474 = arith.subf %mul3A_1472, %mul3A_1473 : vector<16xf32>
      %mul3A_1475 = arith.mulf %mul3A_1464, %sub3A_1467 : vector<16xf32>
      %mul3A_1476 = arith.mulf %select_n3A_1463, %mul3A_1471 : vector<16xf32>
      %add3A_1477 = arith.addf %mul3A_1475, %mul3A_1476 : vector<16xf32>
      %gather3A_1478 = tpu.vector_load_idx %arg22[%add3A_1292, %broadcast_in_dim3A_1294] : memref<128x8xf32, #tpu.memory_space<vmem>>[vector<16xi32>, vector<16xi32>], vector<16xf32>,
      %gather3A_1479 = tpu.vector_load_idx %arg22[%add3A_1292, %broadcast_in_dim3A_1296] : memref<128x8xf32, #tpu.memory_space<vmem>>[vector<16xi32>, vector<16xi32>], vector<16xf32>,
      %gather3A_1480 = tpu.vector_load_idx %arg22[%add3A_1292, %broadcast_in_dim3A_1298] : memref<128x8xf32, #tpu.memory_space<vmem>>[vector<16xi32>, vector<16xi32>], vector<16xf32>,
      %broadcast_in_dim3A_1481 = arith.constant 3 : i32
      %broadcast_in_dim3A_1482 = vector.broadcast %broadcast_in_dim3A_1481 : i32 to vector<16xi32>
      %gather3A_1483 = tpu.vector_load_idx %arg22[%add3A_1292, %broadcast_in_dim3A_1482] : memref<128x8xf32, #tpu.memory_space<vmem>>[vector<16xi32>, vector<16xi32>], vector<16xf32>,
      %broadcast_in_dim3A_1484 = arith.constant 4 : i32
      %broadcast_in_dim3A_1485 = vector.broadcast %broadcast_in_dim3A_1484 : i32 to vector<16xi32>
      %gather3A_1486 = tpu.vector_load_idx %arg22[%add3A_1292, %broadcast_in_dim3A_1485] : memref<128x8xf32, #tpu.memory_space<vmem>>[vector<16xi32>, vector<16xi32>], vector<16xf32>,
      %broadcast_in_dim3A_1487 = arith.constant 5 : i32
      %broadcast_in_dim3A_1488 = vector.broadcast %broadcast_in_dim3A_1487 : i32 to vector<16xi32>
      %gather3A_1489 = tpu.vector_load_idx %arg22[%add3A_1292, %broadcast_in_dim3A_1488] : memref<128x8xf32, #tpu.memory_space<vmem>>[vector<16xi32>, vector<16xi32>], vector<16xf32>,
      %broadcast_in_dim3A_1490 = arith.constant 6 : i32
      %broadcast_in_dim3A_1491 = vector.broadcast %broadcast_in_dim3A_1490 : i32 to vector<16xi32>
      %gather3A_1492 = tpu.vector_load_idx %arg22[%add3A_1292, %broadcast_in_dim3A_1491] : memref<128x8xf32, #tpu.memory_space<vmem>>[vector<16xi32>, vector<16xi32>], vector<16xf32>,
      %mul3A_1493 = arith.mulf %gather3A_1479, %select_n3A_1463 : vector<16xf32>
      %mul3A_1494 = arith.mulf %gather3A_1480, %mul3A_1464 : vector<16xf32>
      %add3A_1495 = arith.addf %mul3A_1493, %mul3A_1494 : vector<16xf32>
      %mul3A_1496 = arith.mulf %gather3A_1483, %sub3A_1467 : vector<16xf32>
      %add3A_1497 = arith.addf %add3A_1495, %mul3A_1496 : vector<16xf32>
      %mul3A_1498 = arith.mulf %gather3A_1486, %mul3A_1471 : vector<16xf32>
      %add3A_1499 = arith.addf %add3A_1497, %mul3A_1498 : vector<16xf32>
      %mul3A_1500 = arith.mulf %gather3A_1489, %sub3A_1474 : vector<16xf32>
      %add3A_1501 = arith.addf %add3A_1499, %mul3A_1500 : vector<16xf32>
      %mul3A_1502 = arith.mulf %gather3A_1492, %add3A_1477 : vector<16xf32>
      %add3A_1503 = arith.addf %add3A_1501, %mul3A_1502 : vector<16xf32>
      %sub3A_1504 = arith.subf %gather3A_1478, %add3A_1503 : vector<16xf32>
      %add3A_1505 = arith.constant 48 : i32
      %add3A_1506 = arith.addi %add3A_348, %add3A_1505 : i32
      %add3A_1507 = vector.broadcast %add3A_1506 : i32 to vector<16xi32>
      %add3A_1508 = arith.addi %add3A_1507, %iota3A : vector<16xi32>
      %lt3A_1509 = arith.constant 800000 : i32
      %lt3A_1510 = vector.broadcast %lt3A_1509 : i32 to vector<16xi32>
      %lt3A_1511 = arith.cmpi slt, %add3A_1508, %lt3A_1510 : vector<16xi32>
      %jit3A_1512 = arith.constant 0.000000e+00 : f32
      %broadcast_in_dim3A_1513 = vector.broadcast %jit3A_1512 : f32 to vector<16xf32>
      %select_n3A_1514 = arith.select %lt3A_1511, %sub3A_1504, %broadcast_in_dim3A_1513 : vector<16xi1>, vector<16xf32>
      %mul3A_1515 = arith.constant 64 : i32
      %mul3A_1516 = vector.broadcast %mul3A_1515 : i32 to vector<16xi32>
      %mul3A_1517 = arith.muli %iota3A, %mul3A_1516 : vector<16xi32>
      %get3A_1518 = arith.constant 48 : index
      %get3A_1519 = tpu.vector_load %arg16[%get3A_1518] {strides = array<i32>} : memref<128xi32, #tpu.memory_space<vmem>>, vector<16xi32>,
      %add3A_1520 = arith.addi %mul3A_1517, %get3A_1519 : vector<16xi32>
      tpu.vector_store_idx %arg23[%add3A_1520], %select_n3A_1514 {add = true} : memref<1024xf32, #tpu.memory_space<vmem>>[vector<16xi32>], vector<16xf32>,
      %add3A_1521 = arith.constant 64 : i32
      %add3A_1522 = vector.broadcast %add3A_1521 : i32 to vector<16xi32>
      %add3A_1523 = arith.addi %iota3A, %add3A_1522 : vector<16xi32>
      %broadcast_in_dim3A_1524 = arith.constant 0 : i32
      %broadcast_in_dim3A_1525 = vector.broadcast %broadcast_in_dim3A_1524 : i32 to vector<16xi32>
      %broadcast_in_dim3A_1526 = arith.constant 1 : i32
      %broadcast_in_dim3A_1527 = vector.broadcast %broadcast_in_dim3A_1526 : i32 to vector<16xi32>
      %broadcast_in_dim3A_1528 = arith.constant 2 : i32
      %broadcast_in_dim3A_1529 = vector.broadcast %broadcast_in_dim3A_1528 : i32 to vector<16xi32>
      %gather3A_1530 = tpu.vector_load_idx %arg18[%add3A_1523, %broadcast_in_dim3A_1525] : memref<128x4xf32, #tpu.memory_space<vmem>>[vector<16xi32>, vector<16xi32>], vector<16xf32>,
      %gather3A_1531 = tpu.vector_load_idx %arg18[%add3A_1523, %broadcast_in_dim3A_1527] : memref<128x4xf32, #tpu.memory_space<vmem>>[vector<16xi32>, vector<16xi32>], vector<16xf32>,
      %gather3A_1532 = tpu.vector_load_idx %arg18[%add3A_1523, %broadcast_in_dim3A_1529] : memref<128x4xf32, #tpu.memory_space<vmem>>[vector<16xi32>, vector<16xi32>], vector<16xf32>,
      %gather3A_1533 = tpu.vector_load_idx %arg19[%add3A_1523, %broadcast_in_dim3A_1525] : memref<128x4xf32, #tpu.memory_space<vmem>>[vector<16xi32>, vector<16xi32>], vector<16xf32>,
      %gather3A_1534 = tpu.vector_load_idx %arg19[%add3A_1523, %broadcast_in_dim3A_1527] : memref<128x4xf32, #tpu.memory_space<vmem>>[vector<16xi32>, vector<16xi32>], vector<16xf32>,
      %gather3A_1535 = tpu.vector_load_idx %arg19[%add3A_1523, %broadcast_in_dim3A_1529] : memref<128x4xf32, #tpu.memory_space<vmem>>[vector<16xi32>, vector<16xi32>], vector<16xf32>,
      %gather3A_1536 = tpu.vector_load_idx %arg20[%add3A_1523, %broadcast_in_dim3A_1525] : memref<128x4xf32, #tpu.memory_space<vmem>>[vector<16xi32>, vector<16xi32>], vector<16xf32>,
      %gather3A_1537 = tpu.vector_load_idx %arg20[%add3A_1523, %broadcast_in_dim3A_1527] : memref<128x4xf32, #tpu.memory_space<vmem>>[vector<16xi32>, vector<16xi32>], vector<16xf32>,
      %gather3A_1538 = tpu.vector_load_idx %arg20[%add3A_1523, %broadcast_in_dim3A_1529] : memref<128x4xf32, #tpu.memory_space<vmem>>[vector<16xi32>, vector<16xi32>], vector<16xf32>,
      %gather3A_1539 = tpu.vector_load_idx %arg21[%add3A_1523, %broadcast_in_dim3A_1525] : memref<128x4xf32, #tpu.memory_space<vmem>>[vector<16xi32>, vector<16xi32>], vector<16xf32>,
      %gather3A_1540 = tpu.vector_load_idx %arg21[%add3A_1523, %broadcast_in_dim3A_1527] : memref<128x4xf32, #tpu.memory_space<vmem>>[vector<16xi32>, vector<16xi32>], vector<16xf32>,
      %gather3A_1541 = tpu.vector_load_idx %arg21[%add3A_1523, %broadcast_in_dim3A_1529] : memref<128x4xf32, #tpu.memory_space<vmem>>[vector<16xi32>, vector<16xi32>], vector<16xf32>,
      %sub3A_1542 = arith.subf %gather3A_1530, %gather3A_1533 : vector<16xf32>
      %sub3A_1543 = arith.subf %gather3A_1531, %gather3A_1534 : vector<16xf32>
      %sub3A_1544 = arith.subf %gather3A_1532, %gather3A_1535 : vector<16xf32>
      %sub3A_1545 = arith.subf %gather3A_1536, %gather3A_1533 : vector<16xf32>
      %sub3A_1546 = arith.subf %gather3A_1537, %gather3A_1534 : vector<16xf32>
      %sub3A_1547 = arith.subf %gather3A_1538, %gather3A_1535 : vector<16xf32>
      %sub3A_1548 = arith.subf %gather3A_1539, %gather3A_1536 : vector<16xf32>
      %sub3A_1549 = arith.subf %gather3A_1540, %gather3A_1537 : vector<16xf32>
      %sub3A_1550 = arith.subf %gather3A_1541, %gather3A_1538 : vector<16xf32>
      %mul3A_1551 = arith.mulf %sub3A_1545, %sub3A_1545 : vector<16xf32>
      %mul3A_1552 = arith.mulf %sub3A_1546, %sub3A_1546 : vector<16xf32>
      %add3A_1553 = arith.addf %mul3A_1551, %mul3A_1552 : vector<16xf32>
      %mul3A_1554 = arith.mulf %sub3A_1547, %sub3A_1547 : vector<16xf32>
      %add3A_1555 = arith.addf %add3A_1553, %mul3A_1554 : vector<16xf32>
      %gt3A_1556 = arith.constant 0.000000e+00 : f32
      %gt3A_1557 = vector.broadcast %gt3A_1556 : f32 to vector<16xf32>
      %gt3A_1558 = arith.cmpf ogt, %add3A_1555, %gt3A_1557 : vector<16xf32>
      %jit3A_1559 = arith.constant 1.000000e+00 : f32
      %broadcast_in_dim3A_1560 = vector.broadcast %jit3A_1559 : f32 to vector<16xf32>
      %select_n3A_1561 = arith.select %gt3A_1558, %add3A_1555, %broadcast_in_dim3A_1560 : vector<16xi1>, vector<16xf32>
      %bitcast_convert_type3A_1562 = tpu.bitcast %select_n3A_1561 : vector<16xf32> -> vector<16xi32>
      %shift_right_arithmetic3A_1563 = arith.constant 1 : i32
      %shift_right_arithmetic3A_1564 = vector.broadcast %shift_right_arithmetic3A_1563 : i32 to vector<16xi32>
      %shift_right_arithmetic3A_1565 = arith.shrsi %bitcast_convert_type3A_1562, %shift_right_arithmetic3A_1564 : vector<16xi32>
      %sub3A_1566 = arith.constant 1597463007 : i32
      %sub3A_1567 = vector.broadcast %sub3A_1566 : i32 to vector<16xi32>
      %sub3A_1568 = arith.subi %sub3A_1567, %shift_right_arithmetic3A_1565 : vector<16xi32>
      %bitcast_convert_type3A_1569 = tpu.bitcast %sub3A_1568 : vector<16xi32> -> vector<16xf32>
      %mul3A_1570 = arith.constant 5.000000e-01 : f32
      %mul3A_1571 = vector.broadcast %mul3A_1570 : f32 to vector<16xf32>
      %mul3A_1572 = arith.mulf %mul3A_1571, %select_n3A_1561 : vector<16xf32>
      %mul3A_1573 = arith.mulf %mul3A_1572, %bitcast_convert_type3A_1569 : vector<16xf32>
      %mul3A_1574 = arith.mulf %mul3A_1573, %bitcast_convert_type3A_1569 : vector<16xf32>
      %sub3A_1575 = arith.constant 1.500000e+00 : f32
      %sub3A_1576 = vector.broadcast %sub3A_1575 : f32 to vector<16xf32>
      %sub3A_1577 = arith.subf %sub3A_1576, %mul3A_1574 : vector<16xf32>
      %mul3A_1578 = arith.mulf %bitcast_convert_type3A_1569, %sub3A_1577 : vector<16xf32>
      %mul3A_1579 = arith.constant 5.000000e-01 : f32
      %mul3A_1580 = vector.broadcast %mul3A_1579 : f32 to vector<16xf32>
      %mul3A_1581 = arith.mulf %mul3A_1580, %select_n3A_1561 : vector<16xf32>
      %mul3A_1582 = arith.mulf %mul3A_1581, %mul3A_1578 : vector<16xf32>
      %mul3A_1583 = arith.mulf %mul3A_1582, %mul3A_1578 : vector<16xf32>
      %sub3A_1584 = arith.constant 1.500000e+00 : f32
      %sub3A_1585 = vector.broadcast %sub3A_1584 : f32 to vector<16xf32>
      %sub3A_1586 = arith.subf %sub3A_1585, %mul3A_1583 : vector<16xf32>
      %mul3A_1587 = arith.mulf %mul3A_1578, %sub3A_1586 : vector<16xf32>
      %mul3A_1588 = arith.constant 5.000000e-01 : f32
      %mul3A_1589 = vector.broadcast %mul3A_1588 : f32 to vector<16xf32>
      %mul3A_1590 = arith.mulf %mul3A_1589, %select_n3A_1561 : vector<16xf32>
      %mul3A_1591 = arith.mulf %mul3A_1590, %mul3A_1587 : vector<16xf32>
      %mul3A_1592 = arith.mulf %mul3A_1591, %mul3A_1587 : vector<16xf32>
      %sub3A_1593 = arith.constant 1.500000e+00 : f32
      %sub3A_1594 = vector.broadcast %sub3A_1593 : f32 to vector<16xf32>
      %sub3A_1595 = arith.subf %sub3A_1594, %mul3A_1592 : vector<16xf32>
      %mul3A_1596 = arith.mulf %mul3A_1587, %sub3A_1595 : vector<16xf32>
      %jit3A_1597 = arith.constant 0.000000e+00 : f32
      %broadcast_in_dim3A_1598 = vector.broadcast %jit3A_1597 : f32 to vector<16xf32>
      %select_n3A_1599 = arith.select %gt3A_1558, %mul3A_1596, %broadcast_in_dim3A_1598 : vector<16xi1>, vector<16xf32>
      %mul3A_1600 = arith.mulf %sub3A_1545, %select_n3A_1599 : vector<16xf32>
      %mul3A_1601 = arith.mulf %sub3A_1546, %select_n3A_1599 : vector<16xf32>
      %mul3A_1602 = arith.mulf %sub3A_1547, %select_n3A_1599 : vector<16xf32>
      %mul3A_1603 = arith.mulf %sub3A_1542, %mul3A_1600 : vector<16xf32>
      %mul3A_1604 = arith.mulf %sub3A_1543, %mul3A_1601 : vector<16xf32>
      %add3A_1605 = arith.addf %mul3A_1603, %mul3A_1604 : vector<16xf32>
      %mul3A_1606 = arith.mulf %sub3A_1544, %mul3A_1602 : vector<16xf32>
      %add3A_1607 = arith.addf %add3A_1605, %mul3A_1606 : vector<16xf32>
      %mul3A_1608 = arith.mulf %sub3A_1548, %mul3A_1600 : vector<16xf32>
      %mul3A_1609 = arith.mulf %sub3A_1549, %mul3A_1601 : vector<16xf32>
      %add3A_1610 = arith.addf %mul3A_1608, %mul3A_1609 : vector<16xf32>
      %mul3A_1611 = arith.mulf %sub3A_1550, %mul3A_1602 : vector<16xf32>
      %add3A_1612 = arith.addf %add3A_1610, %mul3A_1611 : vector<16xf32>
      %mul3A_1613 = arith.mulf %add3A_1607, %mul3A_1600 : vector<16xf32>
      %sub3A_1614 = arith.subf %sub3A_1542, %mul3A_1613 : vector<16xf32>
      %mul3A_1615 = arith.mulf %add3A_1607, %mul3A_1601 : vector<16xf32>
      %sub3A_1616 = arith.subf %sub3A_1543, %mul3A_1615 : vector<16xf32>
      %mul3A_1617 = arith.mulf %add3A_1607, %mul3A_1602 : vector<16xf32>
      %sub3A_1618 = arith.subf %sub3A_1544, %mul3A_1617 : vector<16xf32>
      %mul3A_1619 = arith.mulf %add3A_1612, %mul3A_1600 : vector<16xf32>
      %sub3A_1620 = arith.subf %sub3A_1548, %mul3A_1619 : vector<16xf32>
      %mul3A_1621 = arith.mulf %add3A_1612, %mul3A_1601 : vector<16xf32>
      %sub3A_1622 = arith.subf %sub3A_1549, %mul3A_1621 : vector<16xf32>
      %mul3A_1623 = arith.mulf %add3A_1612, %mul3A_1602 : vector<16xf32>
      %sub3A_1624 = arith.subf %sub3A_1550, %mul3A_1623 : vector<16xf32>
      %mul3A_1625 = arith.mulf %sub3A_1614, %sub3A_1620 : vector<16xf32>
      %mul3A_1626 = arith.mulf %sub3A_1616, %sub3A_1622 : vector<16xf32>
      %add3A_1627 = arith.addf %mul3A_1625, %mul3A_1626 : vector<16xf32>
      %mul3A_1628 = arith.mulf %sub3A_1618, %sub3A_1624 : vector<16xf32>
      %add3A_1629 = arith.addf %add3A_1627, %mul3A_1628 : vector<16xf32>
      %mul3A_1630 = arith.mulf %mul3A_1601, %sub3A_1618 : vector<16xf32>
      %mul3A_1631 = arith.mulf %mul3A_1602, %sub3A_1616 : vector<16xf32>
      %sub3A_1632 = arith.subf %mul3A_1630, %mul3A_1631 : vector<16xf32>
      %mul3A_1633 = arith.mulf %mul3A_1602, %sub3A_1614 : vector<16xf32>
      %mul3A_1634 = arith.mulf %mul3A_1600, %sub3A_1618 : vector<16xf32>
      %sub3A_1635 = arith.subf %mul3A_1633, %mul3A_1634 : vector<16xf32>
      %mul3A_1636 = arith.mulf %mul3A_1600, %sub3A_1616 : vector<16xf32>
      %mul3A_1637 = arith.mulf %mul3A_1601, %sub3A_1614 : vector<16xf32>
      %sub3A_1638 = arith.subf %mul3A_1636, %mul3A_1637 : vector<16xf32>
      %mul3A_1639 = arith.mulf %sub3A_1632, %sub3A_1620 : vector<16xf32>
      %mul3A_1640 = arith.mulf %sub3A_1635, %sub3A_1622 : vector<16xf32>
      %add3A_1641 = arith.addf %mul3A_1639, %mul3A_1640 : vector<16xf32>
      %mul3A_1642 = arith.mulf %sub3A_1638, %sub3A_1624 : vector<16xf32>
      %add3A_1643 = arith.addf %add3A_1641, %mul3A_1642 : vector<16xf32>
      %mul3A_1644 = arith.mulf %add3A_1629, %add3A_1629 : vector<16xf32>
      %mul3A_1645 = arith.mulf %add3A_1643, %add3A_1643 : vector<16xf32>
      %add3A_1646 = arith.addf %mul3A_1644, %mul3A_1645 : vector<16xf32>
      %gt3A_1647 = arith.constant 0.000000e+00 : f32
      %gt3A_1648 = vector.broadcast %gt3A_1647 : f32 to vector<16xf32>
      %gt3A_1649 = arith.cmpf ogt, %add3A_1646, %gt3A_1648 : vector<16xf32>
      %jit3A_1650 = arith.constant 1.000000e+00 : f32
      %broadcast_in_dim3A_1651 = vector.broadcast %jit3A_1650 : f32 to vector<16xf32>
      %select_n3A_1652 = arith.select %gt3A_1649, %add3A_1646, %broadcast_in_dim3A_1651 : vector<16xi1>, vector<16xf32>
      %bitcast_convert_type3A_1653 = tpu.bitcast %select_n3A_1652 : vector<16xf32> -> vector<16xi32>
      %shift_right_arithmetic3A_1654 = arith.constant 1 : i32
      %shift_right_arithmetic3A_1655 = vector.broadcast %shift_right_arithmetic3A_1654 : i32 to vector<16xi32>
      %shift_right_arithmetic3A_1656 = arith.shrsi %bitcast_convert_type3A_1653, %shift_right_arithmetic3A_1655 : vector<16xi32>
      %sub3A_1657 = arith.constant 1597463007 : i32
      %sub3A_1658 = vector.broadcast %sub3A_1657 : i32 to vector<16xi32>
      %sub3A_1659 = arith.subi %sub3A_1658, %shift_right_arithmetic3A_1656 : vector<16xi32>
      %bitcast_convert_type3A_1660 = tpu.bitcast %sub3A_1659 : vector<16xi32> -> vector<16xf32>
      %mul3A_1661 = arith.constant 5.000000e-01 : f32
      %mul3A_1662 = vector.broadcast %mul3A_1661 : f32 to vector<16xf32>
      %mul3A_1663 = arith.mulf %mul3A_1662, %select_n3A_1652 : vector<16xf32>
      %mul3A_1664 = arith.mulf %mul3A_1663, %bitcast_convert_type3A_1660 : vector<16xf32>
      %mul3A_1665 = arith.mulf %mul3A_1664, %bitcast_convert_type3A_1660 : vector<16xf32>
      %sub3A_1666 = arith.constant 1.500000e+00 : f32
      %sub3A_1667 = vector.broadcast %sub3A_1666 : f32 to vector<16xf32>
      %sub3A_1668 = arith.subf %sub3A_1667, %mul3A_1665 : vector<16xf32>
      %mul3A_1669 = arith.mulf %bitcast_convert_type3A_1660, %sub3A_1668 : vector<16xf32>
      %mul3A_1670 = arith.constant 5.000000e-01 : f32
      %mul3A_1671 = vector.broadcast %mul3A_1670 : f32 to vector<16xf32>
      %mul3A_1672 = arith.mulf %mul3A_1671, %select_n3A_1652 : vector<16xf32>
      %mul3A_1673 = arith.mulf %mul3A_1672, %mul3A_1669 : vector<16xf32>
      %mul3A_1674 = arith.mulf %mul3A_1673, %mul3A_1669 : vector<16xf32>
      %sub3A_1675 = arith.constant 1.500000e+00 : f32
      %sub3A_1676 = vector.broadcast %sub3A_1675 : f32 to vector<16xf32>
      %sub3A_1677 = arith.subf %sub3A_1676, %mul3A_1674 : vector<16xf32>
      %mul3A_1678 = arith.mulf %mul3A_1669, %sub3A_1677 : vector<16xf32>
      %mul3A_1679 = arith.constant 5.000000e-01 : f32
      %mul3A_1680 = vector.broadcast %mul3A_1679 : f32 to vector<16xf32>
      %mul3A_1681 = arith.mulf %mul3A_1680, %select_n3A_1652 : vector<16xf32>
      %mul3A_1682 = arith.mulf %mul3A_1681, %mul3A_1678 : vector<16xf32>
      %mul3A_1683 = arith.mulf %mul3A_1682, %mul3A_1678 : vector<16xf32>
      %sub3A_1684 = arith.constant 1.500000e+00 : f32
      %sub3A_1685 = vector.broadcast %sub3A_1684 : f32 to vector<16xf32>
      %sub3A_1686 = arith.subf %sub3A_1685, %mul3A_1683 : vector<16xf32>
      %mul3A_1687 = arith.mulf %mul3A_1678, %sub3A_1686 : vector<16xf32>
      %jit3A_1688 = arith.constant 0.000000e+00 : f32
      %broadcast_in_dim3A_1689 = vector.broadcast %jit3A_1688 : f32 to vector<16xf32>
      %select_n3A_1690 = arith.select %gt3A_1649, %mul3A_1687, %broadcast_in_dim3A_1689 : vector<16xi1>, vector<16xf32>
      %mul3A_1691 = arith.mulf %add3A_1629, %select_n3A_1690 : vector<16xf32>
      %jit3A_1692 = arith.constant 1.000000e+00 : f32
      %broadcast_in_dim3A_1693 = vector.broadcast %jit3A_1692 : f32 to vector<16xf32>
      %select_n3A_1694 = arith.select %gt3A_1649, %mul3A_1691, %broadcast_in_dim3A_1693 : vector<16xi1>, vector<16xf32>
      %mul3A_1695 = arith.mulf %add3A_1643, %select_n3A_1690 : vector<16xf32>
      %mul3A_1696 = arith.mulf %select_n3A_1694, %select_n3A_1694 : vector<16xf32>
      %mul3A_1697 = arith.mulf %mul3A_1695, %mul3A_1695 : vector<16xf32>
      %sub3A_1698 = arith.subf %mul3A_1696, %mul3A_1697 : vector<16xf32>
      %mul3A_1699 = arith.constant 2.000000e+00 : f32
      %mul3A_1700 = vector.broadcast %mul3A_1699 : f32 to vector<16xf32>
      %mul3A_1701 = arith.mulf %mul3A_1700, %select_n3A_1694 : vector<16xf32>
      %mul3A_1702 = arith.mulf %mul3A_1701, %mul3A_1695 : vector<16xf32>
      %mul3A_1703 = arith.mulf %select_n3A_1694, %sub3A_1698 : vector<16xf32>
      %mul3A_1704 = arith.mulf %mul3A_1695, %mul3A_1702 : vector<16xf32>
      %sub3A_1705 = arith.subf %mul3A_1703, %mul3A_1704 : vector<16xf32>
      %mul3A_1706 = arith.mulf %mul3A_1695, %sub3A_1698 : vector<16xf32>
      %mul3A_1707 = arith.mulf %select_n3A_1694, %mul3A_1702 : vector<16xf32>
      %add3A_1708 = arith.addf %mul3A_1706, %mul3A_1707 : vector<16xf32>
      %gather3A_1709 = tpu.vector_load_idx %arg22[%add3A_1523, %broadcast_in_dim3A_1525] : memref<128x8xf32, #tpu.memory_space<vmem>>[vector<16xi32>, vector<16xi32>], vector<16xf32>,
      %gather3A_1710 = tpu.vector_load_idx %arg22[%add3A_1523, %broadcast_in_dim3A_1527] : memref<128x8xf32, #tpu.memory_space<vmem>>[vector<16xi32>, vector<16xi32>], vector<16xf32>,
      %gather3A_1711 = tpu.vector_load_idx %arg22[%add3A_1523, %broadcast_in_dim3A_1529] : memref<128x8xf32, #tpu.memory_space<vmem>>[vector<16xi32>, vector<16xi32>], vector<16xf32>,
      %broadcast_in_dim3A_1712 = arith.constant 3 : i32
      %broadcast_in_dim3A_1713 = vector.broadcast %broadcast_in_dim3A_1712 : i32 to vector<16xi32>
      %gather3A_1714 = tpu.vector_load_idx %arg22[%add3A_1523, %broadcast_in_dim3A_1713] : memref<128x8xf32, #tpu.memory_space<vmem>>[vector<16xi32>, vector<16xi32>], vector<16xf32>,
      %broadcast_in_dim3A_1715 = arith.constant 4 : i32
      %broadcast_in_dim3A_1716 = vector.broadcast %broadcast_in_dim3A_1715 : i32 to vector<16xi32>
      %gather3A_1717 = tpu.vector_load_idx %arg22[%add3A_1523, %broadcast_in_dim3A_1716] : memref<128x8xf32, #tpu.memory_space<vmem>>[vector<16xi32>, vector<16xi32>], vector<16xf32>,
      %broadcast_in_dim3A_1718 = arith.constant 5 : i32
      %broadcast_in_dim3A_1719 = vector.broadcast %broadcast_in_dim3A_1718 : i32 to vector<16xi32>
      %gather3A_1720 = tpu.vector_load_idx %arg22[%add3A_1523, %broadcast_in_dim3A_1719] : memref<128x8xf32, #tpu.memory_space<vmem>>[vector<16xi32>, vector<16xi32>], vector<16xf32>,
      %broadcast_in_dim3A_1721 = arith.constant 6 : i32
      %broadcast_in_dim3A_1722 = vector.broadcast %broadcast_in_dim3A_1721 : i32 to vector<16xi32>
      %gather3A_1723 = tpu.vector_load_idx %arg22[%add3A_1523, %broadcast_in_dim3A_1722] : memref<128x8xf32, #tpu.memory_space<vmem>>[vector<16xi32>, vector<16xi32>], vector<16xf32>,
      %mul3A_1724 = arith.mulf %gather3A_1710, %select_n3A_1694 : vector<16xf32>
      %mul3A_1725 = arith.mulf %gather3A_1711, %mul3A_1695 : vector<16xf32>
      %add3A_1726 = arith.addf %mul3A_1724, %mul3A_1725 : vector<16xf32>
      %mul3A_1727 = arith.mulf %gather3A_1714, %sub3A_1698 : vector<16xf32>
      %add3A_1728 = arith.addf %add3A_1726, %mul3A_1727 : vector<16xf32>
      %mul3A_1729 = arith.mulf %gather3A_1717, %mul3A_1702 : vector<16xf32>
      %add3A_1730 = arith.addf %add3A_1728, %mul3A_1729 : vector<16xf32>
      %mul3A_1731 = arith.mulf %gather3A_1720, %sub3A_1705 : vector<16xf32>
      %add3A_1732 = arith.addf %add3A_1730, %mul3A_1731 : vector<16xf32>
      %mul3A_1733 = arith.mulf %gather3A_1723, %add3A_1708 : vector<16xf32>
      %add3A_1734 = arith.addf %add3A_1732, %mul3A_1733 : vector<16xf32>
      %sub3A_1735 = arith.subf %gather3A_1709, %add3A_1734 : vector<16xf32>
      %add3A_1736 = arith.constant 64 : i32
      %add3A_1737 = arith.addi %add3A_348, %add3A_1736 : i32
      %add3A_1738 = vector.broadcast %add3A_1737 : i32 to vector<16xi32>
      %add3A_1739 = arith.addi %add3A_1738, %iota3A : vector<16xi32>
      %lt3A_1740 = arith.constant 800000 : i32
      %lt3A_1741 = vector.broadcast %lt3A_1740 : i32 to vector<16xi32>
      %lt3A_1742 = arith.cmpi slt, %add3A_1739, %lt3A_1741 : vector<16xi32>
      %jit3A_1743 = arith.constant 0.000000e+00 : f32
      %broadcast_in_dim3A_1744 = vector.broadcast %jit3A_1743 : f32 to vector<16xf32>
      %select_n3A_1745 = arith.select %lt3A_1742, %sub3A_1735, %broadcast_in_dim3A_1744 : vector<16xi1>, vector<16xf32>
      %mul3A_1746 = arith.constant 64 : i32
      %mul3A_1747 = vector.broadcast %mul3A_1746 : i32 to vector<16xi32>
      %mul3A_1748 = arith.muli %iota3A, %mul3A_1747 : vector<16xi32>
      %get3A_1749 = arith.constant 64 : index
      %get3A_1750 = tpu.vector_load %arg16[%get3A_1749] {strides = array<i32>} : memref<128xi32, #tpu.memory_space<vmem>>, vector<16xi32>,
      %add3A_1751 = arith.addi %mul3A_1748, %get3A_1750 : vector<16xi32>
      tpu.vector_store_idx %arg23[%add3A_1751], %select_n3A_1745 {add = true} : memref<1024xf32, #tpu.memory_space<vmem>>[vector<16xi32>], vector<16xf32>,
      %add3A_1752 = arith.constant 80 : i32
      %add3A_1753 = vector.broadcast %add3A_1752 : i32 to vector<16xi32>
      %add3A_1754 = arith.addi %iota3A, %add3A_1753 : vector<16xi32>
      %broadcast_in_dim3A_1755 = arith.constant 0 : i32
      %broadcast_in_dim3A_1756 = vector.broadcast %broadcast_in_dim3A_1755 : i32 to vector<16xi32>
      %broadcast_in_dim3A_1757 = arith.constant 1 : i32
      %broadcast_in_dim3A_1758 = vector.broadcast %broadcast_in_dim3A_1757 : i32 to vector<16xi32>
      %broadcast_in_dim3A_1759 = arith.constant 2 : i32
      %broadcast_in_dim3A_1760 = vector.broadcast %broadcast_in_dim3A_1759 : i32 to vector<16xi32>
      %gather3A_1761 = tpu.vector_load_idx %arg18[%add3A_1754, %broadcast_in_dim3A_1756] : memref<128x4xf32, #tpu.memory_space<vmem>>[vector<16xi32>, vector<16xi32>], vector<16xf32>,
      %gather3A_1762 = tpu.vector_load_idx %arg18[%add3A_1754, %broadcast_in_dim3A_1758] : memref<128x4xf32, #tpu.memory_space<vmem>>[vector<16xi32>, vector<16xi32>], vector<16xf32>,
      %gather3A_1763 = tpu.vector_load_idx %arg18[%add3A_1754, %broadcast_in_dim3A_1760] : memref<128x4xf32, #tpu.memory_space<vmem>>[vector<16xi32>, vector<16xi32>], vector<16xf32>,
      %gather3A_1764 = tpu.vector_load_idx %arg19[%add3A_1754, %broadcast_in_dim3A_1756] : memref<128x4xf32, #tpu.memory_space<vmem>>[vector<16xi32>, vector<16xi32>], vector<16xf32>,
      %gather3A_1765 = tpu.vector_load_idx %arg19[%add3A_1754, %broadcast_in_dim3A_1758] : memref<128x4xf32, #tpu.memory_space<vmem>>[vector<16xi32>, vector<16xi32>], vector<16xf32>,
      %gather3A_1766 = tpu.vector_load_idx %arg19[%add3A_1754, %broadcast_in_dim3A_1760] : memref<128x4xf32, #tpu.memory_space<vmem>>[vector<16xi32>, vector<16xi32>], vector<16xf32>,
      %gather3A_1767 = tpu.vector_load_idx %arg20[%add3A_1754, %broadcast_in_dim3A_1756] : memref<128x4xf32, #tpu.memory_space<vmem>>[vector<16xi32>, vector<16xi32>], vector<16xf32>,
      %gather3A_1768 = tpu.vector_load_idx %arg20[%add3A_1754, %broadcast_in_dim3A_1758] : memref<128x4xf32, #tpu.memory_space<vmem>>[vector<16xi32>, vector<16xi32>], vector<16xf32>,
      %gather3A_1769 = tpu.vector_load_idx %arg20[%add3A_1754, %broadcast_in_dim3A_1760] : memref<128x4xf32, #tpu.memory_space<vmem>>[vector<16xi32>, vector<16xi32>], vector<16xf32>,
      %gather3A_1770 = tpu.vector_load_idx %arg21[%add3A_1754, %broadcast_in_dim3A_1756] : memref<128x4xf32, #tpu.memory_space<vmem>>[vector<16xi32>, vector<16xi32>], vector<16xf32>,
      %gather3A_1771 = tpu.vector_load_idx %arg21[%add3A_1754, %broadcast_in_dim3A_1758] : memref<128x4xf32, #tpu.memory_space<vmem>>[vector<16xi32>, vector<16xi32>], vector<16xf32>,
      %gather3A_1772 = tpu.vector_load_idx %arg21[%add3A_1754, %broadcast_in_dim3A_1760] : memref<128x4xf32, #tpu.memory_space<vmem>>[vector<16xi32>, vector<16xi32>], vector<16xf32>,
      %sub3A_1773 = arith.subf %gather3A_1761, %gather3A_1764 : vector<16xf32>
      %sub3A_1774 = arith.subf %gather3A_1762, %gather3A_1765 : vector<16xf32>
      %sub3A_1775 = arith.subf %gather3A_1763, %gather3A_1766 : vector<16xf32>
      %sub3A_1776 = arith.subf %gather3A_1767, %gather3A_1764 : vector<16xf32>
      %sub3A_1777 = arith.subf %gather3A_1768, %gather3A_1765 : vector<16xf32>
      %sub3A_1778 = arith.subf %gather3A_1769, %gather3A_1766 : vector<16xf32>
      %sub3A_1779 = arith.subf %gather3A_1770, %gather3A_1767 : vector<16xf32>
      %sub3A_1780 = arith.subf %gather3A_1771, %gather3A_1768 : vector<16xf32>
      %sub3A_1781 = arith.subf %gather3A_1772, %gather3A_1769 : vector<16xf32>
      %mul3A_1782 = arith.mulf %sub3A_1776, %sub3A_1776 : vector<16xf32>
      %mul3A_1783 = arith.mulf %sub3A_1777, %sub3A_1777 : vector<16xf32>
      %add3A_1784 = arith.addf %mul3A_1782, %mul3A_1783 : vector<16xf32>
      %mul3A_1785 = arith.mulf %sub3A_1778, %sub3A_1778 : vector<16xf32>
      %add3A_1786 = arith.addf %add3A_1784, %mul3A_1785 : vector<16xf32>
      %gt3A_1787 = arith.constant 0.000000e+00 : f32
      %gt3A_1788 = vector.broadcast %gt3A_1787 : f32 to vector<16xf32>
      %gt3A_1789 = arith.cmpf ogt, %add3A_1786, %gt3A_1788 : vector<16xf32>
      %jit3A_1790 = arith.constant 1.000000e+00 : f32
      %broadcast_in_dim3A_1791 = vector.broadcast %jit3A_1790 : f32 to vector<16xf32>
      %select_n3A_1792 = arith.select %gt3A_1789, %add3A_1786, %broadcast_in_dim3A_1791 : vector<16xi1>, vector<16xf32>
      %bitcast_convert_type3A_1793 = tpu.bitcast %select_n3A_1792 : vector<16xf32> -> vector<16xi32>
      %shift_right_arithmetic3A_1794 = arith.constant 1 : i32
      %shift_right_arithmetic3A_1795 = vector.broadcast %shift_right_arithmetic3A_1794 : i32 to vector<16xi32>
      %shift_right_arithmetic3A_1796 = arith.shrsi %bitcast_convert_type3A_1793, %shift_right_arithmetic3A_1795 : vector<16xi32>
      %sub3A_1797 = arith.constant 1597463007 : i32
      %sub3A_1798 = vector.broadcast %sub3A_1797 : i32 to vector<16xi32>
      %sub3A_1799 = arith.subi %sub3A_1798, %shift_right_arithmetic3A_1796 : vector<16xi32>
      %bitcast_convert_type3A_1800 = tpu.bitcast %sub3A_1799 : vector<16xi32> -> vector<16xf32>
      %mul3A_1801 = arith.constant 5.000000e-01 : f32
      %mul3A_1802 = vector.broadcast %mul3A_1801 : f32 to vector<16xf32>
      %mul3A_1803 = arith.mulf %mul3A_1802, %select_n3A_1792 : vector<16xf32>
      %mul3A_1804 = arith.mulf %mul3A_1803, %bitcast_convert_type3A_1800 : vector<16xf32>
      %mul3A_1805 = arith.mulf %mul3A_1804, %bitcast_convert_type3A_1800 : vector<16xf32>
      %sub3A_1806 = arith.constant 1.500000e+00 : f32
      %sub3A_1807 = vector.broadcast %sub3A_1806 : f32 to vector<16xf32>
      %sub3A_1808 = arith.subf %sub3A_1807, %mul3A_1805 : vector<16xf32>
      %mul3A_1809 = arith.mulf %bitcast_convert_type3A_1800, %sub3A_1808 : vector<16xf32>
      %mul3A_1810 = arith.constant 5.000000e-01 : f32
      %mul3A_1811 = vector.broadcast %mul3A_1810 : f32 to vector<16xf32>
      %mul3A_1812 = arith.mulf %mul3A_1811, %select_n3A_1792 : vector<16xf32>
      %mul3A_1813 = arith.mulf %mul3A_1812, %mul3A_1809 : vector<16xf32>
      %mul3A_1814 = arith.mulf %mul3A_1813, %mul3A_1809 : vector<16xf32>
      %sub3A_1815 = arith.constant 1.500000e+00 : f32
      %sub3A_1816 = vector.broadcast %sub3A_1815 : f32 to vector<16xf32>
      %sub3A_1817 = arith.subf %sub3A_1816, %mul3A_1814 : vector<16xf32>
      %mul3A_1818 = arith.mulf %mul3A_1809, %sub3A_1817 : vector<16xf32>
      %mul3A_1819 = arith.constant 5.000000e-01 : f32
      %mul3A_1820 = vector.broadcast %mul3A_1819 : f32 to vector<16xf32>
      %mul3A_1821 = arith.mulf %mul3A_1820, %select_n3A_1792 : vector<16xf32>
      %mul3A_1822 = arith.mulf %mul3A_1821, %mul3A_1818 : vector<16xf32>
      %mul3A_1823 = arith.mulf %mul3A_1822, %mul3A_1818 : vector<16xf32>
      %sub3A_1824 = arith.constant 1.500000e+00 : f32
      %sub3A_1825 = vector.broadcast %sub3A_1824 : f32 to vector<16xf32>
      %sub3A_1826 = arith.subf %sub3A_1825, %mul3A_1823 : vector<16xf32>
      %mul3A_1827 = arith.mulf %mul3A_1818, %sub3A_1826 : vector<16xf32>
      %jit3A_1828 = arith.constant 0.000000e+00 : f32
      %broadcast_in_dim3A_1829 = vector.broadcast %jit3A_1828 : f32 to vector<16xf32>
      %select_n3A_1830 = arith.select %gt3A_1789, %mul3A_1827, %broadcast_in_dim3A_1829 : vector<16xi1>, vector<16xf32>
      %mul3A_1831 = arith.mulf %sub3A_1776, %select_n3A_1830 : vector<16xf32>
      %mul3A_1832 = arith.mulf %sub3A_1777, %select_n3A_1830 : vector<16xf32>
      %mul3A_1833 = arith.mulf %sub3A_1778, %select_n3A_1830 : vector<16xf32>
      %mul3A_1834 = arith.mulf %sub3A_1773, %mul3A_1831 : vector<16xf32>
      %mul3A_1835 = arith.mulf %sub3A_1774, %mul3A_1832 : vector<16xf32>
      %add3A_1836 = arith.addf %mul3A_1834, %mul3A_1835 : vector<16xf32>
      %mul3A_1837 = arith.mulf %sub3A_1775, %mul3A_1833 : vector<16xf32>
      %add3A_1838 = arith.addf %add3A_1836, %mul3A_1837 : vector<16xf32>
      %mul3A_1839 = arith.mulf %sub3A_1779, %mul3A_1831 : vector<16xf32>
      %mul3A_1840 = arith.mulf %sub3A_1780, %mul3A_1832 : vector<16xf32>
      %add3A_1841 = arith.addf %mul3A_1839, %mul3A_1840 : vector<16xf32>
      %mul3A_1842 = arith.mulf %sub3A_1781, %mul3A_1833 : vector<16xf32>
      %add3A_1843 = arith.addf %add3A_1841, %mul3A_1842 : vector<16xf32>
      %mul3A_1844 = arith.mulf %add3A_1838, %mul3A_1831 : vector<16xf32>
      %sub3A_1845 = arith.subf %sub3A_1773, %mul3A_1844 : vector<16xf32>
      %mul3A_1846 = arith.mulf %add3A_1838, %mul3A_1832 : vector<16xf32>
      %sub3A_1847 = arith.subf %sub3A_1774, %mul3A_1846 : vector<16xf32>
      %mul3A_1848 = arith.mulf %add3A_1838, %mul3A_1833 : vector<16xf32>
      %sub3A_1849 = arith.subf %sub3A_1775, %mul3A_1848 : vector<16xf32>
      %mul3A_1850 = arith.mulf %add3A_1843, %mul3A_1831 : vector<16xf32>
      %sub3A_1851 = arith.subf %sub3A_1779, %mul3A_1850 : vector<16xf32>
      %mul3A_1852 = arith.mulf %add3A_1843, %mul3A_1832 : vector<16xf32>
      %sub3A_1853 = arith.subf %sub3A_1780, %mul3A_1852 : vector<16xf32>
      %mul3A_1854 = arith.mulf %add3A_1843, %mul3A_1833 : vector<16xf32>
      %sub3A_1855 = arith.subf %sub3A_1781, %mul3A_1854 : vector<16xf32>
      %mul3A_1856 = arith.mulf %sub3A_1845, %sub3A_1851 : vector<16xf32>
      %mul3A_1857 = arith.mulf %sub3A_1847, %sub3A_1853 : vector<16xf32>
      %add3A_1858 = arith.addf %mul3A_1856, %mul3A_1857 : vector<16xf32>
      %mul3A_1859 = arith.mulf %sub3A_1849, %sub3A_1855 : vector<16xf32>
      %add3A_1860 = arith.addf %add3A_1858, %mul3A_1859 : vector<16xf32>
      %mul3A_1861 = arith.mulf %mul3A_1832, %sub3A_1849 : vector<16xf32>
      %mul3A_1862 = arith.mulf %mul3A_1833, %sub3A_1847 : vector<16xf32>
      %sub3A_1863 = arith.subf %mul3A_1861, %mul3A_1862 : vector<16xf32>
      %mul3A_1864 = arith.mulf %mul3A_1833, %sub3A_1845 : vector<16xf32>
      %mul3A_1865 = arith.mulf %mul3A_1831, %sub3A_1849 : vector<16xf32>
      %sub3A_1866 = arith.subf %mul3A_1864, %mul3A_1865 : vector<16xf32>
      %mul3A_1867 = arith.mulf %mul3A_1831, %sub3A_1847 : vector<16xf32>
      %mul3A_1868 = arith.mulf %mul3A_1832, %sub3A_1845 : vector<16xf32>
      %sub3A_1869 = arith.subf %mul3A_1867, %mul3A_1868 : vector<16xf32>
      %mul3A_1870 = arith.mulf %sub3A_1863, %sub3A_1851 : vector<16xf32>
      %mul3A_1871 = arith.mulf %sub3A_1866, %sub3A_1853 : vector<16xf32>
      %add3A_1872 = arith.addf %mul3A_1870, %mul3A_1871 : vector<16xf32>
      %mul3A_1873 = arith.mulf %sub3A_1869, %sub3A_1855 : vector<16xf32>
      %add3A_1874 = arith.addf %add3A_1872, %mul3A_1873 : vector<16xf32>
      %mul3A_1875 = arith.mulf %add3A_1860, %add3A_1860 : vector<16xf32>
      %mul3A_1876 = arith.mulf %add3A_1874, %add3A_1874 : vector<16xf32>
      %add3A_1877 = arith.addf %mul3A_1875, %mul3A_1876 : vector<16xf32>
      %gt3A_1878 = arith.constant 0.000000e+00 : f32
      %gt3A_1879 = vector.broadcast %gt3A_1878 : f32 to vector<16xf32>
      %gt3A_1880 = arith.cmpf ogt, %add3A_1877, %gt3A_1879 : vector<16xf32>
      %jit3A_1881 = arith.constant 1.000000e+00 : f32
      %broadcast_in_dim3A_1882 = vector.broadcast %jit3A_1881 : f32 to vector<16xf32>
      %select_n3A_1883 = arith.select %gt3A_1880, %add3A_1877, %broadcast_in_dim3A_1882 : vector<16xi1>, vector<16xf32>
      %bitcast_convert_type3A_1884 = tpu.bitcast %select_n3A_1883 : vector<16xf32> -> vector<16xi32>
      %shift_right_arithmetic3A_1885 = arith.constant 1 : i32
      %shift_right_arithmetic3A_1886 = vector.broadcast %shift_right_arithmetic3A_1885 : i32 to vector<16xi32>
      %shift_right_arithmetic3A_1887 = arith.shrsi %bitcast_convert_type3A_1884, %shift_right_arithmetic3A_1886 : vector<16xi32>
      %sub3A_1888 = arith.constant 1597463007 : i32
      %sub3A_1889 = vector.broadcast %sub3A_1888 : i32 to vector<16xi32>
      %sub3A_1890 = arith.subi %sub3A_1889, %shift_right_arithmetic3A_1887 : vector<16xi32>
      %bitcast_convert_type3A_1891 = tpu.bitcast %sub3A_1890 : vector<16xi32> -> vector<16xf32>
      %mul3A_1892 = arith.constant 5.000000e-01 : f32
      %mul3A_1893 = vector.broadcast %mul3A_1892 : f32 to vector<16xf32>
      %mul3A_1894 = arith.mulf %mul3A_1893, %select_n3A_1883 : vector<16xf32>
      %mul3A_1895 = arith.mulf %mul3A_1894, %bitcast_convert_type3A_1891 : vector<16xf32>
      %mul3A_1896 = arith.mulf %mul3A_1895, %bitcast_convert_type3A_1891 : vector<16xf32>
      %sub3A_1897 = arith.constant 1.500000e+00 : f32
      %sub3A_1898 = vector.broadcast %sub3A_1897 : f32 to vector<16xf32>
      %sub3A_1899 = arith.subf %sub3A_1898, %mul3A_1896 : vector<16xf32>
      %mul3A_1900 = arith.mulf %bitcast_convert_type3A_1891, %sub3A_1899 : vector<16xf32>
      %mul3A_1901 = arith.constant 5.000000e-01 : f32
      %mul3A_1902 = vector.broadcast %mul3A_1901 : f32 to vector<16xf32>
      %mul3A_1903 = arith.mulf %mul3A_1902, %select_n3A_1883 : vector<16xf32>
      %mul3A_1904 = arith.mulf %mul3A_1903, %mul3A_1900 : vector<16xf32>
      %mul3A_1905 = arith.mulf %mul3A_1904, %mul3A_1900 : vector<16xf32>
      %sub3A_1906 = arith.constant 1.500000e+00 : f32
      %sub3A_1907 = vector.broadcast %sub3A_1906 : f32 to vector<16xf32>
      %sub3A_1908 = arith.subf %sub3A_1907, %mul3A_1905 : vector<16xf32>
      %mul3A_1909 = arith.mulf %mul3A_1900, %sub3A_1908 : vector<16xf32>
      %mul3A_1910 = arith.constant 5.000000e-01 : f32
      %mul3A_1911 = vector.broadcast %mul3A_1910 : f32 to vector<16xf32>
      %mul3A_1912 = arith.mulf %mul3A_1911, %select_n3A_1883 : vector<16xf32>
      %mul3A_1913 = arith.mulf %mul3A_1912, %mul3A_1909 : vector<16xf32>
      %mul3A_1914 = arith.mulf %mul3A_1913, %mul3A_1909 : vector<16xf32>
      %sub3A_1915 = arith.constant 1.500000e+00 : f32
      %sub3A_1916 = vector.broadcast %sub3A_1915 : f32 to vector<16xf32>
      %sub3A_1917 = arith.subf %sub3A_1916, %mul3A_1914 : vector<16xf32>
      %mul3A_1918 = arith.mulf %mul3A_1909, %sub3A_1917 : vector<16xf32>
      %jit3A_1919 = arith.constant 0.000000e+00 : f32
      %broadcast_in_dim3A_1920 = vector.broadcast %jit3A_1919 : f32 to vector<16xf32>
      %select_n3A_1921 = arith.select %gt3A_1880, %mul3A_1918, %broadcast_in_dim3A_1920 : vector<16xi1>, vector<16xf32>
      %mul3A_1922 = arith.mulf %add3A_1860, %select_n3A_1921 : vector<16xf32>
      %jit3A_1923 = arith.constant 1.000000e+00 : f32
      %broadcast_in_dim3A_1924 = vector.broadcast %jit3A_1923 : f32 to vector<16xf32>
      %select_n3A_1925 = arith.select %gt3A_1880, %mul3A_1922, %broadcast_in_dim3A_1924 : vector<16xi1>, vector<16xf32>
      %mul3A_1926 = arith.mulf %add3A_1874, %select_n3A_1921 : vector<16xf32>
      %mul3A_1927 = arith.mulf %select_n3A_1925, %select_n3A_1925 : vector<16xf32>
      %mul3A_1928 = arith.mulf %mul3A_1926, %mul3A_1926 : vector<16xf32>
      %sub3A_1929 = arith.subf %mul3A_1927, %mul3A_1928 : vector<16xf32>
      %mul3A_1930 = arith.constant 2.000000e+00 : f32
      %mul3A_1931 = vector.broadcast %mul3A_1930 : f32 to vector<16xf32>
      %mul3A_1932 = arith.mulf %mul3A_1931, %select_n3A_1925 : vector<16xf32>
      %mul3A_1933 = arith.mulf %mul3A_1932, %mul3A_1926 : vector<16xf32>
      %mul3A_1934 = arith.mulf %select_n3A_1925, %sub3A_1929 : vector<16xf32>
      %mul3A_1935 = arith.mulf %mul3A_1926, %mul3A_1933 : vector<16xf32>
      %sub3A_1936 = arith.subf %mul3A_1934, %mul3A_1935 : vector<16xf32>
      %mul3A_1937 = arith.mulf %mul3A_1926, %sub3A_1929 : vector<16xf32>
      %mul3A_1938 = arith.mulf %select_n3A_1925, %mul3A_1933 : vector<16xf32>
      %add3A_1939 = arith.addf %mul3A_1937, %mul3A_1938 : vector<16xf32>
      %gather3A_1940 = tpu.vector_load_idx %arg22[%add3A_1754, %broadcast_in_dim3A_1756] : memref<128x8xf32, #tpu.memory_space<vmem>>[vector<16xi32>, vector<16xi32>], vector<16xf32>,
      %gather3A_1941 = tpu.vector_load_idx %arg22[%add3A_1754, %broadcast_in_dim3A_1758] : memref<128x8xf32, #tpu.memory_space<vmem>>[vector<16xi32>, vector<16xi32>], vector<16xf32>,
      %gather3A_1942 = tpu.vector_load_idx %arg22[%add3A_1754, %broadcast_in_dim3A_1760] : memref<128x8xf32, #tpu.memory_space<vmem>>[vector<16xi32>, vector<16xi32>], vector<16xf32>,
      %broadcast_in_dim3A_1943 = arith.constant 3 : i32
      %broadcast_in_dim3A_1944 = vector.broadcast %broadcast_in_dim3A_1943 : i32 to vector<16xi32>
      %gather3A_1945 = tpu.vector_load_idx %arg22[%add3A_1754, %broadcast_in_dim3A_1944] : memref<128x8xf32, #tpu.memory_space<vmem>>[vector<16xi32>, vector<16xi32>], vector<16xf32>,
      %broadcast_in_dim3A_1946 = arith.constant 4 : i32
      %broadcast_in_dim3A_1947 = vector.broadcast %broadcast_in_dim3A_1946 : i32 to vector<16xi32>
      %gather3A_1948 = tpu.vector_load_idx %arg22[%add3A_1754, %broadcast_in_dim3A_1947] : memref<128x8xf32, #tpu.memory_space<vmem>>[vector<16xi32>, vector<16xi32>], vector<16xf32>,
      %broadcast_in_dim3A_1949 = arith.constant 5 : i32
      %broadcast_in_dim3A_1950 = vector.broadcast %broadcast_in_dim3A_1949 : i32 to vector<16xi32>
      %gather3A_1951 = tpu.vector_load_idx %arg22[%add3A_1754, %broadcast_in_dim3A_1950] : memref<128x8xf32, #tpu.memory_space<vmem>>[vector<16xi32>, vector<16xi32>], vector<16xf32>,
      %broadcast_in_dim3A_1952 = arith.constant 6 : i32
      %broadcast_in_dim3A_1953 = vector.broadcast %broadcast_in_dim3A_1952 : i32 to vector<16xi32>
      %gather3A_1954 = tpu.vector_load_idx %arg22[%add3A_1754, %broadcast_in_dim3A_1953] : memref<128x8xf32, #tpu.memory_space<vmem>>[vector<16xi32>, vector<16xi32>], vector<16xf32>,
      %mul3A_1955 = arith.mulf %gather3A_1941, %select_n3A_1925 : vector<16xf32>
      %mul3A_1956 = arith.mulf %gather3A_1942, %mul3A_1926 : vector<16xf32>
      %add3A_1957 = arith.addf %mul3A_1955, %mul3A_1956 : vector<16xf32>
      %mul3A_1958 = arith.mulf %gather3A_1945, %sub3A_1929 : vector<16xf32>
      %add3A_1959 = arith.addf %add3A_1957, %mul3A_1958 : vector<16xf32>
      %mul3A_1960 = arith.mulf %gather3A_1948, %mul3A_1933 : vector<16xf32>
      %add3A_1961 = arith.addf %add3A_1959, %mul3A_1960 : vector<16xf32>
      %mul3A_1962 = arith.mulf %gather3A_1951, %sub3A_1936 : vector<16xf32>
      %add3A_1963 = arith.addf %add3A_1961, %mul3A_1962 : vector<16xf32>
      %mul3A_1964 = arith.mulf %gather3A_1954, %add3A_1939 : vector<16xf32>
      %add3A_1965 = arith.addf %add3A_1963, %mul3A_1964 : vector<16xf32>
      %sub3A_1966 = arith.subf %gather3A_1940, %add3A_1965 : vector<16xf32>
      %add3A_1967 = arith.constant 80 : i32
      %add3A_1968 = arith.addi %add3A_348, %add3A_1967 : i32
      %add3A_1969 = vector.broadcast %add3A_1968 : i32 to vector<16xi32>
      %add3A_1970 = arith.addi %add3A_1969, %iota3A : vector<16xi32>
      %lt3A_1971 = arith.constant 800000 : i32
      %lt3A_1972 = vector.broadcast %lt3A_1971 : i32 to vector<16xi32>
      %lt3A_1973 = arith.cmpi slt, %add3A_1970, %lt3A_1972 : vector<16xi32>
      %jit3A_1974 = arith.constant 0.000000e+00 : f32
      %broadcast_in_dim3A_1975 = vector.broadcast %jit3A_1974 : f32 to vector<16xf32>
      %select_n3A_1976 = arith.select %lt3A_1973, %sub3A_1966, %broadcast_in_dim3A_1975 : vector<16xi1>, vector<16xf32>
      %mul3A_1977 = arith.constant 64 : i32
      %mul3A_1978 = vector.broadcast %mul3A_1977 : i32 to vector<16xi32>
      %mul3A_1979 = arith.muli %iota3A, %mul3A_1978 : vector<16xi32>
      %get3A_1980 = arith.constant 80 : index
      %get3A_1981 = tpu.vector_load %arg16[%get3A_1980] {strides = array<i32>} : memref<128xi32, #tpu.memory_space<vmem>>, vector<16xi32>,
      %add3A_1982 = arith.addi %mul3A_1979, %get3A_1981 : vector<16xi32>
      tpu.vector_store_idx %arg23[%add3A_1982], %select_n3A_1976 {add = true} : memref<1024xf32, #tpu.memory_space<vmem>>[vector<16xi32>], vector<16xf32>,
      %add3A_1983 = arith.constant 96 : i32
      %add3A_1984 = vector.broadcast %add3A_1983 : i32 to vector<16xi32>
      %add3A_1985 = arith.addi %iota3A, %add3A_1984 : vector<16xi32>
      %broadcast_in_dim3A_1986 = arith.constant 0 : i32
      %broadcast_in_dim3A_1987 = vector.broadcast %broadcast_in_dim3A_1986 : i32 to vector<16xi32>
      %broadcast_in_dim3A_1988 = arith.constant 1 : i32
      %broadcast_in_dim3A_1989 = vector.broadcast %broadcast_in_dim3A_1988 : i32 to vector<16xi32>
      %broadcast_in_dim3A_1990 = arith.constant 2 : i32
      %broadcast_in_dim3A_1991 = vector.broadcast %broadcast_in_dim3A_1990 : i32 to vector<16xi32>
      %gather3A_1992 = tpu.vector_load_idx %arg18[%add3A_1985, %broadcast_in_dim3A_1987] : memref<128x4xf32, #tpu.memory_space<vmem>>[vector<16xi32>, vector<16xi32>], vector<16xf32>,
      %gather3A_1993 = tpu.vector_load_idx %arg18[%add3A_1985, %broadcast_in_dim3A_1989] : memref<128x4xf32, #tpu.memory_space<vmem>>[vector<16xi32>, vector<16xi32>], vector<16xf32>,
      %gather3A_1994 = tpu.vector_load_idx %arg18[%add3A_1985, %broadcast_in_dim3A_1991] : memref<128x4xf32, #tpu.memory_space<vmem>>[vector<16xi32>, vector<16xi32>], vector<16xf32>,
      %gather3A_1995 = tpu.vector_load_idx %arg19[%add3A_1985, %broadcast_in_dim3A_1987] : memref<128x4xf32, #tpu.memory_space<vmem>>[vector<16xi32>, vector<16xi32>], vector<16xf32>,
      %gather3A_1996 = tpu.vector_load_idx %arg19[%add3A_1985, %broadcast_in_dim3A_1989] : memref<128x4xf32, #tpu.memory_space<vmem>>[vector<16xi32>, vector<16xi32>], vector<16xf32>,
      %gather3A_1997 = tpu.vector_load_idx %arg19[%add3A_1985, %broadcast_in_dim3A_1991] : memref<128x4xf32, #tpu.memory_space<vmem>>[vector<16xi32>, vector<16xi32>], vector<16xf32>,
      %gather3A_1998 = tpu.vector_load_idx %arg20[%add3A_1985, %broadcast_in_dim3A_1987] : memref<128x4xf32, #tpu.memory_space<vmem>>[vector<16xi32>, vector<16xi32>], vector<16xf32>,
      %gather3A_1999 = tpu.vector_load_idx %arg20[%add3A_1985, %broadcast_in_dim3A_1989] : memref<128x4xf32, #tpu.memory_space<vmem>>[vector<16xi32>, vector<16xi32>], vector<16xf32>,
      %gather3A_2000 = tpu.vector_load_idx %arg20[%add3A_1985, %broadcast_in_dim3A_1991] : memref<128x4xf32, #tpu.memory_space<vmem>>[vector<16xi32>, vector<16xi32>], vector<16xf32>,
      %gather3A_2001 = tpu.vector_load_idx %arg21[%add3A_1985, %broadcast_in_dim3A_1987] : memref<128x4xf32, #tpu.memory_space<vmem>>[vector<16xi32>, vector<16xi32>], vector<16xf32>,
      %gather3A_2002 = tpu.vector_load_idx %arg21[%add3A_1985, %broadcast_in_dim3A_1989] : memref<128x4xf32, #tpu.memory_space<vmem>>[vector<16xi32>, vector<16xi32>], vector<16xf32>,
      %gather3A_2003 = tpu.vector_load_idx %arg21[%add3A_1985, %broadcast_in_dim3A_1991] : memref<128x4xf32, #tpu.memory_space<vmem>>[vector<16xi32>, vector<16xi32>], vector<16xf32>,
      %sub3A_2004 = arith.subf %gather3A_1992, %gather3A_1995 : vector<16xf32>
      %sub3A_2005 = arith.subf %gather3A_1993, %gather3A_1996 : vector<16xf32>
      %sub3A_2006 = arith.subf %gather3A_1994, %gather3A_1997 : vector<16xf32>
      %sub3A_2007 = arith.subf %gather3A_1998, %gather3A_1995 : vector<16xf32>
      %sub3A_2008 = arith.subf %gather3A_1999, %gather3A_1996 : vector<16xf32>
      %sub3A_2009 = arith.subf %gather3A_2000, %gather3A_1997 : vector<16xf32>
      %sub3A_2010 = arith.subf %gather3A_2001, %gather3A_1998 : vector<16xf32>
      %sub3A_2011 = arith.subf %gather3A_2002, %gather3A_1999 : vector<16xf32>
      %sub3A_2012 = arith.subf %gather3A_2003, %gather3A_2000 : vector<16xf32>
      %mul3A_2013 = arith.mulf %sub3A_2007, %sub3A_2007 : vector<16xf32>
      %mul3A_2014 = arith.mulf %sub3A_2008, %sub3A_2008 : vector<16xf32>
      %add3A_2015 = arith.addf %mul3A_2013, %mul3A_2014 : vector<16xf32>
      %mul3A_2016 = arith.mulf %sub3A_2009, %sub3A_2009 : vector<16xf32>
      %add3A_2017 = arith.addf %add3A_2015, %mul3A_2016 : vector<16xf32>
      %gt3A_2018 = arith.constant 0.000000e+00 : f32
      %gt3A_2019 = vector.broadcast %gt3A_2018 : f32 to vector<16xf32>
      %gt3A_2020 = arith.cmpf ogt, %add3A_2017, %gt3A_2019 : vector<16xf32>
      %jit3A_2021 = arith.constant 1.000000e+00 : f32
      %broadcast_in_dim3A_2022 = vector.broadcast %jit3A_2021 : f32 to vector<16xf32>
      %select_n3A_2023 = arith.select %gt3A_2020, %add3A_2017, %broadcast_in_dim3A_2022 : vector<16xi1>, vector<16xf32>
      %bitcast_convert_type3A_2024 = tpu.bitcast %select_n3A_2023 : vector<16xf32> -> vector<16xi32>
      %shift_right_arithmetic3A_2025 = arith.constant 1 : i32
      %shift_right_arithmetic3A_2026 = vector.broadcast %shift_right_arithmetic3A_2025 : i32 to vector<16xi32>
      %shift_right_arithmetic3A_2027 = arith.shrsi %bitcast_convert_type3A_2024, %shift_right_arithmetic3A_2026 : vector<16xi32>
      %sub3A_2028 = arith.constant 1597463007 : i32
      %sub3A_2029 = vector.broadcast %sub3A_2028 : i32 to vector<16xi32>
      %sub3A_2030 = arith.subi %sub3A_2029, %shift_right_arithmetic3A_2027 : vector<16xi32>
      %bitcast_convert_type3A_2031 = tpu.bitcast %sub3A_2030 : vector<16xi32> -> vector<16xf32>
      %mul3A_2032 = arith.constant 5.000000e-01 : f32
      %mul3A_2033 = vector.broadcast %mul3A_2032 : f32 to vector<16xf32>
      %mul3A_2034 = arith.mulf %mul3A_2033, %select_n3A_2023 : vector<16xf32>
      %mul3A_2035 = arith.mulf %mul3A_2034, %bitcast_convert_type3A_2031 : vector<16xf32>
      %mul3A_2036 = arith.mulf %mul3A_2035, %bitcast_convert_type3A_2031 : vector<16xf32>
      %sub3A_2037 = arith.constant 1.500000e+00 : f32
      %sub3A_2038 = vector.broadcast %sub3A_2037 : f32 to vector<16xf32>
      %sub3A_2039 = arith.subf %sub3A_2038, %mul3A_2036 : vector<16xf32>
      %mul3A_2040 = arith.mulf %bitcast_convert_type3A_2031, %sub3A_2039 : vector<16xf32>
      %mul3A_2041 = arith.constant 5.000000e-01 : f32
      %mul3A_2042 = vector.broadcast %mul3A_2041 : f32 to vector<16xf32>
      %mul3A_2043 = arith.mulf %mul3A_2042, %select_n3A_2023 : vector<16xf32>
      %mul3A_2044 = arith.mulf %mul3A_2043, %mul3A_2040 : vector<16xf32>
      %mul3A_2045 = arith.mulf %mul3A_2044, %mul3A_2040 : vector<16xf32>
      %sub3A_2046 = arith.constant 1.500000e+00 : f32
      %sub3A_2047 = vector.broadcast %sub3A_2046 : f32 to vector<16xf32>
      %sub3A_2048 = arith.subf %sub3A_2047, %mul3A_2045 : vector<16xf32>
      %mul3A_2049 = arith.mulf %mul3A_2040, %sub3A_2048 : vector<16xf32>
      %mul3A_2050 = arith.constant 5.000000e-01 : f32
      %mul3A_2051 = vector.broadcast %mul3A_2050 : f32 to vector<16xf32>
      %mul3A_2052 = arith.mulf %mul3A_2051, %select_n3A_2023 : vector<16xf32>
      %mul3A_2053 = arith.mulf %mul3A_2052, %mul3A_2049 : vector<16xf32>
      %mul3A_2054 = arith.mulf %mul3A_2053, %mul3A_2049 : vector<16xf32>
      %sub3A_2055 = arith.constant 1.500000e+00 : f32
      %sub3A_2056 = vector.broadcast %sub3A_2055 : f32 to vector<16xf32>
      %sub3A_2057 = arith.subf %sub3A_2056, %mul3A_2054 : vector<16xf32>
      %mul3A_2058 = arith.mulf %mul3A_2049, %sub3A_2057 : vector<16xf32>
      %jit3A_2059 = arith.constant 0.000000e+00 : f32
      %broadcast_in_dim3A_2060 = vector.broadcast %jit3A_2059 : f32 to vector<16xf32>
      %select_n3A_2061 = arith.select %gt3A_2020, %mul3A_2058, %broadcast_in_dim3A_2060 : vector<16xi1>, vector<16xf32>
      %mul3A_2062 = arith.mulf %sub3A_2007, %select_n3A_2061 : vector<16xf32>
      %mul3A_2063 = arith.mulf %sub3A_2008, %select_n3A_2061 : vector<16xf32>
      %mul3A_2064 = arith.mulf %sub3A_2009, %select_n3A_2061 : vector<16xf32>
      %mul3A_2065 = arith.mulf %sub3A_2004, %mul3A_2062 : vector<16xf32>
      %mul3A_2066 = arith.mulf %sub3A_2005, %mul3A_2063 : vector<16xf32>
      %add3A_2067 = arith.addf %mul3A_2065, %mul3A_2066 : vector<16xf32>
      %mul3A_2068 = arith.mulf %sub3A_2006, %mul3A_2064 : vector<16xf32>
      %add3A_2069 = arith.addf %add3A_2067, %mul3A_2068 : vector<16xf32>
      %mul3A_2070 = arith.mulf %sub3A_2010, %mul3A_2062 : vector<16xf32>
      %mul3A_2071 = arith.mulf %sub3A_2011, %mul3A_2063 : vector<16xf32>
      %add3A_2072 = arith.addf %mul3A_2070, %mul3A_2071 : vector<16xf32>
      %mul3A_2073 = arith.mulf %sub3A_2012, %mul3A_2064 : vector<16xf32>
      %add3A_2074 = arith.addf %add3A_2072, %mul3A_2073 : vector<16xf32>
      %mul3A_2075 = arith.mulf %add3A_2069, %mul3A_2062 : vector<16xf32>
      %sub3A_2076 = arith.subf %sub3A_2004, %mul3A_2075 : vector<16xf32>
      %mul3A_2077 = arith.mulf %add3A_2069, %mul3A_2063 : vector<16xf32>
      %sub3A_2078 = arith.subf %sub3A_2005, %mul3A_2077 : vector<16xf32>
      %mul3A_2079 = arith.mulf %add3A_2069, %mul3A_2064 : vector<16xf32>
      %sub3A_2080 = arith.subf %sub3A_2006, %mul3A_2079 : vector<16xf32>
      %mul3A_2081 = arith.mulf %add3A_2074, %mul3A_2062 : vector<16xf32>
      %sub3A_2082 = arith.subf %sub3A_2010, %mul3A_2081 : vector<16xf32>
      %mul3A_2083 = arith.mulf %add3A_2074, %mul3A_2063 : vector<16xf32>
      %sub3A_2084 = arith.subf %sub3A_2011, %mul3A_2083 : vector<16xf32>
      %mul3A_2085 = arith.mulf %add3A_2074, %mul3A_2064 : vector<16xf32>
      %sub3A_2086 = arith.subf %sub3A_2012, %mul3A_2085 : vector<16xf32>
      %mul3A_2087 = arith.mulf %sub3A_2076, %sub3A_2082 : vector<16xf32>
      %mul3A_2088 = arith.mulf %sub3A_2078, %sub3A_2084 : vector<16xf32>
      %add3A_2089 = arith.addf %mul3A_2087, %mul3A_2088 : vector<16xf32>
      %mul3A_2090 = arith.mulf %sub3A_2080, %sub3A_2086 : vector<16xf32>
      %add3A_2091 = arith.addf %add3A_2089, %mul3A_2090 : vector<16xf32>
      %mul3A_2092 = arith.mulf %mul3A_2063, %sub3A_2080 : vector<16xf32>
      %mul3A_2093 = arith.mulf %mul3A_2064, %sub3A_2078 : vector<16xf32>
      %sub3A_2094 = arith.subf %mul3A_2092, %mul3A_2093 : vector<16xf32>
      %mul3A_2095 = arith.mulf %mul3A_2064, %sub3A_2076 : vector<16xf32>
      %mul3A_2096 = arith.mulf %mul3A_2062, %sub3A_2080 : vector<16xf32>
      %sub3A_2097 = arith.subf %mul3A_2095, %mul3A_2096 : vector<16xf32>
      %mul3A_2098 = arith.mulf %mul3A_2062, %sub3A_2078 : vector<16xf32>
      %mul3A_2099 = arith.mulf %mul3A_2063, %sub3A_2076 : vector<16xf32>
      %sub3A_2100 = arith.subf %mul3A_2098, %mul3A_2099 : vector<16xf32>
      %mul3A_2101 = arith.mulf %sub3A_2094, %sub3A_2082 : vector<16xf32>
      %mul3A_2102 = arith.mulf %sub3A_2097, %sub3A_2084 : vector<16xf32>
      %add3A_2103 = arith.addf %mul3A_2101, %mul3A_2102 : vector<16xf32>
      %mul3A_2104 = arith.mulf %sub3A_2100, %sub3A_2086 : vector<16xf32>
      %add3A_2105 = arith.addf %add3A_2103, %mul3A_2104 : vector<16xf32>
      %mul3A_2106 = arith.mulf %add3A_2091, %add3A_2091 : vector<16xf32>
      %mul3A_2107 = arith.mulf %add3A_2105, %add3A_2105 : vector<16xf32>
      %add3A_2108 = arith.addf %mul3A_2106, %mul3A_2107 : vector<16xf32>
      %gt3A_2109 = arith.constant 0.000000e+00 : f32
      %gt3A_2110 = vector.broadcast %gt3A_2109 : f32 to vector<16xf32>
      %gt3A_2111 = arith.cmpf ogt, %add3A_2108, %gt3A_2110 : vector<16xf32>
      %jit3A_2112 = arith.constant 1.000000e+00 : f32
      %broadcast_in_dim3A_2113 = vector.broadcast %jit3A_2112 : f32 to vector<16xf32>
      %select_n3A_2114 = arith.select %gt3A_2111, %add3A_2108, %broadcast_in_dim3A_2113 : vector<16xi1>, vector<16xf32>
      %bitcast_convert_type3A_2115 = tpu.bitcast %select_n3A_2114 : vector<16xf32> -> vector<16xi32>
      %shift_right_arithmetic3A_2116 = arith.constant 1 : i32
      %shift_right_arithmetic3A_2117 = vector.broadcast %shift_right_arithmetic3A_2116 : i32 to vector<16xi32>
      %shift_right_arithmetic3A_2118 = arith.shrsi %bitcast_convert_type3A_2115, %shift_right_arithmetic3A_2117 : vector<16xi32>
      %sub3A_2119 = arith.constant 1597463007 : i32
      %sub3A_2120 = vector.broadcast %sub3A_2119 : i32 to vector<16xi32>
      %sub3A_2121 = arith.subi %sub3A_2120, %shift_right_arithmetic3A_2118 : vector<16xi32>
      %bitcast_convert_type3A_2122 = tpu.bitcast %sub3A_2121 : vector<16xi32> -> vector<16xf32>
      %mul3A_2123 = arith.constant 5.000000e-01 : f32
      %mul3A_2124 = vector.broadcast %mul3A_2123 : f32 to vector<16xf32>
      %mul3A_2125 = arith.mulf %mul3A_2124, %select_n3A_2114 : vector<16xf32>
      %mul3A_2126 = arith.mulf %mul3A_2125, %bitcast_convert_type3A_2122 : vector<16xf32>
      %mul3A_2127 = arith.mulf %mul3A_2126, %bitcast_convert_type3A_2122 : vector<16xf32>
      %sub3A_2128 = arith.constant 1.500000e+00 : f32
      %sub3A_2129 = vector.broadcast %sub3A_2128 : f32 to vector<16xf32>
      %sub3A_2130 = arith.subf %sub3A_2129, %mul3A_2127 : vector<16xf32>
      %mul3A_2131 = arith.mulf %bitcast_convert_type3A_2122, %sub3A_2130 : vector<16xf32>
      %mul3A_2132 = arith.constant 5.000000e-01 : f32
      %mul3A_2133 = vector.broadcast %mul3A_2132 : f32 to vector<16xf32>
      %mul3A_2134 = arith.mulf %mul3A_2133, %select_n3A_2114 : vector<16xf32>
      %mul3A_2135 = arith.mulf %mul3A_2134, %mul3A_2131 : vector<16xf32>
      %mul3A_2136 = arith.mulf %mul3A_2135, %mul3A_2131 : vector<16xf32>
      %sub3A_2137 = arith.constant 1.500000e+00 : f32
      %sub3A_2138 = vector.broadcast %sub3A_2137 : f32 to vector<16xf32>
      %sub3A_2139 = arith.subf %sub3A_2138, %mul3A_2136 : vector<16xf32>
      %mul3A_2140 = arith.mulf %mul3A_2131, %sub3A_2139 : vector<16xf32>
      %mul3A_2141 = arith.constant 5.000000e-01 : f32
      %mul3A_2142 = vector.broadcast %mul3A_2141 : f32 to vector<16xf32>
      %mul3A_2143 = arith.mulf %mul3A_2142, %select_n3A_2114 : vector<16xf32>
      %mul3A_2144 = arith.mulf %mul3A_2143, %mul3A_2140 : vector<16xf32>
      %mul3A_2145 = arith.mulf %mul3A_2144, %mul3A_2140 : vector<16xf32>
      %sub3A_2146 = arith.constant 1.500000e+00 : f32
      %sub3A_2147 = vector.broadcast %sub3A_2146 : f32 to vector<16xf32>
      %sub3A_2148 = arith.subf %sub3A_2147, %mul3A_2145 : vector<16xf32>
      %mul3A_2149 = arith.mulf %mul3A_2140, %sub3A_2148 : vector<16xf32>
      %jit3A_2150 = arith.constant 0.000000e+00 : f32
      %broadcast_in_dim3A_2151 = vector.broadcast %jit3A_2150 : f32 to vector<16xf32>
      %select_n3A_2152 = arith.select %gt3A_2111, %mul3A_2149, %broadcast_in_dim3A_2151 : vector<16xi1>, vector<16xf32>
      %mul3A_2153 = arith.mulf %add3A_2091, %select_n3A_2152 : vector<16xf32>
      %jit3A_2154 = arith.constant 1.000000e+00 : f32
      %broadcast_in_dim3A_2155 = vector.broadcast %jit3A_2154 : f32 to vector<16xf32>
      %select_n3A_2156 = arith.select %gt3A_2111, %mul3A_2153, %broadcast_in_dim3A_2155 : vector<16xi1>, vector<16xf32>
      %mul3A_2157 = arith.mulf %add3A_2105, %select_n3A_2152 : vector<16xf32>
      %mul3A_2158 = arith.mulf %select_n3A_2156, %select_n3A_2156 : vector<16xf32>
      %mul3A_2159 = arith.mulf %mul3A_2157, %mul3A_2157 : vector<16xf32>
      %sub3A_2160 = arith.subf %mul3A_2158, %mul3A_2159 : vector<16xf32>
      %mul3A_2161 = arith.constant 2.000000e+00 : f32
      %mul3A_2162 = vector.broadcast %mul3A_2161 : f32 to vector<16xf32>
      %mul3A_2163 = arith.mulf %mul3A_2162, %select_n3A_2156 : vector<16xf32>
      %mul3A_2164 = arith.mulf %mul3A_2163, %mul3A_2157 : vector<16xf32>
      %mul3A_2165 = arith.mulf %select_n3A_2156, %sub3A_2160 : vector<16xf32>
      %mul3A_2166 = arith.mulf %mul3A_2157, %mul3A_2164 : vector<16xf32>
      %sub3A_2167 = arith.subf %mul3A_2165, %mul3A_2166 : vector<16xf32>
      %mul3A_2168 = arith.mulf %mul3A_2157, %sub3A_2160 : vector<16xf32>
      %mul3A_2169 = arith.mulf %select_n3A_2156, %mul3A_2164 : vector<16xf32>
      %add3A_2170 = arith.addf %mul3A_2168, %mul3A_2169 : vector<16xf32>
      %gather3A_2171 = tpu.vector_load_idx %arg22[%add3A_1985, %broadcast_in_dim3A_1987] : memref<128x8xf32, #tpu.memory_space<vmem>>[vector<16xi32>, vector<16xi32>], vector<16xf32>,
      %gather3A_2172 = tpu.vector_load_idx %arg22[%add3A_1985, %broadcast_in_dim3A_1989] : memref<128x8xf32, #tpu.memory_space<vmem>>[vector<16xi32>, vector<16xi32>], vector<16xf32>,
      %gather3A_2173 = tpu.vector_load_idx %arg22[%add3A_1985, %broadcast_in_dim3A_1991] : memref<128x8xf32, #tpu.memory_space<vmem>>[vector<16xi32>, vector<16xi32>], vector<16xf32>,
      %broadcast_in_dim3A_2174 = arith.constant 3 : i32
      %broadcast_in_dim3A_2175 = vector.broadcast %broadcast_in_dim3A_2174 : i32 to vector<16xi32>
      %gather3A_2176 = tpu.vector_load_idx %arg22[%add3A_1985, %broadcast_in_dim3A_2175] : memref<128x8xf32, #tpu.memory_space<vmem>>[vector<16xi32>, vector<16xi32>], vector<16xf32>,
      %broadcast_in_dim3A_2177 = arith.constant 4 : i32
      %broadcast_in_dim3A_2178 = vector.broadcast %broadcast_in_dim3A_2177 : i32 to vector<16xi32>
      %gather3A_2179 = tpu.vector_load_idx %arg22[%add3A_1985, %broadcast_in_dim3A_2178] : memref<128x8xf32, #tpu.memory_space<vmem>>[vector<16xi32>, vector<16xi32>], vector<16xf32>,
      %broadcast_in_dim3A_2180 = arith.constant 5 : i32
      %broadcast_in_dim3A_2181 = vector.broadcast %broadcast_in_dim3A_2180 : i32 to vector<16xi32>
      %gather3A_2182 = tpu.vector_load_idx %arg22[%add3A_1985, %broadcast_in_dim3A_2181] : memref<128x8xf32, #tpu.memory_space<vmem>>[vector<16xi32>, vector<16xi32>], vector<16xf32>,
      %broadcast_in_dim3A_2183 = arith.constant 6 : i32
      %broadcast_in_dim3A_2184 = vector.broadcast %broadcast_in_dim3A_2183 : i32 to vector<16xi32>
      %gather3A_2185 = tpu.vector_load_idx %arg22[%add3A_1985, %broadcast_in_dim3A_2184] : memref<128x8xf32, #tpu.memory_space<vmem>>[vector<16xi32>, vector<16xi32>], vector<16xf32>,
      %mul3A_2186 = arith.mulf %gather3A_2172, %select_n3A_2156 : vector<16xf32>
      %mul3A_2187 = arith.mulf %gather3A_2173, %mul3A_2157 : vector<16xf32>
      %add3A_2188 = arith.addf %mul3A_2186, %mul3A_2187 : vector<16xf32>
      %mul3A_2189 = arith.mulf %gather3A_2176, %sub3A_2160 : vector<16xf32>
      %add3A_2190 = arith.addf %add3A_2188, %mul3A_2189 : vector<16xf32>
      %mul3A_2191 = arith.mulf %gather3A_2179, %mul3A_2164 : vector<16xf32>
      %add3A_2192 = arith.addf %add3A_2190, %mul3A_2191 : vector<16xf32>
      %mul3A_2193 = arith.mulf %gather3A_2182, %sub3A_2167 : vector<16xf32>
      %add3A_2194 = arith.addf %add3A_2192, %mul3A_2193 : vector<16xf32>
      %mul3A_2195 = arith.mulf %gather3A_2185, %add3A_2170 : vector<16xf32>
      %add3A_2196 = arith.addf %add3A_2194, %mul3A_2195 : vector<16xf32>
      %sub3A_2197 = arith.subf %gather3A_2171, %add3A_2196 : vector<16xf32>
      %add3A_2198 = arith.constant 96 : i32
      %add3A_2199 = arith.addi %add3A_348, %add3A_2198 : i32
      %add3A_2200 = vector.broadcast %add3A_2199 : i32 to vector<16xi32>
      %add3A_2201 = arith.addi %add3A_2200, %iota3A : vector<16xi32>
      %lt3A_2202 = arith.constant 800000 : i32
      %lt3A_2203 = vector.broadcast %lt3A_2202 : i32 to vector<16xi32>
      %lt3A_2204 = arith.cmpi slt, %add3A_2201, %lt3A_2203 : vector<16xi32>
      %jit3A_2205 = arith.constant 0.000000e+00 : f32
      %broadcast_in_dim3A_2206 = vector.broadcast %jit3A_2205 : f32 to vector<16xf32>
      %select_n3A_2207 = arith.select %lt3A_2204, %sub3A_2197, %broadcast_in_dim3A_2206 : vector<16xi1>, vector<16xf32>
      %mul3A_2208 = arith.constant 64 : i32
      %mul3A_2209 = vector.broadcast %mul3A_2208 : i32 to vector<16xi32>
      %mul3A_2210 = arith.muli %iota3A, %mul3A_2209 : vector<16xi32>
      %get3A_2211 = arith.constant 96 : index
      %get3A_2212 = tpu.vector_load %arg16[%get3A_2211] {strides = array<i32>} : memref<128xi32, #tpu.memory_space<vmem>>, vector<16xi32>,
      %add3A_2213 = arith.addi %mul3A_2210, %get3A_2212 : vector<16xi32>
      tpu.vector_store_idx %arg23[%add3A_2213], %select_n3A_2207 {add = true} : memref<1024xf32, #tpu.memory_space<vmem>>[vector<16xi32>], vector<16xf32>,
      %add3A_2214 = arith.constant 112 : i32
      %add3A_2215 = vector.broadcast %add3A_2214 : i32 to vector<16xi32>
      %add3A_2216 = arith.addi %iota3A, %add3A_2215 : vector<16xi32>
      %broadcast_in_dim3A_2217 = arith.constant 0 : i32
      %broadcast_in_dim3A_2218 = vector.broadcast %broadcast_in_dim3A_2217 : i32 to vector<16xi32>
      %broadcast_in_dim3A_2219 = arith.constant 1 : i32
      %broadcast_in_dim3A_2220 = vector.broadcast %broadcast_in_dim3A_2219 : i32 to vector<16xi32>
      %broadcast_in_dim3A_2221 = arith.constant 2 : i32
      %broadcast_in_dim3A_2222 = vector.broadcast %broadcast_in_dim3A_2221 : i32 to vector<16xi32>
      %gather3A_2223 = tpu.vector_load_idx %arg18[%add3A_2216, %broadcast_in_dim3A_2218] : memref<128x4xf32, #tpu.memory_space<vmem>>[vector<16xi32>, vector<16xi32>], vector<16xf32>,
      %gather3A_2224 = tpu.vector_load_idx %arg18[%add3A_2216, %broadcast_in_dim3A_2220] : memref<128x4xf32, #tpu.memory_space<vmem>>[vector<16xi32>, vector<16xi32>], vector<16xf32>,
      %gather3A_2225 = tpu.vector_load_idx %arg18[%add3A_2216, %broadcast_in_dim3A_2222] : memref<128x4xf32, #tpu.memory_space<vmem>>[vector<16xi32>, vector<16xi32>], vector<16xf32>,
      %gather3A_2226 = tpu.vector_load_idx %arg19[%add3A_2216, %broadcast_in_dim3A_2218] : memref<128x4xf32, #tpu.memory_space<vmem>>[vector<16xi32>, vector<16xi32>], vector<16xf32>,
      %gather3A_2227 = tpu.vector_load_idx %arg19[%add3A_2216, %broadcast_in_dim3A_2220] : memref<128x4xf32, #tpu.memory_space<vmem>>[vector<16xi32>, vector<16xi32>], vector<16xf32>,
      %gather3A_2228 = tpu.vector_load_idx %arg19[%add3A_2216, %broadcast_in_dim3A_2222] : memref<128x4xf32, #tpu.memory_space<vmem>>[vector<16xi32>, vector<16xi32>], vector<16xf32>,
      %gather3A_2229 = tpu.vector_load_idx %arg20[%add3A_2216, %broadcast_in_dim3A_2218] : memref<128x4xf32, #tpu.memory_space<vmem>>[vector<16xi32>, vector<16xi32>], vector<16xf32>,
      %gather3A_2230 = tpu.vector_load_idx %arg20[%add3A_2216, %broadcast_in_dim3A_2220] : memref<128x4xf32, #tpu.memory_space<vmem>>[vector<16xi32>, vector<16xi32>], vector<16xf32>,
      %gather3A_2231 = tpu.vector_load_idx %arg20[%add3A_2216, %broadcast_in_dim3A_2222] : memref<128x4xf32, #tpu.memory_space<vmem>>[vector<16xi32>, vector<16xi32>], vector<16xf32>,
      %gather3A_2232 = tpu.vector_load_idx %arg21[%add3A_2216, %broadcast_in_dim3A_2218] : memref<128x4xf32, #tpu.memory_space<vmem>>[vector<16xi32>, vector<16xi32>], vector<16xf32>,
      %gather3A_2233 = tpu.vector_load_idx %arg21[%add3A_2216, %broadcast_in_dim3A_2220] : memref<128x4xf32, #tpu.memory_space<vmem>>[vector<16xi32>, vector<16xi32>], vector<16xf32>,
      %gather3A_2234 = tpu.vector_load_idx %arg21[%add3A_2216, %broadcast_in_dim3A_2222] : memref<128x4xf32, #tpu.memory_space<vmem>>[vector<16xi32>, vector<16xi32>], vector<16xf32>,
      %sub3A_2235 = arith.subf %gather3A_2223, %gather3A_2226 : vector<16xf32>
      %sub3A_2236 = arith.subf %gather3A_2224, %gather3A_2227 : vector<16xf32>
      %sub3A_2237 = arith.subf %gather3A_2225, %gather3A_2228 : vector<16xf32>
      %sub3A_2238 = arith.subf %gather3A_2229, %gather3A_2226 : vector<16xf32>
      %sub3A_2239 = arith.subf %gather3A_2230, %gather3A_2227 : vector<16xf32>
      %sub3A_2240 = arith.subf %gather3A_2231, %gather3A_2228 : vector<16xf32>
      %sub3A_2241 = arith.subf %gather3A_2232, %gather3A_2229 : vector<16xf32>
      %sub3A_2242 = arith.subf %gather3A_2233, %gather3A_2230 : vector<16xf32>
      %sub3A_2243 = arith.subf %gather3A_2234, %gather3A_2231 : vector<16xf32>
      %mul3A_2244 = arith.mulf %sub3A_2238, %sub3A_2238 : vector<16xf32>
      %mul3A_2245 = arith.mulf %sub3A_2239, %sub3A_2239 : vector<16xf32>
      %add3A_2246 = arith.addf %mul3A_2244, %mul3A_2245 : vector<16xf32>
      %mul3A_2247 = arith.mulf %sub3A_2240, %sub3A_2240 : vector<16xf32>
      %add3A_2248 = arith.addf %add3A_2246, %mul3A_2247 : vector<16xf32>
      %gt3A_2249 = arith.constant 0.000000e+00 : f32
      %gt3A_2250 = vector.broadcast %gt3A_2249 : f32 to vector<16xf32>
      %gt3A_2251 = arith.cmpf ogt, %add3A_2248, %gt3A_2250 : vector<16xf32>
      %jit3A_2252 = arith.constant 1.000000e+00 : f32
      %broadcast_in_dim3A_2253 = vector.broadcast %jit3A_2252 : f32 to vector<16xf32>
      %select_n3A_2254 = arith.select %gt3A_2251, %add3A_2248, %broadcast_in_dim3A_2253 : vector<16xi1>, vector<16xf32>
      %bitcast_convert_type3A_2255 = tpu.bitcast %select_n3A_2254 : vector<16xf32> -> vector<16xi32>
      %shift_right_arithmetic3A_2256 = arith.constant 1 : i32
      %shift_right_arithmetic3A_2257 = vector.broadcast %shift_right_arithmetic3A_2256 : i32 to vector<16xi32>
      %shift_right_arithmetic3A_2258 = arith.shrsi %bitcast_convert_type3A_2255, %shift_right_arithmetic3A_2257 : vector<16xi32>
      %sub3A_2259 = arith.constant 1597463007 : i32
      %sub3A_2260 = vector.broadcast %sub3A_2259 : i32 to vector<16xi32>
      %sub3A_2261 = arith.subi %sub3A_2260, %shift_right_arithmetic3A_2258 : vector<16xi32>
      %bitcast_convert_type3A_2262 = tpu.bitcast %sub3A_2261 : vector<16xi32> -> vector<16xf32>
      %mul3A_2263 = arith.constant 5.000000e-01 : f32
      %mul3A_2264 = vector.broadcast %mul3A_2263 : f32 to vector<16xf32>
      %mul3A_2265 = arith.mulf %mul3A_2264, %select_n3A_2254 : vector<16xf32>
      %mul3A_2266 = arith.mulf %mul3A_2265, %bitcast_convert_type3A_2262 : vector<16xf32>
      %mul3A_2267 = arith.mulf %mul3A_2266, %bitcast_convert_type3A_2262 : vector<16xf32>
      %sub3A_2268 = arith.constant 1.500000e+00 : f32
      %sub3A_2269 = vector.broadcast %sub3A_2268 : f32 to vector<16xf32>
      %sub3A_2270 = arith.subf %sub3A_2269, %mul3A_2267 : vector<16xf32>
      %mul3A_2271 = arith.mulf %bitcast_convert_type3A_2262, %sub3A_2270 : vector<16xf32>
      %mul3A_2272 = arith.constant 5.000000e-01 : f32
      %mul3A_2273 = vector.broadcast %mul3A_2272 : f32 to vector<16xf32>
      %mul3A_2274 = arith.mulf %mul3A_2273, %select_n3A_2254 : vector<16xf32>
      %mul3A_2275 = arith.mulf %mul3A_2274, %mul3A_2271 : vector<16xf32>
      %mul3A_2276 = arith.mulf %mul3A_2275, %mul3A_2271 : vector<16xf32>
      %sub3A_2277 = arith.constant 1.500000e+00 : f32
      %sub3A_2278 = vector.broadcast %sub3A_2277 : f32 to vector<16xf32>
      %sub3A_2279 = arith.subf %sub3A_2278, %mul3A_2276 : vector<16xf32>
      %mul3A_2280 = arith.mulf %mul3A_2271, %sub3A_2279 : vector<16xf32>
      %mul3A_2281 = arith.constant 5.000000e-01 : f32
      %mul3A_2282 = vector.broadcast %mul3A_2281 : f32 to vector<16xf32>
      %mul3A_2283 = arith.mulf %mul3A_2282, %select_n3A_2254 : vector<16xf32>
      %mul3A_2284 = arith.mulf %mul3A_2283, %mul3A_2280 : vector<16xf32>
      %mul3A_2285 = arith.mulf %mul3A_2284, %mul3A_2280 : vector<16xf32>
      %sub3A_2286 = arith.constant 1.500000e+00 : f32
      %sub3A_2287 = vector.broadcast %sub3A_2286 : f32 to vector<16xf32>
      %sub3A_2288 = arith.subf %sub3A_2287, %mul3A_2285 : vector<16xf32>
      %mul3A_2289 = arith.mulf %mul3A_2280, %sub3A_2288 : vector<16xf32>
      %jit3A_2290 = arith.constant 0.000000e+00 : f32
      %broadcast_in_dim3A_2291 = vector.broadcast %jit3A_2290 : f32 to vector<16xf32>
      %select_n3A_2292 = arith.select %gt3A_2251, %mul3A_2289, %broadcast_in_dim3A_2291 : vector<16xi1>, vector<16xf32>
      %mul3A_2293 = arith.mulf %sub3A_2238, %select_n3A_2292 : vector<16xf32>
      %mul3A_2294 = arith.mulf %sub3A_2239, %select_n3A_2292 : vector<16xf32>
      %mul3A_2295 = arith.mulf %sub3A_2240, %select_n3A_2292 : vector<16xf32>
      %mul3A_2296 = arith.mulf %sub3A_2235, %mul3A_2293 : vector<16xf32>
      %mul3A_2297 = arith.mulf %sub3A_2236, %mul3A_2294 : vector<16xf32>
      %add3A_2298 = arith.addf %mul3A_2296, %mul3A_2297 : vector<16xf32>
      %mul3A_2299 = arith.mulf %sub3A_2237, %mul3A_2295 : vector<16xf32>
      %add3A_2300 = arith.addf %add3A_2298, %mul3A_2299 : vector<16xf32>
      %mul3A_2301 = arith.mulf %sub3A_2241, %mul3A_2293 : vector<16xf32>
      %mul3A_2302 = arith.mulf %sub3A_2242, %mul3A_2294 : vector<16xf32>
      %add3A_2303 = arith.addf %mul3A_2301, %mul3A_2302 : vector<16xf32>
      %mul3A_2304 = arith.mulf %sub3A_2243, %mul3A_2295 : vector<16xf32>
      %add3A_2305 = arith.addf %add3A_2303, %mul3A_2304 : vector<16xf32>
      %mul3A_2306 = arith.mulf %add3A_2300, %mul3A_2293 : vector<16xf32>
      %sub3A_2307 = arith.subf %sub3A_2235, %mul3A_2306 : vector<16xf32>
      %mul3A_2308 = arith.mulf %add3A_2300, %mul3A_2294 : vector<16xf32>
      %sub3A_2309 = arith.subf %sub3A_2236, %mul3A_2308 : vector<16xf32>
      %mul3A_2310 = arith.mulf %add3A_2300, %mul3A_2295 : vector<16xf32>
      %sub3A_2311 = arith.subf %sub3A_2237, %mul3A_2310 : vector<16xf32>
      %mul3A_2312 = arith.mulf %add3A_2305, %mul3A_2293 : vector<16xf32>
      %sub3A_2313 = arith.subf %sub3A_2241, %mul3A_2312 : vector<16xf32>
      %mul3A_2314 = arith.mulf %add3A_2305, %mul3A_2294 : vector<16xf32>
      %sub3A_2315 = arith.subf %sub3A_2242, %mul3A_2314 : vector<16xf32>
      %mul3A_2316 = arith.mulf %add3A_2305, %mul3A_2295 : vector<16xf32>
      %sub3A_2317 = arith.subf %sub3A_2243, %mul3A_2316 : vector<16xf32>
      %mul3A_2318 = arith.mulf %sub3A_2307, %sub3A_2313 : vector<16xf32>
      %mul3A_2319 = arith.mulf %sub3A_2309, %sub3A_2315 : vector<16xf32>
      %add3A_2320 = arith.addf %mul3A_2318, %mul3A_2319 : vector<16xf32>
      %mul3A_2321 = arith.mulf %sub3A_2311, %sub3A_2317 : vector<16xf32>
      %add3A_2322 = arith.addf %add3A_2320, %mul3A_2321 : vector<16xf32>
      %mul3A_2323 = arith.mulf %mul3A_2294, %sub3A_2311 : vector<16xf32>
      %mul3A_2324 = arith.mulf %mul3A_2295, %sub3A_2309 : vector<16xf32>
      %sub3A_2325 = arith.subf %mul3A_2323, %mul3A_2324 : vector<16xf32>
      %mul3A_2326 = arith.mulf %mul3A_2295, %sub3A_2307 : vector<16xf32>
      %mul3A_2327 = arith.mulf %mul3A_2293, %sub3A_2311 : vector<16xf32>
      %sub3A_2328 = arith.subf %mul3A_2326, %mul3A_2327 : vector<16xf32>
      %mul3A_2329 = arith.mulf %mul3A_2293, %sub3A_2309 : vector<16xf32>
      %mul3A_2330 = arith.mulf %mul3A_2294, %sub3A_2307 : vector<16xf32>
      %sub3A_2331 = arith.subf %mul3A_2329, %mul3A_2330 : vector<16xf32>
      %mul3A_2332 = arith.mulf %sub3A_2325, %sub3A_2313 : vector<16xf32>
      %mul3A_2333 = arith.mulf %sub3A_2328, %sub3A_2315 : vector<16xf32>
      %add3A_2334 = arith.addf %mul3A_2332, %mul3A_2333 : vector<16xf32>
      %mul3A_2335 = arith.mulf %sub3A_2331, %sub3A_2317 : vector<16xf32>
      %add3A_2336 = arith.addf %add3A_2334, %mul3A_2335 : vector<16xf32>
      %mul3A_2337 = arith.mulf %add3A_2322, %add3A_2322 : vector<16xf32>
      %mul3A_2338 = arith.mulf %add3A_2336, %add3A_2336 : vector<16xf32>
      %add3A_2339 = arith.addf %mul3A_2337, %mul3A_2338 : vector<16xf32>
      %gt3A_2340 = arith.constant 0.000000e+00 : f32
      %gt3A_2341 = vector.broadcast %gt3A_2340 : f32 to vector<16xf32>
      %gt3A_2342 = arith.cmpf ogt, %add3A_2339, %gt3A_2341 : vector<16xf32>
      %jit3A_2343 = arith.constant 1.000000e+00 : f32
      %broadcast_in_dim3A_2344 = vector.broadcast %jit3A_2343 : f32 to vector<16xf32>
      %select_n3A_2345 = arith.select %gt3A_2342, %add3A_2339, %broadcast_in_dim3A_2344 : vector<16xi1>, vector<16xf32>
      %bitcast_convert_type3A_2346 = tpu.bitcast %select_n3A_2345 : vector<16xf32> -> vector<16xi32>
      %shift_right_arithmetic3A_2347 = arith.constant 1 : i32
      %shift_right_arithmetic3A_2348 = vector.broadcast %shift_right_arithmetic3A_2347 : i32 to vector<16xi32>
      %shift_right_arithmetic3A_2349 = arith.shrsi %bitcast_convert_type3A_2346, %shift_right_arithmetic3A_2348 : vector<16xi32>
      %sub3A_2350 = arith.constant 1597463007 : i32
      %sub3A_2351 = vector.broadcast %sub3A_2350 : i32 to vector<16xi32>
      %sub3A_2352 = arith.subi %sub3A_2351, %shift_right_arithmetic3A_2349 : vector<16xi32>
      %bitcast_convert_type3A_2353 = tpu.bitcast %sub3A_2352 : vector<16xi32> -> vector<16xf32>
      %mul3A_2354 = arith.constant 5.000000e-01 : f32
      %mul3A_2355 = vector.broadcast %mul3A_2354 : f32 to vector<16xf32>
      %mul3A_2356 = arith.mulf %mul3A_2355, %select_n3A_2345 : vector<16xf32>
      %mul3A_2357 = arith.mulf %mul3A_2356, %bitcast_convert_type3A_2353 : vector<16xf32>
      %mul3A_2358 = arith.mulf %mul3A_2357, %bitcast_convert_type3A_2353 : vector<16xf32>
      %sub3A_2359 = arith.constant 1.500000e+00 : f32
      %sub3A_2360 = vector.broadcast %sub3A_2359 : f32 to vector<16xf32>
      %sub3A_2361 = arith.subf %sub3A_2360, %mul3A_2358 : vector<16xf32>
      %mul3A_2362 = arith.mulf %bitcast_convert_type3A_2353, %sub3A_2361 : vector<16xf32>
      %mul3A_2363 = arith.constant 5.000000e-01 : f32
      %mul3A_2364 = vector.broadcast %mul3A_2363 : f32 to vector<16xf32>
      %mul3A_2365 = arith.mulf %mul3A_2364, %select_n3A_2345 : vector<16xf32>
      %mul3A_2366 = arith.mulf %mul3A_2365, %mul3A_2362 : vector<16xf32>
      %mul3A_2367 = arith.mulf %mul3A_2366, %mul3A_2362 : vector<16xf32>
      %sub3A_2368 = arith.constant 1.500000e+00 : f32
      %sub3A_2369 = vector.broadcast %sub3A_2368 : f32 to vector<16xf32>
      %sub3A_2370 = arith.subf %sub3A_2369, %mul3A_2367 : vector<16xf32>
      %mul3A_2371 = arith.mulf %mul3A_2362, %sub3A_2370 : vector<16xf32>
      %mul3A_2372 = arith.constant 5.000000e-01 : f32
      %mul3A_2373 = vector.broadcast %mul3A_2372 : f32 to vector<16xf32>
      %mul3A_2374 = arith.mulf %mul3A_2373, %select_n3A_2345 : vector<16xf32>
      %mul3A_2375 = arith.mulf %mul3A_2374, %mul3A_2371 : vector<16xf32>
      %mul3A_2376 = arith.mulf %mul3A_2375, %mul3A_2371 : vector<16xf32>
      %sub3A_2377 = arith.constant 1.500000e+00 : f32
      %sub3A_2378 = vector.broadcast %sub3A_2377 : f32 to vector<16xf32>
      %sub3A_2379 = arith.subf %sub3A_2378, %mul3A_2376 : vector<16xf32>
      %mul3A_2380 = arith.mulf %mul3A_2371, %sub3A_2379 : vector<16xf32>
      %jit3A_2381 = arith.constant 0.000000e+00 : f32
      %broadcast_in_dim3A_2382 = vector.broadcast %jit3A_2381 : f32 to vector<16xf32>
      %select_n3A_2383 = arith.select %gt3A_2342, %mul3A_2380, %broadcast_in_dim3A_2382 : vector<16xi1>, vector<16xf32>
      %mul3A_2384 = arith.mulf %add3A_2322, %select_n3A_2383 : vector<16xf32>
      %jit3A_2385 = arith.constant 1.000000e+00 : f32
      %broadcast_in_dim3A_2386 = vector.broadcast %jit3A_2385 : f32 to vector<16xf32>
      %select_n3A_2387 = arith.select %gt3A_2342, %mul3A_2384, %broadcast_in_dim3A_2386 : vector<16xi1>, vector<16xf32>
      %mul3A_2388 = arith.mulf %add3A_2336, %select_n3A_2383 : vector<16xf32>
      %mul3A_2389 = arith.mulf %select_n3A_2387, %select_n3A_2387 : vector<16xf32>
      %mul3A_2390 = arith.mulf %mul3A_2388, %mul3A_2388 : vector<16xf32>
      %sub3A_2391 = arith.subf %mul3A_2389, %mul3A_2390 : vector<16xf32>
      %mul3A_2392 = arith.constant 2.000000e+00 : f32
      %mul3A_2393 = vector.broadcast %mul3A_2392 : f32 to vector<16xf32>
      %mul3A_2394 = arith.mulf %mul3A_2393, %select_n3A_2387 : vector<16xf32>
      %mul3A_2395 = arith.mulf %mul3A_2394, %mul3A_2388 : vector<16xf32>
      %mul3A_2396 = arith.mulf %select_n3A_2387, %sub3A_2391 : vector<16xf32>
      %mul3A_2397 = arith.mulf %mul3A_2388, %mul3A_2395 : vector<16xf32>
      %sub3A_2398 = arith.subf %mul3A_2396, %mul3A_2397 : vector<16xf32>
      %mul3A_2399 = arith.mulf %mul3A_2388, %sub3A_2391 : vector<16xf32>
      %mul3A_2400 = arith.mulf %select_n3A_2387, %mul3A_2395 : vector<16xf32>
      %add3A_2401 = arith.addf %mul3A_2399, %mul3A_2400 : vector<16xf32>
      %gather3A_2402 = tpu.vector_load_idx %arg22[%add3A_2216, %broadcast_in_dim3A_2218] : memref<128x8xf32, #tpu.memory_space<vmem>>[vector<16xi32>, vector<16xi32>], vector<16xf32>,
      %gather3A_2403 = tpu.vector_load_idx %arg22[%add3A_2216, %broadcast_in_dim3A_2220] : memref<128x8xf32, #tpu.memory_space<vmem>>[vector<16xi32>, vector<16xi32>], vector<16xf32>,
      %gather3A_2404 = tpu.vector_load_idx %arg22[%add3A_2216, %broadcast_in_dim3A_2222] : memref<128x8xf32, #tpu.memory_space<vmem>>[vector<16xi32>, vector<16xi32>], vector<16xf32>,
      %broadcast_in_dim3A_2405 = arith.constant 3 : i32
      %broadcast_in_dim3A_2406 = vector.broadcast %broadcast_in_dim3A_2405 : i32 to vector<16xi32>
      %gather3A_2407 = tpu.vector_load_idx %arg22[%add3A_2216, %broadcast_in_dim3A_2406] : memref<128x8xf32, #tpu.memory_space<vmem>>[vector<16xi32>, vector<16xi32>], vector<16xf32>,
      %broadcast_in_dim3A_2408 = arith.constant 4 : i32
      %broadcast_in_dim3A_2409 = vector.broadcast %broadcast_in_dim3A_2408 : i32 to vector<16xi32>
      %gather3A_2410 = tpu.vector_load_idx %arg22[%add3A_2216, %broadcast_in_dim3A_2409] : memref<128x8xf32, #tpu.memory_space<vmem>>[vector<16xi32>, vector<16xi32>], vector<16xf32>,
      %broadcast_in_dim3A_2411 = arith.constant 5 : i32
      %broadcast_in_dim3A_2412 = vector.broadcast %broadcast_in_dim3A_2411 : i32 to vector<16xi32>
      %gather3A_2413 = tpu.vector_load_idx %arg22[%add3A_2216, %broadcast_in_dim3A_2412] : memref<128x8xf32, #tpu.memory_space<vmem>>[vector<16xi32>, vector<16xi32>], vector<16xf32>,
      %broadcast_in_dim3A_2414 = arith.constant 6 : i32
      %broadcast_in_dim3A_2415 = vector.broadcast %broadcast_in_dim3A_2414 : i32 to vector<16xi32>
      %gather3A_2416 = tpu.vector_load_idx %arg22[%add3A_2216, %broadcast_in_dim3A_2415] : memref<128x8xf32, #tpu.memory_space<vmem>>[vector<16xi32>, vector<16xi32>], vector<16xf32>,
      %mul3A_2417 = arith.mulf %gather3A_2403, %select_n3A_2387 : vector<16xf32>
      %mul3A_2418 = arith.mulf %gather3A_2404, %mul3A_2388 : vector<16xf32>
      %add3A_2419 = arith.addf %mul3A_2417, %mul3A_2418 : vector<16xf32>
      %mul3A_2420 = arith.mulf %gather3A_2407, %sub3A_2391 : vector<16xf32>
      %add3A_2421 = arith.addf %add3A_2419, %mul3A_2420 : vector<16xf32>
      %mul3A_2422 = arith.mulf %gather3A_2410, %mul3A_2395 : vector<16xf32>
      %add3A_2423 = arith.addf %add3A_2421, %mul3A_2422 : vector<16xf32>
      %mul3A_2424 = arith.mulf %gather3A_2413, %sub3A_2398 : vector<16xf32>
      %add3A_2425 = arith.addf %add3A_2423, %mul3A_2424 : vector<16xf32>
      %mul3A_2426 = arith.mulf %gather3A_2416, %add3A_2401 : vector<16xf32>
      %add3A_2427 = arith.addf %add3A_2425, %mul3A_2426 : vector<16xf32>
      %sub3A_2428 = arith.subf %gather3A_2402, %add3A_2427 : vector<16xf32>
      %add3A_2429 = arith.constant 112 : i32
      %add3A_2430 = arith.addi %add3A_348, %add3A_2429 : i32
      %add3A_2431 = vector.broadcast %add3A_2430 : i32 to vector<16xi32>
      %add3A_2432 = arith.addi %add3A_2431, %iota3A : vector<16xi32>
      %lt3A_2433 = arith.constant 800000 : i32
      %lt3A_2434 = vector.broadcast %lt3A_2433 : i32 to vector<16xi32>
      %lt3A_2435 = arith.cmpi slt, %add3A_2432, %lt3A_2434 : vector<16xi32>
      %jit3A_2436 = arith.constant 0.000000e+00 : f32
      %broadcast_in_dim3A_2437 = vector.broadcast %jit3A_2436 : f32 to vector<16xf32>
      %select_n3A_2438 = arith.select %lt3A_2435, %sub3A_2428, %broadcast_in_dim3A_2437 : vector<16xi1>, vector<16xf32>
      %mul3A_2439 = arith.constant 64 : i32
      %mul3A_2440 = vector.broadcast %mul3A_2439 : i32 to vector<16xi32>
      %mul3A_2441 = arith.muli %iota3A, %mul3A_2440 : vector<16xi32>
      %get3A_2442 = arith.constant 112 : index
      %get3A_2443 = tpu.vector_load %arg16[%get3A_2442] {strides = array<i32>} : memref<128xi32, #tpu.memory_space<vmem>>, vector<16xi32>,
      %add3A_2444 = arith.addi %mul3A_2441, %get3A_2443 : vector<16xi32>
      tpu.vector_store_idx %arg23[%add3A_2444], %select_n3A_2438 {add = true} : memref<1024xf32, #tpu.memory_space<vmem>>[vector<16xi32>], vector<16xf32>,
    }
    %scan3A_135 = arith.constant 196 : i32
    %broadcast_in_dim3A_136 = arith.constant 0.000000e+00 : f32
    %broadcast_in_dim3A_137 = vector.broadcast %broadcast_in_dim3A_136 : f32 to vector<16xf32>
    %get3A = arith.constant 0 : index
    %get3A_138 = tpu.vector_load %arg23[%get3A] {strides = array<i32>} : memref<1024xf32, #tpu.memory_space<vmem>>, vector<16xf32>,
    %add3A_139 = arith.addf %broadcast_in_dim3A_137, %get3A_138 : vector<16xf32>
    %get3A_140 = arith.constant 64 : index
    %get3A_141 = tpu.vector_load %arg23[%get3A_140] {strides = array<i32>} : memref<1024xf32, #tpu.memory_space<vmem>>, vector<16xf32>,
    %add3A_142 = arith.addf %add3A_139, %get3A_141 : vector<16xf32>
    %get3A_143 = arith.constant 128 : index
    %get3A_144 = tpu.vector_load %arg23[%get3A_143] {strides = array<i32>} : memref<1024xf32, #tpu.memory_space<vmem>>, vector<16xf32>,
    %add3A_145 = arith.addf %add3A_142, %get3A_144 : vector<16xf32>
    %get3A_146 = arith.constant 192 : index
    %get3A_147 = tpu.vector_load %arg23[%get3A_146] {strides = array<i32>} : memref<1024xf32, #tpu.memory_space<vmem>>, vector<16xf32>,
    %add3A_148 = arith.addf %add3A_145, %get3A_147 : vector<16xf32>
    %get3A_149 = arith.constant 256 : index
    %get3A_150 = tpu.vector_load %arg23[%get3A_149] {strides = array<i32>} : memref<1024xf32, #tpu.memory_space<vmem>>, vector<16xf32>,
    %add3A_151 = arith.addf %add3A_148, %get3A_150 : vector<16xf32>
    %get3A_152 = arith.constant 320 : index
    %get3A_153 = tpu.vector_load %arg23[%get3A_152] {strides = array<i32>} : memref<1024xf32, #tpu.memory_space<vmem>>, vector<16xf32>,
    %add3A_154 = arith.addf %add3A_151, %get3A_153 : vector<16xf32>
    %get3A_155 = arith.constant 384 : index
    %get3A_156 = tpu.vector_load %arg23[%get3A_155] {strides = array<i32>} : memref<1024xf32, #tpu.memory_space<vmem>>, vector<16xf32>,
    %add3A_157 = arith.addf %add3A_154, %get3A_156 : vector<16xf32>
    %get3A_158 = arith.constant 448 : index
    %get3A_159 = tpu.vector_load %arg23[%get3A_158] {strides = array<i32>} : memref<1024xf32, #tpu.memory_space<vmem>>, vector<16xf32>,
    %add3A_160 = arith.addf %add3A_157, %get3A_159 : vector<16xf32>
    %get3A_161 = arith.constant 512 : index
    %get3A_162 = tpu.vector_load %arg23[%get3A_161] {strides = array<i32>} : memref<1024xf32, #tpu.memory_space<vmem>>, vector<16xf32>,
    %add3A_163 = arith.addf %add3A_160, %get3A_162 : vector<16xf32>
    %get3A_164 = arith.constant 576 : index
    %get3A_165 = tpu.vector_load %arg23[%get3A_164] {strides = array<i32>} : memref<1024xf32, #tpu.memory_space<vmem>>, vector<16xf32>,
    %add3A_166 = arith.addf %add3A_163, %get3A_165 : vector<16xf32>
    %get3A_167 = arith.constant 640 : index
    %get3A_168 = tpu.vector_load %arg23[%get3A_167] {strides = array<i32>} : memref<1024xf32, #tpu.memory_space<vmem>>, vector<16xf32>,
    %add3A_169 = arith.addf %add3A_166, %get3A_168 : vector<16xf32>
    %get3A_170 = arith.constant 704 : index
    %get3A_171 = tpu.vector_load %arg23[%get3A_170] {strides = array<i32>} : memref<1024xf32, #tpu.memory_space<vmem>>, vector<16xf32>,
    %add3A_172 = arith.addf %add3A_169, %get3A_171 : vector<16xf32>
    %get3A_173 = arith.constant 768 : index
    %get3A_174 = tpu.vector_load %arg23[%get3A_173] {strides = array<i32>} : memref<1024xf32, #tpu.memory_space<vmem>>, vector<16xf32>,
    %add3A_175 = arith.addf %add3A_172, %get3A_174 : vector<16xf32>
    %get3A_176 = arith.constant 832 : index
    %get3A_177 = tpu.vector_load %arg23[%get3A_176] {strides = array<i32>} : memref<1024xf32, #tpu.memory_space<vmem>>, vector<16xf32>,
    %add3A_178 = arith.addf %add3A_175, %get3A_177 : vector<16xf32>
    %get3A_179 = arith.constant 896 : index
    %get3A_180 = tpu.vector_load %arg23[%get3A_179] {strides = array<i32>} : memref<1024xf32, #tpu.memory_space<vmem>>, vector<16xf32>,
    %add3A_181 = arith.addf %add3A_178, %get3A_180 : vector<16xf32>
    %get3A_182 = arith.constant 960 : index
    %get3A_183 = tpu.vector_load %arg23[%get3A_182] {strides = array<i32>} : memref<1024xf32, #tpu.memory_space<vmem>>, vector<16xf32>,
    %add3A_184 = arith.addf %add3A_181, %get3A_183 : vector<16xf32>
    %swap3A_185 = arith.constant 0 : index
    %swap3A_186 = tpu.vector_load %arg24[%swap3A_185] {strides = array<i32>} : memref<64xf32, #tpu.memory_space<vmem>>, vector<16xf32>,
    tpu.vector_store %arg24[%swap3A_185], %add3A_184 {strides = array<i32>} : memref<64xf32, #tpu.memory_space<vmem>>, vector<16xf32>,
    %broadcast_in_dim3A_187 = arith.constant 0.000000e+00 : f32
    %broadcast_in_dim3A_188 = vector.broadcast %broadcast_in_dim3A_187 : f32 to vector<16xf32>
    %get3A_189 = arith.constant 16 : index
    %get3A_190 = tpu.vector_load %arg23[%get3A_189] {strides = array<i32>} : memref<1024xf32, #tpu.memory_space<vmem>>, vector<16xf32>,
    %add3A_191 = arith.addf %broadcast_in_dim3A_188, %get3A_190 : vector<16xf32>
    %get3A_192 = arith.constant 80 : index
    %get3A_193 = tpu.vector_load %arg23[%get3A_192] {strides = array<i32>} : memref<1024xf32, #tpu.memory_space<vmem>>, vector<16xf32>,
    %add3A_194 = arith.addf %add3A_191, %get3A_193 : vector<16xf32>
    %get3A_195 = arith.constant 144 : index
    %get3A_196 = tpu.vector_load %arg23[%get3A_195] {strides = array<i32>} : memref<1024xf32, #tpu.memory_space<vmem>>, vector<16xf32>,
    %add3A_197 = arith.addf %add3A_194, %get3A_196 : vector<16xf32>
    %get3A_198 = arith.constant 208 : index
    %get3A_199 = tpu.vector_load %arg23[%get3A_198] {strides = array<i32>} : memref<1024xf32, #tpu.memory_space<vmem>>, vector<16xf32>,
    %add3A_200 = arith.addf %add3A_197, %get3A_199 : vector<16xf32>
    %get3A_201 = arith.constant 272 : index
    %get3A_202 = tpu.vector_load %arg23[%get3A_201] {strides = array<i32>} : memref<1024xf32, #tpu.memory_space<vmem>>, vector<16xf32>,
    %add3A_203 = arith.addf %add3A_200, %get3A_202 : vector<16xf32>
    %get3A_204 = arith.constant 336 : index
    %get3A_205 = tpu.vector_load %arg23[%get3A_204] {strides = array<i32>} : memref<1024xf32, #tpu.memory_space<vmem>>, vector<16xf32>,
    %add3A_206 = arith.addf %add3A_203, %get3A_205 : vector<16xf32>
    %get3A_207 = arith.constant 400 : index
    %get3A_208 = tpu.vector_load %arg23[%get3A_207] {strides = array<i32>} : memref<1024xf32, #tpu.memory_space<vmem>>, vector<16xf32>,
    %add3A_209 = arith.addf %add3A_206, %get3A_208 : vector<16xf32>
    %get3A_210 = arith.constant 464 : index
    %get3A_211 = tpu.vector_load %arg23[%get3A_210] {strides = array<i32>} : memref<1024xf32, #tpu.memory_space<vmem>>, vector<16xf32>,
    %add3A_212 = arith.addf %add3A_209, %get3A_211 : vector<16xf32>
    %get3A_213 = arith.constant 528 : index
    %get3A_214 = tpu.vector_load %arg23[%get3A_213] {strides = array<i32>} : memref<1024xf32, #tpu.memory_space<vmem>>, vector<16xf32>,
    %add3A_215 = arith.addf %add3A_212, %get3A_214 : vector<16xf32>
    %get3A_216 = arith.constant 592 : index
    %get3A_217 = tpu.vector_load %arg23[%get3A_216] {strides = array<i32>} : memref<1024xf32, #tpu.memory_space<vmem>>, vector<16xf32>,
    %add3A_218 = arith.addf %add3A_215, %get3A_217 : vector<16xf32>
    %get3A_219 = arith.constant 656 : index
    %get3A_220 = tpu.vector_load %arg23[%get3A_219] {strides = array<i32>} : memref<1024xf32, #tpu.memory_space<vmem>>, vector<16xf32>,
    %add3A_221 = arith.addf %add3A_218, %get3A_220 : vector<16xf32>
    %get3A_222 = arith.constant 720 : index
    %get3A_223 = tpu.vector_load %arg23[%get3A_222] {strides = array<i32>} : memref<1024xf32, #tpu.memory_space<vmem>>, vector<16xf32>,
    %add3A_224 = arith.addf %add3A_221, %get3A_223 : vector<16xf32>
    %get3A_225 = arith.constant 784 : index
    %get3A_226 = tpu.vector_load %arg23[%get3A_225] {strides = array<i32>} : memref<1024xf32, #tpu.memory_space<vmem>>, vector<16xf32>,
    %add3A_227 = arith.addf %add3A_224, %get3A_226 : vector<16xf32>
    %get3A_228 = arith.constant 848 : index
    %get3A_229 = tpu.vector_load %arg23[%get3A_228] {strides = array<i32>} : memref<1024xf32, #tpu.memory_space<vmem>>, vector<16xf32>,
    %add3A_230 = arith.addf %add3A_227, %get3A_229 : vector<16xf32>
    %get3A_231 = arith.constant 912 : index
    %get3A_232 = tpu.vector_load %arg23[%get3A_231] {strides = array<i32>} : memref<1024xf32, #tpu.memory_space<vmem>>, vector<16xf32>,
    %add3A_233 = arith.addf %add3A_230, %get3A_232 : vector<16xf32>
    %get3A_234 = arith.constant 976 : index
    %get3A_235 = tpu.vector_load %arg23[%get3A_234] {strides = array<i32>} : memref<1024xf32, #tpu.memory_space<vmem>>, vector<16xf32>,
    %add3A_236 = arith.addf %add3A_233, %get3A_235 : vector<16xf32>
    %swap3A_237 = arith.constant 16 : index
    %swap3A_238 = tpu.vector_load %arg24[%swap3A_237] {strides = array<i32>} : memref<64xf32, #tpu.memory_space<vmem>>, vector<16xf32>,
    tpu.vector_store %arg24[%swap3A_237], %add3A_236 {strides = array<i32>} : memref<64xf32, #tpu.memory_space<vmem>>, vector<16xf32>,
    %broadcast_in_dim3A_239 = arith.constant 0.000000e+00 : f32
    %broadcast_in_dim3A_240 = vector.broadcast %broadcast_in_dim3A_239 : f32 to vector<16xf32>
    %get3A_241 = arith.constant 32 : index
    %get3A_242 = tpu.vector_load %arg23[%get3A_241] {strides = array<i32>} : memref<1024xf32, #tpu.memory_space<vmem>>, vector<16xf32>,
    %add3A_243 = arith.addf %broadcast_in_dim3A_240, %get3A_242 : vector<16xf32>
    %get3A_244 = arith.constant 96 : index
    %get3A_245 = tpu.vector_load %arg23[%get3A_244] {strides = array<i32>} : memref<1024xf32, #tpu.memory_space<vmem>>, vector<16xf32>,
    %add3A_246 = arith.addf %add3A_243, %get3A_245 : vector<16xf32>
    %get3A_247 = arith.constant 160 : index
    %get3A_248 = tpu.vector_load %arg23[%get3A_247] {strides = array<i32>} : memref<1024xf32, #tpu.memory_space<vmem>>, vector<16xf32>,
    %add3A_249 = arith.addf %add3A_246, %get3A_248 : vector<16xf32>
    %get3A_250 = arith.constant 224 : index
    %get3A_251 = tpu.vector_load %arg23[%get3A_250] {strides = array<i32>} : memref<1024xf32, #tpu.memory_space<vmem>>, vector<16xf32>,
    %add3A_252 = arith.addf %add3A_249, %get3A_251 : vector<16xf32>
    %get3A_253 = arith.constant 288 : index
    %get3A_254 = tpu.vector_load %arg23[%get3A_253] {strides = array<i32>} : memref<1024xf32, #tpu.memory_space<vmem>>, vector<16xf32>,
    %add3A_255 = arith.addf %add3A_252, %get3A_254 : vector<16xf32>
    %get3A_256 = arith.constant 352 : index
    %get3A_257 = tpu.vector_load %arg23[%get3A_256] {strides = array<i32>} : memref<1024xf32, #tpu.memory_space<vmem>>, vector<16xf32>,
    %add3A_258 = arith.addf %add3A_255, %get3A_257 : vector<16xf32>
    %get3A_259 = arith.constant 416 : index
    %get3A_260 = tpu.vector_load %arg23[%get3A_259] {strides = array<i32>} : memref<1024xf32, #tpu.memory_space<vmem>>, vector<16xf32>,
    %add3A_261 = arith.addf %add3A_258, %get3A_260 : vector<16xf32>
    %get3A_262 = arith.constant 480 : index
    %get3A_263 = tpu.vector_load %arg23[%get3A_262] {strides = array<i32>} : memref<1024xf32, #tpu.memory_space<vmem>>, vector<16xf32>,
    %add3A_264 = arith.addf %add3A_261, %get3A_263 : vector<16xf32>
    %get3A_265 = arith.constant 544 : index
    %get3A_266 = tpu.vector_load %arg23[%get3A_265] {strides = array<i32>} : memref<1024xf32, #tpu.memory_space<vmem>>, vector<16xf32>,
    %add3A_267 = arith.addf %add3A_264, %get3A_266 : vector<16xf32>
    %get3A_268 = arith.constant 608 : index
    %get3A_269 = tpu.vector_load %arg23[%get3A_268] {strides = array<i32>} : memref<1024xf32, #tpu.memory_space<vmem>>, vector<16xf32>,
    %add3A_270 = arith.addf %add3A_267, %get3A_269 : vector<16xf32>
    %get3A_271 = arith.constant 672 : index
    %get3A_272 = tpu.vector_load %arg23[%get3A_271] {strides = array<i32>} : memref<1024xf32, #tpu.memory_space<vmem>>, vector<16xf32>,
    %add3A_273 = arith.addf %add3A_270, %get3A_272 : vector<16xf32>
    %get3A_274 = arith.constant 736 : index
    %get3A_275 = tpu.vector_load %arg23[%get3A_274] {strides = array<i32>} : memref<1024xf32, #tpu.memory_space<vmem>>, vector<16xf32>,
    %add3A_276 = arith.addf %add3A_273, %get3A_275 : vector<16xf32>
    %get3A_277 = arith.constant 800 : index
    %get3A_278 = tpu.vector_load %arg23[%get3A_277] {strides = array<i32>} : memref<1024xf32, #tpu.memory_space<vmem>>, vector<16xf32>,
    %add3A_279 = arith.addf %add3A_276, %get3A_278 : vector<16xf32>
    %get3A_280 = arith.constant 864 : index
    %get3A_281 = tpu.vector_load %arg23[%get3A_280] {strides = array<i32>} : memref<1024xf32, #tpu.memory_space<vmem>>, vector<16xf32>,
    %add3A_282 = arith.addf %add3A_279, %get3A_281 : vector<16xf32>
    %get3A_283 = arith.constant 928 : index
    %get3A_284 = tpu.vector_load %arg23[%get3A_283] {strides = array<i32>} : memref<1024xf32, #tpu.memory_space<vmem>>, vector<16xf32>,
    %add3A_285 = arith.addf %add3A_282, %get3A_284 : vector<16xf32>
    %get3A_286 = arith.constant 992 : index
    %get3A_287 = tpu.vector_load %arg23[%get3A_286] {strides = array<i32>} : memref<1024xf32, #tpu.memory_space<vmem>>, vector<16xf32>,
    %add3A_288 = arith.addf %add3A_285, %get3A_287 : vector<16xf32>
    %swap3A_289 = arith.constant 32 : index
    %swap3A_290 = tpu.vector_load %arg24[%swap3A_289] {strides = array<i32>} : memref<64xf32, #tpu.memory_space<vmem>>, vector<16xf32>,
    tpu.vector_store %arg24[%swap3A_289], %add3A_288 {strides = array<i32>} : memref<64xf32, #tpu.memory_space<vmem>>, vector<16xf32>,
    %broadcast_in_dim3A_291 = arith.constant 0.000000e+00 : f32
    %broadcast_in_dim3A_292 = vector.broadcast %broadcast_in_dim3A_291 : f32 to vector<16xf32>
    %get3A_293 = arith.constant 48 : index
    %get3A_294 = tpu.vector_load %arg23[%get3A_293] {strides = array<i32>} : memref<1024xf32, #tpu.memory_space<vmem>>, vector<16xf32>,
    %add3A_295 = arith.addf %broadcast_in_dim3A_292, %get3A_294 : vector<16xf32>
    %get3A_296 = arith.constant 112 : index
    %get3A_297 = tpu.vector_load %arg23[%get3A_296] {strides = array<i32>} : memref<1024xf32, #tpu.memory_space<vmem>>, vector<16xf32>,
    %add3A_298 = arith.addf %add3A_295, %get3A_297 : vector<16xf32>
    %get3A_299 = arith.constant 176 : index
    %get3A_300 = tpu.vector_load %arg23[%get3A_299] {strides = array<i32>} : memref<1024xf32, #tpu.memory_space<vmem>>, vector<16xf32>,
    %add3A_301 = arith.addf %add3A_298, %get3A_300 : vector<16xf32>
    %get3A_302 = arith.constant 240 : index
    %get3A_303 = tpu.vector_load %arg23[%get3A_302] {strides = array<i32>} : memref<1024xf32, #tpu.memory_space<vmem>>, vector<16xf32>,
    %add3A_304 = arith.addf %add3A_301, %get3A_303 : vector<16xf32>
    %get3A_305 = arith.constant 304 : index
    %get3A_306 = tpu.vector_load %arg23[%get3A_305] {strides = array<i32>} : memref<1024xf32, #tpu.memory_space<vmem>>, vector<16xf32>,
    %add3A_307 = arith.addf %add3A_304, %get3A_306 : vector<16xf32>
    %get3A_308 = arith.constant 368 : index
    %get3A_309 = tpu.vector_load %arg23[%get3A_308] {strides = array<i32>} : memref<1024xf32, #tpu.memory_space<vmem>>, vector<16xf32>,
    %add3A_310 = arith.addf %add3A_307, %get3A_309 : vector<16xf32>
    %get3A_311 = arith.constant 432 : index
    %get3A_312 = tpu.vector_load %arg23[%get3A_311] {strides = array<i32>} : memref<1024xf32, #tpu.memory_space<vmem>>, vector<16xf32>,
    %add3A_313 = arith.addf %add3A_310, %get3A_312 : vector<16xf32>
    %get3A_314 = arith.constant 496 : index
    %get3A_315 = tpu.vector_load %arg23[%get3A_314] {strides = array<i32>} : memref<1024xf32, #tpu.memory_space<vmem>>, vector<16xf32>,
    %add3A_316 = arith.addf %add3A_313, %get3A_315 : vector<16xf32>
    %get3A_317 = arith.constant 560 : index
    %get3A_318 = tpu.vector_load %arg23[%get3A_317] {strides = array<i32>} : memref<1024xf32, #tpu.memory_space<vmem>>, vector<16xf32>,
    %add3A_319 = arith.addf %add3A_316, %get3A_318 : vector<16xf32>
    %get3A_320 = arith.constant 624 : index
    %get3A_321 = tpu.vector_load %arg23[%get3A_320] {strides = array<i32>} : memref<1024xf32, #tpu.memory_space<vmem>>, vector<16xf32>,
    %add3A_322 = arith.addf %add3A_319, %get3A_321 : vector<16xf32>
    %get3A_323 = arith.constant 688 : index
    %get3A_324 = tpu.vector_load %arg23[%get3A_323] {strides = array<i32>} : memref<1024xf32, #tpu.memory_space<vmem>>, vector<16xf32>,
    %add3A_325 = arith.addf %add3A_322, %get3A_324 : vector<16xf32>
    %get3A_326 = arith.constant 752 : index
    %get3A_327 = tpu.vector_load %arg23[%get3A_326] {strides = array<i32>} : memref<1024xf32, #tpu.memory_space<vmem>>, vector<16xf32>,
    %add3A_328 = arith.addf %add3A_325, %get3A_327 : vector<16xf32>
    %get3A_329 = arith.constant 816 : index
    %get3A_330 = tpu.vector_load %arg23[%get3A_329] {strides = array<i32>} : memref<1024xf32, #tpu.memory_space<vmem>>, vector<16xf32>,
    %add3A_331 = arith.addf %add3A_328, %get3A_330 : vector<16xf32>
    %get3A_332 = arith.constant 880 : index
    %get3A_333 = tpu.vector_load %arg23[%get3A_332] {strides = array<i32>} : memref<1024xf32, #tpu.memory_space<vmem>>, vector<16xf32>,
    %add3A_334 = arith.addf %add3A_331, %get3A_333 : vector<16xf32>
    %get3A_335 = arith.constant 944 : index
    %get3A_336 = tpu.vector_load %arg23[%get3A_335] {strides = array<i32>} : memref<1024xf32, #tpu.memory_space<vmem>>, vector<16xf32>,
    %add3A_337 = arith.addf %add3A_334, %get3A_336 : vector<16xf32>
    %get3A_338 = arith.constant 1008 : index
    %get3A_339 = tpu.vector_load %arg23[%get3A_338] {strides = array<i32>} : memref<1024xf32, #tpu.memory_space<vmem>>, vector<16xf32>,
    %add3A_340 = arith.addf %add3A_337, %get3A_339 : vector<16xf32>
    %swap3A_341 = arith.constant 48 : index
    %swap3A_342 = tpu.vector_load %arg24[%swap3A_341] {strides = array<i32>} : memref<64xf32, #tpu.memory_space<vmem>>, vector<16xf32>,
    tpu.vector_store %arg24[%swap3A_341], %add3A_340 {strides = array<i32>} : memref<64xf32, #tpu.memory_space<vmem>>, vector<16xf32>,
    %mul3A_343 = arith.constant 64 : i32
    %mul3A_344 = arith.muli %add3A, %mul3A_343 : i32
    "tpu.region"() ({
      %run_scoped3A = tpu.sem_alloc : memref<!tpu.dma_semaphore, #tpu.memory_space<semaphore_mem>>
      %dma_start3A = tpu.memref_slice %arg10[%mul3A_344] : memref<2048xf32, #tpu.memory_space<hbm>> -> memref<64xf32, #tpu.memory_space<hbm>>
      %dma_start3A_345 = tpu.memref_slice %arg10[%mul3A_344] : memref<2048xf32, #tpu.memory_space<hbm>> -> memref<64xf32, #tpu.memory_space<hbm>>
      tpu.enqueue_dma source(%arg24 : memref<64xf32, #tpu.memory_space<vmem>>) target(%dma_start3A_345 : memref<64xf32, #tpu.memory_space<hbm>>) target_semaphore(%run_scoped3A : memref<!tpu.dma_semaphore, #tpu.memory_space<semaphore_mem>>)
      %dma_wait3A = tpu.memref_slice %arg10[%mul3A_344] : memref<2048xf32, #tpu.memory_space<hbm>> -> memref<64xf32, #tpu.memory_space<hbm>>
      %dma_wait3A_346 = tpu.memref_slice %arg10[%mul3A_344] : memref<2048xf32, #tpu.memory_space<hbm>> -> memref<64xf32, #tpu.memory_space<hbm>>
      tpu.wait_dma2 semaphore(%run_scoped3A : memref<!tpu.dma_semaphore, #tpu.memory_space<semaphore_mem>>) src(%arg24 : memref<64xf32, #tpu.memory_space<vmem>>) dst(%dma_wait3A_346 : memref<64xf32, #tpu.memory_space<hbm>>)
      tpu.yield
    }) : () -> ()
    return
  }
}

</mosaic_0001>

<sc_bundles>
// kernel: kernel.3.cloned.1.call-start
scs
__scs_entry_jumppad:
0x0: {  	(pc) =	sbr.rel $0x88, $3  }
0x1: {  	(tag) =	ssettag $0x0;
	lr =	simm.s32 $0x1  }
0x2: {  	[smem:$0x3F97] =	sst lr;
	_ =	strace $0xD0000000  }
0x3: {  	_ = 	snop  }
0x4: {  	_ = 	snop  }
0x5: {  	_ = 	snop  }
0x6: {  	_ = 	snop  }
0x7: {  	_ = 	snop  }
__scs_overlays_trampoline_lowered:
0x8: {  	[smem:$0x3FA6] =	sst s0  }
0x9: {  	[smem:$0x3FA7] =	sst s1  }
0xa: {  	[smem:$0x3FA8] =	sst s2  }
0xb: {  	[smem:$0x3FA9] =	sst s3  }
0xc: {  	[smem:$0x3FAA] =	sst s4  }
0xd: {  	[smem:$0x3FAB] =	sst s5  }
0xe: {  	[smem:$0x3FAC] =	sst s6  }
0xf: {  	[smem:$0x3FAD] =	sst s7  }
0x10: {  	[smem:$0x3FAE] =	sst s8  }
0x11: {  	[smem:$0x3FAF] =	sst s9;
	s0 =	simm.s32 @!p0 $0x0  }
0x12: {  	s1 =	sld [smem:$0x3F95];
	s0 =	simm.s32 @p0 $0x1  }
0x13: {  	[smem:$0x3FB0] =	sst s0;
	s0 =	simm.s32 @!p1 $0x0  }
0x14: {  	s2 =	sld [smem:$0x3F94];
	s0 =	simm.s32 @p1 $0x1  }
0x15: {  	[smem:$0x3FB1] =	sst s0;
	s0 =	simm.s32 @!p2 $0x0  }
0x16: {  	s3 =	sld [smem:$0x3FDB];
	s0 =	simm.s32 @p2 $0x1  }
0x17: {  	s4 =	simm.s32 $0x1BF5;
	[smem:$0x3FB3] =	sst s0  }
0x18: {  	s0 =	sld [smem:$0x3F96];
	_ =	swait.ge [sflag:s4], $0x0  }
0x19: {  	s7 =	sld [smem:$0x3F97]  }
0x1a: {  	s8 =	sadd.s32 $0xFFFFE003, lr  }
0x1b: {  	s9 =	sadd.s32 $0xFFFFFEF7, lr;
	s5 =	simm.s32 $0xFFFFFFFF;
	p2 =	slt.u32 s8, $0xFFFFF086  }
0x1c: {  	p1 =	slt.u32 s9, $0xF7A;
	s5 =	simm.s32 @!p2 $0x0  }
0x1d: {  	s5 =	simm.s32 @p1 $0x1;
	p0 =	seq.s32 s7, s2  }
0x1e: {  	s7 =	smul.u32 @!p0 $0xF7A, s2;
	p2 =	seq.s32 @!p0 s5, $0x0  }
0x1f: {  	s9 =	smul.u32 $0xF7A, s1;
	s8 =	simm.s32 @!p0 $0x1BF5;
	p2 =	por !p2, p0  }
0x20: {  	[sflag:s8] =	ssyncset.s32 @!p0 $0xFFFFF086;
	s6 =	sadd.s32 @!p0 s3, s7;
	s7 =	simm.s32 @!p0 $0x108  }
0x21: {  	s3 =	sadd.s32 s3, s9;
	s6 =	sadd.s32 @!p0 $0x88, s6;
	s7 =	simm.s32 @p2 $0x1082  }
0x22: {  	[simem:s7], [sflag:s8] =	dma.local @!p0 [hbm:s6], $0xF7A  }
0x23: {  	s9 =	sor.u32 $0xD0000000, s2;
	s6 =	simm.s32 $0x108;
	_ =	swait.ge @!p0 [sflag:s8], $0x0  }
0x24: {  	s3 =	sadd.s32 $0x88, s3;
	s6 =	simm.s32 @!p1 $0x1082;
	[sflag:s4] =	ssyncset.s32 $0xFFFFF086  }
0x25: {  	[simem:s6], [sflag:s4] =	dma.local [hbm:s3], $0xF7A  }
0x26: {  	[smem:$0x3F97] =	sst s1;
	(tag) =	ssettag s2;
	_ =	strace s9  }
0x27: {  	s1 =	sld [smem:$0x3FA7]  }
0x28: {  	s2 =	sld [smem:$0x3FA8]  }
0x29: {  	s4 =	sld [smem:$0x3FAA]  }
0x2a: {  	p0 =	seq.s32 s5, $0x0;
	s5 =	sld [smem:$0x3FAB]  }
0x2b: {  	s6 =	sld [smem:$0x3FAC]  }
0x2c: {  	s7 =	sld [smem:$0x3FAD]  }
0x2d: {  	s3 =	simm.s32 $0x108;
	s8 =	sld [smem:$0x3FAE]  }
0x2e: {  	s3 =	simm.s32 @!p0 $0x1082;
	s9 =	sld [smem:$0x3FAF]  }
0x2f: {  	lr =	sadd.s32 s0, s3;
	s0 =	sld [smem:$0x3FA6]  }
0x30: {  	s3 =	sld [smem:$0x3FA9]  }
0x31: {  	[smem:$0x3FB2] =	sst s10  }
0x32: {  	s10 =	sld [smem:$0x3FB0];
	_ =	sdelay $0x3  }
0x33: {  	p0 =	seq.s32 s10, $0x1;
	s10 =	sld [smem:$0x3FB2];
	_ =	sdelay $0x3  }
0x34: {  	[smem:$0x3FB2] =	sst s10  }
0x35: {  	s10 =	sld [smem:$0x3FB1];
	_ =	sdelay $0x3  }
0x36: {  	p1 =	seq.s32 s10, $0x1;
	s10 =	sld [smem:$0x3FB2];
	_ =	sdelay $0x3  }
0x37: {  	[smem:$0x3FB2] =	sst s10  }
0x38: {  	s10 =	sld [smem:$0x3FB3]  }
0x39: {  	_ = 	snop;
	(pc) =	sbr.ind lr, $3  }
0x3a: {  	_ = 	snop  }
0x3b: {  	_ = 	snop  }
0x3c: {  	p2 =	seq.s32 s10, $0x1;
	s10 =	sld [smem:$0x3FB2]  }
0x3d: {  	_ =	shalt  }
0x3e: {  	_ =	shalt  }
0x3f: {  	_ =	shalt  }
0x40: {  	_ =	shalt  }
0x41: {  	_ =	shalt  }
0x42: {  	_ =	shalt  }
0x43: {  	_ =	shalt  }
0x44: {  	_ =	shalt  }
0x45: {  	_ =	shalt  }
0x46: {  	_ =	shalt  }
0x47: {  	_ =	shalt  }
0x48: {  	_ =	shalt  }
0x49: {  	_ =	shalt  }
0x4a: {  	_ =	shalt  }
0x4b: {  	_ =	shalt  }
0x4c: {  	_ =	shalt  }
0x4d: {  	_ =	shalt  }
0x4e: {  	_ =	shalt  }
0x4f: {  	_ =	shalt  }
0x50: {  	_ =	shalt  }
0x51: {  	_ =	shalt  }
0x52: {  	_ =	shalt  }
0x53: {  	_ =	shalt  }
0x54: {  	_ =	shalt  }
0x55: {  	_ =	shalt  }
0x56: {  	_ =	shalt  }
0x57: {  	_ =	shalt  }
0x58: {  	_ =	shalt  }
0x59: {  	_ =	shalt  }
0x5a: {  	_ =	shalt  }
0x5b: {  	_ =	shalt  }
0x5c: {  	_ =	shalt  }
0x5d: {  	_ =	shalt  }
0x5e: {  	_ =	shalt  }
0x5f: {  	_ =	shalt  }
0x60: {  	_ =	shalt  }
0x61: {  	_ =	shalt  }
0x62: {  	_ =	shalt  }
0x63: {  	_ =	shalt  }
0x64: {  	_ =	shalt  }
0x65: {  	_ =	shalt  }
0x66: {  	_ =	shalt  }
0x67: {  	_ =	shalt  }
0x68: {  	_ =	shalt  }
0x69: {  	_ =	shalt  }
0x6a: {  	_ =	shalt  }
0x6b: {  	_ =	shalt  }
0x6c: {  	_ =	shalt  }
0x6d: {  	_ =	shalt  }
0x6e: {  	_ =	shalt  }
0x6f: {  	_ =	shalt  }
0x70: {  	_ =	shalt  }
0x71: {  	_ =	shalt  }
0x72: {  	_ =	shalt  }
0x73: {  	_ =	shalt  }
0x74: {  	_ =	shalt  }
0x75: {  	_ =	shalt  }
0x76: {  	_ =	shalt  }
0x77: {  	_ =	shalt  }
0x78: {  	_ =	shalt  }
0x79: {  	_ =	shalt  }
0x7a: {  	_ =	shalt  }
0x7b: {  	_ =	shalt  }
0x7c: {  	_ =	shalt  }
0x7d: {  	_ =	shalt  }
0x7e: {  	_ =	shalt  }
0x7f: {  	_ =	shalt  }
0x80: {  	_ =	shalt  }
0x81: {  	_ =	shalt  }
0x82: {  	_ =	shalt  }
0x83: {  	_ =	shalt  }
0x84: {  	_ =	shalt  }
0x85: {  	_ =	shalt  }
0x86: {  	_ =	shalt  }
0x87: {  	_ =	shalt  }
.Lfunc_end0:
.L_simem_size_0:
called_computation_lowered:
.L_overlay_start_0:
0x88: {  	s2 =	sld [smem:$0x3FD9]  }
0x89: {  	s3 =	sld [smem:$0x3FFE];
	_ =	sdelay $0x1  }
0x8a: {  	s1 =	srdreg.scid  }
0x8b: {  	s0 =	sand.u32 $0x1, s1  }
0x8c: {  	s17 =	sshll.u32 s0, $0xA;
	s2 =	sadd.s32 s3, s2  }
0x8d: {  	s2 =	sadd.s32 s2, s17  }
0x8e: {  	[smem:$0x3FBE] =	sst s2  }
0x8f: {  	_ = 	snop  }
0x90: {  	s2 =	sld [smem:$0x3FC6];
	(tm) =	ssettm $0x1  }
0x91: {  	s18 =	sld [smem:$0x3FFB];
	_ =	sdelay $0x3  }
0x92: {  	_ =	strace s18  }
0x93: {  	s3 =	sld [smem:$0x3FFC];
	_ =	sdelay $0x3  }
0x94: {  	_ =	strace s3  }
0x95: {  	s3 =	sld [smem:$0x3FFD];
	_ =	sdelay $0x3  }
0x96: {  	_ =	strace s3  }
0x97: {  	_ =	strace $0x8FFFFFFF  }
0x98: {  	s19 =	sld [smem:$0x3FDB];
	_ =	sdelay $0x1  }
0x99: {  	s4 =	simm.s32 $_scs_section_size  }
0x9a: {  	s5 =	simm.s32 $_size__tile_overlayer_lowered;
	s6 =	simm.s32 $_tile_overlayer_lowered  }
0x9b: {  	s22 =	simm.s32 $0x1BFF;
	s21 =	sshll.u32 s6, $0x1;
	s3 =	sadd.s32 s4, s19  }
0x9c: {  	s7 =	simm.s32 $0x0;
	s20 =	sshll.u32 s5, $0x1;
	s5 =	sadd.s32 s21, s3  }
0x9d: {  	[timem:s7], [sflag:s22] =	dma.local [hbm:s5], s20  }
0x9e: {  	_ =	swait.ge [sflag:s22], s20  }
0x9f: {  	s4 =	ssub.s32 $0x0, s20;
	[sflag:s22] =	ssyncset.done $0x0  }
0xa0: {  	[sflag:s22] =	ssyncadd.s32 s4;
	_ =	sdelay $0x1  }
0xa1: {  	s23 =	simm.s32 $0x1B8B  }
0xa2: {  	_ =	swait.ge [sflag:s23], $0x1  }
0xa3: {  	[sflag:s23] =	ssyncset.done $0x0  }
0xa4: {  	s25 =	simm.s32 $0x1B8E;
	s24 =	sld [smem:$0x3FFE];
	[sflag:s23] =	ssyncadd.s32 $0xFFFFFFFF  }
0xa5: {  	s26 =	simm.s32 $execute0_lowered;
	[smem:$0x3FD2] =	sst s25  }
0xa6: {  	s5 =	sshll.u32 s26, $0x1;
	_ =	strace $0x80000046;
	[dreg:$0x1] =	wrdreg $0xFFFFFFFF  }
0xa7: {  	s28 =	simm.s32 $_size_execute0_lowered;
	s3 =	sadd.s32 s3, s5;
	[dreg:$0x0] =	wrdreg $0x0  }
0xa8: {  	s5 =	sshll.u32 s28, $0x1;
	[dreg:$0x2] =	wrdreg s3  }
0xa9: {  	[dreg:$0x3] =	wrdreg s5  }
0xaa: {  	[dreg:$0x4] =	wrdreg $0xC0  }
0xab: {  	_ =	task [dreg:s7], $0x5FFFF  }
0xac: {  	[dreg:$0x1] =	wrdreg $0xFFFFFFFF  }
0xad: {  	[dreg:$0x0] =	wrdreg $0x60  }
0xae: {  	[dreg:$0x2] =	wrdreg s24  }
0xaf: {  	[dreg:$0x3] =	wrdreg s2  }
0xb0: {  	[dreg:$0x4] =	wrdreg $0x9  }
0xb1: {  	_ =	task.clear_ibuf [dreg:s7], $0x5FFFF;
	_ =	strace $0x90000046  }
0xb2: {  	s29 =	simm.s32 $0x9;
	_ =	strace $0x80000048  }
0xb3: {  	_ =	swait.ge [sflag:s29], $0x1  }
0xb4: {  	[sflag:s29] =	ssyncadd.s32 $0xFFFFFFFF  }
0xb5: {  	_ =	strace $0x90000048  }
0xb6: {  	_ =	sfence  }
0xb7: {  	s30 =	sld [smem:$0x0];
	_ =	sdelay $0x2  }
0xb8: {  	s31 =	sshll.u32 s1, $0xD;
	s1 =	sshrl.u32 s1, $0x2  }
0xb9: {  	s3 =	sand.u32 $0x4000, s31;
	s1 =	sadd.s32 s1, s30  }
0xba: {  	s0 =	sor.u32 s3, s0;
	s1 =	sshll.u32 s1, $0x11  }
0xbb: {  	s0 =	sor.u32 s1, s0  }
0xbc: {  	s0 =	sadd.s32 $0x8F2B, s0  }
0xbd: {  	[sflag:s0] =	ssyncadd.remote.s32 $0x1  }
0xbe: {  	_ =	sfence.sel $0xFFFF  }
0xbf: {  	[dreg:$0x0] =	wrdreg $0xFFFFFFFF;
	(pc) =	sbr.abs _section_cstart, $3  }
0xc0: {  	[dreg:$0x1] =	wrdreg $0xFFFFFFFF  }
0xc1: {  	_ =	task.clear_ibuf [dreg:s7], $0x2FFFF;
	_ =	strace $0x9FFFFFFF  }
0xc2: {  	(tm) =	ssettm $0x7FFFFFFF  }
0xc3: {  	_ =	shalt  }
tec
execute0_lowered:
.L_overlay_start_1:
0x0: {  	(tag) =	ssettag $0x1  }
0x1: {  	v8 =	vlaneseq.u32  }
0x2: {  	v0 =	vmul.u32 $0x8, v8;
	_ =	sdelay $0x1  }
0x3: {  	v1 =	vor.u32 $0x4, v0  }
0x4: {  	[tilespmem:$0x1FED0] =	vst v1;
	v1 =	vor.u32 $0x5, v0  }
0x5: {  	v8 =	vmul.u32 $0x40, v8;
	v2 =	vor.u32 $0x1, v0;
	[tilespmem:$0x1FEE0] =	vst v1;
	v1 =	vor.u32 $0x6, v0  }
0x6: {  	s14 =	simm.s32 $0xC350;
	v3 =	vor.u32 $0x2, v0;
	v19 =	vor.u32 $0x3, v0;
	[tilespmem:$0x1FEF0] =	vst v1;
	v1 =	vor.u32 $0x83, v0  }
0x7: {  	s15 =	simm.s32 $0xC3D0;
	s30 =	simm.s32 $0xC550;
	v9 =	vor.u32 $0x80, v0;
	v10 =	vor.u32 $0x81, v0;
	[tilespmem:$0x1FF00] =	vst v1;
	v1 =	vor.u32 $0x84, v0  }
0x8: {  	s3 =	simm.s32 $0x0;
	s16 =	simm.s32 $0xC450;
	s17 =	simm.s32 $0xC4D0;
	v11 =	vor.u32 $0x82, v0;
	v29 =	vor.u32 $0x86, v0;
	[tilespmem:$0x1FF10] =	vst v1;
	v1 =	vor.u32 $0x85, v0  }
0x9: {  	s0 =	srdreg.scid;
	s20 =	simm.s32 $0xC650;
	[smem:$0x7FF] =	sst s3;
	v16 =	vor.u32 $0x100, v0;
	v17 =	vor.u32 $0x101, v0;
	[tilespmem:$0x1FF20] =	vst v1;
	v1 =	vor.u32 $0x185, v0  }
0xa: {  	s5 =	stileid.u32;
	s2 =	rddreg [dreg:$0x0];
	v18 =	vor.u32 $0x102, v0;
	v43 =	vor.u32 $0x103, v0;
	v40 =	vor.u32 $0x104, v0;
	_ =	strace $0x80000047;
	[tilespmem:$0x1FF30] =	vst v1  }
0xb: {  	s13 =	simm.s32 $0x2;
	s21 =	simm.s32 $0xCA50;
	s22 =	simm.s32 $0xCE50;
	v41 =	vor.u32 $0x105, v0;
	v36 =	vor.u32 $0x106, v0;
	v23 =	vor.u32 $0x180, v0;
	[tilespmem:$0x1FFB0] =	vst v19  }
0xc: {  	s31 =	simm.s32 $0xC5D0;
	s0 =	sand.u32 $0x1, s0;
	s1 =	smul.u32 $0xC400, s5;
	v24 =	vor.u32 $0x181, v0;
	v25 =	vor.u32 $0x182, v0;
	v42 =	vor.u32 $0x183, v0;
	[tilespmem:$0x1FFC0] =	vst v41  }
0xd: {  	s18 =	simm.s32 $0x1;
	s23 =	simm.s32 $0xD250;
	s4 =	smul.u32 $0x6200, s0;
	v47 =	vor.u32 $0x184, v0;
	v30 =	vor.u32 $0x200, v0;
	v31 =	vor.u32 $0x201, v0;
	[tilespmem:$0x1FFD0] =	vst v40  }
0xe: {  	s19 =	simm.s32 $0x80;
	s24 =	simm.s32 $0xD650;
	s25 =	simm.s32 $0xDA50;
	v32 =	vor.u32 $0x202, v0;
	v55 =	vor.u32 $0x204, v0;
	v57 =	vor.u32 $0x205, v0;
	[tilespmem:$0x1FFE0] =	vst v42  }
0xf: {  	s28 =	simm.s32 $0x0;
	s26 =	sshll.u32 s5, $0x4;
	v56 =	vor.u32 $0x206, v0;
	v37 =	vor.u32 $0x280, v0;
	s4 =	sadd.s32 s4, s1;
	v1 =	vor.u32 $0x186, v0;
	[tilespmem:$0x1FFF0] =	vst v43  }
0x10: {  	s5 =	sadd.s32 $0x127600, s2;
	s6 =	sshll.u32 s0, $0x3;
	v38 =	vor.u32 $0x281, v0;
	v39 =	vor.u32 $0x282, v0;
	s1 =	sshrl.u32 s4, $0x3;
	[tilespmem:$0x1FF40] =	vst v1;
	v1 =	vor.u32 $0x203, v0  }
0x11: {  	s0 =	ssub.s32 $0x2, s0;
	v50 =	vor.u32 $0x283, v0;
	v54 =	vor.u32 $0x284, v0;
	s8 =	sadd.s32 s1, s2;
	s1 =	sor.u32 s6, s26;
	[tilespmem:$0x1FF50] =	vst v1;
	v1 =	vor.u32 $0x305, v0  }
0x12: {  	s7 =	sadd.s32 $0x5F8000, s2;
	s29 =	sshrl.u32 s0, $0x1;
	v33 =	vor.u32 $0x285, v0;
	v35 =	vor.u32 $0x286, v0;
	s1 =	sadd.s32 s1, s2;
	[tilespmem:$0x1FF60] =	vst v1;
	v1 =	vor.u32 $0x306, v0  }
0x13: {  	v44 =	vor.u32 $0x300, v0;
	v45 =	vor.u32 $0x301, v0;
	s0 =	ssub.s32 s0, s29;
	s1 =	sadd.s32 $0x7C800, s1;
	[dreg:$0x3] =	wrdreg s7;
	[tilespmem:$0x1FF70] =	vst v1;
	v1 =	vor.u32 $0x383, v0  }
0x14: {  	v46 =	vor.u32 $0x302, v0;
	v48 =	vor.u32 $0x303, v0;
	s10 =	sadd.s32 $0x33000, s8;
	s11 =	sadd.s32 $0x1A800, s8;
	[dreg:$0x6] =	wrdreg s1;
	[tilespmem:$0x1FF80] =	vst v1;
	v1 =	vor.u32 $0x384, v0  }
0x15: {  	v49 =	vor.u32 $0x304, v0;
	v51 =	vor.u32 $0x380, v0;
	s12 =	sadd.s32 $0x4B800, s8;
	s7 =	smax.u32 s0, $0x1;
	[dreg:$0x4] =	wrdreg s30;
	[tilespmem:$0x1FF90] =	vst v1;
	v1 =	vor.u32 $0x386, v0  }
0x16: {  	v52 =	vor.u32 $0x381, v0;
	v53 =	vor.u32 $0x382, v0;
	v61 =	vor.u32 $0x385, v0;
	s0 =	sadd.s32 $0x64000, s8;
	s1 =	sadd.s32 $0x2000, s8;
	[dreg:$0x5] =	wrdreg s31;
	[tilespmem:$0x1FFA0] =	vst v1  }
.LBB2_1:
0x17: {  	s2 =	rddreg [dreg:$0x1]  }
0x18: {  	[tilespmem:s3], [sflag:$0x2] =	stream.linear.gather [hbm4b:s2+s3], $0xC350, $0x38;
	[tilespmem:$0xDE90] =	vst v63  }
0x19: {  	_ =	swait.ge [sflag:s13], $0xC350  }
0x1a: {  	[sflag:s13] =	ssyncset.done $0x0  }
0x1b: {  	v1 =	vimm.f32 $0.0e+00;
	[sflag:s13] =	ssyncadd.s32 $0xFFFF3CB0  }
0x1c: {  	[tilespmem:$0xDA50] =	vst v1  }
0x1d: {  	[tilespmem:$0xDA60] =	vst v1  }
0x1e: {  	[tilespmem:$0xDA70] =	vst v1  }
0x1f: {  	[tilespmem:$0xDA80] =	vst v1  }
0x20: {  	[tilespmem:$0xDA90] =	vst v1  }
0x21: {  	[tilespmem:$0xDAA0] =	vst v1  }
0x22: {  	[tilespmem:$0xDAB0] =	vst v1  }
0x23: {  	[tilespmem:$0xDAC0] =	vst v1  }
0x24: {  	[tilespmem:$0xDAD0] =	vst v1  }
0x25: {  	[tilespmem:$0xDAE0] =	vst v1  }
0x26: {  	[tilespmem:$0xDAF0] =	vst v1  }
0x27: {  	[tilespmem:$0xDB00] =	vst v1  }
0x28: {  	[tilespmem:$0xDB10] =	vst v1  }
0x29: {  	[tilespmem:$0xDB20] =	vst v1  }
0x2a: {  	[tilespmem:$0xDB30] =	vst v1  }
0x2b: {  	[tilespmem:$0xDB40] =	vst v1  }
0x2c: {  	[tilespmem:$0xDB50] =	vst v1  }
0x2d: {  	[tilespmem:$0xDB60] =	vst v1  }
0x2e: {  	[tilespmem:$0xDB70] =	vst v1  }
0x2f: {  	[tilespmem:$0xDB80] =	vst v1  }
0x30: {  	[tilespmem:$0xDB90] =	vst v1  }
0x31: {  	[tilespmem:$0xDBA0] =	vst v1  }
0x32: {  	[tilespmem:$0xDBB0] =	vst v1  }
0x33: {  	[tilespmem:$0xDBC0] =	vst v1  }
0x34: {  	[tilespmem:$0xDBD0] =	vst v1  }
0x35: {  	[tilespmem:$0xDBE0] =	vst v1  }
0x36: {  	[tilespmem:$0xDBF0] =	vst v1  }
0x37: {  	[tilespmem:$0xDC00] =	vst v1  }
0x38: {  	[tilespmem:$0xDC10] =	vst v1  }
0x39: {  	[tilespmem:$0xDC20] =	vst v1  }
0x3a: {  	[tilespmem:$0xDC30] =	vst v1  }
0x3b: {  	[tilespmem:$0xDC40] =	vst v1  }
0x3c: {  	[tilespmem:$0xDC50] =	vst v1  }
0x3d: {  	[tilespmem:$0xDC60] =	vst v1  }
0x3e: {  	[tilespmem:$0xDC70] =	vst v1  }
0x3f: {  	[tilespmem:$0xDC80] =	vst v1  }
0x40: {  	[tilespmem:$0xDC90] =	vst v1  }
0x41: {  	[tilespmem:$0xDCA0] =	vst v1  }
0x42: {  	[tilespmem:$0xDCB0] =	vst v1  }
0x43: {  	[tilespmem:$0xDCC0] =	vst v1  }
0x44: {  	[tilespmem:$0xDCD0] =	vst v1  }
0x45: {  	[tilespmem:$0xDCE0] =	vst v1  }
0x46: {  	[tilespmem:$0xDCF0] =	vst v1  }
0x47: {  	[tilespmem:$0xDD00] =	vst v1  }
0x48: {  	[tilespmem:$0xDD10] =	vst v1  }
0x49: {  	[tilespmem:$0xDD20] =	vst v1  }
0x4a: {  	[tilespmem:$0xDD30] =	vst v1  }
0x4b: {  	[tilespmem:$0xDD40] =	vst v1  }
0x4c: {  	[tilespmem:$0xDD50] =	vst v1  }
0x4d: {  	[tilespmem:$0xDD60] =	vst v1  }
0x4e: {  	[tilespmem:$0xDD70] =	vst v1  }
0x4f: {  	[tilespmem:$0xDD80] =	vst v1  }
0x50: {  	[tilespmem:$0xDD90] =	vst v1  }
0x51: {  	[tilespmem:$0xDDA0] =	vst v1  }
0x52: {  	[tilespmem:$0xDDB0] =	vst v1  }
0x53: {  	[tilespmem:$0xDDC0] =	vst v1  }
0x54: {  	[tilespmem:$0xDDD0] =	vst v1  }
0x55: {  	[tilespmem:$0xDDE0] =	vst v1  }
0x56: {  	[tilespmem:$0xDDF0] =	vst v1  }
0x57: {  	v21 =	vld [tilespmem:$0x1FF60];
	[tilespmem:$0xDE00] =	vst v1  }
0x58: {  	v26 =	vld [tilespmem:$0x1FF70];
	[tilespmem:$0xDE10] =	vst v1  }
0x59: {  	v22 =	vld [tilespmem:$0x1FF80];
	[tilespmem:$0xDE20] =	vst v1  }
0x5a: {  	s29 =	smov.u32 s12;
	s30 =	smov.u32 s11;
	s31 =	smov.u32 s10;
	v20 =	vld [tilespmem:$0x1FF90];
	[tilespmem:$0xDE30] =	vst v1  }
0x5b: {  	s9 =	smov.u32 s1;
	s8 =	smov.u32 s0;
	s2 =	simm.s32 $0x0;
	v28 =	vld [tilespmem:$0x1FFA0];
	[tilespmem:$0xDE40] =	vst v1  }
.LBB2_2:
0x5c: {  	[tilespmem:s14], [sflag:$0x1] =	stream.linear.gather [hbm4b:s29+s3], $0x80, $0x38;
	[tilespmem:$0xDE90] =	vst v63  }
0x5d: {  	_ = 	snop  }
0x5e: {  	[tilespmem:s15], [sflag:$0x1] =	stream.linear.gather [hbm4b:s30+s3], $0x80, $0x38;
	[tilespmem:$0xDE90] =	vst v63  }
0x5f: {  	_ = 	snop  }
0x60: {  	[tilespmem:s16], [sflag:$0x1] =	stream.linear.gather [hbm4b:s31+s3], $0x80, $0x38;
	[tilespmem:$0xDE90] =	vst v63  }
0x61: {  	_ = 	snop  }
0x62: {  	[tilespmem:s17], [sflag:$0x1] =	stream.linear.gather [hbm4b:s9+s3], $0x80, $0x38;
	[tilespmem:$0xDE90] =	vst v63  }
0x63: {  	s26 =	rddreg [dreg:$0x4]  }
0x64: {  	[tilespmem:s26], [sflag:$0x1] =	stream.linear.gather [hbm4b:s8+s3], $0x80, $0x38;
	[tilespmem:$0xDE90] =	vst v63  }
0x65: {  	_ =	swait.ge [sflag:s18], $0x80  }
0x66: {  	[sflag:s18] =	ssyncset.done $0x0  }
0x67: {  	[sflag:s18] =	ssyncadd.s32 $0xFFFFFF80  }
0x68: {  	_ =	swait.ge [sflag:s18], $0x80  }
0x69: {  	[sflag:s18] =	ssyncset.done $0x0  }
0x6a: {  	[sflag:s18] =	ssyncadd.s32 $0xFFFFFF80  }
0x6b: {  	_ =	swait.ge [sflag:s18], $0x80  }
0x6c: {  	[sflag:s18] =	ssyncset.done $0x0  }
0x6d: {  	[sflag:s18] =	ssyncadd.s32 $0xFFFFFF80  }
0x6e: {  	_ =	swait.ge [sflag:s18], $0x80  }
0x6f: {  	[sflag:s18] =	ssyncset.done $0x0  }
0x70: {  	[sflag:s18] =	ssyncadd.s32 $0xFFFFFF80  }
0x71: {  	_ =	swait.ge [sflag:s18], $0x80  }
0x72: {  	[sflag:s18] =	ssyncset.done $0x0  }
0x73: {  	[sflag:s18] =	ssyncadd.s32 $0xFFFFFF80  }
0x74: {  	[tilespmem:s20], [sflag:$0x1] =	stream.indirect.gather [hbm4b:s5+s19], $0x4, s14, s19, $0xb8;
	[tilespmem:$0xDE90] =	vst v63  }
0x75: {  	_ = 	snop  }
0x76: {  	[tilespmem:s21], [sflag:$0x1] =	stream.indirect.gather [hbm4b:s5+s19], $0x4, s15, s19, $0xb8;
	[tilespmem:$0xDE90] =	vst v63  }
0x77: {  	_ = 	snop  }
0x78: {  	[tilespmem:s22], [sflag:$0x1] =	stream.indirect.gather [hbm4b:s5+s19], $0x4, s16, s19, $0xb8;
	[tilespmem:$0xDE90] =	vst v63  }
0x79: {  	_ = 	snop  }
0x7a: {  	[tilespmem:s23], [sflag:$0x1] =	stream.indirect.gather [hbm4b:s5+s19], $0x4, s17, s19, $0xb8;
	[tilespmem:$0xDE90] =	vst v63  }
0x7b: {  	v58 =	vld [tilespmem:$0xC350];
	_ =	sdelay $0x1  }
0x7c: {  	v59 =	vld [tilespmem:$0xC3D0];
	_ =	sdelay $0x2  }
0x7d: {  	v60 =	vld [tilespmem:$0xC450];
	_ =	sdelay $0x1  }
0x7e: {  	v14 =	vld [tilespmem:$0xC4D0]  }
0x7f: {  	v58 =	vld.idx.msk [tilespmem:v58+s3+$0x0], $0xffff;
	_ =	sdelay $0x1  }
0x80: {  	v59 =	vld.idx.msk [tilespmem:v59+s3+$0x0], $0xffff;
	_ =	sdelay $0x2  }
0x81: {  	v60 =	vld.idx.msk [tilespmem:v60+s3+$0x0], $0xffff;
	v58 =	vmul.u32 $0x19, v58;
	_ =	sdelay $0x1  }
0x82: {  	v34 =	vld [tilespmem:$0xC360];
	v58 =	vadd.s32 v58, v59  }
0x83: {  	v27 =	vmov v61;
	v61 =	vld.idx.msk [tilespmem:v14+s3+$0x0], $0xffff;
	v58 =	vmul.u32 $0x19, v58  }
0x84: {  	v12 =	vld [tilespmem:$0xC3E0]  }
0x85: {  	v58 =	vadd.s32 v60, v58  }
0x86: {  	v58 =	vmul.u32 $0x19, v58  }
0x87: {  	v13 =	vld [tilespmem:$0xC460]  }
0x88: {  	v58 =	vadd.s32 v61, v58  }
0x89: {  	v14 =	vld [tilespmem:$0xC4E0];
	[tilespmem:$0xC5D0] =	vst v58  }
0x8a: {  	v58 =	vld.idx.msk [tilespmem:v34+s3+$0x0], $0xffff;
	_ =	sdelay $0x1  }
0x8b: {  	v60 =	vld.idx.msk [tilespmem:v12+s3+$0x0], $0xffff;
	_ =	sdelay $0x2  }
0x8c: {  	v61 =	vld.idx.msk [tilespmem:v13+s3+$0x0], $0xffff;
	v58 =	vmul.u32 $0x19, v58;
	_ =	sdelay $0x1  }
0x8d: {  	v34 =	vld [tilespmem:$0xC370];
	v58 =	vadd.s32 v58, v60  }
0x8e: {  	v59 =	vld.idx.msk [tilespmem:v14+s3+$0x0], $0xffff;
	v58 =	vmul.u32 $0x19, v58  }
0x8f: {  	v12 =	vld [tilespmem:$0xC3F0]  }
0x90: {  	v58 =	vadd.s32 v61, v58  }
0x91: {  	v58 =	vmul.u32 $0x19, v58  }
0x92: {  	v13 =	vld [tilespmem:$0xC470]  }
0x93: {  	v58 =	vadd.s32 v59, v58  }
0x94: {  	v14 =	vld [tilespmem:$0xC4F0];
	[tilespmem:$0xC5E0] =	vst v58  }
0x95: {  	v58 =	vld.idx.msk [tilespmem:v34+s3+$0x0], $0xffff;
	_ =	sdelay $0x1  }
0x96: {  	v61 =	vld.idx.msk [tilespmem:v12+s3+$0x0], $0xffff;
	_ =	sdelay $0x2  }
0x97: {  	v59 =	vld.idx.msk [tilespmem:v13+s3+$0x0], $0xffff;
	v58 =	vmul.u32 $0x19, v58;
	_ =	sdelay $0x1  }
0x98: {  	v34 =	vld [tilespmem:$0xC380];
	v58 =	vadd.s32 v58, v61  }
0x99: {  	v60 =	vld.idx.msk [tilespmem:v14+s3+$0x0], $0xffff;
	v58 =	vmul.u32 $0x19, v58  }
0x9a: {  	v12 =	vld [tilespmem:$0xC400]  }
0x9b: {  	v58 =	vadd.s32 v59, v58  }
0x9c: {  	v58 =	vmul.u32 $0x19, v58  }
0x9d: {  	v13 =	vld [tilespmem:$0xC480]  }
0x9e: {  	v58 =	vadd.s32 v60, v58  }
0x9f: {  	v14 =	vld [tilespmem:$0xC500];
	[tilespmem:$0xC5F0] =	vst v58  }
0xa0: {  	v58 =	vld.idx.msk [tilespmem:v34+s3+$0x0], $0xffff;
	_ =	sdelay $0x1  }
0xa1: {  	v59 =	vld.idx.msk [tilespmem:v12+s3+$0x0], $0xffff;
	_ =	sdelay $0x2  }
0xa2: {  	v60 =	vld.idx.msk [tilespmem:v13+s3+$0x0], $0xffff;
	v58 =	vmul.u32 $0x19, v58;
	_ =	sdelay $0x1  }
0xa3: {  	v34 =	vld [tilespmem:$0xC390];
	v58 =	vadd.s32 v58, v59  }
0xa4: {  	v61 =	vld.idx.msk [tilespmem:v14+s3+$0x0], $0xffff;
	v58 =	vmul.u32 $0x19, v58  }
0xa5: {  	v12 =	vld [tilespmem:$0xC410]  }
0xa6: {  	v58 =	vadd.s32 v60, v58  }
0xa7: {  	v58 =	vmul.u32 $0x19, v58  }
0xa8: {  	v13 =	vld [tilespmem:$0xC490]  }
0xa9: {  	v58 =	vadd.s32 v61, v58  }
0xaa: {  	v14 =	vld [tilespmem:$0xC510];
	[tilespmem:$0xC600] =	vst v58  }
0xab: {  	v58 =	vld.idx.msk [tilespmem:v34+s3+$0x0], $0xffff;
	_ =	sdelay $0x1  }
0xac: {  	v60 =	vld.idx.msk [tilespmem:v12+s3+$0x0], $0xffff;
	_ =	sdelay $0x2  }
0xad: {  	v61 =	vld.idx.msk [tilespmem:v13+s3+$0x0], $0xffff;
	v58 =	vmul.u32 $0x19, v58;
	_ =	sdelay $0x1  }
0xae: {  	v34 =	vld [tilespmem:$0xC3A0];
	v58 =	vadd.s32 v58, v60  }
0xaf: {  	v59 =	vld.idx.msk [tilespmem:v14+s3+$0x0], $0xffff;
	v58 =	vmul.u32 $0x19, v58  }
0xb0: {  	v12 =	vld [tilespmem:$0xC420]  }
0xb1: {  	v58 =	vadd.s32 v61, v58  }
0xb2: {  	v58 =	vmul.u32 $0x19, v58  }
0xb3: {  	v13 =	vld [tilespmem:$0xC4A0]  }
0xb4: {  	v58 =	vadd.s32 v59, v58  }
0xb5: {  	v14 =	vld [tilespmem:$0xC520];
	[tilespmem:$0xC610] =	vst v58  }
0xb6: {  	v58 =	vld.idx.msk [tilespmem:v34+s3+$0x0], $0xffff;
	_ =	sdelay $0x1  }
0xb7: {  	v61 =	vld.idx.msk [tilespmem:v12+s3+$0x0], $0xffff;
	_ =	sdelay $0x2  }
0xb8: {  	v59 =	vld.idx.msk [tilespmem:v13+s3+$0x0], $0xffff;
	v58 =	vmul.u32 $0x19, v58;
	_ =	sdelay $0x1  }
0xb9: {  	v34 =	vld [tilespmem:$0xC3B0];
	v58 =	vadd.s32 v58, v61  }
0xba: {  	v60 =	vld.idx.msk [tilespmem:v14+s3+$0x0], $0xffff;
	v58 =	vmul.u32 $0x19, v58  }
0xbb: {  	v12 =	vld [tilespmem:$0xC430]  }
0xbc: {  	v58 =	vadd.s32 v59, v58  }
0xbd: {  	v58 =	vmul.u32 $0x19, v58  }
0xbe: {  	v13 =	vld [tilespmem:$0xC4B0]  }
0xbf: {  	v58 =	vadd.s32 v60, v58  }
0xc0: {  	v14 =	vld [tilespmem:$0xC530];
	[tilespmem:$0xC620] =	vst v58  }
0xc1: {  	v58 =	vld.idx.msk [tilespmem:v34+s3+$0x0], $0xffff;
	_ =	sdelay $0x1  }
0xc2: {  	v59 =	vld.idx.msk [tilespmem:v12+s3+$0x0], $0xffff;
	_ =	sdelay $0x2  }
0xc3: {  	v60 =	vld.idx.msk [tilespmem:v13+s3+$0x0], $0xffff;
	v58 =	vmul.u32 $0x19, v58;
	_ =	sdelay $0x1  }
0xc4: {  	v34 =	vld [tilespmem:$0xC3C0];
	v58 =	vadd.s32 v58, v59  }
0xc5: {  	v61 =	vld.idx.msk [tilespmem:v14+s3+$0x0], $0xffff;
	v58 =	vmul.u32 $0x19, v58  }
0xc6: {  	v12 =	vld [tilespmem:$0xC440]  }
0xc7: {  	v58 =	vadd.s32 v60, v58  }
0xc8: {  	v58 =	vmul.u32 $0x19, v58  }
0xc9: {  	v13 =	vld [tilespmem:$0xC4C0]  }
0xca: {  	v58 =	vadd.s32 v61, v58  }
0xcb: {  	v14 =	vld [tilespmem:$0xC540];
	[tilespmem:$0xC630] =	vst v58  }
0xcc: {  	v58 =	vld.idx.msk [tilespmem:v34+s3+$0x0], $0xffff;
	_ =	sdelay $0x1  }
0xcd: {  	v60 =	vld.idx.msk [tilespmem:v12+s3+$0x0], $0xffff;
	_ =	sdelay $0x2  }
0xce: {  	v61 =	vld.idx.msk [tilespmem:v13+s3+$0x0], $0xffff;
	v58 =	vmul.u32 $0x19, v58;
	_ =	sdelay $0x1  }
0xcf: {  	v58 =	vadd.s32 v58, v60  }
0xd0: {  	v59 =	vld.idx.msk [tilespmem:v14+s3+$0x0], $0xffff;
	v58 =	vmul.u32 $0x19, v58;
	_ =	sdelay $0x1  }
0xd1: {  	v58 =	vadd.s32 v61, v58  }
0xd2: {  	v58 =	vmul.u32 $0x19, v58;
	_ =	sdelay $0x1  }
0xd3: {  	s26 =	rddreg [dreg:$0x3];
	v58 =	vadd.s32 v59, v58  }
0xd4: {  	s6 =	rddreg [dreg:$0x5];
	[tilespmem:$0xC640] =	vst v58  }
0xd5: {  	[tilespmem:s24], [sflag:$0x1] =	stream.indirect.gather [hbm4b:s26+s19], $0x8, s6, s19, $0xb8;
	[tilespmem:$0xDE90] =	vst v63  }
0xd6: {  	_ =	swait.ge [sflag:s18], $0x200  }
0xd7: {  	[sflag:s18] =	ssyncset.done $0x0  }
0xd8: {  	[sflag:s18] =	ssyncadd.s32 $0xFFFFFE00  }
0xd9: {  	_ =	swait.ge [sflag:s18], $0x200  }
0xda: {  	[sflag:s18] =	ssyncset.done $0x0  }
0xdb: {  	[sflag:s18] =	ssyncadd.s32 $0xFFFFFE00  }
0xdc: {  	_ =	swait.ge [sflag:s18], $0x200  }
0xdd: {  	[sflag:s18] =	ssyncset.done $0x0  }
0xde: {  	[sflag:s18] =	ssyncadd.s32 $0xFFFFFE00  }
0xdf: {  	_ =	swait.ge [sflag:s18], $0x200  }
0xe0: {  	[sflag:s18] =	ssyncset.done $0x0  }
0xe1: {  	[sflag:s18] =	ssyncadd.s32 $0xFFFFFE00  }
0xe2: {  	_ =	swait.ge [sflag:s18], $0x400  }
0xe3: {  	[sflag:s18] =	ssyncset.done $0x0  }
0xe4: {  	[sflag:s18] =	ssyncadd.s32 $0xFFFFFC00  }
0xe5: {  	v58 =	vld.idx.msk [tilespmem:v0+s21+$0x0], $0xffff  }
0xe6: {  	v59 =	vld.idx.msk [tilespmem:v2+s21+$0x0], $0xffff  }
0xe7: {  	v60 =	vld.idx.msk [tilespmem:v0+s22+$0x0], $0xffff  }
0xe8: {  	v61 =	vld.idx.msk [tilespmem:v2+s22+$0x0], $0xffff  }
0xe9: {  	v62 =	vld.idx.msk [tilespmem:v3+s21+$0x0], $0xffff  }
0xea: {  	v63 =	vld.idx.msk [tilespmem:v3+s22+$0x0], $0xffff;
	_ =	sdelay $0x2  }
0xeb: {  	v1 =	vsub.f32 v60, v58;
	v4 =	vsub.f32 v61, v59;
	_ =	sdelay $0x1  }
0xec: {  	v5 =	vsub.f32 v63, v62;
	v6 =	vmul.f32 v1, v1;
	v7 =	vmul.f32 v4, v4;
	_ =	sdelay $0x1  }
0xed: {  	v6 =	vadd.f32 v7, v6;
	v7 =	vmul.f32 v5, v5;
	_ =	sdelay $0x1  }
0xee: {  	v6 =	vadd.f32 v7, v6;
	_ =	sdelay $0x1  }
0xef: {  	vm0 =	vgt.f32 v6, $0.0e+00  }
0xf0: {  	v6 =	vnsel vm0, $0x3F800000, v6  }
0xf1: {  	v7 =	vshra.s32 v6, $0x1;
	v6 =	vmul.f32 $5.000000000e-01, v6  }
0xf2: {  	v7 =	vsub.s32 $0x5F3759DF, v7  }
0xf3: {  	v12 =	vmul.f32 v7, v6;
	_ =	sdelay $0x1  }
0xf4: {  	v12 =	vmul.f32 v7, v12;
	_ =	sdelay $0x1  }
0xf5: {  	v12 =	vsub.f32 $1.500000000e+00, v12;
	_ =	sdelay $0x1  }
0xf6: {  	v7 =	vmul.f32 v7, v12;
	_ =	sdelay $0x1  }
0xf7: {  	v12 =	vmul.f32 v7, v6;
	_ =	sdelay $0x1  }
0xf8: {  	v12 =	vmul.f32 v12, v7;
	_ =	sdelay $0x1  }
0xf9: {  	v12 =	vsub.f32 $1.500000000e+00, v12;
	_ =	sdelay $0x1  }
0xfa: {  	v7 =	vmul.f32 v12, v7;
	_ =	sdelay $0x1  }
0xfb: {  	v6 =	vmul.f32 v7, v6;
	_ =	sdelay $0x1  }
0xfc: {  	v6 =	vmul.f32 v6, v7  }
0xfd: {  	v13 =	vld.idx.msk [tilespmem:v2+s20+$0x0], $0xffff  }
0xfe: {  	v34 =	vld.idx.msk [tilespmem:v0+s20+$0x0], $0xffff;
	v6 =	vsub.f32 $1.500000000e+00, v6  }
0xff: {  	v14 =	vld.idx.msk [tilespmem:v3+s20+$0x0], $0xffff  }
0x100: {  	v15 =	vld.idx.msk [tilespmem:v0+s23+$0x0], $0xffff;
	v6 =	vmul.f32 v6, v7  }
0x101: {  	v7 =	vld.idx.msk [tilespmem:v2+s23+$0x0], $0xffff  }
0x102: {  	v13 =	vsub.f32 v13, v59;
	v6 =	vnsel vm0, $0x0, v6  }
0x103: {  	v12 =	vsub.f32 v34, v58;
	v58 =	vld.idx.msk [tilespmem:v3+s23+$0x0], $0xffff;
	v1 =	vmul.f32 v6, v1;
	v4 =	vmul.f32 v6, v4  }
0x104: {  	v5 =	vmul.f32 v6, v5  }
0x105: {  	v6 =	vsub.f32 v14, v62;
	v62 =	vmul.f32 v1, v12;
	v59 =	vmul.f32 v4, v13  }
0x106: {  	v15 =	vsub.f32 v15, v60;
	v7 =	vsub.f32 v7, v61  }
0x107: {  	v34 =	vmul.f32 v5, v6;
	v14 =	vadd.f32 v59, v62  }
0x108: {  	v58 =	vsub.f32 v58, v63;
	v60 =	vmul.f32 v1, v15;
	v61 =	vmul.f32 v4, v7  }
0x109: {  	v14 =	vadd.f32 v14, v34  }
0x10a: {  	v59 =	vadd.f32 v61, v60;
	v60 =	vmul.f32 v5, v58  }
0x10b: {  	v61 =	vmul.f32 v14, v4;
	v34 =	vmul.f32 v14, v5  }
0x10c: {  	v59 =	vadd.f32 v59, v60;
	v14 =	vmul.f32 v14, v1  }
0x10d: {  	v13 =	vsub.f32 v13, v61;
	v6 =	vsub.f32 v6, v34  }
0x10e: {  	v12 =	vsub.f32 v12, v14;
	v14 =	vmul.f32 v59, v1;
	v60 =	vmul.f32 v59, v4  }
0x10f: {  	v61 =	vmul.f32 v6, v4;
	v34 =	vmul.f32 v13, v5  }
0x110: {  	v14 =	vsub.f32 v15, v14;
	v15 =	vmul.f32 v12, v5;
	v63 =	vmul.f32 v6, v1  }
0x111: {  	v7 =	vsub.f32 v7, v60;
	v5 =	vmul.f32 v59, v5;
	v1 =	vmul.f32 v13, v1  }
0x112: {  	v4 =	vmul.f32 v12, v4;
	v34 =	vsub.f32 v61, v34;
	v15 =	vsub.f32 v15, v63  }
0x113: {  	v5 =	vsub.f32 v58, v5;
	v12 =	vmul.f32 v14, v12;
	v13 =	vmul.f32 v7, v13  }
0x114: {  	v1 =	vsub.f32 v1, v4;
	v4 =	vmul.f32 v34, v14;
	v7 =	vmul.f32 v15, v7  }
0x115: {  	v12 =	vadd.f32 v13, v12  }
0x116: {  	v6 =	vmul.f32 v5, v6;
	v1 =	vmul.f32 v1, v5;
	v4 =	vadd.f32 v7, v4;
	_ =	sdelay $0x1  }
0x117: {  	v5 =	vadd.f32 v12, v6;
	v1 =	vadd.f32 v4, v1;
	_ =	sdelay $0x1  }
0x118: {  	v4 =	vmul.f32 v5, v5;
	v6 =	vmul.f32 v1, v1;
	_ =	sdelay $0x1  }
0x119: {  	v4 =	vadd.f32 v6, v4;
	_ =	sdelay $0x1  }
0x11a: {  	vm13 =	vgt.f32 v4, $0.0e+00  }
0x11b: {  	v4 =	vnsel vm13, $0x3F800000, v4  }
0x11c: {  	v6 =	vshra.s32 v4, $0x1;
	v4 =	vmul.f32 $5.000000000e-01, v4  }
0x11d: {  	v6 =	vsub.s32 $0x5F3759DF, v6  }
0x11e: {  	v7 =	vmul.f32 v6, v4;
	_ =	sdelay $0x1  }
0x11f: {  	v7 =	vmul.f32 v6, v7;
	_ =	sdelay $0x1  }
0x120: {  	v7 =	vsub.f32 $1.500000000e+00, v7;
	_ =	sdelay $0x1  }
0x121: {  	v6 =	vmul.f32 v6, v7;
	_ =	sdelay $0x1  }
0x122: {  	v7 =	vmul.f32 v6, v4;
	_ =	sdelay $0x1  }
0x123: {  	v7 =	vmul.f32 v7, v6;
	_ =	sdelay $0x1  }
0x124: {  	v7 =	vsub.f32 $1.500000000e+00, v7;
	_ =	sdelay $0x1  }
0x125: {  	v6 =	vmul.f32 v7, v6;
	_ =	sdelay $0x1  }
0x126: {  	v4 =	vmul.f32 v6, v4;
	_ =	sdelay $0x1  }
0x127: {  	v4 =	vmul.f32 v4, v6;
	_ =	sdelay $0x1  }
0x128: {  	v4 =	vsub.f32 $1.500000000e+00, v4;
	_ =	sdelay $0x1  }
0x129: {  	v4 =	vmul.f32 v4, v6;
	_ =	sdelay $0x1  }
0x12a: {  	v6 =	vnsel vm13, $0x0, v4;
	v4 =	vmul.f32 v4, v5;
	v5 =	vld.idx.msk [tilespmem:v2+s24+$0x0], $0xffff  }
0x12b: {  	v1 =	vmul.f32 v6, v1;
	v6 =	vld.idx.msk [tilespmem:v3+s24+$0x0], $0xffff  }
0x12c: {  	v4 =	vnsel vm13, $0x3F800000, v4  }
0x12d: {  	v14 =	vld.idx.msk [tilespmem:v19+s24+$0x0], $0xffff;
	v7 =	vmul.f32 v4, v4;
	v58 =	vmul.f32 v1, v1;
	v59 =	vadd.f32 v4, v4  }
0x12e: {  	v61 =	vld [tilespmem:$0x1FED0]  }
0x12f: {  	v7 =	vsub.f32 v7, v58;
	v60 =	vmul.f32 v59, v1  }
0x130: {  	v34 =	vld [tilespmem:$0x1FEE0];
	v5 =	vmul.f32 v4, v5;
	v6 =	vmul.f32 v1, v6  }
0x131: {  	v15 =	vmul.f32 v7, v4;
	v62 =	vmul.f32 v60, v1  }
0x132: {  	v1 =	vmul.f32 v7, v1;
	v5 =	vadd.f32 v6, v5;
	v6 =	vmul.f32 v7, v14;
	v7 =	vld [tilespmem:$0x1FEF0];
	_ =	sdelay $0x3  }
0x133: {  	v13 =	vld.idx.msk [tilespmem:v61+s24+$0x0], $0xffff;
	_ =	sdelay $0x1  }
0x134: {  	v63 =	vld.idx.msk [tilespmem:v34+s24+$0x0], $0xffff;
	_ =	sdelay $0x1  }
0x135: {  	v4 =	vmul.f32 v60, v4;
	v7 =	vld.idx.msk [tilespmem:v7+s24+$0x0], $0xffff  }
0x136: {  	v34 =	vsub.f32 v15, v62;
	v5 =	vadd.f32 v6, v5;
	v6 =	vmul.f32 v60, v13  }
0x137: {  	v58 =	vld [tilespmem:$0xC550]  }
0x138: {  	v1 =	vadd.f32 v4, v1;
	v4 =	vadd.f32 v5, v6;
	v5 =	vmul.f32 v34, v63  }
0x139: {  	v6 =	vld.idx.msk [tilespmem:v0+s24+$0x0], $0xffff  }
0x13a: {  	v4 =	vadd.f32 v5, v4;
	v1 =	vmul.f32 v1, v7;
	_ =	sdelay $0x1  }
0x13b: {  	v1 =	vadd.f32 v4, v1;
	v4 =	vadd.s32 v8, v58;
	_ =	sdelay $0x1  }
0x13c: {  	s26 =	sadd.s32 s2, s4;
	v1 =	vsub.f32 v6, v1  }
0x13d: {  	p0 =	slt.u32 s26, $0xC3500  }
0x13e: {  	v1 =	vpsel !p0, $0x0, v1  }
0x13f: {  	[tilespmem:v4+s25+$0x0] =	vst.idx.add.f32.msk $0xffff, v1  }
0x140: {  	v1 =	vld.idx.msk [tilespmem:v9+s21+$0x0], $0xffff  }
0x141: {  	v4 =	vld.idx.msk [tilespmem:v10+s21+$0x0], $0xffff  }
0x142: {  	v5 =	vld.idx.msk [tilespmem:v9+s22+$0x0], $0xffff  }
0x143: {  	v6 =	vld.idx.msk [tilespmem:v10+s22+$0x0], $0xffff  }
0x144: {  	v7 =	vld.idx.msk [tilespmem:v11+s21+$0x0], $0xffff  }
0x145: {  	v12 =	vld.idx.msk [tilespmem:v11+s22+$0x0], $0xffff;
	_ =	sdelay $0x2  }
0x146: {  	v13 =	vsub.f32 v5, v1;
	v14 =	vsub.f32 v6, v4;
	_ =	sdelay $0x1  }
0x147: {  	v15 =	vsub.f32 v12, v7;
	v60 =	vmul.f32 v13, v13;
	v61 =	vmul.f32 v14, v14;
	_ =	sdelay $0x1  }
0x148: {  	v62 =	vmul.f32 v15, v15;
	v58 =	vadd.f32 v61, v60;
	_ =	sdelay $0x1  }
0x149: {  	v58 =	vadd.f32 v62, v58;
	_ =	sdelay $0x1  }
0x14a: {  	vm14 =	vgt.f32 v58, $0.0e+00  }
0x14b: {  	v58 =	vnsel vm14, $0x3F800000, v58  }
0x14c: {  	v63 =	vshra.s32 v58, $0x1;
	v58 =	vmul.f32 $5.000000000e-01, v58  }
0x14d: {  	v59 =	vsub.s32 $0x5F3759DF, v63  }
0x14e: {  	v34 =	vmul.f32 v59, v58;
	_ =	sdelay $0x1  }
0x14f: {  	v60 =	vmul.f32 v59, v34;
	_ =	sdelay $0x1  }
0x150: {  	v60 =	vsub.f32 $1.500000000e+00, v60;
	_ =	sdelay $0x1  }
0x151: {  	v59 =	vmul.f32 v59, v60;
	_ =	sdelay $0x1  }
0x152: {  	v60 =	vmul.f32 v59, v58;
	_ =	sdelay $0x1  }
0x153: {  	v60 =	vmul.f32 v60, v59;
	_ =	sdelay $0x1  }
0x154: {  	v60 =	vsub.f32 $1.500000000e+00, v60;
	_ =	sdelay $0x1  }
0x155: {  	v59 =	vmul.f32 v60, v59;
	_ =	sdelay $0x1  }
0x156: {  	v58 =	vmul.f32 v59, v58;
	_ =	sdelay $0x1  }
0x157: {  	v58 =	vmul.f32 v58, v59  }
0x158: {  	v61 =	vld.idx.msk [tilespmem:v10+s20+$0x0], $0xffff  }
0x159: {  	v60 =	vld.idx.msk [tilespmem:v9+s20+$0x0], $0xffff;
	v58 =	vsub.f32 $1.500000000e+00, v58  }
0x15a: {  	v63 =	vld.idx.msk [tilespmem:v9+s23+$0x0], $0xffff  }
0x15b: {  	v34 =	vld.idx.msk [tilespmem:v11+s20+$0x0], $0xffff;
	v58 =	vmul.f32 v58, v59  }
0x15c: {  	v59 =	vld.idx.msk [tilespmem:v10+s23+$0x0], $0xffff  }
0x15d: {  	v4 =	vsub.f32 v61, v4;
	v58 =	vnsel vm14, $0x0, v58  }
0x15e: {  	v1 =	vsub.f32 v60, v1;
	v60 =	vld.idx.msk [tilespmem:v11+s23+$0x0], $0xffff;
	v13 =	vmul.f32 v58, v13;
	v14 =	vmul.f32 v58, v14  }
0x15f: {  	v15 =	vmul.f32 v58, v15  }
0x160: {  	v7 =	vsub.f32 v34, v7;
	v34 =	vmul.f32 v13, v1;
	v61 =	vmul.f32 v14, v4  }
0x161: {  	v5 =	vsub.f32 v63, v5;
	v6 =	vsub.f32 v59, v6  }
0x162: {  	v59 =	vmul.f32 v15, v7;
	v58 =	vadd.f32 v61, v34  }
0x163: {  	v12 =	vsub.f32 v60, v12;
	v60 =	vmul.f32 v13, v5;
	v34 =	vmul.f32 v14, v6  }
0x164: {  	v58 =	vadd.f32 v58, v59  }
0x165: {  	v59 =	vadd.f32 v34, v60;
	v60 =	vmul.f32 v15, v12  }
0x166: {  	v61 =	vmul.f32 v58, v14;
	v34 =	vmul.f32 v58, v15  }
0x167: {  	v59 =	vadd.f32 v59, v60;
	v58 =	vmul.f32 v58, v13  }
0x168: {  	v4 =	vsub.f32 v4, v61;
	v7 =	vsub.f32 v7, v34  }
0x169: {  	v1 =	vsub.f32 v1, v58;
	v34 =	vmul.f32 v59, v13;
	v60 =	vmul.f32 v59, v14  }
0x16a: {  	v61 =	vmul.f32 v7, v14;
	v62 =	vmul.f32 v4, v15  }
0x16b: {  	v5 =	vsub.f32 v5, v34;
	v58 =	vmul.f32 v1, v15;
	v34 =	vmul.f32 v7, v13  }
0x16c: {  	v6 =	vsub.f32 v6, v60;
	v15 =	vmul.f32 v59, v15;
	v13 =	vmul.f32 v4, v13  }
0x16d: {  	v14 =	vmul.f32 v1, v14;
	v62 =	vsub.f32 v61, v62;
	v58 =	vsub.f32 v58, v34  }
0x16e: {  	v12 =	vsub.f32 v12, v15;
	v1 =	vmul.f32 v5, v1;
	v4 =	vmul.f32 v6, v4  }
0x16f: {  	v13 =	vsub.f32 v13, v14;
	v5 =	vmul.f32 v62, v5;
	v6 =	vmul.f32 v58, v6  }
0x170: {  	v1 =	vadd.f32 v4, v1  }
0x171: {  	v4 =	vmul.f32 v12, v7;
	v5 =	vadd.f32 v6, v5;
	v6 =	vmul.f32 v13, v12;
	_ =	sdelay $0x1  }
0x172: {  	v1 =	vadd.f32 v1, v4;
	v4 =	vadd.f32 v5, v6;
	_ =	sdelay $0x1  }
0x173: {  	v5 =	vmul.f32 v1, v1;
	v6 =	vmul.f32 v4, v4;
	_ =	sdelay $0x1  }
0x174: {  	v5 =	vadd.f32 v6, v5;
	_ =	sdelay $0x1  }
0x175: {  	vm15 =	vgt.f32 v5, $0.0e+00  }
0x176: {  	v5 =	vnsel vm15, $0x3F800000, v5  }
0x177: {  	v6 =	vshra.s32 v5, $0x1;
	v5 =	vmul.f32 $5.000000000e-01, v5  }
0x178: {  	v6 =	vsub.s32 $0x5F3759DF, v6  }
0x179: {  	v7 =	vmul.f32 v6, v5;
	_ =	sdelay $0x1  }
0x17a: {  	v7 =	vmul.f32 v6, v7;
	_ =	sdelay $0x1  }
0x17b: {  	v7 =	vsub.f32 $1.500000000e+00, v7;
	_ =	sdelay $0x1  }
0x17c: {  	v6 =	vmul.f32 v6, v7;
	_ =	sdelay $0x1  }
0x17d: {  	v7 =	vmul.f32 v6, v5;
	_ =	sdelay $0x1  }
0x17e: {  	v7 =	vmul.f32 v7, v6;
	_ =	sdelay $0x1  }
0x17f: {  	v7 =	vsub.f32 $1.500000000e+00, v7;
	_ =	sdelay $0x1  }
0x180: {  	v6 =	vmul.f32 v7, v6;
	_ =	sdelay $0x1  }
0x181: {  	v5 =	vmul.f32 v6, v5;
	_ =	sdelay $0x1  }
0x182: {  	v5 =	vmul.f32 v5, v6  }
0x183: {  	v59 =	vld [tilespmem:$0x1FF00]  }
0x184: {  	v5 =	vsub.f32 $1.500000000e+00, v5  }
0x185: {  	v60 =	vld [tilespmem:$0x1FF10]  }
0x186: {  	v5 =	vmul.f32 v5, v6  }
0x187: {  	v62 =	vld [tilespmem:$0x1FF20]  }
0x188: {  	v6 =	vnsel vm15, $0x0, v5;
	v1 =	vmul.f32 v5, v1;
	v5 =	vld.idx.msk [tilespmem:v10+s24+$0x0], $0xffff  }
0x189: {  	v4 =	vmul.f32 v6, v4;
	v6 =	vld.idx.msk [tilespmem:v11+s24+$0x0], $0xffff  }
0x18a: {  	v1 =	vnsel vm15, $0x3F800000, v1  }
0x18b: {  	v14 =	vld.idx.msk [tilespmem:v59+s24+$0x0], $0xffff;
	v7 =	vmul.f32 v1, v1;
	v34 =	vmul.f32 v4, v4;
	v58 =	vadd.f32 v1, v1;
	_ =	sdelay $0x1  }
0x18c: {  	v13 =	vld.idx.msk [tilespmem:v60+s24+$0x0], $0xffff;
	v7 =	vsub.f32 v7, v34;
	v12 =	vmul.f32 v58, v4  }
0x18d: {  	v5 =	vmul.f32 v1, v5;
	v6 =	vmul.f32 v4, v6  }
0x18e: {  	v63 =	vld.idx.msk [tilespmem:v62+s24+$0x0], $0xffff;
	v15 =	vmul.f32 v7, v1  }
0x18f: {  	v61 =	vmul.f32 v12, v4;
	v5 =	vadd.f32 v6, v5;
	v6 =	vmul.f32 v7, v14  }
0x190: {  	v4 =	vmul.f32 v7, v4;
	v1 =	vmul.f32 v12, v1;
	v7 =	vld.idx.msk [tilespmem:v29+s24+$0x0], $0xffff  }
0x191: {  	v34 =	vsub.f32 v15, v61;
	v5 =	vadd.f32 v6, v5;
	v6 =	vmul.f32 v12, v13  }
0x192: {  	v58 =	vld [tilespmem:$0xC560]  }
0x193: {  	v1 =	vadd.f32 v1, v4;
	v4 =	vadd.f32 v5, v6;
	v5 =	vmul.f32 v34, v63  }
0x194: {  	v6 =	vld.idx.msk [tilespmem:v9+s24+$0x0], $0xffff  }
0x195: {  	v1 =	vmul.f32 v1, v7;
	v4 =	vadd.f32 v5, v4;
	_ =	sdelay $0x1  }
0x196: {  	v1 =	vadd.f32 v4, v1;
	v4 =	vadd.s32 v8, v58;
	_ =	sdelay $0x1  }
0x197: {  	s6 =	sadd.s32 $0x10, s26;
	v1 =	vsub.f32 v6, v1  }
0x198: {  	p6 =	slt.u32 s6, $0xC3500  }
0x199: {  	v1 =	vpsel !p6, $0x0, v1  }
0x19a: {  	[tilespmem:v4+s25+$0x0] =	vst.idx.add.f32.msk $0xffff, v1  }
0x19b: {  	v1 =	vld.idx.msk [tilespmem:v16+s21+$0x0], $0xffff  }
0x19c: {  	v4 =	vld.idx.msk [tilespmem:v17+s21+$0x0], $0xffff  }
0x19d: {  	v5 =	vld.idx.msk [tilespmem:v16+s22+$0x0], $0xffff  }
0x19e: {  	v6 =	vld.idx.msk [tilespmem:v17+s22+$0x0], $0xffff  }
0x19f: {  	v7 =	vld.idx.msk [tilespmem:v18+s21+$0x0], $0xffff  }
0x1a0: {  	v12 =	vld.idx.msk [tilespmem:v18+s22+$0x0], $0xffff;
	_ =	sdelay $0x2  }
0x1a1: {  	v13 =	vsub.f32 v5, v1;
	v14 =	vsub.f32 v6, v4;
	_ =	sdelay $0x1  }
0x1a2: {  	v15 =	vsub.f32 v12, v7;
	v60 =	vmul.f32 v13, v13;
	v61 =	vmul.f32 v14, v14;
	_ =	sdelay $0x1  }
0x1a3: {  	v62 =	vmul.f32 v15, v15;
	v58 =	vadd.f32 v61, v60;
	_ =	sdelay $0x1  }
0x1a4: {  	v58 =	vadd.f32 v62, v58;
	_ =	sdelay $0x1  }
0x1a5: {  	vm4 =	vgt.f32 v58, $0.0e+00  }
0x1a6: {  	v58 =	vnsel vm4, $0x3F800000, v58  }
0x1a7: {  	v63 =	vshra.s32 v58, $0x1;
	v58 =	vmul.f32 $5.000000000e-01, v58  }
0x1a8: {  	v59 =	vsub.s32 $0x5F3759DF, v63  }
0x1a9: {  	v34 =	vmul.f32 v59, v58;
	_ =	sdelay $0x1  }
0x1aa: {  	v60 =	vmul.f32 v59, v34;
	_ =	sdelay $0x1  }
0x1ab: {  	v60 =	vsub.f32 $1.500000000e+00, v60;
	_ =	sdelay $0x1  }
0x1ac: {  	v59 =	vmul.f32 v59, v60;
	_ =	sdelay $0x1  }
0x1ad: {  	v60 =	vmul.f32 v59, v58;
	_ =	sdelay $0x1  }
0x1ae: {  	v60 =	vmul.f32 v60, v59;
	_ =	sdelay $0x1  }
0x1af: {  	v60 =	vsub.f32 $1.500000000e+00, v60;
	_ =	sdelay $0x1  }
0x1b0: {  	v59 =	vmul.f32 v60, v59;
	_ =	sdelay $0x1  }
0x1b1: {  	v58 =	vmul.f32 v59, v58;
	_ =	sdelay $0x1  }
0x1b2: {  	v58 =	vmul.f32 v58, v59  }
0x1b3: {  	v61 =	vld.idx.msk [tilespmem:v17+s20+$0x0], $0xffff  }
0x1b4: {  	v60 =	vld.idx.msk [tilespmem:v16+s20+$0x0], $0xffff;
	v58 =	vsub.f32 $1.500000000e+00, v58  }
0x1b5: {  	v63 =	vld.idx.msk [tilespmem:v16+s23+$0x0], $0xffff  }
0x1b6: {  	v34 =	vld.idx.msk [tilespmem:v18+s20+$0x0], $0xffff;
	v58 =	vmul.f32 v58, v59  }
0x1b7: {  	v59 =	vld.idx.msk [tilespmem:v17+s23+$0x0], $0xffff  }
0x1b8: {  	v4 =	vsub.f32 v61, v4;
	v58 =	vnsel vm4, $0x0, v58  }
0x1b9: {  	v1 =	vsub.f32 v60, v1;
	v60 =	vld.idx.msk [tilespmem:v18+s23+$0x0], $0xffff;
	v13 =	vmul.f32 v58, v13;
	v14 =	vmul.f32 v58, v14  }
0x1ba: {  	v15 =	vmul.f32 v58, v15  }
0x1bb: {  	v7 =	vsub.f32 v34, v7;
	v34 =	vmul.f32 v13, v1;
	v61 =	vmul.f32 v14, v4  }
0x1bc: {  	v5 =	vsub.f32 v63, v5;
	v6 =	vsub.f32 v59, v6  }
0x1bd: {  	v59 =	vmul.f32 v15, v7;
	v58 =	vadd.f32 v61, v34  }
0x1be: {  	v12 =	vsub.f32 v60, v12;
	v60 =	vmul.f32 v13, v5;
	v34 =	vmul.f32 v14, v6  }
0x1bf: {  	v58 =	vadd.f32 v58, v59  }
0x1c0: {  	v59 =	vadd.f32 v34, v60;
	v60 =	vmul.f32 v15, v12  }
0x1c1: {  	v61 =	vmul.f32 v58, v14;
	v34 =	vmul.f32 v58, v15  }
0x1c2: {  	v59 =	vadd.f32 v59, v60;
	v58 =	vmul.f32 v58, v13  }
0x1c3: {  	v4 =	vsub.f32 v4, v61;
	v7 =	vsub.f32 v7, v34  }
0x1c4: {  	v1 =	vsub.f32 v1, v58;
	v34 =	vmul.f32 v59, v13;
	v60 =	vmul.f32 v59, v14  }
0x1c5: {  	v61 =	vmul.f32 v7, v14;
	v62 =	vmul.f32 v4, v15  }
0x1c6: {  	v5 =	vsub.f32 v5, v34;
	v58 =	vmul.f32 v1, v15;
	v34 =	vmul.f32 v7, v13  }
0x1c7: {  	v6 =	vsub.f32 v6, v60;
	v15 =	vmul.f32 v59, v15;
	v13 =	vmul.f32 v4, v13  }
0x1c8: {  	v14 =	vmul.f32 v1, v14;
	v61 =	vsub.f32 v61, v62;
	v58 =	vsub.f32 v58, v34  }
0x1c9: {  	v12 =	vsub.f32 v12, v15;
	v1 =	vmul.f32 v5, v1;
	v4 =	vmul.f32 v6, v4  }
0x1ca: {  	v13 =	vsub.f32 v13, v14;
	v5 =	vmul.f32 v61, v5;
	v6 =	vmul.f32 v58, v6  }
0x1cb: {  	v1 =	vadd.f32 v4, v1  }
0x1cc: {  	v4 =	vmul.f32 v12, v7;
	v5 =	vadd.f32 v6, v5;
	v6 =	vmul.f32 v13, v12;
	_ =	sdelay $0x1  }
0x1cd: {  	v1 =	vadd.f32 v1, v4;
	v4 =	vadd.f32 v5, v6;
	_ =	sdelay $0x1  }
0x1ce: {  	v5 =	vmul.f32 v1, v1;
	v6 =	vmul.f32 v4, v4;
	_ =	sdelay $0x1  }
0x1cf: {  	v5 =	vadd.f32 v6, v5;
	_ =	sdelay $0x1  }
0x1d0: {  	vm5 =	vgt.f32 v5, $0.0e+00  }
0x1d1: {  	v5 =	vnsel vm5, $0x3F800000, v5  }
0x1d2: {  	v6 =	vshra.s32 v5, $0x1;
	v5 =	vmul.f32 $5.000000000e-01, v5  }
0x1d3: {  	v6 =	vsub.s32 $0x5F3759DF, v6  }
0x1d4: {  	v7 =	vmul.f32 v6, v5;
	_ =	sdelay $0x1  }
0x1d5: {  	v7 =	vmul.f32 v6, v7;
	_ =	sdelay $0x1  }
0x1d6: {  	v7 =	vsub.f32 $1.500000000e+00, v7;
	_ =	sdelay $0x1  }
0x1d7: {  	v6 =	vmul.f32 v6, v7;
	_ =	sdelay $0x1  }
0x1d8: {  	v7 =	vmul.f32 v6, v5;
	_ =	sdelay $0x1  }
0x1d9: {  	v7 =	vmul.f32 v7, v6;
	_ =	sdelay $0x1  }
0x1da: {  	v7 =	vsub.f32 $1.500000000e+00, v7;
	_ =	sdelay $0x1  }
0x1db: {  	v6 =	vmul.f32 v7, v6;
	_ =	sdelay $0x1  }
0x1dc: {  	v5 =	vmul.f32 v6, v5;
	_ =	sdelay $0x1  }
0x1dd: {  	v5 =	vmul.f32 v5, v6;
	_ =	sdelay $0x1  }
0x1de: {  	v5 =	vsub.f32 $1.500000000e+00, v5;
	_ =	sdelay $0x1  }
0x1df: {  	v5 =	vmul.f32 v5, v6;
	_ =	sdelay $0x1  }
0x1e0: {  	v6 =	vnsel vm5, $0x0, v5;
	v1 =	vmul.f32 v5, v1;
	v5 =	vld.idx.msk [tilespmem:v17+s24+$0x0], $0xffff  }
0x1e1: {  	v4 =	vmul.f32 v6, v4;
	v6 =	vld.idx.msk [tilespmem:v18+s24+$0x0], $0xffff  }
0x1e2: {  	v1 =	vnsel vm5, $0x3F800000, v1  }
0x1e3: {  	v34 =	vld.idx.msk [tilespmem:v43+s24+$0x0], $0xffff;
	v7 =	vmul.f32 v1, v1;
	v62 =	vmul.f32 v4, v4;
	v63 =	vadd.f32 v1, v1;
	_ =	sdelay $0x1  }
0x1e4: {  	v61 =	vld.idx.msk [tilespmem:v40+s24+$0x0], $0xffff;
	v7 =	vsub.f32 v7, v62;
	v60 =	vmul.f32 v63, v4  }
0x1e5: {  	v5 =	vmul.f32 v1, v5;
	v6 =	vmul.f32 v4, v6  }
0x1e6: {  	v63 =	vld.idx.msk [tilespmem:v41+s24+$0x0], $0xffff;
	v15 =	vmul.f32 v7, v1  }
0x1e7: {  	v62 =	vmul.f32 v60, v4;
	v5 =	vadd.f32 v6, v5;
	v6 =	vmul.f32 v7, v34  }
0x1e8: {  	v4 =	vmul.f32 v7, v4;
	v1 =	vmul.f32 v60, v1;
	v7 =	vld.idx.msk [tilespmem:v36+s24+$0x0], $0xffff  }
0x1e9: {  	v34 =	vsub.f32 v15, v62;
	v5 =	vadd.f32 v6, v5;
	v6 =	vmul.f32 v60, v61  }
0x1ea: {  	v58 =	vld [tilespmem:$0xC570]  }
0x1eb: {  	v1 =	vadd.f32 v1, v4;
	v4 =	vadd.f32 v5, v6;
	v5 =	vmul.f32 v34, v63  }
0x1ec: {  	v6 =	vld.idx.msk [tilespmem:v16+s24+$0x0], $0xffff  }
0x1ed: {  	v1 =	vmul.f32 v1, v7;
	v4 =	vadd.f32 v5, v4;
	_ =	sdelay $0x1  }
0x1ee: {  	v1 =	vadd.f32 v4, v1;
	v4 =	vadd.s32 v8, v58;
	_ =	sdelay $0x1  }
0x1ef: {  	s6 =	sadd.s32 $0x20, s26;
	v1 =	vsub.f32 v6, v1  }
0x1f0: {  	p1 =	slt.u32 s6, $0xC3500  }
0x1f1: {  	v1 =	vpsel !p1, $0x0, v1  }
0x1f2: {  	[tilespmem:v4+s25+$0x0] =	vst.idx.add.f32.msk $0xffff, v1  }
0x1f3: {  	v1 =	vld.idx.msk [tilespmem:v23+s21+$0x0], $0xffff  }
0x1f4: {  	v4 =	vld.idx.msk [tilespmem:v24+s21+$0x0], $0xffff  }
0x1f5: {  	v5 =	vld.idx.msk [tilespmem:v23+s22+$0x0], $0xffff  }
0x1f6: {  	v6 =	vld.idx.msk [tilespmem:v24+s22+$0x0], $0xffff  }
0x1f7: {  	v7 =	vld.idx.msk [tilespmem:v25+s21+$0x0], $0xffff  }
0x1f8: {  	v12 =	vld.idx.msk [tilespmem:v25+s22+$0x0], $0xffff;
	_ =	sdelay $0x2  }
0x1f9: {  	v13 =	vsub.f32 v5, v1;
	v14 =	vsub.f32 v6, v4;
	_ =	sdelay $0x1  }
0x1fa: {  	v15 =	vsub.f32 v12, v7;
	v60 =	vmul.f32 v13, v13;
	v61 =	vmul.f32 v14, v14;
	_ =	sdelay $0x1  }
0x1fb: {  	v62 =	vmul.f32 v15, v15;
	v58 =	vadd.f32 v61, v60;
	_ =	sdelay $0x1  }
0x1fc: {  	v58 =	vadd.f32 v62, v58;
	_ =	sdelay $0x1  }
0x1fd: {  	vm6 =	vgt.f32 v58, $0.0e+00  }
0x1fe: {  	v58 =	vnsel vm6, $0x3F800000, v58  }
0x1ff: {  	v63 =	vshra.s32 v58, $0x1;
	v58 =	vmul.f32 $5.000000000e-01, v58  }
0x200: {  	v59 =	vsub.s32 $0x5F3759DF, v63  }
0x201: {  	v34 =	vmul.f32 v59, v58;
	_ =	sdelay $0x1  }
0x202: {  	v60 =	vmul.f32 v59, v34;
	_ =	sdelay $0x1  }
0x203: {  	v60 =	vsub.f32 $1.500000000e+00, v60;
	_ =	sdelay $0x1  }
0x204: {  	v59 =	vmul.f32 v59, v60;
	_ =	sdelay $0x1  }
0x205: {  	v60 =	vmul.f32 v59, v58;
	_ =	sdelay $0x1  }
0x206: {  	v60 =	vmul.f32 v60, v59;
	_ =	sdelay $0x1  }
0x207: {  	v60 =	vsub.f32 $1.500000000e+00, v60;
	_ =	sdelay $0x1  }
0x208: {  	v59 =	vmul.f32 v60, v59;
	_ =	sdelay $0x1  }
0x209: {  	v58 =	vmul.f32 v59, v58;
	_ =	sdelay $0x1  }
0x20a: {  	v58 =	vmul.f32 v58, v59  }
0x20b: {  	v61 =	vld.idx.msk [tilespmem:v24+s20+$0x0], $0xffff  }
0x20c: {  	v60 =	vld.idx.msk [tilespmem:v23+s20+$0x0], $0xffff;
	v58 =	vsub.f32 $1.500000000e+00, v58  }
0x20d: {  	v63 =	vld.idx.msk [tilespmem:v23+s23+$0x0], $0xffff  }
0x20e: {  	v34 =	vld.idx.msk [tilespmem:v25+s20+$0x0], $0xffff;
	v58 =	vmul.f32 v58, v59  }
0x20f: {  	v59 =	vld.idx.msk [tilespmem:v24+s23+$0x0], $0xffff  }
0x210: {  	v4 =	vsub.f32 v61, v4;
	v58 =	vnsel vm6, $0x0, v58  }
0x211: {  	v1 =	vsub.f32 v60, v1;
	v60 =	vld.idx.msk [tilespmem:v25+s23+$0x0], $0xffff;
	v13 =	vmul.f32 v58, v13;
	v14 =	vmul.f32 v58, v14  }
0x212: {  	v15 =	vmul.f32 v58, v15  }
0x213: {  	v7 =	vsub.f32 v34, v7;
	v34 =	vmul.f32 v13, v1;
	v61 =	vmul.f32 v14, v4  }
0x214: {  	v5 =	vsub.f32 v63, v5;
	v6 =	vsub.f32 v59, v6  }
0x215: {  	v59 =	vmul.f32 v15, v7;
	v58 =	vadd.f32 v61, v34  }
0x216: {  	v12 =	vsub.f32 v60, v12;
	v60 =	vmul.f32 v13, v5;
	v34 =	vmul.f32 v14, v6  }
0x217: {  	v58 =	vadd.f32 v58, v59  }
0x218: {  	v59 =	vadd.f32 v34, v60;
	v60 =	vmul.f32 v15, v12  }
0x219: {  	v61 =	vmul.f32 v58, v14;
	v34 =	vmul.f32 v58, v15  }
0x21a: {  	v59 =	vadd.f32 v59, v60;
	v58 =	vmul.f32 v58, v13  }
0x21b: {  	v4 =	vsub.f32 v4, v61;
	v7 =	vsub.f32 v7, v34  }
0x21c: {  	v1 =	vsub.f32 v1, v58;
	v58 =	vmul.f32 v59, v13;
	v60 =	vmul.f32 v59, v14  }
0x21d: {  	v61 =	vmul.f32 v7, v14;
	v34 =	vmul.f32 v4, v15  }
0x21e: {  	v5 =	vsub.f32 v5, v58;
	v58 =	vmul.f32 v1, v15;
	v63 =	vmul.f32 v7, v13  }
0x21f: {  	v6 =	vsub.f32 v6, v60;
	v15 =	vmul.f32 v59, v15;
	v13 =	vmul.f32 v4, v13  }
0x220: {  	v14 =	vmul.f32 v1, v14;
	v34 =	vsub.f32 v61, v34;
	v58 =	vsub.f32 v58, v63  }
0x221: {  	v12 =	vsub.f32 v12, v15;
	v1 =	vmul.f32 v5, v1;
	v4 =	vmul.f32 v6, v4  }
0x222: {  	v13 =	vsub.f32 v13, v14;
	v5 =	vmul.f32 v34, v5;
	v6 =	vmul.f32 v58, v6  }
0x223: {  	v1 =	vadd.f32 v4, v1  }
0x224: {  	v4 =	vmul.f32 v12, v7;
	v5 =	vadd.f32 v6, v5;
	v6 =	vmul.f32 v13, v12;
	_ =	sdelay $0x1  }
0x225: {  	v1 =	vadd.f32 v1, v4;
	v4 =	vadd.f32 v5, v6;
	_ =	sdelay $0x1  }
0x226: {  	v5 =	vmul.f32 v1, v1;
	v6 =	vmul.f32 v4, v4;
	_ =	sdelay $0x1  }
0x227: {  	v5 =	vadd.f32 v6, v5;
	_ =	sdelay $0x1  }
0x228: {  	vm7 =	vgt.f32 v5, $0.0e+00  }
0x229: {  	v5 =	vnsel vm7, $0x3F800000, v5  }
0x22a: {  	v6 =	vshra.s32 v5, $0x1;
	v5 =	vmul.f32 $5.000000000e-01, v5  }
0x22b: {  	v6 =	vsub.s32 $0x5F3759DF, v6  }
0x22c: {  	v7 =	vmul.f32 v6, v5;
	_ =	sdelay $0x1  }
0x22d: {  	v7 =	vmul.f32 v6, v7;
	_ =	sdelay $0x1  }
0x22e: {  	v7 =	vsub.f32 $1.500000000e+00, v7;
	_ =	sdelay $0x1  }
0x22f: {  	v6 =	vmul.f32 v6, v7;
	_ =	sdelay $0x1  }
0x230: {  	v7 =	vmul.f32 v6, v5;
	_ =	sdelay $0x1  }
0x231: {  	v7 =	vmul.f32 v7, v6;
	_ =	sdelay $0x1  }
0x232: {  	v7 =	vsub.f32 $1.500000000e+00, v7;
	_ =	sdelay $0x1  }
0x233: {  	v6 =	vmul.f32 v7, v6;
	_ =	sdelay $0x1  }
0x234: {  	v5 =	vmul.f32 v6, v5;
	_ =	sdelay $0x1  }
0x235: {  	v5 =	vmul.f32 v5, v6;
	_ =	sdelay $0x1  }
0x236: {  	v5 =	vsub.f32 $1.500000000e+00, v5;
	_ =	sdelay $0x1  }
0x237: {  	v5 =	vmul.f32 v5, v6;
	_ =	sdelay $0x1  }
0x238: {  	v6 =	vnsel vm7, $0x0, v5;
	v1 =	vmul.f32 v5, v1;
	v5 =	vld.idx.msk [tilespmem:v24+s24+$0x0], $0xffff  }
0x239: {  	v4 =	vmul.f32 v6, v4;
	v6 =	vld.idx.msk [tilespmem:v25+s24+$0x0], $0xffff  }
0x23a: {  	v1 =	vnsel vm7, $0x3F800000, v1  }
0x23b: {  	v14 =	vld.idx.msk [tilespmem:v42+s24+$0x0], $0xffff;
	v7 =	vmul.f32 v1, v1;
	v58 =	vmul.f32 v4, v4;
	v59 =	vadd.f32 v1, v1;
	_ =	sdelay $0x1  }
0x23c: {  	v7 =	vsub.f32 v7, v58;
	v12 =	vmul.f32 v59, v4  }
0x23d: {  	v62 =	vld [tilespmem:$0x1FF30];
	v5 =	vmul.f32 v1, v5;
	v6 =	vmul.f32 v4, v6  }
0x23e: {  	v15 =	vmul.f32 v7, v1;
	v61 =	vmul.f32 v12, v4  }
0x23f: {  	v4 =	vmul.f32 v7, v4;
	v5 =	vadd.f32 v6, v5;
	v6 =	vmul.f32 v7, v14;
	v7 =	vld [tilespmem:$0x1FF40];
	_ =	sdelay $0x3  }
0x240: {  	v60 =	vld.idx.msk [tilespmem:v47+s24+$0x0], $0xffff;
	_ =	sdelay $0x1  }
0x241: {  	v63 =	vld.idx.msk [tilespmem:v62+s24+$0x0], $0xffff;
	_ =	sdelay $0x1  }
0x242: {  	v1 =	vmul.f32 v12, v1;
	v7 =	vld.idx.msk [tilespmem:v7+s24+$0x0], $0xffff  }
0x243: {  	v34 =	vsub.f32 v15, v61;
	v5 =	vadd.f32 v6, v5;
	v6 =	vmul.f32 v12, v60  }
0x244: {  	v58 =	vld [tilespmem:$0xC580]  }
0x245: {  	v1 =	vadd.f32 v1, v4;
	v4 =	vadd.f32 v5, v6;
	v5 =	vmul.f32 v34, v63  }
0x246: {  	v6 =	vld.idx.msk [tilespmem:v23+s24+$0x0], $0xffff  }
0x247: {  	v4 =	vadd.f32 v5, v4;
	v1 =	vmul.f32 v1, v7;
	_ =	sdelay $0x1  }
0x248: {  	v1 =	vadd.f32 v4, v1;
	v4 =	vadd.s32 v8, v58;
	_ =	sdelay $0x1  }
0x249: {  	s6 =	sadd.s32 $0x30, s26;
	v1 =	vsub.f32 v6, v1  }
0x24a: {  	p2 =	slt.u32 s6, $0xC3500  }
0x24b: {  	v1 =	vpsel !p2, $0x0, v1  }
0x24c: {  	[tilespmem:v4+s25+$0x0] =	vst.idx.add.f32.msk $0xffff, v1  }
0x24d: {  	v1 =	vld.idx.msk [tilespmem:v30+s21+$0x0], $0xffff  }
0x24e: {  	v4 =	vld.idx.msk [tilespmem:v31+s21+$0x0], $0xffff  }
0x24f: {  	v5 =	vld.idx.msk [tilespmem:v30+s22+$0x0], $0xffff  }
0x250: {  	v6 =	vld.idx.msk [tilespmem:v31+s22+$0x0], $0xffff  }
0x251: {  	v7 =	vld.idx.msk [tilespmem:v32+s21+$0x0], $0xffff  }
0x252: {  	v12 =	vld.idx.msk [tilespmem:v32+s22+$0x0], $0xffff;
	_ =	sdelay $0x2  }
0x253: {  	v13 =	vsub.f32 v5, v1;
	v14 =	vsub.f32 v6, v4;
	_ =	sdelay $0x1  }
0x254: {  	v15 =	vsub.f32 v12, v7;
	v60 =	vmul.f32 v13, v13;
	v61 =	vmul.f32 v14, v14;
	_ =	sdelay $0x1  }
0x255: {  	v62 =	vmul.f32 v15, v15;
	v58 =	vadd.f32 v61, v60;
	_ =	sdelay $0x1  }
0x256: {  	v58 =	vadd.f32 v62, v58;
	_ =	sdelay $0x1  }
0x257: {  	vm8 =	vgt.f32 v58, $0.0e+00  }
0x258: {  	v58 =	vnsel vm8, $0x3F800000, v58  }
0x259: {  	v63 =	vshra.s32 v58, $0x1;
	v58 =	vmul.f32 $5.000000000e-01, v58  }
0x25a: {  	v59 =	vsub.s32 $0x5F3759DF, v63  }
0x25b: {  	v34 =	vmul.f32 v59, v58;
	_ =	sdelay $0x1  }
0x25c: {  	v60 =	vmul.f32 v59, v34;
	_ =	sdelay $0x1  }
0x25d: {  	v60 =	vsub.f32 $1.500000000e+00, v60;
	_ =	sdelay $0x1  }
0x25e: {  	v59 =	vmul.f32 v59, v60;
	_ =	sdelay $0x1  }
0x25f: {  	v60 =	vmul.f32 v59, v58;
	_ =	sdelay $0x1  }
0x260: {  	v60 =	vmul.f32 v60, v59;
	_ =	sdelay $0x1  }
0x261: {  	v60 =	vsub.f32 $1.500000000e+00, v60;
	_ =	sdelay $0x1  }
0x262: {  	v59 =	vmul.f32 v60, v59;
	_ =	sdelay $0x1  }
0x263: {  	v58 =	vmul.f32 v59, v58;
	_ =	sdelay $0x1  }
0x264: {  	v58 =	vmul.f32 v58, v59  }
0x265: {  	v61 =	vld.idx.msk [tilespmem:v31+s20+$0x0], $0xffff  }
0x266: {  	v60 =	vld.idx.msk [tilespmem:v30+s20+$0x0], $0xffff;
	v58 =	vsub.f32 $1.500000000e+00, v58  }
0x267: {  	v63 =	vld.idx.msk [tilespmem:v30+s23+$0x0], $0xffff  }
0x268: {  	v34 =	vld.idx.msk [tilespmem:v32+s20+$0x0], $0xffff;
	v58 =	vmul.f32 v58, v59  }
0x269: {  	v59 =	vld.idx.msk [tilespmem:v31+s23+$0x0], $0xffff  }
0x26a: {  	v4 =	vsub.f32 v61, v4;
	v58 =	vnsel vm8, $0x0, v58  }
0x26b: {  	v1 =	vsub.f32 v60, v1;
	v60 =	vld.idx.msk [tilespmem:v32+s23+$0x0], $0xffff;
	v13 =	vmul.f32 v58, v13;
	v14 =	vmul.f32 v58, v14  }
0x26c: {  	v15 =	vmul.f32 v58, v15  }
0x26d: {  	v7 =	vsub.f32 v34, v7;
	v34 =	vmul.f32 v13, v1;
	v61 =	vmul.f32 v14, v4  }
0x26e: {  	v5 =	vsub.f32 v63, v5;
	v6 =	vsub.f32 v59, v6  }
0x26f: {  	v59 =	vmul.f32 v15, v7;
	v58 =	vadd.f32 v61, v34  }
0x270: {  	v12 =	vsub.f32 v60, v12;
	v60 =	vmul.f32 v13, v5;
	v34 =	vmul.f32 v14, v6  }
0x271: {  	v58 =	vadd.f32 v58, v59  }
0x272: {  	v59 =	vadd.f32 v34, v60;
	v60 =	vmul.f32 v15, v12  }
0x273: {  	v61 =	vmul.f32 v58, v14;
	v34 =	vmul.f32 v58, v15  }
0x274: {  	v59 =	vadd.f32 v59, v60;
	v58 =	vmul.f32 v58, v13  }
0x275: {  	v4 =	vsub.f32 v4, v61;
	v7 =	vsub.f32 v7, v34  }
0x276: {  	v1 =	vsub.f32 v1, v58;
	v34 =	vmul.f32 v59, v13;
	v60 =	vmul.f32 v59, v14  }
0x277: {  	v61 =	vmul.f32 v7, v14;
	v62 =	vmul.f32 v4, v15  }
0x278: {  	v5 =	vsub.f32 v5, v34;
	v58 =	vmul.f32 v1, v15;
	v34 =	vmul.f32 v7, v13  }
0x279: {  	v6 =	vsub.f32 v6, v60;
	v15 =	vmul.f32 v59, v15;
	v13 =	vmul.f32 v4, v13  }
0x27a: {  	v14 =	vmul.f32 v1, v14;
	v62 =	vsub.f32 v61, v62;
	v58 =	vsub.f32 v58, v34  }
0x27b: {  	v12 =	vsub.f32 v12, v15;
	v1 =	vmul.f32 v5, v1;
	v4 =	vmul.f32 v6, v4  }
0x27c: {  	v13 =	vsub.f32 v13, v14;
	v5 =	vmul.f32 v62, v5;
	v6 =	vmul.f32 v58, v6  }
0x27d: {  	v1 =	vadd.f32 v4, v1  }
0x27e: {  	v4 =	vmul.f32 v12, v7;
	v5 =	vadd.f32 v6, v5;
	v6 =	vmul.f32 v13, v12;
	_ =	sdelay $0x1  }
0x27f: {  	v1 =	vadd.f32 v1, v4;
	v4 =	vadd.f32 v5, v6;
	_ =	sdelay $0x1  }
0x280: {  	v5 =	vmul.f32 v1, v1;
	v6 =	vmul.f32 v4, v4;
	_ =	sdelay $0x1  }
0x281: {  	v5 =	vadd.f32 v6, v5;
	_ =	sdelay $0x1  }
0x282: {  	vm9 =	vgt.f32 v5, $0.0e+00  }
0x283: {  	v5 =	vnsel vm9, $0x3F800000, v5  }
0x284: {  	v6 =	vshra.s32 v5, $0x1;
	v5 =	vmul.f32 $5.000000000e-01, v5  }
0x285: {  	v6 =	vsub.s32 $0x5F3759DF, v6  }
0x286: {  	v7 =	vmul.f32 v6, v5;
	_ =	sdelay $0x1  }
0x287: {  	v7 =	vmul.f32 v6, v7;
	_ =	sdelay $0x1  }
0x288: {  	v7 =	vsub.f32 $1.500000000e+00, v7;
	_ =	sdelay $0x1  }
0x289: {  	v6 =	vmul.f32 v6, v7;
	_ =	sdelay $0x1  }
0x28a: {  	v7 =	vmul.f32 v6, v5;
	_ =	sdelay $0x1  }
0x28b: {  	v7 =	vmul.f32 v7, v6;
	_ =	sdelay $0x1  }
0x28c: {  	v7 =	vsub.f32 $1.500000000e+00, v7;
	_ =	sdelay $0x1  }
0x28d: {  	v6 =	vmul.f32 v7, v6;
	_ =	sdelay $0x1  }
0x28e: {  	v5 =	vmul.f32 v6, v5;
	_ =	sdelay $0x1  }
0x28f: {  	v5 =	vmul.f32 v5, v6  }
0x290: {  	v59 =	vld [tilespmem:$0x1FF50]  }
0x291: {  	v5 =	vsub.f32 $1.500000000e+00, v5;
	_ =	sdelay $0x1  }
0x292: {  	v5 =	vmul.f32 v5, v6;
	_ =	sdelay $0x1  }
0x293: {  	v6 =	vnsel vm9, $0x0, v5;
	v1 =	vmul.f32 v5, v1;
	v5 =	vld.idx.msk [tilespmem:v31+s24+$0x0], $0xffff  }
0x294: {  	v4 =	vmul.f32 v6, v4;
	v6 =	vld.idx.msk [tilespmem:v32+s24+$0x0], $0xffff  }
0x295: {  	v1 =	vnsel vm9, $0x3F800000, v1  }
0x296: {  	v14 =	vld.idx.msk [tilespmem:v59+s24+$0x0], $0xffff;
	v7 =	vmul.f32 v1, v1;
	v34 =	vmul.f32 v4, v4;
	v58 =	vadd.f32 v1, v1;
	_ =	sdelay $0x1  }
0x297: {  	v61 =	vld.idx.msk [tilespmem:v55+s24+$0x0], $0xffff;
	v7 =	vsub.f32 v7, v34;
	v60 =	vmul.f32 v58, v4  }
0x298: {  	v5 =	vmul.f32 v1, v5;
	v6 =	vmul.f32 v4, v6  }
0x299: {  	v63 =	vld.idx.msk [tilespmem:v57+s24+$0x0], $0xffff;
	v15 =	vmul.f32 v7, v1  }
0x29a: {  	v62 =	vmul.f32 v60, v4;
	v5 =	vadd.f32 v6, v5;
	v6 =	vmul.f32 v7, v14  }
0x29b: {  	v4 =	vmul.f32 v7, v4;
	v1 =	vmul.f32 v60, v1;
	v7 =	vld.idx.msk [tilespmem:v56+s24+$0x0], $0xffff  }
0x29c: {  	v34 =	vsub.f32 v15, v62;
	v5 =	vadd.f32 v6, v5;
	v6 =	vmul.f32 v60, v61  }
0x29d: {  	v58 =	vld [tilespmem:$0xC590]  }
0x29e: {  	v1 =	vadd.f32 v1, v4;
	v4 =	vadd.f32 v5, v6;
	v5 =	vmul.f32 v34, v63  }
0x29f: {  	v6 =	vld.idx.msk [tilespmem:v30+s24+$0x0], $0xffff  }
0x2a0: {  	v1 =	vmul.f32 v1, v7;
	v4 =	vadd.f32 v5, v4;
	_ =	sdelay $0x1  }
0x2a1: {  	v1 =	vadd.f32 v4, v1;
	v4 =	vadd.s32 v8, v58;
	_ =	sdelay $0x1  }
0x2a2: {  	s6 =	sadd.s32 $0x40, s26;
	v1 =	vsub.f32 v6, v1  }
0x2a3: {  	p3 =	slt.u32 s6, $0xC3500  }
0x2a4: {  	v1 =	vpsel !p3, $0x0, v1  }
0x2a5: {  	[tilespmem:v4+s25+$0x0] =	vst.idx.add.f32.msk $0xffff, v1  }
0x2a6: {  	v1 =	vld.idx.msk [tilespmem:v37+s21+$0x0], $0xffff  }
0x2a7: {  	v4 =	vld.idx.msk [tilespmem:v38+s21+$0x0], $0xffff  }
0x2a8: {  	v5 =	vld.idx.msk [tilespmem:v37+s22+$0x0], $0xffff  }
0x2a9: {  	v6 =	vld.idx.msk [tilespmem:v38+s22+$0x0], $0xffff  }
0x2aa: {  	v7 =	vld.idx.msk [tilespmem:v39+s21+$0x0], $0xffff  }
0x2ab: {  	v12 =	vld.idx.msk [tilespmem:v39+s22+$0x0], $0xffff;
	_ =	sdelay $0x2  }
0x2ac: {  	v13 =	vsub.f32 v5, v1;
	v14 =	vsub.f32 v6, v4;
	_ =	sdelay $0x1  }
0x2ad: {  	v15 =	vsub.f32 v12, v7;
	v60 =	vmul.f32 v13, v13;
	v61 =	vmul.f32 v14, v14;
	_ =	sdelay $0x1  }
0x2ae: {  	v62 =	vmul.f32 v15, v15;
	v58 =	vadd.f32 v61, v60;
	_ =	sdelay $0x1  }
0x2af: {  	v58 =	vadd.f32 v62, v58;
	_ =	sdelay $0x1  }
0x2b0: {  	vm10 =	vgt.f32 v58, $0.0e+00  }
0x2b1: {  	v58 =	vnsel vm10, $0x3F800000, v58  }
0x2b2: {  	v63 =	vshra.s32 v58, $0x1;
	v58 =	vmul.f32 $5.000000000e-01, v58  }
0x2b3: {  	v59 =	vsub.s32 $0x5F3759DF, v63  }
0x2b4: {  	v34 =	vmul.f32 v59, v58;
	_ =	sdelay $0x1  }
0x2b5: {  	v60 =	vmul.f32 v59, v34;
	_ =	sdelay $0x1  }
0x2b6: {  	v60 =	vsub.f32 $1.500000000e+00, v60;
	_ =	sdelay $0x1  }
0x2b7: {  	v59 =	vmul.f32 v59, v60;
	_ =	sdelay $0x1  }
0x2b8: {  	v60 =	vmul.f32 v59, v58;
	_ =	sdelay $0x1  }
0x2b9: {  	v60 =	vmul.f32 v60, v59;
	_ =	sdelay $0x1  }
0x2ba: {  	v60 =	vsub.f32 $1.500000000e+00, v60;
	_ =	sdelay $0x1  }
0x2bb: {  	v59 =	vmul.f32 v60, v59;
	_ =	sdelay $0x1  }
0x2bc: {  	v58 =	vmul.f32 v59, v58;
	_ =	sdelay $0x1  }
0x2bd: {  	v58 =	vmul.f32 v58, v59  }
0x2be: {  	v61 =	vld.idx.msk [tilespmem:v38+s20+$0x0], $0xffff  }
0x2bf: {  	v60 =	vld.idx.msk [tilespmem:v37+s20+$0x0], $0xffff;
	v58 =	vsub.f32 $1.500000000e+00, v58  }
0x2c0: {  	v63 =	vld.idx.msk [tilespmem:v37+s23+$0x0], $0xffff  }
0x2c1: {  	v34 =	vld.idx.msk [tilespmem:v39+s20+$0x0], $0xffff;
	v58 =	vmul.f32 v58, v59  }
0x2c2: {  	v59 =	vld.idx.msk [tilespmem:v38+s23+$0x0], $0xffff  }
0x2c3: {  	v4 =	vsub.f32 v61, v4;
	v58 =	vnsel vm10, $0x0, v58  }
0x2c4: {  	v1 =	vsub.f32 v60, v1;
	v60 =	vld.idx.msk [tilespmem:v39+s23+$0x0], $0xffff;
	v13 =	vmul.f32 v58, v13;
	v14 =	vmul.f32 v58, v14  }
0x2c5: {  	v15 =	vmul.f32 v58, v15  }
0x2c6: {  	v7 =	vsub.f32 v34, v7;
	v34 =	vmul.f32 v13, v1;
	v61 =	vmul.f32 v14, v4  }
0x2c7: {  	v5 =	vsub.f32 v63, v5;
	v6 =	vsub.f32 v59, v6  }
0x2c8: {  	v59 =	vmul.f32 v15, v7;
	v58 =	vadd.f32 v61, v34  }
0x2c9: {  	v12 =	vsub.f32 v60, v12;
	v60 =	vmul.f32 v13, v5;
	v34 =	vmul.f32 v14, v6  }
0x2ca: {  	v58 =	vadd.f32 v58, v59  }
0x2cb: {  	v59 =	vadd.f32 v34, v60;
	v60 =	vmul.f32 v15, v12  }
0x2cc: {  	v61 =	vmul.f32 v58, v14;
	v34 =	vmul.f32 v58, v15  }
0x2cd: {  	v59 =	vadd.f32 v59, v60;
	v58 =	vmul.f32 v58, v13  }
0x2ce: {  	v4 =	vsub.f32 v4, v61;
	v7 =	vsub.f32 v7, v34  }
0x2cf: {  	v1 =	vsub.f32 v1, v58;
	v34 =	vmul.f32 v59, v13;
	v60 =	vmul.f32 v59, v14  }
0x2d0: {  	v61 =	vmul.f32 v7, v14;
	v62 =	vmul.f32 v4, v15  }
0x2d1: {  	v5 =	vsub.f32 v5, v34;
	v58 =	vmul.f32 v1, v15;
	v34 =	vmul.f32 v7, v13  }
0x2d2: {  	v6 =	vsub.f32 v6, v60;
	v15 =	vmul.f32 v59, v15;
	v13 =	vmul.f32 v4, v13  }
0x2d3: {  	v14 =	vmul.f32 v1, v14;
	v61 =	vsub.f32 v61, v62;
	v58 =	vsub.f32 v58, v34  }
0x2d4: {  	v12 =	vsub.f32 v12, v15;
	v1 =	vmul.f32 v5, v1;
	v4 =	vmul.f32 v6, v4  }
0x2d5: {  	v13 =	vsub.f32 v13, v14;
	v5 =	vmul.f32 v61, v5;
	v6 =	vmul.f32 v58, v6  }
0x2d6: {  	v1 =	vadd.f32 v4, v1  }
0x2d7: {  	v4 =	vmul.f32 v12, v7;
	v5 =	vadd.f32 v6, v5;
	v6 =	vmul.f32 v13, v12;
	_ =	sdelay $0x1  }
0x2d8: {  	v1 =	vadd.f32 v1, v4;
	v4 =	vadd.f32 v5, v6;
	_ =	sdelay $0x1  }
0x2d9: {  	v5 =	vmul.f32 v1, v1;
	v6 =	vmul.f32 v4, v4;
	_ =	sdelay $0x1  }
0x2da: {  	v5 =	vadd.f32 v6, v5;
	_ =	sdelay $0x1  }
0x2db: {  	vm11 =	vgt.f32 v5, $0.0e+00  }
0x2dc: {  	v5 =	vnsel vm11, $0x3F800000, v5  }
0x2dd: {  	v6 =	vshra.s32 v5, $0x1;
	v5 =	vmul.f32 $5.000000000e-01, v5  }
0x2de: {  	v6 =	vsub.s32 $0x5F3759DF, v6  }
0x2df: {  	v7 =	vmul.f32 v6, v5;
	_ =	sdelay $0x1  }
0x2e0: {  	v7 =	vmul.f32 v6, v7;
	_ =	sdelay $0x1  }
0x2e1: {  	v7 =	vsub.f32 $1.500000000e+00, v7;
	_ =	sdelay $0x1  }
0x2e2: {  	v6 =	vmul.f32 v6, v7;
	_ =	sdelay $0x1  }
0x2e3: {  	v7 =	vmul.f32 v6, v5;
	_ =	sdelay $0x1  }
0x2e4: {  	v7 =	vmul.f32 v7, v6;
	_ =	sdelay $0x1  }
0x2e5: {  	v7 =	vsub.f32 $1.500000000e+00, v7;
	_ =	sdelay $0x1  }
0x2e6: {  	v6 =	vmul.f32 v7, v6;
	_ =	sdelay $0x1  }
0x2e7: {  	v5 =	vmul.f32 v6, v5;
	_ =	sdelay $0x1  }
0x2e8: {  	v5 =	vmul.f32 v5, v6;
	_ =	sdelay $0x1  }
0x2e9: {  	v5 =	vsub.f32 $1.500000000e+00, v5;
	_ =	sdelay $0x1  }
0x2ea: {  	v5 =	vmul.f32 v5, v6;
	_ =	sdelay $0x1  }
0x2eb: {  	v6 =	vnsel vm11, $0x0, v5;
	v1 =	vmul.f32 v5, v1;
	v5 =	vld.idx.msk [tilespmem:v38+s24+$0x0], $0xffff  }
0x2ec: {  	v4 =	vmul.f32 v6, v4;
	v6 =	vld.idx.msk [tilespmem:v39+s24+$0x0], $0xffff  }
0x2ed: {  	v1 =	vnsel vm11, $0x3F800000, v1  }
0x2ee: {  	v34 =	vld.idx.msk [tilespmem:v50+s24+$0x0], $0xffff;
	v7 =	vmul.f32 v1, v1;
	v62 =	vmul.f32 v4, v4;
	v63 =	vadd.f32 v1, v1;
	_ =	sdelay $0x1  }
0x2ef: {  	v61 =	vld.idx.msk [tilespmem:v54+s24+$0x0], $0xffff;
	v7 =	vsub.f32 v7, v62;
	v60 =	vmul.f32 v63, v4  }
0x2f0: {  	v5 =	vmul.f32 v1, v5;
	v6 =	vmul.f32 v4, v6  }
0x2f1: {  	v63 =	vld.idx.msk [tilespmem:v33+s24+$0x0], $0xffff;
	v15 =	vmul.f32 v7, v1  }
0x2f2: {  	v62 =	vmul.f32 v60, v4;
	v5 =	vadd.f32 v6, v5;
	v6 =	vmul.f32 v7, v34  }
0x2f3: {  	v4 =	vmul.f32 v7, v4;
	v1 =	vmul.f32 v60, v1;
	v7 =	vld.idx.msk [tilespmem:v35+s24+$0x0], $0xffff  }
0x2f4: {  	v34 =	vsub.f32 v15, v62;
	v5 =	vadd.f32 v6, v5;
	v6 =	vmul.f32 v60, v61  }
0x2f5: {  	v58 =	vld [tilespmem:$0xC5A0]  }
0x2f6: {  	v1 =	vadd.f32 v1, v4;
	v4 =	vadd.f32 v5, v6;
	v5 =	vmul.f32 v34, v63  }
0x2f7: {  	v6 =	vld.idx.msk [tilespmem:v37+s24+$0x0], $0xffff  }
0x2f8: {  	v1 =	vmul.f32 v1, v7;
	v4 =	vadd.f32 v5, v4;
	_ =	sdelay $0x1  }
0x2f9: {  	v1 =	vadd.f32 v4, v1;
	v4 =	vadd.s32 v8, v58;
	_ =	sdelay $0x1  }
0x2fa: {  	s6 =	sadd.s32 $0x50, s26;
	v1 =	vsub.f32 v6, v1  }
0x2fb: {  	p4 =	slt.u32 s6, $0xC3500  }
0x2fc: {  	v1 =	vpsel !p4, $0x0, v1  }
0x2fd: {  	[tilespmem:v4+s25+$0x0] =	vst.idx.add.f32.msk $0xffff, v1  }
0x2fe: {  	v1 =	vld.idx.msk [tilespmem:v44+s21+$0x0], $0xffff  }
0x2ff: {  	v4 =	vld.idx.msk [tilespmem:v45+s21+$0x0], $0xffff  }
0x300: {  	v5 =	vld.idx.msk [tilespmem:v44+s22+$0x0], $0xffff  }
0x301: {  	v6 =	vld.idx.msk [tilespmem:v45+s22+$0x0], $0xffff  }
0x302: {  	v7 =	vld.idx.msk [tilespmem:v46+s21+$0x0], $0xffff  }
0x303: {  	v12 =	vld.idx.msk [tilespmem:v46+s22+$0x0], $0xffff;
	_ =	sdelay $0x2  }
0x304: {  	v13 =	vsub.f32 v5, v1;
	v14 =	vsub.f32 v6, v4;
	_ =	sdelay $0x1  }
0x305: {  	v15 =	vsub.f32 v12, v7;
	v60 =	vmul.f32 v13, v13;
	v61 =	vmul.f32 v14, v14;
	_ =	sdelay $0x1  }
0x306: {  	v62 =	vmul.f32 v15, v15;
	v58 =	vadd.f32 v61, v60;
	_ =	sdelay $0x1  }
0x307: {  	v58 =	vadd.f32 v62, v58;
	_ =	sdelay $0x1  }
0x308: {  	vm12 =	vgt.f32 v58, $0.0e+00  }
0x309: {  	v58 =	vnsel vm12, $0x3F800000, v58  }
0x30a: {  	v63 =	vshra.s32 v58, $0x1;
	v58 =	vmul.f32 $5.000000000e-01, v58  }
0x30b: {  	v59 =	vsub.s32 $0x5F3759DF, v63  }
0x30c: {  	v34 =	vmul.f32 v59, v58;
	_ =	sdelay $0x1  }
0x30d: {  	v60 =	vmul.f32 v59, v34;
	_ =	sdelay $0x1  }
0x30e: {  	v60 =	vsub.f32 $1.500000000e+00, v60;
	_ =	sdelay $0x1  }
0x30f: {  	v59 =	vmul.f32 v59, v60;
	_ =	sdelay $0x1  }
0x310: {  	v60 =	vmul.f32 v59, v58;
	_ =	sdelay $0x1  }
0x311: {  	v60 =	vmul.f32 v60, v59;
	_ =	sdelay $0x1  }
0x312: {  	v60 =	vsub.f32 $1.500000000e+00, v60;
	_ =	sdelay $0x1  }
0x313: {  	v59 =	vmul.f32 v60, v59;
	_ =	sdelay $0x1  }
0x314: {  	v58 =	vmul.f32 v59, v58;
	_ =	sdelay $0x1  }
0x315: {  	v58 =	vmul.f32 v58, v59  }
0x316: {  	v61 =	vld.idx.msk [tilespmem:v45+s20+$0x0], $0xffff  }
0x317: {  	v60 =	vld.idx.msk [tilespmem:v44+s20+$0x0], $0xffff;
	v58 =	vsub.f32 $1.500000000e+00, v58  }
0x318: {  	v63 =	vld.idx.msk [tilespmem:v44+s23+$0x0], $0xffff  }
0x319: {  	v34 =	vld.idx.msk [tilespmem:v46+s20+$0x0], $0xffff;
	v58 =	vmul.f32 v58, v59  }
0x31a: {  	v59 =	vld.idx.msk [tilespmem:v45+s23+$0x0], $0xffff  }
0x31b: {  	v4 =	vsub.f32 v61, v4;
	v58 =	vnsel vm12, $0x0, v58  }
0x31c: {  	v1 =	vsub.f32 v60, v1;
	v60 =	vld.idx.msk [tilespmem:v46+s23+$0x0], $0xffff;
	v13 =	vmul.f32 v58, v13;
	v14 =	vmul.f32 v58, v14  }
0x31d: {  	v15 =	vmul.f32 v58, v15  }
0x31e: {  	v7 =	vsub.f32 v34, v7;
	v34 =	vmul.f32 v13, v1;
	v61 =	vmul.f32 v14, v4  }
0x31f: {  	v5 =	vsub.f32 v63, v5;
	v6 =	vsub.f32 v59, v6  }
0x320: {  	v59 =	vmul.f32 v15, v7;
	v58 =	vadd.f32 v61, v34  }
0x321: {  	v12 =	vsub.f32 v60, v12;
	v60 =	vmul.f32 v13, v5;
	v34 =	vmul.f32 v14, v6  }
0x322: {  	v58 =	vadd.f32 v58, v59  }
0x323: {  	v59 =	vadd.f32 v34, v60;
	v60 =	vmul.f32 v15, v12  }
0x324: {  	v61 =	vmul.f32 v58, v14;
	v34 =	vmul.f32 v58, v15  }
0x325: {  	v59 =	vadd.f32 v59, v60;
	v58 =	vmul.f32 v58, v13  }
0x326: {  	v4 =	vsub.f32 v4, v61;
	v7 =	vsub.f32 v7, v34  }
0x327: {  	v1 =	vsub.f32 v1, v58;
	v34 =	vmul.f32 v59, v13;
	v60 =	vmul.f32 v59, v14  }
0x328: {  	v61 =	vmul.f32 v7, v14;
	v62 =	vmul.f32 v4, v15  }
0x329: {  	v5 =	vsub.f32 v5, v34;
	v58 =	vmul.f32 v1, v15;
	v34 =	vmul.f32 v7, v13  }
0x32a: {  	v6 =	vsub.f32 v6, v60;
	v15 =	vmul.f32 v59, v15;
	v13 =	vmul.f32 v4, v13  }
0x32b: {  	v14 =	vmul.f32 v1, v14;
	v61 =	vsub.f32 v61, v62;
	v58 =	vsub.f32 v58, v34  }
0x32c: {  	v12 =	vsub.f32 v12, v15;
	v1 =	vmul.f32 v5, v1;
	v4 =	vmul.f32 v6, v4  }
0x32d: {  	v13 =	vsub.f32 v13, v14;
	v5 =	vmul.f32 v61, v5;
	v6 =	vmul.f32 v58, v6  }
0x32e: {  	v1 =	vadd.f32 v4, v1  }
0x32f: {  	v4 =	vmul.f32 v12, v7;
	v5 =	vadd.f32 v6, v5;
	v6 =	vmul.f32 v13, v12;
	_ =	sdelay $0x1  }
0x330: {  	v1 =	vadd.f32 v1, v4;
	v4 =	vadd.f32 v5, v6;
	_ =	sdelay $0x1  }
0x331: {  	v5 =	vmul.f32 v1, v1;
	v6 =	vmul.f32 v4, v4;
	_ =	sdelay $0x1  }
0x332: {  	v5 =	vadd.f32 v6, v5;
	_ =	sdelay $0x1  }
0x333: {  	vm13 =	vgt.f32 v5, $0.0e+00  }
0x334: {  	v5 =	vnsel vm13, $0x3F800000, v5  }
0x335: {  	v6 =	vshra.s32 v5, $0x1;
	v5 =	vmul.f32 $5.000000000e-01, v5  }
0x336: {  	v6 =	vsub.s32 $0x5F3759DF, v6  }
0x337: {  	v7 =	vmul.f32 v6, v5;
	_ =	sdelay $0x1  }
0x338: {  	v7 =	vmul.f32 v6, v7;
	_ =	sdelay $0x1  }
0x339: {  	v7 =	vsub.f32 $1.500000000e+00, v7;
	_ =	sdelay $0x1  }
0x33a: {  	v6 =	vmul.f32 v6, v7;
	_ =	sdelay $0x1  }
0x33b: {  	v7 =	vmul.f32 v6, v5;
	_ =	sdelay $0x1  }
0x33c: {  	v7 =	vmul.f32 v7, v6;
	_ =	sdelay $0x1  }
0x33d: {  	v7 =	vsub.f32 $1.500000000e+00, v7;
	_ =	sdelay $0x1  }
0x33e: {  	v6 =	vmul.f32 v7, v6;
	_ =	sdelay $0x1  }
0x33f: {  	v5 =	vmul.f32 v6, v5;
	_ =	sdelay $0x1  }
0x340: {  	v5 =	vmul.f32 v5, v6;
	_ =	sdelay $0x1  }
0x341: {  	v5 =	vsub.f32 $1.500000000e+00, v5;
	_ =	sdelay $0x1  }
0x342: {  	v5 =	vmul.f32 v5, v6;
	_ =	sdelay $0x1  }
0x343: {  	v6 =	vnsel vm13, $0x0, v5;
	v1 =	vmul.f32 v5, v1;
	v5 =	vld.idx.msk [tilespmem:v45+s24+$0x0], $0xffff  }
0x344: {  	v4 =	vmul.f32 v6, v4;
	v6 =	vld.idx.msk [tilespmem:v46+s24+$0x0], $0xffff  }
0x345: {  	v1 =	vnsel vm13, $0x3F800000, v1  }
0x346: {  	v34 =	vld.idx.msk [tilespmem:v48+s24+$0x0], $0xffff;
	v7 =	vmul.f32 v1, v1;
	v62 =	vmul.f32 v4, v4;
	v63 =	vadd.f32 v1, v1;
	_ =	sdelay $0x1  }
0x347: {  	v61 =	vld.idx.msk [tilespmem:v49+s24+$0x0], $0xffff;
	v7 =	vsub.f32 v7, v62;
	v60 =	vmul.f32 v63, v4  }
0x348: {  	v5 =	vmul.f32 v1, v5;
	v6 =	vmul.f32 v4, v6  }
0x349: {  	v63 =	vld.idx.msk [tilespmem:v21+s24+$0x0], $0xffff;
	v15 =	vmul.f32 v7, v1  }
0x34a: {  	v62 =	vmul.f32 v60, v4;
	v5 =	vadd.f32 v6, v5;
	v6 =	vmul.f32 v7, v34  }
0x34b: {  	v4 =	vmul.f32 v7, v4;
	v1 =	vmul.f32 v60, v1;
	v7 =	vld.idx.msk [tilespmem:v26+s24+$0x0], $0xffff  }
0x34c: {  	v34 =	vsub.f32 v15, v62;
	v5 =	vadd.f32 v6, v5;
	v6 =	vmul.f32 v60, v61  }
0x34d: {  	v58 =	vld [tilespmem:$0xC5B0]  }
0x34e: {  	v1 =	vadd.f32 v1, v4;
	v4 =	vadd.f32 v5, v6;
	v5 =	vmul.f32 v34, v63  }
0x34f: {  	v6 =	vld.idx.msk [tilespmem:v44+s24+$0x0], $0xffff  }
0x350: {  	v1 =	vmul.f32 v1, v7;
	v4 =	vadd.f32 v5, v4;
	_ =	sdelay $0x1  }
0x351: {  	v1 =	vadd.f32 v4, v1;
	v4 =	vadd.s32 v8, v58;
	_ =	sdelay $0x1  }
0x352: {  	s6 =	sadd.s32 $0x60, s26;
	v1 =	vsub.f32 v6, v1  }
0x353: {  	p5 =	slt.u32 s6, $0xC3500  }
0x354: {  	v1 =	vpsel !p5, $0x0, v1  }
0x355: {  	[tilespmem:v4+s25+$0x0] =	vst.idx.add.f32.msk $0xffff, v1  }
0x356: {  	v1 =	vld.idx.msk [tilespmem:v51+s21+$0x0], $0xffff  }
0x357: {  	v4 =	vld.idx.msk [tilespmem:v52+s21+$0x0], $0xffff  }
0x358: {  	v5 =	vld.idx.msk [tilespmem:v51+s22+$0x0], $0xffff  }
0x359: {  	v6 =	vld.idx.msk [tilespmem:v52+s22+$0x0], $0xffff  }
0x35a: {  	v7 =	vld.idx.msk [tilespmem:v53+s21+$0x0], $0xffff  }
0x35b: {  	v12 =	vld.idx.msk [tilespmem:v53+s22+$0x0], $0xffff;
	_ =	sdelay $0x2  }
0x35c: {  	v13 =	vsub.f32 v5, v1;
	v14 =	vsub.f32 v6, v4;
	_ =	sdelay $0x1  }
0x35d: {  	v15 =	vsub.f32 v12, v7;
	v60 =	vmul.f32 v13, v13;
	v61 =	vmul.f32 v14, v14;
	_ =	sdelay $0x1  }
0x35e: {  	v62 =	vmul.f32 v15, v15;
	v58 =	vadd.f32 v61, v60;
	_ =	sdelay $0x1  }
0x35f: {  	v58 =	vadd.f32 v62, v58;
	_ =	sdelay $0x1  }
0x360: {  	vm14 =	vgt.f32 v58, $0.0e+00  }
0x361: {  	v58 =	vnsel vm14, $0x3F800000, v58  }
0x362: {  	v63 =	vshra.s32 v58, $0x1;
	v58 =	vmul.f32 $5.000000000e-01, v58  }
0x363: {  	v59 =	vsub.s32 $0x5F3759DF, v63  }
0x364: {  	v34 =	vmul.f32 v59, v58;
	_ =	sdelay $0x1  }
0x365: {  	v60 =	vmul.f32 v59, v34;
	_ =	sdelay $0x1  }
0x366: {  	v60 =	vsub.f32 $1.500000000e+00, v60;
	_ =	sdelay $0x1  }
0x367: {  	v59 =	vmul.f32 v59, v60;
	_ =	sdelay $0x1  }
0x368: {  	v60 =	vmul.f32 v59, v58;
	_ =	sdelay $0x1  }
0x369: {  	v60 =	vmul.f32 v60, v59;
	_ =	sdelay $0x1  }
0x36a: {  	v60 =	vsub.f32 $1.500000000e+00, v60;
	_ =	sdelay $0x1  }
0x36b: {  	v59 =	vmul.f32 v60, v59;
	_ =	sdelay $0x1  }
0x36c: {  	v58 =	vmul.f32 v59, v58;
	_ =	sdelay $0x1  }
0x36d: {  	v58 =	vmul.f32 v58, v59  }
0x36e: {  	v61 =	vld.idx.msk [tilespmem:v52+s20+$0x0], $0xffff  }
0x36f: {  	v60 =	vld.idx.msk [tilespmem:v51+s20+$0x0], $0xffff;
	v58 =	vsub.f32 $1.500000000e+00, v58  }
0x370: {  	v63 =	vld.idx.msk [tilespmem:v51+s23+$0x0], $0xffff  }
0x371: {  	v34 =	vld.idx.msk [tilespmem:v53+s20+$0x0], $0xffff;
	v58 =	vmul.f32 v58, v59  }
0x372: {  	v59 =	vld.idx.msk [tilespmem:v52+s23+$0x0], $0xffff  }
0x373: {  	v4 =	vsub.f32 v61, v4;
	v58 =	vnsel vm14, $0x0, v58  }
0x374: {  	v1 =	vsub.f32 v60, v1;
	v60 =	vld.idx.msk [tilespmem:v53+s23+$0x0], $0xffff;
	v13 =	vmul.f32 v58, v13;
	v14 =	vmul.f32 v58, v14  }
0x375: {  	v15 =	vmul.f32 v58, v15  }
0x376: {  	v7 =	vsub.f32 v34, v7;
	v34 =	vmul.f32 v13, v1;
	v61 =	vmul.f32 v14, v4  }
0x377: {  	v5 =	vsub.f32 v63, v5;
	v6 =	vsub.f32 v59, v6  }
0x378: {  	v59 =	vmul.f32 v15, v7;
	v58 =	vadd.f32 v61, v34  }
0x379: {  	v12 =	vsub.f32 v60, v12;
	v60 =	vmul.f32 v13, v5;
	v34 =	vmul.f32 v14, v6  }
0x37a: {  	v58 =	vadd.f32 v58, v59  }
0x37b: {  	v59 =	vadd.f32 v34, v60;
	v60 =	vmul.f32 v15, v12  }
0x37c: {  	v61 =	vmul.f32 v58, v14;
	v34 =	vmul.f32 v58, v15  }
0x37d: {  	v59 =	vadd.f32 v59, v60;
	v58 =	vmul.f32 v58, v13  }
0x37e: {  	v4 =	vsub.f32 v4, v61;
	v7 =	vsub.f32 v7, v34  }
0x37f: {  	v1 =	vsub.f32 v1, v58;
	v58 =	vmul.f32 v59, v13;
	v60 =	vmul.f32 v59, v14  }
0x380: {  	v61 =	vmul.f32 v7, v14;
	v34 =	vmul.f32 v4, v15  }
0x381: {  	v5 =	vsub.f32 v5, v58;
	v58 =	vmul.f32 v1, v15;
	v63 =	vmul.f32 v7, v13  }
0x382: {  	v6 =	vsub.f32 v6, v60;
	v15 =	vmul.f32 v59, v15;
	v13 =	vmul.f32 v4, v13  }
0x383: {  	v14 =	vmul.f32 v1, v14;
	v34 =	vsub.f32 v61, v34;
	v58 =	vsub.f32 v58, v63  }
0x384: {  	v12 =	vsub.f32 v12, v15;
	v1 =	vmul.f32 v5, v1;
	v4 =	vmul.f32 v6, v4  }
0x385: {  	v13 =	vsub.f32 v13, v14;
	v5 =	vmul.f32 v34, v5;
	v6 =	vmul.f32 v58, v6  }
0x386: {  	v1 =	vadd.f32 v4, v1  }
0x387: {  	v4 =	vmul.f32 v12, v7;
	v5 =	vadd.f32 v6, v5;
	v6 =	vmul.f32 v13, v12;
	_ =	sdelay $0x1  }
0x388: {  	v1 =	vadd.f32 v1, v4;
	v4 =	vadd.f32 v5, v6;
	_ =	sdelay $0x1  }
0x389: {  	v5 =	vmul.f32 v1, v1;
	v6 =	vmul.f32 v4, v4;
	_ =	sdelay $0x1  }
0x38a: {  	v5 =	vadd.f32 v6, v5;
	_ =	sdelay $0x1  }
0x38b: {  	vm15 =	vgt.f32 v5, $0.0e+00  }
0x38c: {  	v5 =	vnsel vm15, $0x3F800000, v5  }
0x38d: {  	v6 =	vshra.s32 v5, $0x1;
	v5 =	vmul.f32 $5.000000000e-01, v5  }
0x38e: {  	v6 =	vsub.s32 $0x5F3759DF, v6  }
0x38f: {  	v7 =	vmul.f32 v6, v5;
	_ =	sdelay $0x1  }
0x390: {  	v7 =	vmul.f32 v6, v7;
	_ =	sdelay $0x1  }
0x391: {  	v7 =	vsub.f32 $1.500000000e+00, v7;
	_ =	sdelay $0x1  }
0x392: {  	v6 =	vmul.f32 v6, v7;
	_ =	sdelay $0x1  }
0x393: {  	v7 =	vmul.f32 v6, v5;
	_ =	sdelay $0x1  }
0x394: {  	v7 =	vmul.f32 v7, v6;
	_ =	sdelay $0x1  }
0x395: {  	v7 =	vsub.f32 $1.500000000e+00, v7;
	_ =	sdelay $0x1  }
0x396: {  	v6 =	vmul.f32 v7, v6;
	_ =	sdelay $0x1  }
0x397: {  	v5 =	vmul.f32 v6, v5;
	_ =	sdelay $0x1  }
0x398: {  	v5 =	vmul.f32 v5, v6;
	_ =	sdelay $0x1  }
0x399: {  	v5 =	vsub.f32 $1.500000000e+00, v5;
	_ =	sdelay $0x1  }
0x39a: {  	v5 =	vmul.f32 v5, v6;
	_ =	sdelay $0x1  }
0x39b: {  	v6 =	vnsel vm15, $0x0, v5;
	v1 =	vmul.f32 v5, v1;
	v5 =	vld.idx.msk [tilespmem:v52+s24+$0x0], $0xffff  }
0x39c: {  	v4 =	vmul.f32 v6, v4;
	v6 =	vld.idx.msk [tilespmem:v53+s24+$0x0], $0xffff  }
0x39d: {  	v1 =	vnsel vm15, $0x3F800000, v1  }
0x39e: {  	v62 =	vld.idx.msk [tilespmem:v22+s24+$0x0], $0xffff;
	v7 =	vmul.f32 v1, v1;
	v59 =	vmul.f32 v4, v4;
	v60 =	vadd.f32 v1, v1;
	_ =	sdelay $0x1  }
0x39f: {  	v63 =	vld.idx.msk [tilespmem:v20+s24+$0x0], $0xffff;
	v7 =	vsub.f32 v7, v59;
	v12 =	vmul.f32 v60, v4  }
0x3a0: {  	v5 =	vmul.f32 v1, v5;
	v6 =	vmul.f32 v4, v6  }
0x3a1: {  	v60 =	vld.idx.msk [tilespmem:v27+s24+$0x0], $0xffff;
	v15 =	vmul.f32 v7, v1  }
0x3a2: {  	v34 =	vmul.f32 v12, v4;
	v5 =	vadd.f32 v6, v5;
	v6 =	vmul.f32 v7, v62  }
0x3a3: {  	v4 =	vmul.f32 v7, v4;
	v1 =	vmul.f32 v12, v1;
	v7 =	vld.idx.msk [tilespmem:v28+s24+$0x0], $0xffff  }
0x3a4: {  	v62 =	vsub.f32 v15, v34;
	v5 =	vadd.f32 v6, v5;
	v6 =	vmul.f32 v12, v63  }
0x3a5: {  	v63 =	vld [tilespmem:$0xC5C0]  }
0x3a6: {  	v1 =	vadd.f32 v1, v4;
	v4 =	vadd.f32 v5, v6;
	v5 =	vmul.f32 v62, v60  }
0x3a7: {  	v6 =	vld.idx.msk [tilespmem:v51+s24+$0x0], $0xffff  }
0x3a8: {  	v1 =	vmul.f32 v1, v7;
	v4 =	vadd.f32 v5, v4;
	_ =	sdelay $0x1  }
0x3a9: {  	p0 =	sne.s32 s2, $0x6180;
	v1 =	vadd.f32 v4, v1;
	v4 =	vadd.s32 v8, v63  }
.Ltmp0:
0x3aa: {  	_ = 	snop;
	(pc) =	sbr.rel @p0 .LBB2_2-.Ltmp0, $4  }
0x3ab: {  	s26 =	sadd.s32 $0x70, s26;
	v1 =	vsub.f32 v6, v1  }
0x3ac: {  	p6 =	slt.u32 s26, $0xC3500  }
0x3ad: {  	s29 =	sadd.s32 $0x10, s29;
	s30 =	sadd.s32 $0x10, s30;
	s31 =	sadd.s32 $0x10, s31;
	v1 =	vpsel !p6, $0x0, v1  }
0x3ae: {  	s9 =	sadd.s32 $0x10, s9;
	s8 =	sadd.s32 $0x10, s8;
	s2 =	sadd.s32 $0x80, s2;
	v61 =	vmov v27;
	[tilespmem:v4+s25+$0x0] =	vst.idx.add.f32.msk $0xffff, v1  }
0x3af: {  	v5 =	vld [tilespmem:$0xDC50];
	_ =	sdelay $0x4  }
0x3b0: {  	[tilespmem:$0x1FDD0] =	vst v5;
	v5 =	vld [tilespmem:$0xDC90];
	_ =	sdelay $0x4  }
0x3b1: {  	[tilespmem:$0x1FDF0] =	vst v5;
	v5 =	vld [tilespmem:$0xDCD0];
	_ =	sdelay $0x4  }
0x3b2: {  	[tilespmem:$0x1FE10] =	vst v5;
	v5 =	vld [tilespmem:$0xDD10];
	_ =	sdelay $0x2  }
0x3b3: {  	v1 =	vld [tilespmem:$0xDA50]  }
0x3b4: {  	v4 =	vld [tilespmem:$0xDA90]  }
0x3b5: {  	[tilespmem:$0x1FE30] =	vst v5;
	v5 =	vld [tilespmem:$0xDD50]  }
0x3b6: {  	v12 =	vld [tilespmem:$0xDAD0]  }
0x3b7: {  	v6 =	vld [tilespmem:$0xDB10]  }
0x3b8: {  	v15 =	vld [tilespmem:$0xDB50]  }
0x3b9: {  	v58 =	vld [tilespmem:$0xDB90]  }
0x3ba: {  	[tilespmem:$0x1FE50] =	vst v5;
	v5 =	vld [tilespmem:$0xDD90]  }
0x3bb: {  	v13 =	vld [tilespmem:$0xDBD0]  }
0x3bc: {  	v19 =	vld [tilespmem:$0xDA60]  }
0x3bd: {  	v20 =	vld [tilespmem:$0xDAA0]  }
0x3be: {  	v40 =	vld [tilespmem:$0xDA70]  }
0x3bf: {  	[tilespmem:$0x1FE70] =	vst v5;
	v5 =	vld [tilespmem:$0xDDD0]  }
0x3c0: {  	v21 =	vld [tilespmem:$0xDAE0]  }
0x3c1: {  	v42 =	vld [tilespmem:$0xDAB0];
	v1 =	vadd.f32 $0.0e+00, v1  }
0x3c2: {  	v22 =	vld [tilespmem:$0xDB20];
	v19 =	vadd.f32 $0.0e+00, v19  }
0x3c3: {  	v62 =	vld [tilespmem:$0xDAF0];
	v1 =	vadd.f32 v4, v1  }
0x3c4: {  	v4 =	vadd.f32 $0.0e+00, v40;
	v19 =	vadd.f32 v20, v19;
	[tilespmem:$0x1FE90] =	vst v5;
	v5 =	vld [tilespmem:$0xDE10]  }
0x3c5: {  	v20 =	vld [tilespmem:$0xDB30];
	v1 =	vadd.f32 v12, v1  }
0x3c6: {  	v14 =	vld [tilespmem:$0xDC10];
	v4 =	vadd.f32 v42, v4;
	v19 =	vadd.f32 v21, v19  }
0x3c7: {  	v59 =	vld [tilespmem:$0xDB70];
	v1 =	vadd.f32 v6, v1  }
0x3c8: {  	v4 =	vadd.f32 v62, v4;
	v19 =	vadd.f32 v22, v19;
	v22 =	vld [tilespmem:$0xDBB0]  }
0x3c9: {  	[tilespmem:$0x1FEB0] =	vst v5;
	v5 =	vld [tilespmem:$0xDC60]  }
0x3ca: {  	v26 =	vld [tilespmem:$0xDB60];
	v1 =	vadd.f32 v15, v1;
	v4 =	vadd.f32 v20, v4  }
0x3cb: {  	v20 =	vld [tilespmem:$0xDBF0]  }
0x3cc: {  	v27 =	vld [tilespmem:$0xDBA0];
	v1 =	vadd.f32 v58, v1;
	v4 =	vadd.f32 v59, v4  }
0x3cd: {  	v15 =	vld [tilespmem:$0x1FDD0]  }
0x3ce: {  	v1 =	vadd.f32 v13, v1;
	v4 =	vadd.f32 v22, v4;
	[tilespmem:$0x1FDE0] =	vst v5;
	v5 =	vld [tilespmem:$0xDCA0]  }
0x3cf: {  	v28 =	vld [tilespmem:$0xDBE0];
	v19 =	vadd.f32 v26, v19  }
0x3d0: {  	v1 =	vadd.f32 v14, v1;
	v4 =	vadd.f32 v20, v4;
	v20 =	vld [tilespmem:$0x1FDF0]  }
0x3d1: {  	v34 =	vmov v36;
	v36 =	vmov v29;
	v29 =	vld [tilespmem:$0xDC20]  }
0x3d2: {  	v19 =	vadd.f32 v27, v19;
	v1 =	vadd.f32 v15, v1;
	v15 =	vld [tilespmem:$0x1FDE0]  }
0x3d3: {  	[tilespmem:$0x1FE00] =	vst v5;
	v5 =	vld [tilespmem:$0xDCE0]  }
0x3d4: {  	v19 =	vadd.f32 v28, v19  }
0x3d5: {  	v1 =	vadd.f32 v20, v1;
	v20 =	vld [tilespmem:$0x1FE00]  }
0x3d6: {  	v19 =	vadd.f32 v29, v19;
	_ =	sdelay $0x1  }
0x3d7: {  	v15 =	vadd.f32 v15, v19;
	[tilespmem:$0x1FE20] =	vst v5;
	v5 =	vld [tilespmem:$0xDD20];
	_ =	sdelay $0x1  }
0x3d8: {  	v15 =	vadd.f32 v20, v15;
	v20 =	vld [tilespmem:$0x1FE10];
	_ =	sdelay $0x2  }
0x3d9: {  	[tilespmem:$0x1FE40] =	vst v5;
	v5 =	vld [tilespmem:$0xDD60];
	_ =	sdelay $0x1  }
0x3da: {  	v1 =	vadd.f32 v20, v1;
	v20 =	vld [tilespmem:$0x1FE20];
	_ =	sdelay $0x2  }
0x3db: {  	[tilespmem:$0x1FE60] =	vst v5;
	v5 =	vld [tilespmem:$0xDDA0];
	_ =	sdelay $0x1  }
0x3dc: {  	v15 =	vadd.f32 v20, v15;
	v20 =	vld [tilespmem:$0x1FE30];
	_ =	sdelay $0x2  }
0x3dd: {  	[tilespmem:$0x1FE80] =	vst v5;
	v5 =	vld [tilespmem:$0xDDE0];
	_ =	sdelay $0x1  }
0x3de: {  	v1 =	vadd.f32 v20, v1;
	v20 =	vld [tilespmem:$0x1FE40]  }
0x3df: {  	v41 =	vld [tilespmem:$0xDA80]  }
0x3e0: {  	v43 =	vld [tilespmem:$0xDAC0]  }
0x3e1: {  	[tilespmem:$0x1FEA0] =	vst v5;
	v5 =	vld [tilespmem:$0xDE20]  }
0x3e2: {  	v63 =	vld [tilespmem:$0xDB00]  }
0x3e3: {  	v15 =	vadd.f32 v20, v15;
	v20 =	vld [tilespmem:$0x1FE50]  }
0x3e4: {  	v60 =	vmov v47;
	v7 =	vld [tilespmem:$0xDBC0]  }
0x3e5: {  	v47 =	vmov v60;
	v60 =	vld [tilespmem:$0xDCF0];
	v41 =	vadd.f32 $0.0e+00, v41  }
0x3e6: {  	[tilespmem:$0x1FEC0] =	vst v5;
	v5 =	vld [tilespmem:$0xDB40]  }
0x3e7: {  	v21 =	vadd.f32 v43, v41;
	v6 =	vld [tilespmem:$0xDB80]  }
0x3e8: {  	v1 =	vadd.f32 v20, v1;
	v20 =	vld [tilespmem:$0x1FE60]  }
0x3e9: {  	v21 =	vadd.f32 v63, v21;
	v62 =	vld [tilespmem:$0xDC00]  }
0x3ea: {  	v63 =	vld [tilespmem:$0xDC40]  }
0x3eb: {  	v58 =	vld [tilespmem:$0xDC80];
	v5 =	vadd.f32 v5, v21  }
0x3ec: {  	v59 =	vld [tilespmem:$0xDCB0]  }
0x3ed: {  	v15 =	vadd.f32 v20, v15;
	v20 =	vld [tilespmem:$0x1FE70];
	v5 =	vadd.f32 v6, v5  }
0x3ee: {  	v6 =	vld [tilespmem:$0xDC30]  }
0x3ef: {  	v29 =	vmov v36;
	v36 =	vmov v34;
	v34 =	vld [tilespmem:$0xDD80];
	v5 =	vadd.f32 v7, v5  }
0x3f0: {  	v7 =	vld [tilespmem:$0xDC70]  }
0x3f1: {  	v5 =	vadd.f32 v62, v5;
	v62 =	vld [tilespmem:$0xDD30]  }
0x3f2: {  	v1 =	vadd.f32 v20, v1;
	v20 =	vld [tilespmem:$0x1FE80]  }
0x3f3: {  	v4 =	vadd.f32 v6, v4;
	v6 =	vld [tilespmem:$0xDCC0]  }
0x3f4: {  	v5 =	vadd.f32 v63, v5;
	v63 =	vld [tilespmem:$0xDD40]  }
0x3f5: {  	v4 =	vadd.f32 v7, v4;
	v7 =	vld [tilespmem:$0xDD00]  }
0x3f6: {  	v5 =	vadd.f32 v58, v5;
	v58 =	vld [tilespmem:$0xDDC0]  }
0x3f7: {  	v4 =	vadd.f32 v59, v4;
	v15 =	vadd.f32 v20, v15;
	v20 =	vld [tilespmem:$0x1FE90]  }
0x3f8: {  	v59 =	vld [tilespmem:$0xDDF0];
	v5 =	vadd.f32 v6, v5  }
0x3f9: {  	v6 =	vld [tilespmem:$0xDD70];
	v4 =	vadd.f32 v60, v4  }
0x3fa: {  	v5 =	vadd.f32 v7, v5;
	v7 =	vld [tilespmem:$0xDDB0]  }
0x3fb: {  	v4 =	vadd.f32 v62, v4;
	v62 =	vld [tilespmem:$0x1FEB0]  }
0x3fc: {  	v1 =	vadd.f32 v20, v1;
	v20 =	vld [tilespmem:$0x1FEA0]  }
0x3fd: {  	v5 =	vadd.f32 v63, v5;
	v63 =	vld [tilespmem:$0x1FEC0]  }
0x3fe: {  	v4 =	vadd.f32 v6, v4;
	v6 =	vld [tilespmem:$0xDE00]  }
0x3ff: {  	v60 =	vld [tilespmem:$0xDE30];
	v5 =	vadd.f32 v34, v5  }
0x400: {  	v4 =	vadd.f32 v7, v4;
	v7 =	vld [tilespmem:$0xDE40]  }
0x401: {  	v5 =	vadd.f32 v58, v5;
	v15 =	vadd.f32 v20, v15  }
0x402: {  	v1 =	vadd.f32 v62, v1;
	v4 =	vadd.f32 v59, v4  }
0x403: {  	v5 =	vadd.f32 v6, v5;
	v12 =	vadd.f32 v63, v15  }
0x404: {  	[tilespmem:$0xDE50] =	vst v1;
	v1 =	vadd.f32 v60, v4  }
0x405: {  	s28 =	sadd.s32 $0x1, s28;
	v40 =	vld [tilespmem:$0x1FFD0];
	v4 =	vadd.f32 v7, v5;
	[tilespmem:$0xDE60] =	vst v12  }
0x406: {  	p0 =	sne.s32 s28, s7;
	v42 =	vld [tilespmem:$0x1FFE0];
	[tilespmem:$0xDE70] =	vst v1  }
.Ltmp1:
0x407: {  	s2 =	rddreg [dreg:$0x6];
	s6 =	simm.s32 $0xDE50;
	v43 =	vld [tilespmem:$0x1FFF0];
	[tilespmem:$0xDE80] =	vst v4;
	(pc) =	sbr.rel @p0 .LBB2_1-.Ltmp1, $4  }
0x408: {  	v41 =	vld [tilespmem:$0x1FFC0];
	[hbm4b:s2+s3] =	stream.linear.scatter [tilespmem:s6], [sflag:$0x2], $0x40, $0x38  }
0x409: {  	v19 =	vld [tilespmem:$0x1FFB0];
	_ =	swait.ge [sflag:s13], $0x40  }
0x40a: {  	[sflag:s13] =	ssyncset.done $0x0  }
0x40b: {  	[sflag:s13] =	ssyncadd.s32 $0xFFFFFFC0  }
0x40c: {  	_ =	sfence.sel $0x180000  }
0x40d: {  	[bflag:$0x0] =	sbarrier.arrive $0xFFFF  }
0x40e: {  	_ =	strace $0x90000047  }
0x40f: {  	s0 =	stileid.u32;
	[bflag:$0x2] =	sbarrier.arrive $0xFFFF  }
0x410: {  	p0 =	sne.s32 s0, $0x0;
	s0 =	rddreg [dreg:$0x2]  }
0x411: {  	s0 =	sadd.s32 @!p0 $0x100000, s0  }
0x412: {  	[sflag:s0] =	ssyncadd.tile.s32 @!p0 $0x1;
	_ =	shalt  }
.Lfunc_end2:
_tile_overlayer_lowered:
.L_overlay_start_2:
0x413: {  	(tag) =	ssettag $0x2  }
0x414: {  	s0 =	rddreg [dreg:$0x0];
	s2 =	stileid.u32  }
0x415: {  	s1 =	rddreg [dreg:$0x1];
	p0 =	sne.s32 s2, $0x0  }
0x416: {  	s3 =	rddreg [dreg:$0x2];
	[bflag:$0x3] =	sbarrier.arrive $0xFFFF;
	s2 =	simm.s32 @!p0 $0x1C02  }
0x417: {  	[timem:s3], [sflag:s2] =	dma.local @!p0 [hbm:s0], s1  }
0x418: {  	s0 =	simm.s32 @!p0 $0x2  }
0x419: {  	_ =	swait.ge @!p0 [sflag:s0], s1  }
0x41a: {  	s1 =	ssub.s32 @!p0 $0x0, s1;
	[sflag:s0] =	ssyncset.done @!p0 $0x0  }
0x41b: {  	[sflag:s0] =	ssyncadd.s32 @!p0 s1  }
0x41c: {  	[bflag:$0x3] =	sbarrier.arrive $0xFFFF  }
0x41d: {  	_ =	shalt  }

</sc_bundles>
